<compile_context>
chip_gen: v7x
topology: tpu7x:2x2x1
jax: 0.10.2.dev20260603
libtpu: 0.0.44.dev20260713+nightly
codegen_flags: <defaults>
</compile_context>

<pallas_src>
import jax
import jax.numpy as jnp
from jax import lax
from jax.experimental import pallas as pl
from jax.experimental.pallas import tpu as pltpu
from jax.experimental.pallas import tpu_sc as plsc

_L = 16
_BW = 128
_NW = 32


def kernel(t, embeddings):
    B, H = t.shape
    V, D = embeddings.shape
    n_blocks = H * (B // _BW)
    steps = n_blocks // _NW
    assert n_blocks % _NW == 0 and steps % 2 == 0 and steps >= 4
    assert D % 8 == 0 and V % 2 == 0

    tT = t.T.astype(jnp.int32)
    table2 = jnp.concatenate([embeddings, embeddings], axis=1)
    b_tiles = B // _BW
    G = _BW // _L

    mesh = plsc.VectorSubcoreMesh(core_axis_name="core", subcore_axis_name="subcore")

    @pl.kernel(
        out_type=jax.ShapeDtypeStruct((H * D, B), embeddings.dtype),
        mesh=mesh,
        compiler_params=pltpu.CompilerParams(
            use_tc_tiling_on_sc=True, needs_layout_passes=False
        ),
        scratch_types=[
            pltpu.VMEM((2, _BW), jnp.int32),
            pltpu.VMEM((2, _BW), jnp.int32),
            pltpu.VMEM((2 * _BW, 2 * D), jnp.float32),
            pltpu.VMEM((2, D, _BW), jnp.float32),
            pltpu.SemaphoreType.DMA,
            pltpu.SemaphoreType.DMA,
            pltpu.SemaphoreType.DMA,
            pltpu.SemaphoreType.DMA,
            pltpu.SemaphoreType.DMA,
            pltpu.SemaphoreType.DMA,
        ],
    )
    def gather_kernel(tab_hbm, idx_hbm, o_hbm, raw_v, gidx_v, rows_v,
                      outt_v, si0, si1, sg0, sg1, so0, so1):
        w = lax.axis_index("subcore") * 2 + lax.axis_index("core")
        base = w * steps
        sis = (si0, si1)
        sgs = (sg0, sg1)
        sos = (so0, so1)

        def coords(s):
            blk = base + s
            return blk // b_tiles, (blk % b_tiles) * _BW

        def idx_copy(s, slot):
            h, b0 = coords(s)
            return pltpu.make_async_copy(
                idx_hbm.at[pl.ds(h, 1), pl.ds(b0, _BW)],
                raw_v.at[pl.ds(slot, 1)], sis[slot],
            )

        def gather_copy(slot):
            return pltpu.make_async_copy(
                tab_hbm.at[gidx_v.at[slot]],
                rows_v.at[pl.ds(slot * _BW, _BW)], sgs[slot],
            )

        def out_copy(s, slot):
            h, b0 = coords(s)
            return pltpu.make_async_copy(
                outt_v.at[slot],
                o_hbm.at[pl.ds(h * D, D), pl.ds(b0, _BW)], sos[slot],
            )

        def fire(s, slot):
            idx_copy(s, slot).wait()
            for g in range(G):
                gidx_v[slot, pl.ds(g * _L, _L)] = raw_v[slot, pl.ds(g * _L, _L)]
            gather_copy(slot).start()

        def drain(s, slot):
            gather_copy(slot).wait()
            jbase = slot * _BW
            iv = lax.iota(jnp.int32, _L)
            sv = jnp.full((_L,), slot, jnp.int32)
            jins = [iv + (jbase + jg * _L) for jg in range(G)]
            jouts = [iv + (jg * _L) for jg in range(G)]

            @plsc.parallel_loop(0, _L, unroll=4)
            def _(k):
                rot = (iv + k) & (_L - 1)
                dvk = [rot + (dg * _L) for dg in range(D // _L)]
                for jg in range(G):
                    for dg in range(D // _L):
                        vals = plsc.load_gather(rows_v, [jins[jg], dvk[dg]])
                        plsc.store_scatter(outt_v, [sv, dvk[dg], jouts[jg]], vals)

            out_copy(s, slot).start()

        idx_copy(0, 0).start()
        idx_copy(1, 1).start()

        @pl.loop(0, steps // 2)
        def _(o):
            for b in range(2):
                s = 2 * o + b
                fire(s, b)

                @pl.when(o < steps // 2 - 1)
                def _():
                    idx_copy(s + 2, b).start()

                prev = 1 - b
                if b == 0:
                    @pl.when(o > 1)
                    def _():
                        out_copy(2 * o - 3, prev).wait()

                    @pl.when(o > 0)
                    def _():
                        drain(2 * o - 1, prev)
                else:
                    @pl.when(o > 0)
                    def _():
                        out_copy(2 * o - 2, prev).wait()

                    drain(2 * o, prev)

        out_copy(steps - 3, 1).wait()
        drain(steps - 1, 1)
        out_copy(steps - 2, 0).wait()
        out_copy(steps - 1, 1).wait()

    y = gather_kernel(table2, tT)
    return y.reshape(H, D, B).transpose(2, 0, 1)

# --- scband reference (transcript-rebuilt; emitter-appended) ---
"""Pipeline reference for scband-sin-pos-embedding-56418690400546 (READ-ONLY COPY).

The authoritative reference and input builder live on the scoring server;
editing this copy changes nothing except your own understanding.
"""

import jax, jax.numpy as jnp
import numpy as np

T = 100000
CHANNEL_DIM = 64
BATCH = 16384
HIST = 50


def make_sin_pos_table(T, channel_dim):
    pos = np.arange(T).reshape(T, 1).astype(np.float32)
    eta = -np.log(10000.0) / channel_dim
    e_t = np.exp(np.arange(0, channel_dim, 2).reshape(1, -1).astype(np.float32) * eta)
    emb = np.zeros((T, channel_dim), dtype=np.float32)
    emb[:, 0::2] = np.sin(pos * e_t)
    emb[:, 1::2] = np.cos(pos * e_t)
    return jnp.asarray(emb)


def setup_inputs(seed: int = 0) -> dict:
    key = jax.random.key(seed)
    t = jax.random.randint(key, (BATCH, HIST), 0, T, dtype=jnp.int64 if jax.config.jax_enable_x64 else jnp.int32)
    embeddings = make_sin_pos_table(T, CHANNEL_DIM)
    return {"t": t, "embeddings": embeddings}


def reference(t, embeddings):
    # embeds = self.embeddings[t]
    embeds = jnp.take(embeddings, t, axis=0)
    return embeds

if __name__ == "__main__":
    import jax
    _d = setup_inputs()
    print(jax.jit(kernel)(*tuple(_d.values())))

</pallas_src>

<mosaic_0001>
#map = affine_map<(d0, d1) -> (0, 0)>
module attributes {stable_mosaic.version = 14 : i64} {
  func.func @gather_kernel(%arg0: i32, %arg1: i32, %arg2: memref<100000x128xf32, #tpu.memory_space<hbm>>, %arg3: memref<50x16384xi32, #tpu.memory_space<hbm>>, %arg4: memref<3200x16384xf32, #tpu.memory_space<hbm>>, %arg5: memref<2x128xi32, #tpu.memory_space<vmem>>, %arg6: memref<2x128xi32, #tpu.memory_space<vmem>>, %arg7: memref<256x128xf32, #tpu.memory_space<vmem>>, %arg8: memref<2x64x128xf32, #tpu.memory_space<vmem>>, %arg9: memref<!tpu.dma_semaphore, #tpu.memory_space<semaphore_mem>>, %arg10: memref<!tpu.dma_semaphore, #tpu.memory_space<semaphore_mem>>, %arg11: memref<!tpu.dma_semaphore, #tpu.memory_space<semaphore_mem>>, %arg12: memref<!tpu.dma_semaphore, #tpu.memory_space<semaphore_mem>>, %arg13: memref<!tpu.dma_semaphore, #tpu.memory_space<semaphore_mem>>, %arg14: memref<!tpu.dma_semaphore, #tpu.memory_space<semaphore_mem>>) attributes {dimension_semantics = [#tpu.dimension_semantics<core_parallel>, #tpu.dimension_semantics<subcore_parallel>], iteration_bounds = array<i64: 2, 16>, scalar_prefetch = 0 : i64, scratch_operands = 10 : i64, tpu.core_type = #tpu.core_type<sc_vector_subcore>, window_params = [{transform_indices = #map}, {transform_indices = #map}, {transform_indices = #map}]} {
    %mul3A = arith.constant 2 : i32
    %mul3A_0 = arith.muli %arg1, %mul3A : i32
    %add3A = arith.addi %mul3A_0, %arg0 : i32
    %mul3A_1 = arith.constant 200 : i32
    %mul3A_2 = arith.muli %add3A, %mul3A_1 : i32
    %add3A_3 = arith.constant 0 : i32
    %add3A_4 = arith.addi %mul3A_2, %add3A_3 : i32
    %jit3A = arith.constant 128 : i32
    %div3A = arith.divsi %add3A_4, %jit3A : i32
    %sign3A = arith.constant 0 : i32
    %sign3A_5 = arith.cmpi sgt, %add3A_4, %sign3A : i32
    %sign3A_6 = arith.extui %sign3A_5 : i1 to i32
    %sign3A_7 = arith.constant 0 : i32
    %sign3A_8 = arith.cmpi slt, %add3A_4, %sign3A_7 : i32
    %sign3A_9 = arith.extui %sign3A_8 : i1 to i32
    %sign3A_10 = arith.subi %sign3A_6, %sign3A_9 : i32
    %sign3A_11 = arith.constant 0 : i32
    %sign3A_12 = arith.cmpi sgt, %jit3A, %sign3A_11 : i32
    %sign3A_13 = arith.extui %sign3A_12 : i1 to i32
    %sign3A_14 = arith.constant 0 : i32
    %sign3A_15 = arith.cmpi slt, %jit3A, %sign3A_14 : i32
    %sign3A_16 = arith.extui %sign3A_15 : i1 to i32
    %sign3A_17 = arith.subi %sign3A_13, %sign3A_16 : i32
    %ne3A = arith.cmpi ne, %sign3A_10, %sign3A_17 : i32
    %rem3A = arith.remsi %add3A_4, %jit3A : i32
    %ne3A_18 = arith.constant 0 : i32
    %ne3A_19 = arith.cmpi ne, %rem3A, %ne3A_18 : i32
    %and3A = arith.andi %ne3A, %ne3A_19 : i1
    %sub3A = arith.constant 1 : i32
    %sub3A_20 = arith.subi %div3A, %sub3A : i32
    %select_n3A = arith.select %and3A, %sub3A_20, %div3A : i32
    %jit3A_21 = arith.constant 128 : i32
    %eq3A = arith.constant 0 : i32
    %eq3A_22 = arith.cmpi eq, %jit3A_21, %eq3A : i32
    %jit3A_23 = arith.constant 1 : i32
    %select_n3A_24 = arith.select %eq3A_22, %jit3A_23, %jit3A_21 : i32
    %rem3A_25 = arith.remsi %add3A_4, %select_n3A_24 : i32
    %ne3A_26 = arith.constant 0 : i32
    %ne3A_27 = arith.cmpi ne, %rem3A_25, %ne3A_26 : i32
    %lt3A = arith.constant 0 : i32
    %lt3A_28 = arith.cmpi slt, %rem3A_25, %lt3A : i32
    %lt3A_29 = arith.constant 0 : i32
    %lt3A_30 = arith.cmpi slt, %select_n3A_24, %lt3A_29 : i32
    %ne3A_31 = arith.xori %lt3A_28, %lt3A_30 : i1
    %and3A_32 = arith.andi %ne3A_31, %ne3A_27 : i1
    %add3A_33 = arith.addi %rem3A_25, %select_n3A_24 : i32
    %select_n3A_34 = arith.select %and3A_32, %add3A_33, %rem3A_25 : i32
    %mul3A_35 = arith.constant 128 : i32
    %mul3A_36 = arith.muli %select_n3A_34, %mul3A_35 : i32
    %dma_start3A = arith.constant 0 : i32
    %dma_start3A_37 = arith.constant 0 : i32
    %dma_start3A_38 = tpu.memref_slice %arg5[%dma_start3A, %dma_start3A_37] : memref<2x128xi32, #tpu.memory_space<vmem>> -> memref<1x128xi32, #tpu.memory_space<vmem>>
    %dma_start3A_39 = tpu.memref_slice %arg3[%select_n3A, %mul3A_36] : memref<50x16384xi32, #tpu.memory_space<hbm>> -> memref<1x128xi32, #tpu.memory_space<hbm>>
    %dma_start3A_40 = arith.constant 0 : i32
    %dma_start3A_41 = arith.constant 0 : i32
    %dma_start3A_42 = tpu.memref_slice %arg5[%dma_start3A_40, %dma_start3A_41] : memref<2x128xi32, #tpu.memory_space<vmem>> -> memref<1x128xi32, #tpu.memory_space<vmem>>
    %dma_start3A_43 = tpu.memref_slice %arg3[%select_n3A, %mul3A_36] : memref<50x16384xi32, #tpu.memory_space<hbm>> -> memref<1x128xi32, #tpu.memory_space<hbm>>
    tpu.enqueue_dma source(%dma_start3A_43 : memref<1x128xi32, #tpu.memory_space<hbm>>) target(%dma_start3A_42 : memref<1x128xi32, #tpu.memory_space<vmem>>) target_semaphore(%arg9 : memref<!tpu.dma_semaphore, #tpu.memory_space<semaphore_mem>>)
    %add3A_44 = arith.constant 1 : i32
    %add3A_45 = arith.addi %mul3A_2, %add3A_44 : i32
    %jit3A_46 = arith.constant 128 : i32
    %div3A_47 = arith.divsi %add3A_45, %jit3A_46 : i32
    %sign3A_48 = arith.constant 0 : i32
    %sign3A_49 = arith.cmpi sgt, %add3A_45, %sign3A_48 : i32
    %sign3A_50 = arith.extui %sign3A_49 : i1 to i32
    %sign3A_51 = arith.constant 0 : i32
    %sign3A_52 = arith.cmpi slt, %add3A_45, %sign3A_51 : i32
    %sign3A_53 = arith.extui %sign3A_52 : i1 to i32
    %sign3A_54 = arith.subi %sign3A_50, %sign3A_53 : i32
    %sign3A_55 = arith.constant 0 : i32
    %sign3A_56 = arith.cmpi sgt, %jit3A_46, %sign3A_55 : i32
    %sign3A_57 = arith.extui %sign3A_56 : i1 to i32
    %sign3A_58 = arith.constant 0 : i32
    %sign3A_59 = arith.cmpi slt, %jit3A_46, %sign3A_58 : i32
    %sign3A_60 = arith.extui %sign3A_59 : i1 to i32
    %sign3A_61 = arith.subi %sign3A_57, %sign3A_60 : i32
    %ne3A_62 = arith.cmpi ne, %sign3A_54, %sign3A_61 : i32
    %rem3A_63 = arith.remsi %add3A_45, %jit3A_46 : i32
    %ne3A_64 = arith.constant 0 : i32
    %ne3A_65 = arith.cmpi ne, %rem3A_63, %ne3A_64 : i32
    %and3A_66 = arith.andi %ne3A_62, %ne3A_65 : i1
    %sub3A_67 = arith.constant 1 : i32
    %sub3A_68 = arith.subi %div3A_47, %sub3A_67 : i32
    %select_n3A_69 = arith.select %and3A_66, %sub3A_68, %div3A_47 : i32
    %jit3A_70 = arith.constant 128 : i32
    %eq3A_71 = arith.constant 0 : i32
    %eq3A_72 = arith.cmpi eq, %jit3A_70, %eq3A_71 : i32
    %jit3A_73 = arith.constant 1 : i32
    %select_n3A_74 = arith.select %eq3A_72, %jit3A_73, %jit3A_70 : i32
    %rem3A_75 = arith.remsi %add3A_45, %select_n3A_74 : i32
    %ne3A_76 = arith.constant 0 : i32
    %ne3A_77 = arith.cmpi ne, %rem3A_75, %ne3A_76 : i32
    %lt3A_78 = arith.constant 0 : i32
    %lt3A_79 = arith.cmpi slt, %rem3A_75, %lt3A_78 : i32
    %lt3A_80 = arith.constant 0 : i32
    %lt3A_81 = arith.cmpi slt, %select_n3A_74, %lt3A_80 : i32
    %ne3A_82 = arith.xori %lt3A_79, %lt3A_81 : i1
    %and3A_83 = arith.andi %ne3A_82, %ne3A_77 : i1
    %add3A_84 = arith.addi %rem3A_75, %select_n3A_74 : i32
    %select_n3A_85 = arith.select %and3A_83, %add3A_84, %rem3A_75 : i32
    %mul3A_86 = arith.constant 128 : i32
    %mul3A_87 = arith.muli %select_n3A_85, %mul3A_86 : i32
    %dma_start3A_88 = arith.constant 1 : i32
    %dma_start3A_89 = arith.constant 0 : i32
    %dma_start3A_90 = tpu.memref_slice %arg5[%dma_start3A_88, %dma_start3A_89] : memref<2x128xi32, #tpu.memory_space<vmem>> -> memref<1x128xi32, #tpu.memory_space<vmem>>
    %dma_start3A_91 = tpu.memref_slice %arg3[%select_n3A_69, %mul3A_87] : memref<50x16384xi32, #tpu.memory_space<hbm>> -> memref<1x128xi32, #tpu.memory_space<hbm>>
    %dma_start3A_92 = arith.constant 1 : i32
    %dma_start3A_93 = arith.constant 0 : i32
    %dma_start3A_94 = tpu.memref_slice %arg5[%dma_start3A_92, %dma_start3A_93] : memref<2x128xi32, #tpu.memory_space<vmem>> -> memref<1x128xi32, #tpu.memory_space<vmem>>
    %dma_start3A_95 = tpu.memref_slice %arg3[%select_n3A_69, %mul3A_87] : memref<50x16384xi32, #tpu.memory_space<hbm>> -> memref<1x128xi32, #tpu.memory_space<hbm>>
    tpu.enqueue_dma source(%dma_start3A_95 : memref<1x128xi32, #tpu.memory_space<hbm>>) target(%dma_start3A_94 : memref<1x128xi32, #tpu.memory_space<vmem>>) target_semaphore(%arg10 : memref<!tpu.dma_semaphore, #tpu.memory_space<semaphore_mem>>)
    %scan3A = arith.constant 0 : i32
    %scan3A_96 = arith.constant 100 : i32
    %scan3A_97 = arith.addi %scan3A, %scan3A_96 : i32
    %scan3A_98 = arith.constant 1 : i32
    scf.for %scan3A_388 = %scan3A to %scan3A_97 step %scan3A_98  : i32 {
      %mul3A_389 = arith.constant 1 : i32
      %mul3A_390 = arith.muli %scan3A_388, %mul3A_389 : i32
      %add3A_391 = arith.constant 0 : i32
      %add3A_392 = arith.addi %add3A_391, %mul3A_390 : i32
      %mul3A_393 = arith.constant 2 : i32
      %mul3A_394 = arith.muli %mul3A_393, %add3A_392 : i32
      %add3A_395 = arith.constant 0 : i32
      %add3A_396 = arith.addi %mul3A_394, %add3A_395 : i32
      %add3A_397 = arith.addi %mul3A_2, %add3A_396 : i32
      %jit3A_398 = arith.constant 128 : i32
      %div3A_399 = arith.divsi %add3A_397, %jit3A_398 : i32
      %sign3A_400 = arith.constant 0 : i32
      %sign3A_401 = arith.cmpi sgt, %add3A_397, %sign3A_400 : i32
      %sign3A_402 = arith.extui %sign3A_401 : i1 to i32
      %sign3A_403 = arith.constant 0 : i32
      %sign3A_404 = arith.cmpi slt, %add3A_397, %sign3A_403 : i32
      %sign3A_405 = arith.extui %sign3A_404 : i1 to i32
      %sign3A_406 = arith.subi %sign3A_402, %sign3A_405 : i32
      %sign3A_407 = arith.constant 0 : i32
      %sign3A_408 = arith.cmpi sgt, %jit3A_398, %sign3A_407 : i32
      %sign3A_409 = arith.extui %sign3A_408 : i1 to i32
      %sign3A_410 = arith.constant 0 : i32
      %sign3A_411 = arith.cmpi slt, %jit3A_398, %sign3A_410 : i32
      %sign3A_412 = arith.extui %sign3A_411 : i1 to i32
      %sign3A_413 = arith.subi %sign3A_409, %sign3A_412 : i32
      %ne3A_414 = arith.cmpi ne, %sign3A_406, %sign3A_413 : i32
      %rem3A_415 = arith.remsi %add3A_397, %jit3A_398 : i32
      %ne3A_416 = arith.constant 0 : i32
      %ne3A_417 = arith.cmpi ne, %rem3A_415, %ne3A_416 : i32
      %and3A_418 = arith.andi %ne3A_414, %ne3A_417 : i1
      %sub3A_419 = arith.constant 1 : i32
      %sub3A_420 = arith.subi %div3A_399, %sub3A_419 : i32
      %select_n3A_421 = arith.select %and3A_418, %sub3A_420, %div3A_399 : i32
      %jit3A_422 = arith.constant 128 : i32
      %eq3A_423 = arith.constant 0 : i32
      %eq3A_424 = arith.cmpi eq, %jit3A_422, %eq3A_423 : i32
      %jit3A_425 = arith.constant 1 : i32
      %select_n3A_426 = arith.select %eq3A_424, %jit3A_425, %jit3A_422 : i32
      %rem3A_427 = arith.remsi %add3A_397, %select_n3A_426 : i32
      %ne3A_428 = arith.constant 0 : i32
      %ne3A_429 = arith.cmpi ne, %rem3A_427, %ne3A_428 : i32
      %lt3A_430 = arith.constant 0 : i32
      %lt3A_431 = arith.cmpi slt, %rem3A_427, %lt3A_430 : i32
      %lt3A_432 = arith.constant 0 : i32
      %lt3A_433 = arith.cmpi slt, %select_n3A_426, %lt3A_432 : i32
      %ne3A_434 = arith.xori %lt3A_431, %lt3A_433 : i1
      %and3A_435 = arith.andi %ne3A_434, %ne3A_429 : i1
      %add3A_436 = arith.addi %rem3A_427, %select_n3A_426 : i32
      %select_n3A_437 = arith.select %and3A_435, %add3A_436, %rem3A_427 : i32
      %mul3A_438 = arith.constant 128 : i32
      %mul3A_439 = arith.muli %select_n3A_437, %mul3A_438 : i32
      %dma_wait3A_440 = arith.constant 0 : i32
      %dma_wait3A_441 = arith.constant 0 : i32
      %dma_wait3A_442 = tpu.memref_slice %arg5[%dma_wait3A_440, %dma_wait3A_441] : memref<2x128xi32, #tpu.memory_space<vmem>> -> memref<1x128xi32, #tpu.memory_space<vmem>>
      %dma_wait3A_443 = tpu.memref_slice %arg3[%select_n3A_421, %mul3A_439] : memref<50x16384xi32, #tpu.memory_space<hbm>> -> memref<1x128xi32, #tpu.memory_space<hbm>>
      %dma_wait3A_444 = arith.constant 0 : i32
      %dma_wait3A_445 = arith.constant 0 : i32
      %dma_wait3A_446 = tpu.memref_slice %arg5[%dma_wait3A_444, %dma_wait3A_445] : memref<2x128xi32, #tpu.memory_space<vmem>> -> memref<1x128xi32, #tpu.memory_space<vmem>>
      %dma_wait3A_447 = tpu.memref_slice %arg3[%select_n3A_421, %mul3A_439] : memref<50x16384xi32, #tpu.memory_space<hbm>> -> memref<1x128xi32, #tpu.memory_space<hbm>>
      tpu.wait_dma2 semaphore(%arg9 : memref<!tpu.dma_semaphore, #tpu.memory_space<semaphore_mem>>) src(%dma_wait3A_447 : memref<1x128xi32, #tpu.memory_space<hbm>>) dst(%dma_wait3A_446 : memref<1x128xi32, #tpu.memory_space<vmem>>)
      %get3A = arith.constant 0 : i32
      %get3A_448 = arith.index_cast %get3A : i32 to index
      %get3A_449 = arith.constant 0 : index
      %get3A_450 = tpu.vector_load %arg5[%get3A_448, %get3A_449] {strides = array<i32>} : memref<2x128xi32, #tpu.memory_space<vmem>>, vector<16xi32>,
      %swap3A = arith.constant 0 : i32
      %swap3A_451 = arith.index_cast %swap3A : i32 to index
      %swap3A_452 = arith.constant 0 : index
      %swap3A_453 = tpu.vector_load %arg6[%swap3A_451, %swap3A_452] {strides = array<i32>} : memref<2x128xi32, #tpu.memory_space<vmem>>, vector<16xi32>,
      tpu.vector_store %arg6[%swap3A_451, %swap3A_452], %get3A_450 {strides = array<i32>} : memref<2x128xi32, #tpu.memory_space<vmem>>, vector<16xi32>,
      %get3A_454 = arith.constant 0 : i32
      %get3A_455 = arith.index_cast %get3A_454 : i32 to index
      %get3A_456 = arith.constant 16 : index
      %get3A_457 = tpu.vector_load %arg5[%get3A_455, %get3A_456] {strides = array<i32>} : memref<2x128xi32, #tpu.memory_space<vmem>>, vector<16xi32>,
      %swap3A_458 = arith.constant 0 : i32
      %swap3A_459 = arith.index_cast %swap3A_458 : i32 to index
      %swap3A_460 = arith.constant 16 : index
      %swap3A_461 = tpu.vector_load %arg6[%swap3A_459, %swap3A_460] {strides = array<i32>} : memref<2x128xi32, #tpu.memory_space<vmem>>, vector<16xi32>,
      tpu.vector_store %arg6[%swap3A_459, %swap3A_460], %get3A_457 {strides = array<i32>} : memref<2x128xi32, #tpu.memory_space<vmem>>, vector<16xi32>,
      %get3A_462 = arith.constant 0 : i32
      %get3A_463 = arith.index_cast %get3A_462 : i32 to index
      %get3A_464 = arith.constant 32 : index
      %get3A_465 = tpu.vector_load %arg5[%get3A_463, %get3A_464] {strides = array<i32>} : memref<2x128xi32, #tpu.memory_space<vmem>>, vector<16xi32>,
      %swap3A_466 = arith.constant 0 : i32
      %swap3A_467 = arith.index_cast %swap3A_466 : i32 to index
      %swap3A_468 = arith.constant 32 : index
      %swap3A_469 = tpu.vector_load %arg6[%swap3A_467, %swap3A_468] {strides = array<i32>} : memref<2x128xi32, #tpu.memory_space<vmem>>, vector<16xi32>,
      tpu.vector_store %arg6[%swap3A_467, %swap3A_468], %get3A_465 {strides = array<i32>} : memref<2x128xi32, #tpu.memory_space<vmem>>, vector<16xi32>,
      %get3A_470 = arith.constant 0 : i32
      %get3A_471 = arith.index_cast %get3A_470 : i32 to index
      %get3A_472 = arith.constant 48 : index
      %get3A_473 = tpu.vector_load %arg5[%get3A_471, %get3A_472] {strides = array<i32>} : memref<2x128xi32, #tpu.memory_space<vmem>>, vector<16xi32>,
      %swap3A_474 = arith.constant 0 : i32
      %swap3A_475 = arith.index_cast %swap3A_474 : i32 to index
      %swap3A_476 = arith.constant 48 : index
      %swap3A_477 = tpu.vector_load %arg6[%swap3A_475, %swap3A_476] {strides = array<i32>} : memref<2x128xi32, #tpu.memory_space<vmem>>, vector<16xi32>,
      tpu.vector_store %arg6[%swap3A_475, %swap3A_476], %get3A_473 {strides = array<i32>} : memref<2x128xi32, #tpu.memory_space<vmem>>, vector<16xi32>,
      %get3A_478 = arith.constant 0 : i32
      %get3A_479 = arith.index_cast %get3A_478 : i32 to index
      %get3A_480 = arith.constant 64 : index
      %get3A_481 = tpu.vector_load %arg5[%get3A_479, %get3A_480] {strides = array<i32>} : memref<2x128xi32, #tpu.memory_space<vmem>>, vector<16xi32>,
      %swap3A_482 = arith.constant 0 : i32
      %swap3A_483 = arith.index_cast %swap3A_482 : i32 to index
      %swap3A_484 = arith.constant 64 : index
      %swap3A_485 = tpu.vector_load %arg6[%swap3A_483, %swap3A_484] {strides = array<i32>} : memref<2x128xi32, #tpu.memory_space<vmem>>, vector<16xi32>,
      tpu.vector_store %arg6[%swap3A_483, %swap3A_484], %get3A_481 {strides = array<i32>} : memref<2x128xi32, #tpu.memory_space<vmem>>, vector<16xi32>,
      %get3A_486 = arith.constant 0 : i32
      %get3A_487 = arith.index_cast %get3A_486 : i32 to index
      %get3A_488 = arith.constant 80 : index
      %get3A_489 = tpu.vector_load %arg5[%get3A_487, %get3A_488] {strides = array<i32>} : memref<2x128xi32, #tpu.memory_space<vmem>>, vector<16xi32>,
      %swap3A_490 = arith.constant 0 : i32
      %swap3A_491 = arith.index_cast %swap3A_490 : i32 to index
      %swap3A_492 = arith.constant 80 : index
      %swap3A_493 = tpu.vector_load %arg6[%swap3A_491, %swap3A_492] {strides = array<i32>} : memref<2x128xi32, #tpu.memory_space<vmem>>, vector<16xi32>,
      tpu.vector_store %arg6[%swap3A_491, %swap3A_492], %get3A_489 {strides = array<i32>} : memref<2x128xi32, #tpu.memory_space<vmem>>, vector<16xi32>,
      %get3A_494 = arith.constant 0 : i32
      %get3A_495 = arith.index_cast %get3A_494 : i32 to index
      %get3A_496 = arith.constant 96 : index
      %get3A_497 = tpu.vector_load %arg5[%get3A_495, %get3A_496] {strides = array<i32>} : memref<2x128xi32, #tpu.memory_space<vmem>>, vector<16xi32>,
      %swap3A_498 = arith.constant 0 : i32
      %swap3A_499 = arith.index_cast %swap3A_498 : i32 to index
      %swap3A_500 = arith.constant 96 : index
      %swap3A_501 = tpu.vector_load %arg6[%swap3A_499, %swap3A_500] {strides = array<i32>} : memref<2x128xi32, #tpu.memory_space<vmem>>, vector<16xi32>,
      tpu.vector_store %arg6[%swap3A_499, %swap3A_500], %get3A_497 {strides = array<i32>} : memref<2x128xi32, #tpu.memory_space<vmem>>, vector<16xi32>,
      %get3A_502 = arith.constant 0 : i32
      %get3A_503 = arith.index_cast %get3A_502 : i32 to index
      %get3A_504 = arith.constant 112 : index
      %get3A_505 = tpu.vector_load %arg5[%get3A_503, %get3A_504] {strides = array<i32>} : memref<2x128xi32, #tpu.memory_space<vmem>>, vector<16xi32>,
      %swap3A_506 = arith.constant 0 : i32
      %swap3A_507 = arith.index_cast %swap3A_506 : i32 to index
      %swap3A_508 = arith.constant 112 : index
      %swap3A_509 = tpu.vector_load %arg6[%swap3A_507, %swap3A_508] {strides = array<i32>} : memref<2x128xi32, #tpu.memory_space<vmem>>, vector<16xi32>,
      tpu.vector_store %arg6[%swap3A_507, %swap3A_508], %get3A_505 {strides = array<i32>} : memref<2x128xi32, #tpu.memory_space<vmem>>, vector<16xi32>,
      %dma_start3A_510 = arith.constant 0 : i32
      %dma_start3A_511 = arith.constant 0 : i32
      %dma_start3A_512 = arith.constant 0 : i32
      %dma_start3A_513 = tpu.memref_slice %arg7[%dma_start3A_511, %dma_start3A_512] : memref<256x128xf32, #tpu.memory_space<vmem>> -> memref<128x128xf32, #tpu.memory_space<vmem>>
      %dma_start3A_514 = arith.constant 0 : i32
      %dma_start3A_515 = tpu.memref_slice %arg6[%dma_start3A_510, %dma_start3A_514] : memref<2x128xi32, #tpu.memory_space<vmem>> -> memref<1x128xi32, #tpu.memory_space<vmem>>
      %dma_start3A_516 = tpu.memref_squeeze %dma_start3A_515 : memref<1x128xi32, #tpu.memory_space<vmem>> -> memref<128xi32, #tpu.memory_space<vmem>>
      %dma_start3A_517 = arith.constant 0 : i32
      %dma_start3A_518 = arith.constant 0 : i32
      %dma_start3A_519 = tpu.memref_slice %arg2[%dma_start3A_517, %dma_start3A_518] : memref<100000x128xf32, #tpu.memory_space<hbm>> -> memref<100000x128xf32, #tpu.memory_space<hbm>>
      tpu.enqueue_indirect_dma source(%dma_start3A_519 : memref<100000x128xf32, #tpu.memory_space<hbm>>) target(%dma_start3A_513 : memref<128x128xf32, #tpu.memory_space<vmem>>) offsets(%dma_start3A_516 : memref<128xi32, #tpu.memory_space<vmem>>) semaphore(%arg11 : memref<!tpu.dma_semaphore, #tpu.memory_space<semaphore_mem>>)
      %lt3A_520 = arith.constant 99 : i32
      %lt3A_521 = arith.cmpi slt, %add3A_392, %lt3A_520 : i32
      %convert_element_type3A = arith.extui %lt3A_521 : i1 to i32
      %cond3A = arith.constant 0 : i32
      %cond3A_522 = arith.cmpi ne, %convert_element_type3A, %cond3A : i32
      scf.if %cond3A_522 {
        %add3A_793 = arith.constant 2 : i32
        %add3A_794 = arith.addi %add3A_396, %add3A_793 : i32
        %add3A_795 = arith.addi %mul3A_2, %add3A_794 : i32
        %jit3A_796 = arith.constant 128 : i32
        %div3A_797 = arith.divsi %add3A_795, %jit3A_796 : i32
        %sign3A_798 = arith.constant 0 : i32
        %sign3A_799 = arith.cmpi sgt, %add3A_795, %sign3A_798 : i32
        %sign3A_800 = arith.extui %sign3A_799 : i1 to i32
        %sign3A_801 = arith.constant 0 : i32
        %sign3A_802 = arith.cmpi slt, %add3A_795, %sign3A_801 : i32
        %sign3A_803 = arith.extui %sign3A_802 : i1 to i32
        %sign3A_804 = arith.subi %sign3A_800, %sign3A_803 : i32
        %sign3A_805 = arith.constant 0 : i32
        %sign3A_806 = arith.cmpi sgt, %jit3A_796, %sign3A_805 : i32
        %sign3A_807 = arith.extui %sign3A_806 : i1 to i32
        %sign3A_808 = arith.constant 0 : i32
        %sign3A_809 = arith.cmpi slt, %jit3A_796, %sign3A_808 : i32
        %sign3A_810 = arith.extui %sign3A_809 : i1 to i32
        %sign3A_811 = arith.subi %sign3A_807, %sign3A_810 : i32
        %ne3A_812 = arith.cmpi ne, %sign3A_804, %sign3A_811 : i32
        %rem3A_813 = arith.remsi %add3A_795, %jit3A_796 : i32
        %ne3A_814 = arith.constant 0 : i32
        %ne3A_815 = arith.cmpi ne, %rem3A_813, %ne3A_814 : i32
        %and3A_816 = arith.andi %ne3A_812, %ne3A_815 : i1
        %sub3A_817 = arith.constant 1 : i32
        %sub3A_818 = arith.subi %div3A_797, %sub3A_817 : i32
        %select_n3A_819 = arith.select %and3A_816, %sub3A_818, %div3A_797 : i32
        %jit3A_820 = arith.constant 128 : i32
        %eq3A_821 = arith.constant 0 : i32
        %eq3A_822 = arith.cmpi eq, %jit3A_820, %eq3A_821 : i32
        %jit3A_823 = arith.constant 1 : i32
        %select_n3A_824 = arith.select %eq3A_822, %jit3A_823, %jit3A_820 : i32
        %rem3A_825 = arith.remsi %add3A_795, %select_n3A_824 : i32
        %ne3A_826 = arith.constant 0 : i32
        %ne3A_827 = arith.cmpi ne, %rem3A_825, %ne3A_826 : i32
        %lt3A_828 = arith.constant 0 : i32
        %lt3A_829 = arith.cmpi slt, %rem3A_825, %lt3A_828 : i32
        %lt3A_830 = arith.constant 0 : i32
        %lt3A_831 = arith.cmpi slt, %select_n3A_824, %lt3A_830 : i32
        %ne3A_832 = arith.xori %lt3A_829, %lt3A_831 : i1
        %and3A_833 = arith.andi %ne3A_832, %ne3A_827 : i1
        %add3A_834 = arith.addi %rem3A_825, %select_n3A_824 : i32
        %select_n3A_835 = arith.select %and3A_833, %add3A_834, %rem3A_825 : i32
        %mul3A_836 = arith.constant 128 : i32
        %mul3A_837 = arith.muli %select_n3A_835, %mul3A_836 : i32
        %dma_start3A_838 = arith.constant 0 : i32
        %dma_start3A_839 = arith.constant 0 : i32
        %dma_start3A_840 = tpu.memref_slice %arg5[%dma_start3A_838, %dma_start3A_839] : memref<2x128xi32, #tpu.memory_space<vmem>> -> memref<1x128xi32, #tpu.memory_space<vmem>>
        %dma_start3A_841 = tpu.memref_slice %arg3[%select_n3A_819, %mul3A_837] : memref<50x16384xi32, #tpu.memory_space<hbm>> -> memref<1x128xi32, #tpu.memory_space<hbm>>
        %dma_start3A_842 = arith.constant 0 : i32
        %dma_start3A_843 = arith.constant 0 : i32
        %dma_start3A_844 = tpu.memref_slice %arg5[%dma_start3A_842, %dma_start3A_843] : memref<2x128xi32, #tpu.memory_space<vmem>> -> memref<1x128xi32, #tpu.memory_space<vmem>>
        %dma_start3A_845 = tpu.memref_slice %arg3[%select_n3A_819, %mul3A_837] : memref<50x16384xi32, #tpu.memory_space<hbm>> -> memref<1x128xi32, #tpu.memory_space<hbm>>
        tpu.enqueue_dma source(%dma_start3A_845 : memref<1x128xi32, #tpu.memory_space<hbm>>) target(%dma_start3A_844 : memref<1x128xi32, #tpu.memory_space<vmem>>) target_semaphore(%arg9 : memref<!tpu.dma_semaphore, #tpu.memory_space<semaphore_mem>>)
      } else {
      }
      %gt3A = arith.constant 1 : i32
      %gt3A_523 = arith.cmpi sgt, %add3A_392, %gt3A : i32
      %convert_element_type3A_524 = arith.extui %gt3A_523 : i1 to i32
      %cond3A_525 = arith.constant 0 : i32
      %cond3A_526 = arith.cmpi ne, %convert_element_type3A_524, %cond3A_525 : i32
      scf.if %cond3A_526 {
        %mul3A_793 = arith.constant 2 : i32
        %mul3A_794 = arith.muli %mul3A_793, %add3A_392 : i32
        %sub3A_795 = arith.constant 3 : i32
        %sub3A_796 = arith.subi %mul3A_794, %sub3A_795 : i32
        %add3A_797 = arith.addi %mul3A_2, %sub3A_796 : i32
        %jit3A_798 = arith.constant 128 : i32
        %div3A_799 = arith.divsi %add3A_797, %jit3A_798 : i32
        %sign3A_800 = arith.constant 0 : i32
        %sign3A_801 = arith.cmpi sgt, %add3A_797, %sign3A_800 : i32
        %sign3A_802 = arith.extui %sign3A_801 : i1 to i32
        %sign3A_803 = arith.constant 0 : i32
        %sign3A_804 = arith.cmpi slt, %add3A_797, %sign3A_803 : i32
        %sign3A_805 = arith.extui %sign3A_804 : i1 to i32
        %sign3A_806 = arith.subi %sign3A_802, %sign3A_805 : i32
        %sign3A_807 = arith.constant 0 : i32
        %sign3A_808 = arith.cmpi sgt, %jit3A_798, %sign3A_807 : i32
        %sign3A_809 = arith.extui %sign3A_808 : i1 to i32
        %sign3A_810 = arith.constant 0 : i32
        %sign3A_811 = arith.cmpi slt, %jit3A_798, %sign3A_810 : i32
        %sign3A_812 = arith.extui %sign3A_811 : i1 to i32
        %sign3A_813 = arith.subi %sign3A_809, %sign3A_812 : i32
        %ne3A_814 = arith.cmpi ne, %sign3A_806, %sign3A_813 : i32
        %rem3A_815 = arith.remsi %add3A_797, %jit3A_798 : i32
        %ne3A_816 = arith.constant 0 : i32
        %ne3A_817 = arith.cmpi ne, %rem3A_815, %ne3A_816 : i32
        %and3A_818 = arith.andi %ne3A_814, %ne3A_817 : i1
        %sub3A_819 = arith.constant 1 : i32
        %sub3A_820 = arith.subi %div3A_799, %sub3A_819 : i32
        %select_n3A_821 = arith.select %and3A_818, %sub3A_820, %div3A_799 : i32
        %jit3A_822 = arith.constant 128 : i32
        %eq3A_823 = arith.constant 0 : i32
        %eq3A_824 = arith.cmpi eq, %jit3A_822, %eq3A_823 : i32
        %jit3A_825 = arith.constant 1 : i32
        %select_n3A_826 = arith.select %eq3A_824, %jit3A_825, %jit3A_822 : i32
        %rem3A_827 = arith.remsi %add3A_797, %select_n3A_826 : i32
        %ne3A_828 = arith.constant 0 : i32
        %ne3A_829 = arith.cmpi ne, %rem3A_827, %ne3A_828 : i32
        %lt3A_830 = arith.constant 0 : i32
        %lt3A_831 = arith.cmpi slt, %rem3A_827, %lt3A_830 : i32
        %lt3A_832 = arith.constant 0 : i32
        %lt3A_833 = arith.cmpi slt, %select_n3A_826, %lt3A_832 : i32
        %ne3A_834 = arith.xori %lt3A_831, %lt3A_833 : i1
        %and3A_835 = arith.andi %ne3A_834, %ne3A_829 : i1
        %add3A_836 = arith.addi %rem3A_827, %select_n3A_826 : i32
        %select_n3A_837 = arith.select %and3A_835, %add3A_836, %rem3A_827 : i32
        %mul3A_838 = arith.constant 128 : i32
        %mul3A_839 = arith.muli %select_n3A_837, %mul3A_838 : i32
        %mul3A_840 = arith.constant 64 : i32
        %mul3A_841 = arith.muli %select_n3A_821, %mul3A_840 : i32
        %dma_wait3A_842 = arith.constant 1 : i32
        %dma_wait3A_843 = arith.constant 0 : i32
        %dma_wait3A_844 = arith.constant 0 : i32
        %dma_wait3A_845 = tpu.memref_slice %arg8[%dma_wait3A_842, %dma_wait3A_843, %dma_wait3A_844] : memref<2x64x128xf32, #tpu.memory_space<vmem>> -> memref<1x64x128xf32, #tpu.memory_space<vmem>>
        %dma_wait3A_846 = tpu.memref_squeeze %dma_wait3A_845 : memref<1x64x128xf32, #tpu.memory_space<vmem>> -> memref<64x128xf32, #tpu.memory_space<vmem>>
        %dma_wait3A_847 = tpu.memref_slice %arg4[%mul3A_841, %mul3A_839] : memref<3200x16384xf32, #tpu.memory_space<hbm>> -> memref<64x128xf32, #tpu.memory_space<hbm>>
        %dma_wait3A_848 = tpu.memref_slice %arg4[%mul3A_841, %mul3A_839] : memref<3200x16384xf32, #tpu.memory_space<hbm>> -> memref<64x128xf32, #tpu.memory_space<hbm>>
        %dma_wait3A_849 = arith.constant 0 : i32
        %dma_wait3A_850 = arith.constant 0 : i32
        %dma_wait3A_851 = tpu.memref_slice %arg8[%dma_wait3A_842, %dma_wait3A_849, %dma_wait3A_850] : memref<2x64x128xf32, #tpu.memory_space<vmem>> -> memref<1x64x128xf32, #tpu.memory_space<vmem>>
        %dma_wait3A_852 = tpu.memref_squeeze %dma_wait3A_851 : memref<1x64x128xf32, #tpu.memory_space<vmem>> -> memref<64x128xf32, #tpu.memory_space<vmem>>
        tpu.wait_dma2 semaphore(%arg14 : memref<!tpu.dma_semaphore, #tpu.memory_space<semaphore_mem>>) src(%dma_wait3A_852 : memref<64x128xf32, #tpu.memory_space<vmem>>) dst(%dma_wait3A_848 : memref<64x128xf32, #tpu.memory_space<hbm>>)
      } else {
      }
      %gt3A_527 = arith.constant 0 : i32
      %gt3A_528 = arith.cmpi sgt, %add3A_392, %gt3A_527 : i32
      %convert_element_type3A_529 = arith.extui %gt3A_528 : i1 to i32
      %cond3A_530 = arith.constant 0 : i32
      %cond3A_531 = arith.cmpi ne, %convert_element_type3A_529, %cond3A_530 : i32
      scf.if %cond3A_531 {
        %mul3A_793 = arith.constant 2 : i32
        %mul3A_794 = arith.muli %mul3A_793, %add3A_392 : i32
        %sub3A_795 = arith.constant 1 : i32
        %sub3A_796 = arith.subi %mul3A_794, %sub3A_795 : i32
        %dma_wait3A_797 = arith.constant 1 : i32
        %dma_wait3A_798 = arith.constant 128 : i32
        %dma_wait3A_799 = arith.constant 0 : i32
        %dma_wait3A_800 = tpu.memref_slice %arg7[%dma_wait3A_798, %dma_wait3A_799] : memref<256x128xf32, #tpu.memory_space<vmem>> -> memref<128x128xf32, #tpu.memory_space<vmem>>
        %dma_wait3A_801 = arith.constant 0 : i32
        %dma_wait3A_802 = tpu.memref_slice %arg6[%dma_wait3A_797, %dma_wait3A_801] : memref<2x128xi32, #tpu.memory_space<vmem>> -> memref<1x128xi32, #tpu.memory_space<vmem>>
        %dma_wait3A_803 = tpu.memref_squeeze %dma_wait3A_802 : memref<1x128xi32, #tpu.memory_space<vmem>> -> memref<128xi32, #tpu.memory_space<vmem>>
        %dma_wait3A_804 = arith.constant 0 : i32
        %dma_wait3A_805 = arith.constant 0 : i32
        %dma_wait3A_806 = tpu.memref_slice %arg2[%dma_wait3A_804, %dma_wait3A_805] : memref<100000x128xf32, #tpu.memory_space<hbm>> -> memref<100000x128xf32, #tpu.memory_space<hbm>>
        tpu.wait_indirect_dma semaphore(%arg12 : memref<!tpu.dma_semaphore, #tpu.memory_space<semaphore_mem>>) src(%dma_wait3A_806 : memref<100000x128xf32, #tpu.memory_space<hbm>>) dst(%dma_wait3A_800 : memref<128x128xf32, #tpu.memory_space<vmem>>)
        %iota3A_807 = tpu.iota {dimensions = array<i32: 0>} : vector<16xi32>
        %broadcast_in_dim3A_808 = arith.constant 1 : i32
        %broadcast_in_dim3A_809 = vector.broadcast %broadcast_in_dim3A_808 : i32 to vector<16xi32>
        %add3A_810 = arith.constant 128 : i32
        %add3A_811 = vector.broadcast %add3A_810 : i32 to vector<16xi32>
        %add3A_812 = arith.addi %iota3A_807, %add3A_811 : vector<16xi32>
        %add3A_813 = arith.constant 144 : i32
        %add3A_814 = vector.broadcast %add3A_813 : i32 to vector<16xi32>
        %add3A_815 = arith.addi %iota3A_807, %add3A_814 : vector<16xi32>
        %add3A_816 = arith.constant 160 : i32
        %add3A_817 = vector.broadcast %add3A_816 : i32 to vector<16xi32>
        %add3A_818 = arith.addi %iota3A_807, %add3A_817 : vector<16xi32>
        %add3A_819 = arith.constant 176 : i32
        %add3A_820 = vector.broadcast %add3A_819 : i32 to vector<16xi32>
        %add3A_821 = arith.addi %iota3A_807, %add3A_820 : vector<16xi32>
        %add3A_822 = arith.constant 192 : i32
        %add3A_823 = vector.broadcast %add3A_822 : i32 to vector<16xi32>
        %add3A_824 = arith.addi %iota3A_807, %add3A_823 : vector<16xi32>
        %add3A_825 = arith.constant 208 : i32
        %add3A_826 = vector.broadcast %add3A_825 : i32 to vector<16xi32>
        %add3A_827 = arith.addi %iota3A_807, %add3A_826 : vector<16xi32>
        %add3A_828 = arith.constant 224 : i32
        %add3A_829 = vector.broadcast %add3A_828 : i32 to vector<16xi32>
        %add3A_830 = arith.addi %iota3A_807, %add3A_829 : vector<16xi32>
        %add3A_831 = arith.constant 240 : i32
        %add3A_832 = vector.broadcast %add3A_831 : i32 to vector<16xi32>
        %add3A_833 = arith.addi %iota3A_807, %add3A_832 : vector<16xi32>
        %add3A_834 = arith.constant 0 : i32
        %add3A_835 = vector.broadcast %add3A_834 : i32 to vector<16xi32>
        %add3A_836 = arith.addi %iota3A_807, %add3A_835 : vector<16xi32>
        %add3A_837 = arith.constant 16 : i32
        %add3A_838 = vector.broadcast %add3A_837 : i32 to vector<16xi32>
        %add3A_839 = arith.addi %iota3A_807, %add3A_838 : vector<16xi32>
        %add3A_840 = arith.constant 32 : i32
        %add3A_841 = vector.broadcast %add3A_840 : i32 to vector<16xi32>
        %add3A_842 = arith.addi %iota3A_807, %add3A_841 : vector<16xi32>
        %add3A_843 = arith.constant 48 : i32
        %add3A_844 = vector.broadcast %add3A_843 : i32 to vector<16xi32>
        %add3A_845 = arith.addi %iota3A_807, %add3A_844 : vector<16xi32>
        %add3A_846 = arith.constant 64 : i32
        %add3A_847 = vector.broadcast %add3A_846 : i32 to vector<16xi32>
        %add3A_848 = arith.addi %iota3A_807, %add3A_847 : vector<16xi32>
        %add3A_849 = arith.constant 80 : i32
        %add3A_850 = vector.broadcast %add3A_849 : i32 to vector<16xi32>
        %add3A_851 = arith.addi %iota3A_807, %add3A_850 : vector<16xi32>
        %add3A_852 = arith.constant 96 : i32
        %add3A_853 = vector.broadcast %add3A_852 : i32 to vector<16xi32>
        %add3A_854 = arith.addi %iota3A_807, %add3A_853 : vector<16xi32>
        %add3A_855 = arith.constant 112 : i32
        %add3A_856 = vector.broadcast %add3A_855 : i32 to vector<16xi32>
        %add3A_857 = arith.addi %iota3A_807, %add3A_856 : vector<16xi32>
        %parallel_loop3A_858 = arith.constant 0 : i32
        %parallel_loop3A_859 = arith.constant 16 : i32
        %parallel_loop3A_860 = arith.constant 1 : i32
        scf.for %parallel_loop3A_917 = %parallel_loop3A_858 to %parallel_loop3A_859 step %parallel_loop3A_860  : i32 {
          %parallel_loop3A_918 = vector.broadcast %parallel_loop3A_917 : i32 to vector<16xi32>
          %parallel_loop3A_919 = arith.addi %iota3A_807, %parallel_loop3A_918 : vector<16xi32>
          %parallel_loop3A_920 = arith.constant 15 : i32
          %parallel_loop3A_921 = vector.broadcast %parallel_loop3A_920 : i32 to vector<16xi32>
          %parallel_loop3A_922 = arith.andi %parallel_loop3A_919, %parallel_loop3A_921 : vector<16xi32>
          %parallel_loop3A_923 = arith.constant 0 : i32
          %parallel_loop3A_924 = vector.broadcast %parallel_loop3A_923 : i32 to vector<16xi32>
          %parallel_loop3A_925 = arith.addi %parallel_loop3A_922, %parallel_loop3A_924 : vector<16xi32>
          %parallel_loop3A_926 = arith.constant 16 : i32
          %parallel_loop3A_927 = vector.broadcast %parallel_loop3A_926 : i32 to vector<16xi32>
          %parallel_loop3A_928 = arith.addi %parallel_loop3A_922, %parallel_loop3A_927 : vector<16xi32>
          %parallel_loop3A_929 = arith.constant 32 : i32
          %parallel_loop3A_930 = vector.broadcast %parallel_loop3A_929 : i32 to vector<16xi32>
          %parallel_loop3A_931 = arith.addi %parallel_loop3A_922, %parallel_loop3A_930 : vector<16xi32>
          %parallel_loop3A_932 = arith.constant 48 : i32
          %parallel_loop3A_933 = vector.broadcast %parallel_loop3A_932 : i32 to vector<16xi32>
          %parallel_loop3A_934 = arith.addi %parallel_loop3A_922, %parallel_loop3A_933 : vector<16xi32>
          %parallel_loop3A_935 = tpu.vector_load_idx %arg7[%add3A_812, %parallel_loop3A_925] : memref<256x128xf32, #tpu.memory_space<vmem>>[vector<16xi32>, vector<16xi32>], vector<16xf32>,
          tpu.vector_store_idx %arg8[%broadcast_in_dim3A_809, %parallel_loop3A_925, %add3A_836], %parallel_loop3A_935 : memref<2x64x128xf32, #tpu.memory_space<vmem>>[vector<16xi32>, vector<16xi32>, vector<16xi32>], vector<16xf32>,
          %parallel_loop3A_936 = tpu.vector_load_idx %arg7[%add3A_812, %parallel_loop3A_928] : memref<256x128xf32, #tpu.memory_space<vmem>>[vector<16xi32>, vector<16xi32>], vector<16xf32>,
          tpu.vector_store_idx %arg8[%broadcast_in_dim3A_809, %parallel_loop3A_928, %add3A_836], %parallel_loop3A_936 : memref<2x64x128xf32, #tpu.memory_space<vmem>>[vector<16xi32>, vector<16xi32>, vector<16xi32>], vector<16xf32>,
          %parallel_loop3A_937 = tpu.vector_load_idx %arg7[%add3A_812, %parallel_loop3A_931] : memref<256x128xf32, #tpu.memory_space<vmem>>[vector<16xi32>, vector<16xi32>], vector<16xf32>,
          tpu.vector_store_idx %arg8[%broadcast_in_dim3A_809, %parallel_loop3A_931, %add3A_836], %parallel_loop3A_937 : memref<2x64x128xf32, #tpu.memory_space<vmem>>[vector<16xi32>, vector<16xi32>, vector<16xi32>], vector<16xf32>,
          %parallel_loop3A_938 = tpu.vector_load_idx %arg7[%add3A_812, %parallel_loop3A_934] : memref<256x128xf32, #tpu.memory_space<vmem>>[vector<16xi32>, vector<16xi32>], vector<16xf32>,
          tpu.vector_store_idx %arg8[%broadcast_in_dim3A_809, %parallel_loop3A_934, %add3A_836], %parallel_loop3A_938 : memref<2x64x128xf32, #tpu.memory_space<vmem>>[vector<16xi32>, vector<16xi32>, vector<16xi32>], vector<16xf32>,
          %parallel_loop3A_939 = tpu.vector_load_idx %arg7[%add3A_815, %parallel_loop3A_925] : memref<256x128xf32, #tpu.memory_space<vmem>>[vector<16xi32>, vector<16xi32>], vector<16xf32>,
          tpu.vector_store_idx %arg8[%broadcast_in_dim3A_809, %parallel_loop3A_925, %add3A_839], %parallel_loop3A_939 : memref<2x64x128xf32, #tpu.memory_space<vmem>>[vector<16xi32>, vector<16xi32>, vector<16xi32>], vector<16xf32>,
          %parallel_loop3A_940 = tpu.vector_load_idx %arg7[%add3A_815, %parallel_loop3A_928] : memref<256x128xf32, #tpu.memory_space<vmem>>[vector<16xi32>, vector<16xi32>], vector<16xf32>,
          tpu.vector_store_idx %arg8[%broadcast_in_dim3A_809, %parallel_loop3A_928, %add3A_839], %parallel_loop3A_940 : memref<2x64x128xf32, #tpu.memory_space<vmem>>[vector<16xi32>, vector<16xi32>, vector<16xi32>], vector<16xf32>,
          %parallel_loop3A_941 = tpu.vector_load_idx %arg7[%add3A_815, %parallel_loop3A_931] : memref<256x128xf32, #tpu.memory_space<vmem>>[vector<16xi32>, vector<16xi32>], vector<16xf32>,
          tpu.vector_store_idx %arg8[%broadcast_in_dim3A_809, %parallel_loop3A_931, %add3A_839], %parallel_loop3A_941 : memref<2x64x128xf32, #tpu.memory_space<vmem>>[vector<16xi32>, vector<16xi32>, vector<16xi32>], vector<16xf32>,
          %parallel_loop3A_942 = tpu.vector_load_idx %arg7[%add3A_815, %parallel_loop3A_934] : memref<256x128xf32, #tpu.memory_space<vmem>>[vector<16xi32>, vector<16xi32>], vector<16xf32>,
          tpu.vector_store_idx %arg8[%broadcast_in_dim3A_809, %parallel_loop3A_934, %add3A_839], %parallel_loop3A_942 : memref<2x64x128xf32, #tpu.memory_space<vmem>>[vector<16xi32>, vector<16xi32>, vector<16xi32>], vector<16xf32>,
          %parallel_loop3A_943 = tpu.vector_load_idx %arg7[%add3A_818, %parallel_loop3A_925] : memref<256x128xf32, #tpu.memory_space<vmem>>[vector<16xi32>, vector<16xi32>], vector<16xf32>,
          tpu.vector_store_idx %arg8[%broadcast_in_dim3A_809, %parallel_loop3A_925, %add3A_842], %parallel_loop3A_943 : memref<2x64x128xf32, #tpu.memory_space<vmem>>[vector<16xi32>, vector<16xi32>, vector<16xi32>], vector<16xf32>,
          %parallel_loop3A_944 = tpu.vector_load_idx %arg7[%add3A_818, %parallel_loop3A_928] : memref<256x128xf32, #tpu.memory_space<vmem>>[vector<16xi32>, vector<16xi32>], vector<16xf32>,
          tpu.vector_store_idx %arg8[%broadcast_in_dim3A_809, %parallel_loop3A_928, %add3A_842], %parallel_loop3A_944 : memref<2x64x128xf32, #tpu.memory_space<vmem>>[vector<16xi32>, vector<16xi32>, vector<16xi32>], vector<16xf32>,
          %parallel_loop3A_945 = tpu.vector_load_idx %arg7[%add3A_818, %parallel_loop3A_931] : memref<256x128xf32, #tpu.memory_space<vmem>>[vector<16xi32>, vector<16xi32>], vector<16xf32>,
          tpu.vector_store_idx %arg8[%broadcast_in_dim3A_809, %parallel_loop3A_931, %add3A_842], %parallel_loop3A_945 : memref<2x64x128xf32, #tpu.memory_space<vmem>>[vector<16xi32>, vector<16xi32>, vector<16xi32>], vector<16xf32>,
          %parallel_loop3A_946 = tpu.vector_load_idx %arg7[%add3A_818, %parallel_loop3A_934] : memref<256x128xf32, #tpu.memory_space<vmem>>[vector<16xi32>, vector<16xi32>], vector<16xf32>,
          tpu.vector_store_idx %arg8[%broadcast_in_dim3A_809, %parallel_loop3A_934, %add3A_842], %parallel_loop3A_946 : memref<2x64x128xf32, #tpu.memory_space<vmem>>[vector<16xi32>, vector<16xi32>, vector<16xi32>], vector<16xf32>,
          %parallel_loop3A_947 = tpu.vector_load_idx %arg7[%add3A_821, %parallel_loop3A_925] : memref<256x128xf32, #tpu.memory_space<vmem>>[vector<16xi32>, vector<16xi32>], vector<16xf32>,
          tpu.vector_store_idx %arg8[%broadcast_in_dim3A_809, %parallel_loop3A_925, %add3A_845], %parallel_loop3A_947 : memref<2x64x128xf32, #tpu.memory_space<vmem>>[vector<16xi32>, vector<16xi32>, vector<16xi32>], vector<16xf32>,
          %parallel_loop3A_948 = tpu.vector_load_idx %arg7[%add3A_821, %parallel_loop3A_928] : memref<256x128xf32, #tpu.memory_space<vmem>>[vector<16xi32>, vector<16xi32>], vector<16xf32>,
          tpu.vector_store_idx %arg8[%broadcast_in_dim3A_809, %parallel_loop3A_928, %add3A_845], %parallel_loop3A_948 : memref<2x64x128xf32, #tpu.memory_space<vmem>>[vector<16xi32>, vector<16xi32>, vector<16xi32>], vector<16xf32>,
          %parallel_loop3A_949 = tpu.vector_load_idx %arg7[%add3A_821, %parallel_loop3A_931] : memref<256x128xf32, #tpu.memory_space<vmem>>[vector<16xi32>, vector<16xi32>], vector<16xf32>,
          tpu.vector_store_idx %arg8[%broadcast_in_dim3A_809, %parallel_loop3A_931, %add3A_845], %parallel_loop3A_949 : memref<2x64x128xf32, #tpu.memory_space<vmem>>[vector<16xi32>, vector<16xi32>, vector<16xi32>], vector<16xf32>,
          %parallel_loop3A_950 = tpu.vector_load_idx %arg7[%add3A_821, %parallel_loop3A_934] : memref<256x128xf32, #tpu.memory_space<vmem>>[vector<16xi32>, vector<16xi32>], vector<16xf32>,
          tpu.vector_store_idx %arg8[%broadcast_in_dim3A_809, %parallel_loop3A_934, %add3A_845], %parallel_loop3A_950 : memref<2x64x128xf32, #tpu.memory_space<vmem>>[vector<16xi32>, vector<16xi32>, vector<16xi32>], vector<16xf32>,
          %parallel_loop3A_951 = tpu.vector_load_idx %arg7[%add3A_824, %parallel_loop3A_925] : memref<256x128xf32, #tpu.memory_space<vmem>>[vector<16xi32>, vector<16xi32>], vector<16xf32>,
          tpu.vector_store_idx %arg8[%broadcast_in_dim3A_809, %parallel_loop3A_925, %add3A_848], %parallel_loop3A_951 : memref<2x64x128xf32, #tpu.memory_space<vmem>>[vector<16xi32>, vector<16xi32>, vector<16xi32>], vector<16xf32>,
          %parallel_loop3A_952 = tpu.vector_load_idx %arg7[%add3A_824, %parallel_loop3A_928] : memref<256x128xf32, #tpu.memory_space<vmem>>[vector<16xi32>, vector<16xi32>], vector<16xf32>,
          tpu.vector_store_idx %arg8[%broadcast_in_dim3A_809, %parallel_loop3A_928, %add3A_848], %parallel_loop3A_952 : memref<2x64x128xf32, #tpu.memory_space<vmem>>[vector<16xi32>, vector<16xi32>, vector<16xi32>], vector<16xf32>,
          %parallel_loop3A_953 = tpu.vector_load_idx %arg7[%add3A_824, %parallel_loop3A_931] : memref<256x128xf32, #tpu.memory_space<vmem>>[vector<16xi32>, vector<16xi32>], vector<16xf32>,
          tpu.vector_store_idx %arg8[%broadcast_in_dim3A_809, %parallel_loop3A_931, %add3A_848], %parallel_loop3A_953 : memref<2x64x128xf32, #tpu.memory_space<vmem>>[vector<16xi32>, vector<16xi32>, vector<16xi32>], vector<16xf32>,
          %parallel_loop3A_954 = tpu.vector_load_idx %arg7[%add3A_824, %parallel_loop3A_934] : memref<256x128xf32, #tpu.memory_space<vmem>>[vector<16xi32>, vector<16xi32>], vector<16xf32>,
          tpu.vector_store_idx %arg8[%broadcast_in_dim3A_809, %parallel_loop3A_934, %add3A_848], %parallel_loop3A_954 : memref<2x64x128xf32, #tpu.memory_space<vmem>>[vector<16xi32>, vector<16xi32>, vector<16xi32>], vector<16xf32>,
          %parallel_loop3A_955 = tpu.vector_load_idx %arg7[%add3A_827, %parallel_loop3A_925] : memref<256x128xf32, #tpu.memory_space<vmem>>[vector<16xi32>, vector<16xi32>], vector<16xf32>,
          tpu.vector_store_idx %arg8[%broadcast_in_dim3A_809, %parallel_loop3A_925, %add3A_851], %parallel_loop3A_955 : memref<2x64x128xf32, #tpu.memory_space<vmem>>[vector<16xi32>, vector<16xi32>, vector<16xi32>], vector<16xf32>,
          %parallel_loop3A_956 = tpu.vector_load_idx %arg7[%add3A_827, %parallel_loop3A_928] : memref<256x128xf32, #tpu.memory_space<vmem>>[vector<16xi32>, vector<16xi32>], vector<16xf32>,
          tpu.vector_store_idx %arg8[%broadcast_in_dim3A_809, %parallel_loop3A_928, %add3A_851], %parallel_loop3A_956 : memref<2x64x128xf32, #tpu.memory_space<vmem>>[vector<16xi32>, vector<16xi32>, vector<16xi32>], vector<16xf32>,
          %parallel_loop3A_957 = tpu.vector_load_idx %arg7[%add3A_827, %parallel_loop3A_931] : memref<256x128xf32, #tpu.memory_space<vmem>>[vector<16xi32>, vector<16xi32>], vector<16xf32>,
          tpu.vector_store_idx %arg8[%broadcast_in_dim3A_809, %parallel_loop3A_931, %add3A_851], %parallel_loop3A_957 : memref<2x64x128xf32, #tpu.memory_space<vmem>>[vector<16xi32>, vector<16xi32>, vector<16xi32>], vector<16xf32>,
          %parallel_loop3A_958 = tpu.vector_load_idx %arg7[%add3A_827, %parallel_loop3A_934] : memref<256x128xf32, #tpu.memory_space<vmem>>[vector<16xi32>, vector<16xi32>], vector<16xf32>,
          tpu.vector_store_idx %arg8[%broadcast_in_dim3A_809, %parallel_loop3A_934, %add3A_851], %parallel_loop3A_958 : memref<2x64x128xf32, #tpu.memory_space<vmem>>[vector<16xi32>, vector<16xi32>, vector<16xi32>], vector<16xf32>,
          %parallel_loop3A_959 = tpu.vector_load_idx %arg7[%add3A_830, %parallel_loop3A_925] : memref<256x128xf32, #tpu.memory_space<vmem>>[vector<16xi32>, vector<16xi32>], vector<16xf32>,
          tpu.vector_store_idx %arg8[%broadcast_in_dim3A_809, %parallel_loop3A_925, %add3A_854], %parallel_loop3A_959 : memref<2x64x128xf32, #tpu.memory_space<vmem>>[vector<16xi32>, vector<16xi32>, vector<16xi32>], vector<16xf32>,
          %parallel_loop3A_960 = tpu.vector_load_idx %arg7[%add3A_830, %parallel_loop3A_928] : memref<256x128xf32, #tpu.memory_space<vmem>>[vector<16xi32>, vector<16xi32>], vector<16xf32>,
          tpu.vector_store_idx %arg8[%broadcast_in_dim3A_809, %parallel_loop3A_928, %add3A_854], %parallel_loop3A_960 : memref<2x64x128xf32, #tpu.memory_space<vmem>>[vector<16xi32>, vector<16xi32>, vector<16xi32>], vector<16xf32>,
          %parallel_loop3A_961 = tpu.vector_load_idx %arg7[%add3A_830, %parallel_loop3A_931] : memref<256x128xf32, #tpu.memory_space<vmem>>[vector<16xi32>, vector<16xi32>], vector<16xf32>,
          tpu.vector_store_idx %arg8[%broadcast_in_dim3A_809, %parallel_loop3A_931, %add3A_854], %parallel_loop3A_961 : memref<2x64x128xf32, #tpu.memory_space<vmem>>[vector<16xi32>, vector<16xi32>, vector<16xi32>], vector<16xf32>,
          %parallel_loop3A_962 = tpu.vector_load_idx %arg7[%add3A_830, %parallel_loop3A_934] : memref<256x128xf32, #tpu.memory_space<vmem>>[vector<16xi32>, vector<16xi32>], vector<16xf32>,
          tpu.vector_store_idx %arg8[%broadcast_in_dim3A_809, %parallel_loop3A_934, %add3A_854], %parallel_loop3A_962 : memref<2x64x128xf32, #tpu.memory_space<vmem>>[vector<16xi32>, vector<16xi32>, vector<16xi32>], vector<16xf32>,
          %parallel_loop3A_963 = tpu.vector_load_idx %arg7[%add3A_833, %parallel_loop3A_925] : memref<256x128xf32, #tpu.memory_space<vmem>>[vector<16xi32>, vector<16xi32>], vector<16xf32>,
          tpu.vector_store_idx %arg8[%broadcast_in_dim3A_809, %parallel_loop3A_925, %add3A_857], %parallel_loop3A_963 : memref<2x64x128xf32, #tpu.memory_space<vmem>>[vector<16xi32>, vector<16xi32>, vector<16xi32>], vector<16xf32>,
          %parallel_loop3A_964 = tpu.vector_load_idx %arg7[%add3A_833, %parallel_loop3A_928] : memref<256x128xf32, #tpu.memory_space<vmem>>[vector<16xi32>, vector<16xi32>], vector<16xf32>,
          tpu.vector_store_idx %arg8[%broadcast_in_dim3A_809, %parallel_loop3A_928, %add3A_857], %parallel_loop3A_964 : memref<2x64x128xf32, #tpu.memory_space<vmem>>[vector<16xi32>, vector<16xi32>, vector<16xi32>], vector<16xf32>,
          %parallel_loop3A_965 = tpu.vector_load_idx %arg7[%add3A_833, %parallel_loop3A_931] : memref<256x128xf32, #tpu.memory_space<vmem>>[vector<16xi32>, vector<16xi32>], vector<16xf32>,
          tpu.vector_store_idx %arg8[%broadcast_in_dim3A_809, %parallel_loop3A_931, %add3A_857], %parallel_loop3A_965 : memref<2x64x128xf32, #tpu.memory_space<vmem>>[vector<16xi32>, vector<16xi32>, vector<16xi32>], vector<16xf32>,
          %parallel_loop3A_966 = tpu.vector_load_idx %arg7[%add3A_833, %parallel_loop3A_934] : memref<256x128xf32, #tpu.memory_space<vmem>>[vector<16xi32>, vector<16xi32>], vector<16xf32>,
          tpu.vector_store_idx %arg8[%broadcast_in_dim3A_809, %parallel_loop3A_934, %add3A_857], %parallel_loop3A_966 : memref<2x64x128xf32, #tpu.memory_space<vmem>>[vector<16xi32>, vector<16xi32>, vector<16xi32>], vector<16xf32>,
        } {sc.loop_unroll_factor = 4 : i64, sc.parallel_access}
        %add3A_861 = arith.addi %mul3A_2, %sub3A_796 : i32
        %jit3A_862 = arith.constant 128 : i32
        %div3A_863 = arith.divsi %add3A_861, %jit3A_862 : i32
        %sign3A_864 = arith.constant 0 : i32
        %sign3A_865 = arith.cmpi sgt, %add3A_861, %sign3A_864 : i32
        %sign3A_866 = arith.extui %sign3A_865 : i1 to i32
        %sign3A_867 = arith.constant 0 : i32
        %sign3A_868 = arith.cmpi slt, %add3A_861, %sign3A_867 : i32
        %sign3A_869 = arith.extui %sign3A_868 : i1 to i32
        %sign3A_870 = arith.subi %sign3A_866, %sign3A_869 : i32
        %sign3A_871 = arith.constant 0 : i32
        %sign3A_872 = arith.cmpi sgt, %jit3A_862, %sign3A_871 : i32
        %sign3A_873 = arith.extui %sign3A_872 : i1 to i32
        %sign3A_874 = arith.constant 0 : i32
        %sign3A_875 = arith.cmpi slt, %jit3A_862, %sign3A_874 : i32
        %sign3A_876 = arith.extui %sign3A_875 : i1 to i32
        %sign3A_877 = arith.subi %sign3A_873, %sign3A_876 : i32
        %ne3A_878 = arith.cmpi ne, %sign3A_870, %sign3A_877 : i32
        %rem3A_879 = arith.remsi %add3A_861, %jit3A_862 : i32
        %ne3A_880 = arith.constant 0 : i32
        %ne3A_881 = arith.cmpi ne, %rem3A_879, %ne3A_880 : i32
        %and3A_882 = arith.andi %ne3A_878, %ne3A_881 : i1
        %sub3A_883 = arith.constant 1 : i32
        %sub3A_884 = arith.subi %div3A_863, %sub3A_883 : i32
        %select_n3A_885 = arith.select %and3A_882, %sub3A_884, %div3A_863 : i32
        %jit3A_886 = arith.constant 128 : i32
        %eq3A_887 = arith.constant 0 : i32
        %eq3A_888 = arith.cmpi eq, %jit3A_886, %eq3A_887 : i32
        %jit3A_889 = arith.constant 1 : i32
        %select_n3A_890 = arith.select %eq3A_888, %jit3A_889, %jit3A_886 : i32
        %rem3A_891 = arith.remsi %add3A_861, %select_n3A_890 : i32
        %ne3A_892 = arith.constant 0 : i32
        %ne3A_893 = arith.cmpi ne, %rem3A_891, %ne3A_892 : i32
        %lt3A_894 = arith.constant 0 : i32
        %lt3A_895 = arith.cmpi slt, %rem3A_891, %lt3A_894 : i32
        %lt3A_896 = arith.constant 0 : i32
        %lt3A_897 = arith.cmpi slt, %select_n3A_890, %lt3A_896 : i32
        %ne3A_898 = arith.xori %lt3A_895, %lt3A_897 : i1
        %and3A_899 = arith.andi %ne3A_898, %ne3A_893 : i1
        %add3A_900 = arith.addi %rem3A_891, %select_n3A_890 : i32
        %select_n3A_901 = arith.select %and3A_899, %add3A_900, %rem3A_891 : i32
        %mul3A_902 = arith.constant 128 : i32
        %mul3A_903 = arith.muli %select_n3A_901, %mul3A_902 : i32
        %mul3A_904 = arith.constant 64 : i32
        %mul3A_905 = arith.muli %select_n3A_885, %mul3A_904 : i32
        %dma_start3A_906 = arith.constant 1 : i32
        %dma_start3A_907 = arith.constant 0 : i32
        %dma_start3A_908 = arith.constant 0 : i32
        %dma_start3A_909 = tpu.memref_slice %arg8[%dma_start3A_906, %dma_start3A_907, %dma_start3A_908] : memref<2x64x128xf32, #tpu.memory_space<vmem>> -> memref<1x64x128xf32, #tpu.memory_space<vmem>>
        %dma_start3A_910 = tpu.memref_squeeze %dma_start3A_909 : memref<1x64x128xf32, #tpu.memory_space<vmem>> -> memref<64x128xf32, #tpu.memory_space<vmem>>
        %dma_start3A_911 = tpu.memref_slice %arg4[%mul3A_905, %mul3A_903] : memref<3200x16384xf32, #tpu.memory_space<hbm>> -> memref<64x128xf32, #tpu.memory_space<hbm>>
        %dma_start3A_912 = tpu.memref_slice %arg4[%mul3A_905, %mul3A_903] : memref<3200x16384xf32, #tpu.memory_space<hbm>> -> memref<64x128xf32, #tpu.memory_space<hbm>>
        %dma_start3A_913 = arith.constant 0 : i32
        %dma_start3A_914 = arith.constant 0 : i32
        %dma_start3A_915 = tpu.memref_slice %arg8[%dma_start3A_906, %dma_start3A_913, %dma_start3A_914] : memref<2x64x128xf32, #tpu.memory_space<vmem>> -> memref<1x64x128xf32, #tpu.memory_space<vmem>>
        %dma_start3A_916 = tpu.memref_squeeze %dma_start3A_915 : memref<1x64x128xf32, #tpu.memory_space<vmem>> -> memref<64x128xf32, #tpu.memory_space<vmem>>
        tpu.enqueue_dma source(%dma_start3A_916 : memref<64x128xf32, #tpu.memory_space<vmem>>) target(%dma_start3A_912 : memref<64x128xf32, #tpu.memory_space<hbm>>) target_semaphore(%arg14 : memref<!tpu.dma_semaphore, #tpu.memory_space<semaphore_mem>>)
      } else {
      }
      %mul3A_532 = arith.constant 2 : i32
      %mul3A_533 = arith.muli %mul3A_532, %add3A_392 : i32
      %add3A_534 = arith.constant 1 : i32
      %add3A_535 = arith.addi %mul3A_533, %add3A_534 : i32
      %add3A_536 = arith.addi %mul3A_2, %add3A_535 : i32
      %jit3A_537 = arith.constant 128 : i32
      %div3A_538 = arith.divsi %add3A_536, %jit3A_537 : i32
      %sign3A_539 = arith.constant 0 : i32
      %sign3A_540 = arith.cmpi sgt, %add3A_536, %sign3A_539 : i32
      %sign3A_541 = arith.extui %sign3A_540 : i1 to i32
      %sign3A_542 = arith.constant 0 : i32
      %sign3A_543 = arith.cmpi slt, %add3A_536, %sign3A_542 : i32
      %sign3A_544 = arith.extui %sign3A_543 : i1 to i32
      %sign3A_545 = arith.subi %sign3A_541, %sign3A_544 : i32
      %sign3A_546 = arith.constant 0 : i32
      %sign3A_547 = arith.cmpi sgt, %jit3A_537, %sign3A_546 : i32
      %sign3A_548 = arith.extui %sign3A_547 : i1 to i32
      %sign3A_549 = arith.constant 0 : i32
      %sign3A_550 = arith.cmpi slt, %jit3A_537, %sign3A_549 : i32
      %sign3A_551 = arith.extui %sign3A_550 : i1 to i32
      %sign3A_552 = arith.subi %sign3A_548, %sign3A_551 : i32
      %ne3A_553 = arith.cmpi ne, %sign3A_545, %sign3A_552 : i32
      %rem3A_554 = arith.remsi %add3A_536, %jit3A_537 : i32
      %ne3A_555 = arith.constant 0 : i32
      %ne3A_556 = arith.cmpi ne, %rem3A_554, %ne3A_555 : i32
      %and3A_557 = arith.andi %ne3A_553, %ne3A_556 : i1
      %sub3A_558 = arith.constant 1 : i32
      %sub3A_559 = arith.subi %div3A_538, %sub3A_558 : i32
      %select_n3A_560 = arith.select %and3A_557, %sub3A_559, %div3A_538 : i32
      %jit3A_561 = arith.constant 128 : i32
      %eq3A_562 = arith.constant 0 : i32
      %eq3A_563 = arith.cmpi eq, %jit3A_561, %eq3A_562 : i32
      %jit3A_564 = arith.constant 1 : i32
      %select_n3A_565 = arith.select %eq3A_563, %jit3A_564, %jit3A_561 : i32
      %rem3A_566 = arith.remsi %add3A_536, %select_n3A_565 : i32
      %ne3A_567 = arith.constant 0 : i32
      %ne3A_568 = arith.cmpi ne, %rem3A_566, %ne3A_567 : i32
      %lt3A_569 = arith.constant 0 : i32
      %lt3A_570 = arith.cmpi slt, %rem3A_566, %lt3A_569 : i32
      %lt3A_571 = arith.constant 0 : i32
      %lt3A_572 = arith.cmpi slt, %select_n3A_565, %lt3A_571 : i32
      %ne3A_573 = arith.xori %lt3A_570, %lt3A_572 : i1
      %and3A_574 = arith.andi %ne3A_573, %ne3A_568 : i1
      %add3A_575 = arith.addi %rem3A_566, %select_n3A_565 : i32
      %select_n3A_576 = arith.select %and3A_574, %add3A_575, %rem3A_566 : i32
      %mul3A_577 = arith.constant 128 : i32
      %mul3A_578 = arith.muli %select_n3A_576, %mul3A_577 : i32
      %dma_wait3A_579 = arith.constant 1 : i32
      %dma_wait3A_580 = arith.constant 0 : i32
      %dma_wait3A_581 = tpu.memref_slice %arg5[%dma_wait3A_579, %dma_wait3A_580] : memref<2x128xi32, #tpu.memory_space<vmem>> -> memref<1x128xi32, #tpu.memory_space<vmem>>
      %dma_wait3A_582 = tpu.memref_slice %arg3[%select_n3A_560, %mul3A_578] : memref<50x16384xi32, #tpu.memory_space<hbm>> -> memref<1x128xi32, #tpu.memory_space<hbm>>
      %dma_wait3A_583 = arith.constant 1 : i32
      %dma_wait3A_584 = arith.constant 0 : i32
      %dma_wait3A_585 = tpu.memref_slice %arg5[%dma_wait3A_583, %dma_wait3A_584] : memref<2x128xi32, #tpu.memory_space<vmem>> -> memref<1x128xi32, #tpu.memory_space<vmem>>
      %dma_wait3A_586 = tpu.memref_slice %arg3[%select_n3A_560, %mul3A_578] : memref<50x16384xi32, #tpu.memory_space<hbm>> -> memref<1x128xi32, #tpu.memory_space<hbm>>
      tpu.wait_dma2 semaphore(%arg10 : memref<!tpu.dma_semaphore, #tpu.memory_space<semaphore_mem>>) src(%dma_wait3A_586 : memref<1x128xi32, #tpu.memory_space<hbm>>) dst(%dma_wait3A_585 : memref<1x128xi32, #tpu.memory_space<vmem>>)
      %get3A_587 = arith.constant 1 : i32
      %get3A_588 = arith.index_cast %get3A_587 : i32 to index
      %get3A_589 = arith.constant 0 : index
      %get3A_590 = tpu.vector_load %arg5[%get3A_588, %get3A_589] {strides = array<i32>} : memref<2x128xi32, #tpu.memory_space<vmem>>, vector<16xi32>,
      %swap3A_591 = arith.constant 1 : i32
      %swap3A_592 = arith.index_cast %swap3A_591 : i32 to index
      %swap3A_593 = arith.constant 0 : index
      %swap3A_594 = tpu.vector_load %arg6[%swap3A_592, %swap3A_593] {strides = array<i32>} : memref<2x128xi32, #tpu.memory_space<vmem>>, vector<16xi32>,
      tpu.vector_store %arg6[%swap3A_592, %swap3A_593], %get3A_590 {strides = array<i32>} : memref<2x128xi32, #tpu.memory_space<vmem>>, vector<16xi32>,
      %get3A_595 = arith.constant 1 : i32
      %get3A_596 = arith.index_cast %get3A_595 : i32 to index
      %get3A_597 = arith.constant 16 : index
      %get3A_598 = tpu.vector_load %arg5[%get3A_596, %get3A_597] {strides = array<i32>} : memref<2x128xi32, #tpu.memory_space<vmem>>, vector<16xi32>,
      %swap3A_599 = arith.constant 1 : i32
      %swap3A_600 = arith.index_cast %swap3A_599 : i32 to index
      %swap3A_601 = arith.constant 16 : index
      %swap3A_602 = tpu.vector_load %arg6[%swap3A_600, %swap3A_601] {strides = array<i32>} : memref<2x128xi32, #tpu.memory_space<vmem>>, vector<16xi32>,
      tpu.vector_store %arg6[%swap3A_600, %swap3A_601], %get3A_598 {strides = array<i32>} : memref<2x128xi32, #tpu.memory_space<vmem>>, vector<16xi32>,
      %get3A_603 = arith.constant 1 : i32
      %get3A_604 = arith.index_cast %get3A_603 : i32 to index
      %get3A_605 = arith.constant 32 : index
      %get3A_606 = tpu.vector_load %arg5[%get3A_604, %get3A_605] {strides = array<i32>} : memref<2x128xi32, #tpu.memory_space<vmem>>, vector<16xi32>,
      %swap3A_607 = arith.constant 1 : i32
      %swap3A_608 = arith.index_cast %swap3A_607 : i32 to index
      %swap3A_609 = arith.constant 32 : index
      %swap3A_610 = tpu.vector_load %arg6[%swap3A_608, %swap3A_609] {strides = array<i32>} : memref<2x128xi32, #tpu.memory_space<vmem>>, vector<16xi32>,
      tpu.vector_store %arg6[%swap3A_608, %swap3A_609], %get3A_606 {strides = array<i32>} : memref<2x128xi32, #tpu.memory_space<vmem>>, vector<16xi32>,
      %get3A_611 = arith.constant 1 : i32
      %get3A_612 = arith.index_cast %get3A_611 : i32 to index
      %get3A_613 = arith.constant 48 : index
      %get3A_614 = tpu.vector_load %arg5[%get3A_612, %get3A_613] {strides = array<i32>} : memref<2x128xi32, #tpu.memory_space<vmem>>, vector<16xi32>,
      %swap3A_615 = arith.constant 1 : i32
      %swap3A_616 = arith.index_cast %swap3A_615 : i32 to index
      %swap3A_617 = arith.constant 48 : index
      %swap3A_618 = tpu.vector_load %arg6[%swap3A_616, %swap3A_617] {strides = array<i32>} : memref<2x128xi32, #tpu.memory_space<vmem>>, vector<16xi32>,
      tpu.vector_store %arg6[%swap3A_616, %swap3A_617], %get3A_614 {strides = array<i32>} : memref<2x128xi32, #tpu.memory_space<vmem>>, vector<16xi32>,
      %get3A_619 = arith.constant 1 : i32
      %get3A_620 = arith.index_cast %get3A_619 : i32 to index
      %get3A_621 = arith.constant 64 : index
      %get3A_622 = tpu.vector_load %arg5[%get3A_620, %get3A_621] {strides = array<i32>} : memref<2x128xi32, #tpu.memory_space<vmem>>, vector<16xi32>,
      %swap3A_623 = arith.constant 1 : i32
      %swap3A_624 = arith.index_cast %swap3A_623 : i32 to index
      %swap3A_625 = arith.constant 64 : index
      %swap3A_626 = tpu.vector_load %arg6[%swap3A_624, %swap3A_625] {strides = array<i32>} : memref<2x128xi32, #tpu.memory_space<vmem>>, vector<16xi32>,
      tpu.vector_store %arg6[%swap3A_624, %swap3A_625], %get3A_622 {strides = array<i32>} : memref<2x128xi32, #tpu.memory_space<vmem>>, vector<16xi32>,
      %get3A_627 = arith.constant 1 : i32
      %get3A_628 = arith.index_cast %get3A_627 : i32 to index
      %get3A_629 = arith.constant 80 : index
      %get3A_630 = tpu.vector_load %arg5[%get3A_628, %get3A_629] {strides = array<i32>} : memref<2x128xi32, #tpu.memory_space<vmem>>, vector<16xi32>,
      %swap3A_631 = arith.constant 1 : i32
      %swap3A_632 = arith.index_cast %swap3A_631 : i32 to index
      %swap3A_633 = arith.constant 80 : index
      %swap3A_634 = tpu.vector_load %arg6[%swap3A_632, %swap3A_633] {strides = array<i32>} : memref<2x128xi32, #tpu.memory_space<vmem>>, vector<16xi32>,
      tpu.vector_store %arg6[%swap3A_632, %swap3A_633], %get3A_630 {strides = array<i32>} : memref<2x128xi32, #tpu.memory_space<vmem>>, vector<16xi32>,
      %get3A_635 = arith.constant 1 : i32
      %get3A_636 = arith.index_cast %get3A_635 : i32 to index
      %get3A_637 = arith.constant 96 : index
      %get3A_638 = tpu.vector_load %arg5[%get3A_636, %get3A_637] {strides = array<i32>} : memref<2x128xi32, #tpu.memory_space<vmem>>, vector<16xi32>,
      %swap3A_639 = arith.constant 1 : i32
      %swap3A_640 = arith.index_cast %swap3A_639 : i32 to index
      %swap3A_641 = arith.constant 96 : index
      %swap3A_642 = tpu.vector_load %arg6[%swap3A_640, %swap3A_641] {strides = array<i32>} : memref<2x128xi32, #tpu.memory_space<vmem>>, vector<16xi32>,
      tpu.vector_store %arg6[%swap3A_640, %swap3A_641], %get3A_638 {strides = array<i32>} : memref<2x128xi32, #tpu.memory_space<vmem>>, vector<16xi32>,
      %get3A_643 = arith.constant 1 : i32
      %get3A_644 = arith.index_cast %get3A_643 : i32 to index
      %get3A_645 = arith.constant 112 : index
      %get3A_646 = tpu.vector_load %arg5[%get3A_644, %get3A_645] {strides = array<i32>} : memref<2x128xi32, #tpu.memory_space<vmem>>, vector<16xi32>,
      %swap3A_647 = arith.constant 1 : i32
      %swap3A_648 = arith.index_cast %swap3A_647 : i32 to index
      %swap3A_649 = arith.constant 112 : index
      %swap3A_650 = tpu.vector_load %arg6[%swap3A_648, %swap3A_649] {strides = array<i32>} : memref<2x128xi32, #tpu.memory_space<vmem>>, vector<16xi32>,
      tpu.vector_store %arg6[%swap3A_648, %swap3A_649], %get3A_646 {strides = array<i32>} : memref<2x128xi32, #tpu.memory_space<vmem>>, vector<16xi32>,
      %dma_start3A_651 = arith.constant 1 : i32
      %dma_start3A_652 = arith.constant 128 : i32
      %dma_start3A_653 = arith.constant 0 : i32
      %dma_start3A_654 = tpu.memref_slice %arg7[%dma_start3A_652, %dma_start3A_653] : memref<256x128xf32, #tpu.memory_space<vmem>> -> memref<128x128xf32, #tpu.memory_space<vmem>>
      %dma_start3A_655 = arith.constant 0 : i32
      %dma_start3A_656 = tpu.memref_slice %arg6[%dma_start3A_651, %dma_start3A_655] : memref<2x128xi32, #tpu.memory_space<vmem>> -> memref<1x128xi32, #tpu.memory_space<vmem>>
      %dma_start3A_657 = tpu.memref_squeeze %dma_start3A_656 : memref<1x128xi32, #tpu.memory_space<vmem>> -> memref<128xi32, #tpu.memory_space<vmem>>
      %dma_start3A_658 = arith.constant 0 : i32
      %dma_start3A_659 = arith.constant 0 : i32
      %dma_start3A_660 = tpu.memref_slice %arg2[%dma_start3A_658, %dma_start3A_659] : memref<100000x128xf32, #tpu.memory_space<hbm>> -> memref<100000x128xf32, #tpu.memory_space<hbm>>
      tpu.enqueue_indirect_dma source(%dma_start3A_660 : memref<100000x128xf32, #tpu.memory_space<hbm>>) target(%dma_start3A_654 : memref<128x128xf32, #tpu.memory_space<vmem>>) offsets(%dma_start3A_657 : memref<128xi32, #tpu.memory_space<vmem>>) semaphore(%arg12 : memref<!tpu.dma_semaphore, #tpu.memory_space<semaphore_mem>>)
      %lt3A_661 = arith.constant 99 : i32
      %lt3A_662 = arith.cmpi slt, %add3A_392, %lt3A_661 : i32
      %convert_element_type3A_663 = arith.extui %lt3A_662 : i1 to i32
      %cond3A_664 = arith.constant 0 : i32
      %cond3A_665 = arith.cmpi ne, %convert_element_type3A_663, %cond3A_664 : i32
      scf.if %cond3A_665 {
        %add3A_793 = arith.constant 2 : i32
        %add3A_794 = arith.addi %add3A_535, %add3A_793 : i32
        %add3A_795 = arith.addi %mul3A_2, %add3A_794 : i32
        %jit3A_796 = arith.constant 128 : i32
        %div3A_797 = arith.divsi %add3A_795, %jit3A_796 : i32
        %sign3A_798 = arith.constant 0 : i32
        %sign3A_799 = arith.cmpi sgt, %add3A_795, %sign3A_798 : i32
        %sign3A_800 = arith.extui %sign3A_799 : i1 to i32
        %sign3A_801 = arith.constant 0 : i32
        %sign3A_802 = arith.cmpi slt, %add3A_795, %sign3A_801 : i32
        %sign3A_803 = arith.extui %sign3A_802 : i1 to i32
        %sign3A_804 = arith.subi %sign3A_800, %sign3A_803 : i32
        %sign3A_805 = arith.constant 0 : i32
        %sign3A_806 = arith.cmpi sgt, %jit3A_796, %sign3A_805 : i32
        %sign3A_807 = arith.extui %sign3A_806 : i1 to i32
        %sign3A_808 = arith.constant 0 : i32
        %sign3A_809 = arith.cmpi slt, %jit3A_796, %sign3A_808 : i32
        %sign3A_810 = arith.extui %sign3A_809 : i1 to i32
        %sign3A_811 = arith.subi %sign3A_807, %sign3A_810 : i32
        %ne3A_812 = arith.cmpi ne, %sign3A_804, %sign3A_811 : i32
        %rem3A_813 = arith.remsi %add3A_795, %jit3A_796 : i32
        %ne3A_814 = arith.constant 0 : i32
        %ne3A_815 = arith.cmpi ne, %rem3A_813, %ne3A_814 : i32
        %and3A_816 = arith.andi %ne3A_812, %ne3A_815 : i1
        %sub3A_817 = arith.constant 1 : i32
        %sub3A_818 = arith.subi %div3A_797, %sub3A_817 : i32
        %select_n3A_819 = arith.select %and3A_816, %sub3A_818, %div3A_797 : i32
        %jit3A_820 = arith.constant 128 : i32
        %eq3A_821 = arith.constant 0 : i32
        %eq3A_822 = arith.cmpi eq, %jit3A_820, %eq3A_821 : i32
        %jit3A_823 = arith.constant 1 : i32
        %select_n3A_824 = arith.select %eq3A_822, %jit3A_823, %jit3A_820 : i32
        %rem3A_825 = arith.remsi %add3A_795, %select_n3A_824 : i32
        %ne3A_826 = arith.constant 0 : i32
        %ne3A_827 = arith.cmpi ne, %rem3A_825, %ne3A_826 : i32
        %lt3A_828 = arith.constant 0 : i32
        %lt3A_829 = arith.cmpi slt, %rem3A_825, %lt3A_828 : i32
        %lt3A_830 = arith.constant 0 : i32
        %lt3A_831 = arith.cmpi slt, %select_n3A_824, %lt3A_830 : i32
        %ne3A_832 = arith.xori %lt3A_829, %lt3A_831 : i1
        %and3A_833 = arith.andi %ne3A_832, %ne3A_827 : i1
        %add3A_834 = arith.addi %rem3A_825, %select_n3A_824 : i32
        %select_n3A_835 = arith.select %and3A_833, %add3A_834, %rem3A_825 : i32
        %mul3A_836 = arith.constant 128 : i32
        %mul3A_837 = arith.muli %select_n3A_835, %mul3A_836 : i32
        %dma_start3A_838 = arith.constant 1 : i32
        %dma_start3A_839 = arith.constant 0 : i32
        %dma_start3A_840 = tpu.memref_slice %arg5[%dma_start3A_838, %dma_start3A_839] : memref<2x128xi32, #tpu.memory_space<vmem>> -> memref<1x128xi32, #tpu.memory_space<vmem>>
        %dma_start3A_841 = tpu.memref_slice %arg3[%select_n3A_819, %mul3A_837] : memref<50x16384xi32, #tpu.memory_space<hbm>> -> memref<1x128xi32, #tpu.memory_space<hbm>>
        %dma_start3A_842 = arith.constant 1 : i32
        %dma_start3A_843 = arith.constant 0 : i32
        %dma_start3A_844 = tpu.memref_slice %arg5[%dma_start3A_842, %dma_start3A_843] : memref<2x128xi32, #tpu.memory_space<vmem>> -> memref<1x128xi32, #tpu.memory_space<vmem>>
        %dma_start3A_845 = tpu.memref_slice %arg3[%select_n3A_819, %mul3A_837] : memref<50x16384xi32, #tpu.memory_space<hbm>> -> memref<1x128xi32, #tpu.memory_space<hbm>>
        tpu.enqueue_dma source(%dma_start3A_845 : memref<1x128xi32, #tpu.memory_space<hbm>>) target(%dma_start3A_844 : memref<1x128xi32, #tpu.memory_space<vmem>>) target_semaphore(%arg10 : memref<!tpu.dma_semaphore, #tpu.memory_space<semaphore_mem>>)
      } else {
      }
      %gt3A_666 = arith.constant 0 : i32
      %gt3A_667 = arith.cmpi sgt, %add3A_392, %gt3A_666 : i32
      %convert_element_type3A_668 = arith.extui %gt3A_667 : i1 to i32
      %cond3A_669 = arith.constant 0 : i32
      %cond3A_670 = arith.cmpi ne, %convert_element_type3A_668, %cond3A_669 : i32
      scf.if %cond3A_670 {
        %mul3A_793 = arith.constant 2 : i32
        %mul3A_794 = arith.muli %mul3A_793, %add3A_392 : i32
        %sub3A_795 = arith.constant 2 : i32
        %sub3A_796 = arith.subi %mul3A_794, %sub3A_795 : i32
        %add3A_797 = arith.addi %mul3A_2, %sub3A_796 : i32
        %jit3A_798 = arith.constant 128 : i32
        %div3A_799 = arith.divsi %add3A_797, %jit3A_798 : i32
        %sign3A_800 = arith.constant 0 : i32
        %sign3A_801 = arith.cmpi sgt, %add3A_797, %sign3A_800 : i32
        %sign3A_802 = arith.extui %sign3A_801 : i1 to i32
        %sign3A_803 = arith.constant 0 : i32
        %sign3A_804 = arith.cmpi slt, %add3A_797, %sign3A_803 : i32
        %sign3A_805 = arith.extui %sign3A_804 : i1 to i32
        %sign3A_806 = arith.subi %sign3A_802, %sign3A_805 : i32
        %sign3A_807 = arith.constant 0 : i32
        %sign3A_808 = arith.cmpi sgt, %jit3A_798, %sign3A_807 : i32
        %sign3A_809 = arith.extui %sign3A_808 : i1 to i32
        %sign3A_810 = arith.constant 0 : i32
        %sign3A_811 = arith.cmpi slt, %jit3A_798, %sign3A_810 : i32
        %sign3A_812 = arith.extui %sign3A_811 : i1 to i32
        %sign3A_813 = arith.subi %sign3A_809, %sign3A_812 : i32
        %ne3A_814 = arith.cmpi ne, %sign3A_806, %sign3A_813 : i32
        %rem3A_815 = arith.remsi %add3A_797, %jit3A_798 : i32
        %ne3A_816 = arith.constant 0 : i32
        %ne3A_817 = arith.cmpi ne, %rem3A_815, %ne3A_816 : i32
        %and3A_818 = arith.andi %ne3A_814, %ne3A_817 : i1
        %sub3A_819 = arith.constant 1 : i32
        %sub3A_820 = arith.subi %div3A_799, %sub3A_819 : i32
        %select_n3A_821 = arith.select %and3A_818, %sub3A_820, %div3A_799 : i32
        %jit3A_822 = arith.constant 128 : i32
        %eq3A_823 = arith.constant 0 : i32
        %eq3A_824 = arith.cmpi eq, %jit3A_822, %eq3A_823 : i32
        %jit3A_825 = arith.constant 1 : i32
        %select_n3A_826 = arith.select %eq3A_824, %jit3A_825, %jit3A_822 : i32
        %rem3A_827 = arith.remsi %add3A_797, %select_n3A_826 : i32
        %ne3A_828 = arith.constant 0 : i32
        %ne3A_829 = arith.cmpi ne, %rem3A_827, %ne3A_828 : i32
        %lt3A_830 = arith.constant 0 : i32
        %lt3A_831 = arith.cmpi slt, %rem3A_827, %lt3A_830 : i32
        %lt3A_832 = arith.constant 0 : i32
        %lt3A_833 = arith.cmpi slt, %select_n3A_826, %lt3A_832 : i32
        %ne3A_834 = arith.xori %lt3A_831, %lt3A_833 : i1
        %and3A_835 = arith.andi %ne3A_834, %ne3A_829 : i1
        %add3A_836 = arith.addi %rem3A_827, %select_n3A_826 : i32
        %select_n3A_837 = arith.select %and3A_835, %add3A_836, %rem3A_827 : i32
        %mul3A_838 = arith.constant 128 : i32
        %mul3A_839 = arith.muli %select_n3A_837, %mul3A_838 : i32
        %mul3A_840 = arith.constant 64 : i32
        %mul3A_841 = arith.muli %select_n3A_821, %mul3A_840 : i32
        %dma_wait3A_842 = arith.constant 0 : i32
        %dma_wait3A_843 = arith.constant 0 : i32
        %dma_wait3A_844 = arith.constant 0 : i32
        %dma_wait3A_845 = tpu.memref_slice %arg8[%dma_wait3A_842, %dma_wait3A_843, %dma_wait3A_844] : memref<2x64x128xf32, #tpu.memory_space<vmem>> -> memref<1x64x128xf32, #tpu.memory_space<vmem>>
        %dma_wait3A_846 = tpu.memref_squeeze %dma_wait3A_845 : memref<1x64x128xf32, #tpu.memory_space<vmem>> -> memref<64x128xf32, #tpu.memory_space<vmem>>
        %dma_wait3A_847 = tpu.memref_slice %arg4[%mul3A_841, %mul3A_839] : memref<3200x16384xf32, #tpu.memory_space<hbm>> -> memref<64x128xf32, #tpu.memory_space<hbm>>
        %dma_wait3A_848 = tpu.memref_slice %arg4[%mul3A_841, %mul3A_839] : memref<3200x16384xf32, #tpu.memory_space<hbm>> -> memref<64x128xf32, #tpu.memory_space<hbm>>
        %dma_wait3A_849 = arith.constant 0 : i32
        %dma_wait3A_850 = arith.constant 0 : i32
        %dma_wait3A_851 = tpu.memref_slice %arg8[%dma_wait3A_842, %dma_wait3A_849, %dma_wait3A_850] : memref<2x64x128xf32, #tpu.memory_space<vmem>> -> memref<1x64x128xf32, #tpu.memory_space<vmem>>
        %dma_wait3A_852 = tpu.memref_squeeze %dma_wait3A_851 : memref<1x64x128xf32, #tpu.memory_space<vmem>> -> memref<64x128xf32, #tpu.memory_space<vmem>>
        tpu.wait_dma2 semaphore(%arg13 : memref<!tpu.dma_semaphore, #tpu.memory_space<semaphore_mem>>) src(%dma_wait3A_852 : memref<64x128xf32, #tpu.memory_space<vmem>>) dst(%dma_wait3A_848 : memref<64x128xf32, #tpu.memory_space<hbm>>)
      } else {
      }
      %mul3A_671 = arith.constant 2 : i32
      %mul3A_672 = arith.muli %mul3A_671, %add3A_392 : i32
      %dma_wait3A_673 = arith.constant 0 : i32
      %dma_wait3A_674 = arith.constant 0 : i32
      %dma_wait3A_675 = arith.constant 0 : i32
      %dma_wait3A_676 = tpu.memref_slice %arg7[%dma_wait3A_674, %dma_wait3A_675] : memref<256x128xf32, #tpu.memory_space<vmem>> -> memref<128x128xf32, #tpu.memory_space<vmem>>
      %dma_wait3A_677 = arith.constant 0 : i32
      %dma_wait3A_678 = tpu.memref_slice %arg6[%dma_wait3A_673, %dma_wait3A_677] : memref<2x128xi32, #tpu.memory_space<vmem>> -> memref<1x128xi32, #tpu.memory_space<vmem>>
      %dma_wait3A_679 = tpu.memref_squeeze %dma_wait3A_678 : memref<1x128xi32, #tpu.memory_space<vmem>> -> memref<128xi32, #tpu.memory_space<vmem>>
      %dma_wait3A_680 = arith.constant 0 : i32
      %dma_wait3A_681 = arith.constant 0 : i32
      %dma_wait3A_682 = tpu.memref_slice %arg2[%dma_wait3A_680, %dma_wait3A_681] : memref<100000x128xf32, #tpu.memory_space<hbm>> -> memref<100000x128xf32, #tpu.memory_space<hbm>>
      tpu.wait_indirect_dma semaphore(%arg11 : memref<!tpu.dma_semaphore, #tpu.memory_space<semaphore_mem>>) src(%dma_wait3A_682 : memref<100000x128xf32, #tpu.memory_space<hbm>>) dst(%dma_wait3A_676 : memref<128x128xf32, #tpu.memory_space<vmem>>)
      %iota3A_683 = tpu.iota {dimensions = array<i32: 0>} : vector<16xi32>
      %broadcast_in_dim3A_684 = arith.constant 0 : i32
      %broadcast_in_dim3A_685 = vector.broadcast %broadcast_in_dim3A_684 : i32 to vector<16xi32>
      %add3A_686 = arith.constant 0 : i32
      %add3A_687 = vector.broadcast %add3A_686 : i32 to vector<16xi32>
      %add3A_688 = arith.addi %iota3A_683, %add3A_687 : vector<16xi32>
      %add3A_689 = arith.constant 16 : i32
      %add3A_690 = vector.broadcast %add3A_689 : i32 to vector<16xi32>
      %add3A_691 = arith.addi %iota3A_683, %add3A_690 : vector<16xi32>
      %add3A_692 = arith.constant 32 : i32
      %add3A_693 = vector.broadcast %add3A_692 : i32 to vector<16xi32>
      %add3A_694 = arith.addi %iota3A_683, %add3A_693 : vector<16xi32>
      %add3A_695 = arith.constant 48 : i32
      %add3A_696 = vector.broadcast %add3A_695 : i32 to vector<16xi32>
      %add3A_697 = arith.addi %iota3A_683, %add3A_696 : vector<16xi32>
      %add3A_698 = arith.constant 64 : i32
      %add3A_699 = vector.broadcast %add3A_698 : i32 to vector<16xi32>
      %add3A_700 = arith.addi %iota3A_683, %add3A_699 : vector<16xi32>
      %add3A_701 = arith.constant 80 : i32
      %add3A_702 = vector.broadcast %add3A_701 : i32 to vector<16xi32>
      %add3A_703 = arith.addi %iota3A_683, %add3A_702 : vector<16xi32>
      %add3A_704 = arith.constant 96 : i32
      %add3A_705 = vector.broadcast %add3A_704 : i32 to vector<16xi32>
      %add3A_706 = arith.addi %iota3A_683, %add3A_705 : vector<16xi32>
      %add3A_707 = arith.constant 112 : i32
      %add3A_708 = vector.broadcast %add3A_707 : i32 to vector<16xi32>
      %add3A_709 = arith.addi %iota3A_683, %add3A_708 : vector<16xi32>
      %add3A_710 = arith.constant 0 : i32
      %add3A_711 = vector.broadcast %add3A_710 : i32 to vector<16xi32>
      %add3A_712 = arith.addi %iota3A_683, %add3A_711 : vector<16xi32>
      %add3A_713 = arith.constant 16 : i32
      %add3A_714 = vector.broadcast %add3A_713 : i32 to vector<16xi32>
      %add3A_715 = arith.addi %iota3A_683, %add3A_714 : vector<16xi32>
      %add3A_716 = arith.constant 32 : i32
      %add3A_717 = vector.broadcast %add3A_716 : i32 to vector<16xi32>
      %add3A_718 = arith.addi %iota3A_683, %add3A_717 : vector<16xi32>
      %add3A_719 = arith.constant 48 : i32
      %add3A_720 = vector.broadcast %add3A_719 : i32 to vector<16xi32>
      %add3A_721 = arith.addi %iota3A_683, %add3A_720 : vector<16xi32>
      %add3A_722 = arith.constant 64 : i32
      %add3A_723 = vector.broadcast %add3A_722 : i32 to vector<16xi32>
      %add3A_724 = arith.addi %iota3A_683, %add3A_723 : vector<16xi32>
      %add3A_725 = arith.constant 80 : i32
      %add3A_726 = vector.broadcast %add3A_725 : i32 to vector<16xi32>
      %add3A_727 = arith.addi %iota3A_683, %add3A_726 : vector<16xi32>
      %add3A_728 = arith.constant 96 : i32
      %add3A_729 = vector.broadcast %add3A_728 : i32 to vector<16xi32>
      %add3A_730 = arith.addi %iota3A_683, %add3A_729 : vector<16xi32>
      %add3A_731 = arith.constant 112 : i32
      %add3A_732 = vector.broadcast %add3A_731 : i32 to vector<16xi32>
      %add3A_733 = arith.addi %iota3A_683, %add3A_732 : vector<16xi32>
      %parallel_loop3A_734 = arith.constant 0 : i32
      %parallel_loop3A_735 = arith.constant 16 : i32
      %parallel_loop3A_736 = arith.constant 1 : i32
      scf.for %parallel_loop3A_793 = %parallel_loop3A_734 to %parallel_loop3A_735 step %parallel_loop3A_736  : i32 {
        %parallel_loop3A_794 = vector.broadcast %parallel_loop3A_793 : i32 to vector<16xi32>
        %parallel_loop3A_795 = arith.addi %iota3A_683, %parallel_loop3A_794 : vector<16xi32>
        %parallel_loop3A_796 = arith.constant 15 : i32
        %parallel_loop3A_797 = vector.broadcast %parallel_loop3A_796 : i32 to vector<16xi32>
        %parallel_loop3A_798 = arith.andi %parallel_loop3A_795, %parallel_loop3A_797 : vector<16xi32>
        %parallel_loop3A_799 = arith.constant 0 : i32
        %parallel_loop3A_800 = vector.broadcast %parallel_loop3A_799 : i32 to vector<16xi32>
        %parallel_loop3A_801 = arith.addi %parallel_loop3A_798, %parallel_loop3A_800 : vector<16xi32>
        %parallel_loop3A_802 = arith.constant 16 : i32
        %parallel_loop3A_803 = vector.broadcast %parallel_loop3A_802 : i32 to vector<16xi32>
        %parallel_loop3A_804 = arith.addi %parallel_loop3A_798, %parallel_loop3A_803 : vector<16xi32>
        %parallel_loop3A_805 = arith.constant 32 : i32
        %parallel_loop3A_806 = vector.broadcast %parallel_loop3A_805 : i32 to vector<16xi32>
        %parallel_loop3A_807 = arith.addi %parallel_loop3A_798, %parallel_loop3A_806 : vector<16xi32>
        %parallel_loop3A_808 = arith.constant 48 : i32
        %parallel_loop3A_809 = vector.broadcast %parallel_loop3A_808 : i32 to vector<16xi32>
        %parallel_loop3A_810 = arith.addi %parallel_loop3A_798, %parallel_loop3A_809 : vector<16xi32>
        %parallel_loop3A_811 = tpu.vector_load_idx %arg7[%add3A_688, %parallel_loop3A_801] : memref<256x128xf32, #tpu.memory_space<vmem>>[vector<16xi32>, vector<16xi32>], vector<16xf32>,
        tpu.vector_store_idx %arg8[%broadcast_in_dim3A_685, %parallel_loop3A_801, %add3A_712], %parallel_loop3A_811 : memref<2x64x128xf32, #tpu.memory_space<vmem>>[vector<16xi32>, vector<16xi32>, vector<16xi32>], vector<16xf32>,
        %parallel_loop3A_812 = tpu.vector_load_idx %arg7[%add3A_688, %parallel_loop3A_804] : memref<256x128xf32, #tpu.memory_space<vmem>>[vector<16xi32>, vector<16xi32>], vector<16xf32>,
        tpu.vector_store_idx %arg8[%broadcast_in_dim3A_685, %parallel_loop3A_804, %add3A_712], %parallel_loop3A_812 : memref<2x64x128xf32, #tpu.memory_space<vmem>>[vector<16xi32>, vector<16xi32>, vector<16xi32>], vector<16xf32>,
        %parallel_loop3A_813 = tpu.vector_load_idx %arg7[%add3A_688, %parallel_loop3A_807] : memref<256x128xf32, #tpu.memory_space<vmem>>[vector<16xi32>, vector<16xi32>], vector<16xf32>,
        tpu.vector_store_idx %arg8[%broadcast_in_dim3A_685, %parallel_loop3A_807, %add3A_712], %parallel_loop3A_813 : memref<2x64x128xf32, #tpu.memory_space<vmem>>[vector<16xi32>, vector<16xi32>, vector<16xi32>], vector<16xf32>,
        %parallel_loop3A_814 = tpu.vector_load_idx %arg7[%add3A_688, %parallel_loop3A_810] : memref<256x128xf32, #tpu.memory_space<vmem>>[vector<16xi32>, vector<16xi32>], vector<16xf32>,
        tpu.vector_store_idx %arg8[%broadcast_in_dim3A_685, %parallel_loop3A_810, %add3A_712], %parallel_loop3A_814 : memref<2x64x128xf32, #tpu.memory_space<vmem>>[vector<16xi32>, vector<16xi32>, vector<16xi32>], vector<16xf32>,
        %parallel_loop3A_815 = tpu.vector_load_idx %arg7[%add3A_691, %parallel_loop3A_801] : memref<256x128xf32, #tpu.memory_space<vmem>>[vector<16xi32>, vector<16xi32>], vector<16xf32>,
        tpu.vector_store_idx %arg8[%broadcast_in_dim3A_685, %parallel_loop3A_801, %add3A_715], %parallel_loop3A_815 : memref<2x64x128xf32, #tpu.memory_space<vmem>>[vector<16xi32>, vector<16xi32>, vector<16xi32>], vector<16xf32>,
        %parallel_loop3A_816 = tpu.vector_load_idx %arg7[%add3A_691, %parallel_loop3A_804] : memref<256x128xf32, #tpu.memory_space<vmem>>[vector<16xi32>, vector<16xi32>], vector<16xf32>,
        tpu.vector_store_idx %arg8[%broadcast_in_dim3A_685, %parallel_loop3A_804, %add3A_715], %parallel_loop3A_816 : memref<2x64x128xf32, #tpu.memory_space<vmem>>[vector<16xi32>, vector<16xi32>, vector<16xi32>], vector<16xf32>,
        %parallel_loop3A_817 = tpu.vector_load_idx %arg7[%add3A_691, %parallel_loop3A_807] : memref<256x128xf32, #tpu.memory_space<vmem>>[vector<16xi32>, vector<16xi32>], vector<16xf32>,
        tpu.vector_store_idx %arg8[%broadcast_in_dim3A_685, %parallel_loop3A_807, %add3A_715], %parallel_loop3A_817 : memref<2x64x128xf32, #tpu.memory_space<vmem>>[vector<16xi32>, vector<16xi32>, vector<16xi32>], vector<16xf32>,
        %parallel_loop3A_818 = tpu.vector_load_idx %arg7[%add3A_691, %parallel_loop3A_810] : memref<256x128xf32, #tpu.memory_space<vmem>>[vector<16xi32>, vector<16xi32>], vector<16xf32>,
        tpu.vector_store_idx %arg8[%broadcast_in_dim3A_685, %parallel_loop3A_810, %add3A_715], %parallel_loop3A_818 : memref<2x64x128xf32, #tpu.memory_space<vmem>>[vector<16xi32>, vector<16xi32>, vector<16xi32>], vector<16xf32>,
        %parallel_loop3A_819 = tpu.vector_load_idx %arg7[%add3A_694, %parallel_loop3A_801] : memref<256x128xf32, #tpu.memory_space<vmem>>[vector<16xi32>, vector<16xi32>], vector<16xf32>,
        tpu.vector_store_idx %arg8[%broadcast_in_dim3A_685, %parallel_loop3A_801, %add3A_718], %parallel_loop3A_819 : memref<2x64x128xf32, #tpu.memory_space<vmem>>[vector<16xi32>, vector<16xi32>, vector<16xi32>], vector<16xf32>,
        %parallel_loop3A_820 = tpu.vector_load_idx %arg7[%add3A_694, %parallel_loop3A_804] : memref<256x128xf32, #tpu.memory_space<vmem>>[vector<16xi32>, vector<16xi32>], vector<16xf32>,
        tpu.vector_store_idx %arg8[%broadcast_in_dim3A_685, %parallel_loop3A_804, %add3A_718], %parallel_loop3A_820 : memref<2x64x128xf32, #tpu.memory_space<vmem>>[vector<16xi32>, vector<16xi32>, vector<16xi32>], vector<16xf32>,
        %parallel_loop3A_821 = tpu.vector_load_idx %arg7[%add3A_694, %parallel_loop3A_807] : memref<256x128xf32, #tpu.memory_space<vmem>>[vector<16xi32>, vector<16xi32>], vector<16xf32>,
        tpu.vector_store_idx %arg8[%broadcast_in_dim3A_685, %parallel_loop3A_807, %add3A_718], %parallel_loop3A_821 : memref<2x64x128xf32, #tpu.memory_space<vmem>>[vector<16xi32>, vector<16xi32>, vector<16xi32>], vector<16xf32>,
        %parallel_loop3A_822 = tpu.vector_load_idx %arg7[%add3A_694, %parallel_loop3A_810] : memref<256x128xf32, #tpu.memory_space<vmem>>[vector<16xi32>, vector<16xi32>], vector<16xf32>,
        tpu.vector_store_idx %arg8[%broadcast_in_dim3A_685, %parallel_loop3A_810, %add3A_718], %parallel_loop3A_822 : memref<2x64x128xf32, #tpu.memory_space<vmem>>[vector<16xi32>, vector<16xi32>, vector<16xi32>], vector<16xf32>,
        %parallel_loop3A_823 = tpu.vector_load_idx %arg7[%add3A_697, %parallel_loop3A_801] : memref<256x128xf32, #tpu.memory_space<vmem>>[vector<16xi32>, vector<16xi32>], vector<16xf32>,
        tpu.vector_store_idx %arg8[%broadcast_in_dim3A_685, %parallel_loop3A_801, %add3A_721], %parallel_loop3A_823 : memref<2x64x128xf32, #tpu.memory_space<vmem>>[vector<16xi32>, vector<16xi32>, vector<16xi32>], vector<16xf32>,
        %parallel_loop3A_824 = tpu.vector_load_idx %arg7[%add3A_697, %parallel_loop3A_804] : memref<256x128xf32, #tpu.memory_space<vmem>>[vector<16xi32>, vector<16xi32>], vector<16xf32>,
        tpu.vector_store_idx %arg8[%broadcast_in_dim3A_685, %parallel_loop3A_804, %add3A_721], %parallel_loop3A_824 : memref<2x64x128xf32, #tpu.memory_space<vmem>>[vector<16xi32>, vector<16xi32>, vector<16xi32>], vector<16xf32>,
        %parallel_loop3A_825 = tpu.vector_load_idx %arg7[%add3A_697, %parallel_loop3A_807] : memref<256x128xf32, #tpu.memory_space<vmem>>[vector<16xi32>, vector<16xi32>], vector<16xf32>,
        tpu.vector_store_idx %arg8[%broadcast_in_dim3A_685, %parallel_loop3A_807, %add3A_721], %parallel_loop3A_825 : memref<2x64x128xf32, #tpu.memory_space<vmem>>[vector<16xi32>, vector<16xi32>, vector<16xi32>], vector<16xf32>,
        %parallel_loop3A_826 = tpu.vector_load_idx %arg7[%add3A_697, %parallel_loop3A_810] : memref<256x128xf32, #tpu.memory_space<vmem>>[vector<16xi32>, vector<16xi32>], vector<16xf32>,
        tpu.vector_store_idx %arg8[%broadcast_in_dim3A_685, %parallel_loop3A_810, %add3A_721], %parallel_loop3A_826 : memref<2x64x128xf32, #tpu.memory_space<vmem>>[vector<16xi32>, vector<16xi32>, vector<16xi32>], vector<16xf32>,
        %parallel_loop3A_827 = tpu.vector_load_idx %arg7[%add3A_700, %parallel_loop3A_801] : memref<256x128xf32, #tpu.memory_space<vmem>>[vector<16xi32>, vector<16xi32>], vector<16xf32>,
        tpu.vector_store_idx %arg8[%broadcast_in_dim3A_685, %parallel_loop3A_801, %add3A_724], %parallel_loop3A_827 : memref<2x64x128xf32, #tpu.memory_space<vmem>>[vector<16xi32>, vector<16xi32>, vector<16xi32>], vector<16xf32>,
        %parallel_loop3A_828 = tpu.vector_load_idx %arg7[%add3A_700, %parallel_loop3A_804] : memref<256x128xf32, #tpu.memory_space<vmem>>[vector<16xi32>, vector<16xi32>], vector<16xf32>,
        tpu.vector_store_idx %arg8[%broadcast_in_dim3A_685, %parallel_loop3A_804, %add3A_724], %parallel_loop3A_828 : memref<2x64x128xf32, #tpu.memory_space<vmem>>[vector<16xi32>, vector<16xi32>, vector<16xi32>], vector<16xf32>,
        %parallel_loop3A_829 = tpu.vector_load_idx %arg7[%add3A_700, %parallel_loop3A_807] : memref<256x128xf32, #tpu.memory_space<vmem>>[vector<16xi32>, vector<16xi32>], vector<16xf32>,
        tpu.vector_store_idx %arg8[%broadcast_in_dim3A_685, %parallel_loop3A_807, %add3A_724], %parallel_loop3A_829 : memref<2x64x128xf32, #tpu.memory_space<vmem>>[vector<16xi32>, vector<16xi32>, vector<16xi32>], vector<16xf32>,
        %parallel_loop3A_830 = tpu.vector_load_idx %arg7[%add3A_700, %parallel_loop3A_810] : memref<256x128xf32, #tpu.memory_space<vmem>>[vector<16xi32>, vector<16xi32>], vector<16xf32>,
        tpu.vector_store_idx %arg8[%broadcast_in_dim3A_685, %parallel_loop3A_810, %add3A_724], %parallel_loop3A_830 : memref<2x64x128xf32, #tpu.memory_space<vmem>>[vector<16xi32>, vector<16xi32>, vector<16xi32>], vector<16xf32>,
        %parallel_loop3A_831 = tpu.vector_load_idx %arg7[%add3A_703, %parallel_loop3A_801] : memref<256x128xf32, #tpu.memory_space<vmem>>[vector<16xi32>, vector<16xi32>], vector<16xf32>,
        tpu.vector_store_idx %arg8[%broadcast_in_dim3A_685, %parallel_loop3A_801, %add3A_727], %parallel_loop3A_831 : memref<2x64x128xf32, #tpu.memory_space<vmem>>[vector<16xi32>, vector<16xi32>, vector<16xi32>], vector<16xf32>,
        %parallel_loop3A_832 = tpu.vector_load_idx %arg7[%add3A_703, %parallel_loop3A_804] : memref<256x128xf32, #tpu.memory_space<vmem>>[vector<16xi32>, vector<16xi32>], vector<16xf32>,
        tpu.vector_store_idx %arg8[%broadcast_in_dim3A_685, %parallel_loop3A_804, %add3A_727], %parallel_loop3A_832 : memref<2x64x128xf32, #tpu.memory_space<vmem>>[vector<16xi32>, vector<16xi32>, vector<16xi32>], vector<16xf32>,
        %parallel_loop3A_833 = tpu.vector_load_idx %arg7[%add3A_703, %parallel_loop3A_807] : memref<256x128xf32, #tpu.memory_space<vmem>>[vector<16xi32>, vector<16xi32>], vector<16xf32>,
        tpu.vector_store_idx %arg8[%broadcast_in_dim3A_685, %parallel_loop3A_807, %add3A_727], %parallel_loop3A_833 : memref<2x64x128xf32, #tpu.memory_space<vmem>>[vector<16xi32>, vector<16xi32>, vector<16xi32>], vector<16xf32>,
        %parallel_loop3A_834 = tpu.vector_load_idx %arg7[%add3A_703, %parallel_loop3A_810] : memref<256x128xf32, #tpu.memory_space<vmem>>[vector<16xi32>, vector<16xi32>], vector<16xf32>,
        tpu.vector_store_idx %arg8[%broadcast_in_dim3A_685, %parallel_loop3A_810, %add3A_727], %parallel_loop3A_834 : memref<2x64x128xf32, #tpu.memory_space<vmem>>[vector<16xi32>, vector<16xi32>, vector<16xi32>], vector<16xf32>,
        %parallel_loop3A_835 = tpu.vector_load_idx %arg7[%add3A_706, %parallel_loop3A_801] : memref<256x128xf32, #tpu.memory_space<vmem>>[vector<16xi32>, vector<16xi32>], vector<16xf32>,
        tpu.vector_store_idx %arg8[%broadcast_in_dim3A_685, %parallel_loop3A_801, %add3A_730], %parallel_loop3A_835 : memref<2x64x128xf32, #tpu.memory_space<vmem>>[vector<16xi32>, vector<16xi32>, vector<16xi32>], vector<16xf32>,
        %parallel_loop3A_836 = tpu.vector_load_idx %arg7[%add3A_706, %parallel_loop3A_804] : memref<256x128xf32, #tpu.memory_space<vmem>>[vector<16xi32>, vector<16xi32>], vector<16xf32>,
        tpu.vector_store_idx %arg8[%broadcast_in_dim3A_685, %parallel_loop3A_804, %add3A_730], %parallel_loop3A_836 : memref<2x64x128xf32, #tpu.memory_space<vmem>>[vector<16xi32>, vector<16xi32>, vector<16xi32>], vector<16xf32>,
        %parallel_loop3A_837 = tpu.vector_load_idx %arg7[%add3A_706, %parallel_loop3A_807] : memref<256x128xf32, #tpu.memory_space<vmem>>[vector<16xi32>, vector<16xi32>], vector<16xf32>,
        tpu.vector_store_idx %arg8[%broadcast_in_dim3A_685, %parallel_loop3A_807, %add3A_730], %parallel_loop3A_837 : memref<2x64x128xf32, #tpu.memory_space<vmem>>[vector<16xi32>, vector<16xi32>, vector<16xi32>], vector<16xf32>,
        %parallel_loop3A_838 = tpu.vector_load_idx %arg7[%add3A_706, %parallel_loop3A_810] : memref<256x128xf32, #tpu.memory_space<vmem>>[vector<16xi32>, vector<16xi32>], vector<16xf32>,
        tpu.vector_store_idx %arg8[%broadcast_in_dim3A_685, %parallel_loop3A_810, %add3A_730], %parallel_loop3A_838 : memref<2x64x128xf32, #tpu.memory_space<vmem>>[vector<16xi32>, vector<16xi32>, vector<16xi32>], vector<16xf32>,
        %parallel_loop3A_839 = tpu.vector_load_idx %arg7[%add3A_709, %parallel_loop3A_801] : memref<256x128xf32, #tpu.memory_space<vmem>>[vector<16xi32>, vector<16xi32>], vector<16xf32>,
        tpu.vector_store_idx %arg8[%broadcast_in_dim3A_685, %parallel_loop3A_801, %add3A_733], %parallel_loop3A_839 : memref<2x64x128xf32, #tpu.memory_space<vmem>>[vector<16xi32>, vector<16xi32>, vector<16xi32>], vector<16xf32>,
        %parallel_loop3A_840 = tpu.vector_load_idx %arg7[%add3A_709, %parallel_loop3A_804] : memref<256x128xf32, #tpu.memory_space<vmem>>[vector<16xi32>, vector<16xi32>], vector<16xf32>,
        tpu.vector_store_idx %arg8[%broadcast_in_dim3A_685, %parallel_loop3A_804, %add3A_733], %parallel_loop3A_840 : memref<2x64x128xf32, #tpu.memory_space<vmem>>[vector<16xi32>, vector<16xi32>, vector<16xi32>], vector<16xf32>,
        %parallel_loop3A_841 = tpu.vector_load_idx %arg7[%add3A_709, %parallel_loop3A_807] : memref<256x128xf32, #tpu.memory_space<vmem>>[vector<16xi32>, vector<16xi32>], vector<16xf32>,
        tpu.vector_store_idx %arg8[%broadcast_in_dim3A_685, %parallel_loop3A_807, %add3A_733], %parallel_loop3A_841 : memref<2x64x128xf32, #tpu.memory_space<vmem>>[vector<16xi32>, vector<16xi32>, vector<16xi32>], vector<16xf32>,
        %parallel_loop3A_842 = tpu.vector_load_idx %arg7[%add3A_709, %parallel_loop3A_810] : memref<256x128xf32, #tpu.memory_space<vmem>>[vector<16xi32>, vector<16xi32>], vector<16xf32>,
        tpu.vector_store_idx %arg8[%broadcast_in_dim3A_685, %parallel_loop3A_810, %add3A_733], %parallel_loop3A_842 : memref<2x64x128xf32, #tpu.memory_space<vmem>>[vector<16xi32>, vector<16xi32>, vector<16xi32>], vector<16xf32>,
      } {sc.loop_unroll_factor = 4 : i64, sc.parallel_access}
      %add3A_737 = arith.addi %mul3A_2, %mul3A_672 : i32
      %jit3A_738 = arith.constant 128 : i32
      %div3A_739 = arith.divsi %add3A_737, %jit3A_738 : i32
      %sign3A_740 = arith.constant 0 : i32
      %sign3A_741 = arith.cmpi sgt, %add3A_737, %sign3A_740 : i32
      %sign3A_742 = arith.extui %sign3A_741 : i1 to i32
      %sign3A_743 = arith.constant 0 : i32
      %sign3A_744 = arith.cmpi slt, %add3A_737, %sign3A_743 : i32
      %sign3A_745 = arith.extui %sign3A_744 : i1 to i32
      %sign3A_746 = arith.subi %sign3A_742, %sign3A_745 : i32
      %sign3A_747 = arith.constant 0 : i32
      %sign3A_748 = arith.cmpi sgt, %jit3A_738, %sign3A_747 : i32
      %sign3A_749 = arith.extui %sign3A_748 : i1 to i32
      %sign3A_750 = arith.constant 0 : i32
      %sign3A_751 = arith.cmpi slt, %jit3A_738, %sign3A_750 : i32
      %sign3A_752 = arith.extui %sign3A_751 : i1 to i32
      %sign3A_753 = arith.subi %sign3A_749, %sign3A_752 : i32
      %ne3A_754 = arith.cmpi ne, %sign3A_746, %sign3A_753 : i32
      %rem3A_755 = arith.remsi %add3A_737, %jit3A_738 : i32
      %ne3A_756 = arith.constant 0 : i32
      %ne3A_757 = arith.cmpi ne, %rem3A_755, %ne3A_756 : i32
      %and3A_758 = arith.andi %ne3A_754, %ne3A_757 : i1
      %sub3A_759 = arith.constant 1 : i32
      %sub3A_760 = arith.subi %div3A_739, %sub3A_759 : i32
      %select_n3A_761 = arith.select %and3A_758, %sub3A_760, %div3A_739 : i32
      %jit3A_762 = arith.constant 128 : i32
      %eq3A_763 = arith.constant 0 : i32
      %eq3A_764 = arith.cmpi eq, %jit3A_762, %eq3A_763 : i32
      %jit3A_765 = arith.constant 1 : i32
      %select_n3A_766 = arith.select %eq3A_764, %jit3A_765, %jit3A_762 : i32
      %rem3A_767 = arith.remsi %add3A_737, %select_n3A_766 : i32
      %ne3A_768 = arith.constant 0 : i32
      %ne3A_769 = arith.cmpi ne, %rem3A_767, %ne3A_768 : i32
      %lt3A_770 = arith.constant 0 : i32
      %lt3A_771 = arith.cmpi slt, %rem3A_767, %lt3A_770 : i32
      %lt3A_772 = arith.constant 0 : i32
      %lt3A_773 = arith.cmpi slt, %select_n3A_766, %lt3A_772 : i32
      %ne3A_774 = arith.xori %lt3A_771, %lt3A_773 : i1
      %and3A_775 = arith.andi %ne3A_774, %ne3A_769 : i1
      %add3A_776 = arith.addi %rem3A_767, %select_n3A_766 : i32
      %select_n3A_777 = arith.select %and3A_775, %add3A_776, %rem3A_767 : i32
      %mul3A_778 = arith.constant 128 : i32
      %mul3A_779 = arith.muli %select_n3A_777, %mul3A_778 : i32
      %mul3A_780 = arith.constant 64 : i32
      %mul3A_781 = arith.muli %select_n3A_761, %mul3A_780 : i32
      %dma_start3A_782 = arith.constant 0 : i32
      %dma_start3A_783 = arith.constant 0 : i32
      %dma_start3A_784 = arith.constant 0 : i32
      %dma_start3A_785 = tpu.memref_slice %arg8[%dma_start3A_782, %dma_start3A_783, %dma_start3A_784] : memref<2x64x128xf32, #tpu.memory_space<vmem>> -> memref<1x64x128xf32, #tpu.memory_space<vmem>>
      %dma_start3A_786 = tpu.memref_squeeze %dma_start3A_785 : memref<1x64x128xf32, #tpu.memory_space<vmem>> -> memref<64x128xf32, #tpu.memory_space<vmem>>
      %dma_start3A_787 = tpu.memref_slice %arg4[%mul3A_781, %mul3A_779] : memref<3200x16384xf32, #tpu.memory_space<hbm>> -> memref<64x128xf32, #tpu.memory_space<hbm>>
      %dma_start3A_788 = tpu.memref_slice %arg4[%mul3A_781, %mul3A_779] : memref<3200x16384xf32, #tpu.memory_space<hbm>> -> memref<64x128xf32, #tpu.memory_space<hbm>>
      %dma_start3A_789 = arith.constant 0 : i32
      %dma_start3A_790 = arith.constant 0 : i32
      %dma_start3A_791 = tpu.memref_slice %arg8[%dma_start3A_782, %dma_start3A_789, %dma_start3A_790] : memref<2x64x128xf32, #tpu.memory_space<vmem>> -> memref<1x64x128xf32, #tpu.memory_space<vmem>>
      %dma_start3A_792 = tpu.memref_squeeze %dma_start3A_791 : memref<1x64x128xf32, #tpu.memory_space<vmem>> -> memref<64x128xf32, #tpu.memory_space<vmem>>
      tpu.enqueue_dma source(%dma_start3A_792 : memref<64x128xf32, #tpu.memory_space<vmem>>) target(%dma_start3A_788 : memref<64x128xf32, #tpu.memory_space<hbm>>) target_semaphore(%arg13 : memref<!tpu.dma_semaphore, #tpu.memory_space<semaphore_mem>>)
    }
    %scan3A_99 = arith.constant 100 : i32
    %add3A_100 = arith.constant 197 : i32
    %add3A_101 = arith.addi %mul3A_2, %add3A_100 : i32
    %jit3A_102 = arith.constant 128 : i32
    %div3A_103 = arith.divsi %add3A_101, %jit3A_102 : i32
    %sign3A_104 = arith.constant 0 : i32
    %sign3A_105 = arith.cmpi sgt, %add3A_101, %sign3A_104 : i32
    %sign3A_106 = arith.extui %sign3A_105 : i1 to i32
    %sign3A_107 = arith.constant 0 : i32
    %sign3A_108 = arith.cmpi slt, %add3A_101, %sign3A_107 : i32
    %sign3A_109 = arith.extui %sign3A_108 : i1 to i32
    %sign3A_110 = arith.subi %sign3A_106, %sign3A_109 : i32
    %sign3A_111 = arith.constant 0 : i32
    %sign3A_112 = arith.cmpi sgt, %jit3A_102, %sign3A_111 : i32
    %sign3A_113 = arith.extui %sign3A_112 : i1 to i32
    %sign3A_114 = arith.constant 0 : i32
    %sign3A_115 = arith.cmpi slt, %jit3A_102, %sign3A_114 : i32
    %sign3A_116 = arith.extui %sign3A_115 : i1 to i32
    %sign3A_117 = arith.subi %sign3A_113, %sign3A_116 : i32
    %ne3A_118 = arith.cmpi ne, %sign3A_110, %sign3A_117 : i32
    %rem3A_119 = arith.remsi %add3A_101, %jit3A_102 : i32
    %ne3A_120 = arith.constant 0 : i32
    %ne3A_121 = arith.cmpi ne, %rem3A_119, %ne3A_120 : i32
    %and3A_122 = arith.andi %ne3A_118, %ne3A_121 : i1
    %sub3A_123 = arith.constant 1 : i32
    %sub3A_124 = arith.subi %div3A_103, %sub3A_123 : i32
    %select_n3A_125 = arith.select %and3A_122, %sub3A_124, %div3A_103 : i32
    %jit3A_126 = arith.constant 128 : i32
    %eq3A_127 = arith.constant 0 : i32
    %eq3A_128 = arith.cmpi eq, %jit3A_126, %eq3A_127 : i32
    %jit3A_129 = arith.constant 1 : i32
    %select_n3A_130 = arith.select %eq3A_128, %jit3A_129, %jit3A_126 : i32
    %rem3A_131 = arith.remsi %add3A_101, %select_n3A_130 : i32
    %ne3A_132 = arith.constant 0 : i32
    %ne3A_133 = arith.cmpi ne, %rem3A_131, %ne3A_132 : i32
    %lt3A_134 = arith.constant 0 : i32
    %lt3A_135 = arith.cmpi slt, %rem3A_131, %lt3A_134 : i32
    %lt3A_136 = arith.constant 0 : i32
    %lt3A_137 = arith.cmpi slt, %select_n3A_130, %lt3A_136 : i32
    %ne3A_138 = arith.xori %lt3A_135, %lt3A_137 : i1
    %and3A_139 = arith.andi %ne3A_138, %ne3A_133 : i1
    %add3A_140 = arith.addi %rem3A_131, %select_n3A_130 : i32
    %select_n3A_141 = arith.select %and3A_139, %add3A_140, %rem3A_131 : i32
    %mul3A_142 = arith.constant 128 : i32
    %mul3A_143 = arith.muli %select_n3A_141, %mul3A_142 : i32
    %mul3A_144 = arith.constant 64 : i32
    %mul3A_145 = arith.muli %select_n3A_125, %mul3A_144 : i32
    %dma_wait3A = arith.constant 1 : i32
    %dma_wait3A_146 = arith.constant 0 : i32
    %dma_wait3A_147 = arith.constant 0 : i32
    %dma_wait3A_148 = tpu.memref_slice %arg8[%dma_wait3A, %dma_wait3A_146, %dma_wait3A_147] : memref<2x64x128xf32, #tpu.memory_space<vmem>> -> memref<1x64x128xf32, #tpu.memory_space<vmem>>
    %dma_wait3A_149 = tpu.memref_squeeze %dma_wait3A_148 : memref<1x64x128xf32, #tpu.memory_space<vmem>> -> memref<64x128xf32, #tpu.memory_space<vmem>>
    %dma_wait3A_150 = tpu.memref_slice %arg4[%mul3A_145, %mul3A_143] : memref<3200x16384xf32, #tpu.memory_space<hbm>> -> memref<64x128xf32, #tpu.memory_space<hbm>>
    %dma_wait3A_151 = tpu.memref_slice %arg4[%mul3A_145, %mul3A_143] : memref<3200x16384xf32, #tpu.memory_space<hbm>> -> memref<64x128xf32, #tpu.memory_space<hbm>>
    %dma_wait3A_152 = arith.constant 0 : i32
    %dma_wait3A_153 = arith.constant 0 : i32
    %dma_wait3A_154 = tpu.memref_slice %arg8[%dma_wait3A, %dma_wait3A_152, %dma_wait3A_153] : memref<2x64x128xf32, #tpu.memory_space<vmem>> -> memref<1x64x128xf32, #tpu.memory_space<vmem>>
    %dma_wait3A_155 = tpu.memref_squeeze %dma_wait3A_154 : memref<1x64x128xf32, #tpu.memory_space<vmem>> -> memref<64x128xf32, #tpu.memory_space<vmem>>
    tpu.wait_dma2 semaphore(%arg14 : memref<!tpu.dma_semaphore, #tpu.memory_space<semaphore_mem>>) src(%dma_wait3A_155 : memref<64x128xf32, #tpu.memory_space<vmem>>) dst(%dma_wait3A_151 : memref<64x128xf32, #tpu.memory_space<hbm>>)
    %dma_wait3A_156 = arith.constant 1 : i32
    %dma_wait3A_157 = arith.constant 128 : i32
    %dma_wait3A_158 = arith.constant 0 : i32
    %dma_wait3A_159 = tpu.memref_slice %arg7[%dma_wait3A_157, %dma_wait3A_158] : memref<256x128xf32, #tpu.memory_space<vmem>> -> memref<128x128xf32, #tpu.memory_space<vmem>>
    %dma_wait3A_160 = arith.constant 0 : i32
    %dma_wait3A_161 = tpu.memref_slice %arg6[%dma_wait3A_156, %dma_wait3A_160] : memref<2x128xi32, #tpu.memory_space<vmem>> -> memref<1x128xi32, #tpu.memory_space<vmem>>
    %dma_wait3A_162 = tpu.memref_squeeze %dma_wait3A_161 : memref<1x128xi32, #tpu.memory_space<vmem>> -> memref<128xi32, #tpu.memory_space<vmem>>
    %dma_wait3A_163 = arith.constant 0 : i32
    %dma_wait3A_164 = arith.constant 0 : i32
    %dma_wait3A_165 = tpu.memref_slice %arg2[%dma_wait3A_163, %dma_wait3A_164] : memref<100000x128xf32, #tpu.memory_space<hbm>> -> memref<100000x128xf32, #tpu.memory_space<hbm>>
    tpu.wait_indirect_dma semaphore(%arg12 : memref<!tpu.dma_semaphore, #tpu.memory_space<semaphore_mem>>) src(%dma_wait3A_165 : memref<100000x128xf32, #tpu.memory_space<hbm>>) dst(%dma_wait3A_159 : memref<128x128xf32, #tpu.memory_space<vmem>>)
    %iota3A = tpu.iota {dimensions = array<i32: 0>} : vector<16xi32>
    %broadcast_in_dim3A = arith.constant 1 : i32
    %broadcast_in_dim3A_166 = vector.broadcast %broadcast_in_dim3A : i32 to vector<16xi32>
    %add3A_167 = arith.constant 128 : i32
    %add3A_168 = vector.broadcast %add3A_167 : i32 to vector<16xi32>
    %add3A_169 = arith.addi %iota3A, %add3A_168 : vector<16xi32>
    %add3A_170 = arith.constant 144 : i32
    %add3A_171 = vector.broadcast %add3A_170 : i32 to vector<16xi32>
    %add3A_172 = arith.addi %iota3A, %add3A_171 : vector<16xi32>
    %add3A_173 = arith.constant 160 : i32
    %add3A_174 = vector.broadcast %add3A_173 : i32 to vector<16xi32>
    %add3A_175 = arith.addi %iota3A, %add3A_174 : vector<16xi32>
    %add3A_176 = arith.constant 176 : i32
    %add3A_177 = vector.broadcast %add3A_176 : i32 to vector<16xi32>
    %add3A_178 = arith.addi %iota3A, %add3A_177 : vector<16xi32>
    %add3A_179 = arith.constant 192 : i32
    %add3A_180 = vector.broadcast %add3A_179 : i32 to vector<16xi32>
    %add3A_181 = arith.addi %iota3A, %add3A_180 : vector<16xi32>
    %add3A_182 = arith.constant 208 : i32
    %add3A_183 = vector.broadcast %add3A_182 : i32 to vector<16xi32>
    %add3A_184 = arith.addi %iota3A, %add3A_183 : vector<16xi32>
    %add3A_185 = arith.constant 224 : i32
    %add3A_186 = vector.broadcast %add3A_185 : i32 to vector<16xi32>
    %add3A_187 = arith.addi %iota3A, %add3A_186 : vector<16xi32>
    %add3A_188 = arith.constant 240 : i32
    %add3A_189 = vector.broadcast %add3A_188 : i32 to vector<16xi32>
    %add3A_190 = arith.addi %iota3A, %add3A_189 : vector<16xi32>
    %add3A_191 = arith.constant 0 : i32
    %add3A_192 = vector.broadcast %add3A_191 : i32 to vector<16xi32>
    %add3A_193 = arith.addi %iota3A, %add3A_192 : vector<16xi32>
    %add3A_194 = arith.constant 16 : i32
    %add3A_195 = vector.broadcast %add3A_194 : i32 to vector<16xi32>
    %add3A_196 = arith.addi %iota3A, %add3A_195 : vector<16xi32>
    %add3A_197 = arith.constant 32 : i32
    %add3A_198 = vector.broadcast %add3A_197 : i32 to vector<16xi32>
    %add3A_199 = arith.addi %iota3A, %add3A_198 : vector<16xi32>
    %add3A_200 = arith.constant 48 : i32
    %add3A_201 = vector.broadcast %add3A_200 : i32 to vector<16xi32>
    %add3A_202 = arith.addi %iota3A, %add3A_201 : vector<16xi32>
    %add3A_203 = arith.constant 64 : i32
    %add3A_204 = vector.broadcast %add3A_203 : i32 to vector<16xi32>
    %add3A_205 = arith.addi %iota3A, %add3A_204 : vector<16xi32>
    %add3A_206 = arith.constant 80 : i32
    %add3A_207 = vector.broadcast %add3A_206 : i32 to vector<16xi32>
    %add3A_208 = arith.addi %iota3A, %add3A_207 : vector<16xi32>
    %add3A_209 = arith.constant 96 : i32
    %add3A_210 = vector.broadcast %add3A_209 : i32 to vector<16xi32>
    %add3A_211 = arith.addi %iota3A, %add3A_210 : vector<16xi32>
    %add3A_212 = arith.constant 112 : i32
    %add3A_213 = vector.broadcast %add3A_212 : i32 to vector<16xi32>
    %add3A_214 = arith.addi %iota3A, %add3A_213 : vector<16xi32>
    %parallel_loop3A = arith.constant 0 : i32
    %parallel_loop3A_215 = arith.constant 16 : i32
    %parallel_loop3A_216 = arith.constant 1 : i32
    scf.for %parallel_loop3A_388 = %parallel_loop3A to %parallel_loop3A_215 step %parallel_loop3A_216  : i32 {
      %parallel_loop3A_389 = vector.broadcast %parallel_loop3A_388 : i32 to vector<16xi32>
      %parallel_loop3A_390 = arith.addi %iota3A, %parallel_loop3A_389 : vector<16xi32>
      %parallel_loop3A_391 = arith.constant 15 : i32
      %parallel_loop3A_392 = vector.broadcast %parallel_loop3A_391 : i32 to vector<16xi32>
      %parallel_loop3A_393 = arith.andi %parallel_loop3A_390, %parallel_loop3A_392 : vector<16xi32>
      %parallel_loop3A_394 = arith.constant 0 : i32
      %parallel_loop3A_395 = vector.broadcast %parallel_loop3A_394 : i32 to vector<16xi32>
      %parallel_loop3A_396 = arith.addi %parallel_loop3A_393, %parallel_loop3A_395 : vector<16xi32>
      %parallel_loop3A_397 = arith.constant 16 : i32
      %parallel_loop3A_398 = vector.broadcast %parallel_loop3A_397 : i32 to vector<16xi32>
      %parallel_loop3A_399 = arith.addi %parallel_loop3A_393, %parallel_loop3A_398 : vector<16xi32>
      %parallel_loop3A_400 = arith.constant 32 : i32
      %parallel_loop3A_401 = vector.broadcast %parallel_loop3A_400 : i32 to vector<16xi32>
      %parallel_loop3A_402 = arith.addi %parallel_loop3A_393, %parallel_loop3A_401 : vector<16xi32>
      %parallel_loop3A_403 = arith.constant 48 : i32
      %parallel_loop3A_404 = vector.broadcast %parallel_loop3A_403 : i32 to vector<16xi32>
      %parallel_loop3A_405 = arith.addi %parallel_loop3A_393, %parallel_loop3A_404 : vector<16xi32>
      %parallel_loop3A_406 = tpu.vector_load_idx %arg7[%add3A_169, %parallel_loop3A_396] : memref<256x128xf32, #tpu.memory_space<vmem>>[vector<16xi32>, vector<16xi32>], vector<16xf32>,
      tpu.vector_store_idx %arg8[%broadcast_in_dim3A_166, %parallel_loop3A_396, %add3A_193], %parallel_loop3A_406 : memref<2x64x128xf32, #tpu.memory_space<vmem>>[vector<16xi32>, vector<16xi32>, vector<16xi32>], vector<16xf32>,
      %parallel_loop3A_407 = tpu.vector_load_idx %arg7[%add3A_169, %parallel_loop3A_399] : memref<256x128xf32, #tpu.memory_space<vmem>>[vector<16xi32>, vector<16xi32>], vector<16xf32>,
      tpu.vector_store_idx %arg8[%broadcast_in_dim3A_166, %parallel_loop3A_399, %add3A_193], %parallel_loop3A_407 : memref<2x64x128xf32, #tpu.memory_space<vmem>>[vector<16xi32>, vector<16xi32>, vector<16xi32>], vector<16xf32>,
      %parallel_loop3A_408 = tpu.vector_load_idx %arg7[%add3A_169, %parallel_loop3A_402] : memref<256x128xf32, #tpu.memory_space<vmem>>[vector<16xi32>, vector<16xi32>], vector<16xf32>,
      tpu.vector_store_idx %arg8[%broadcast_in_dim3A_166, %parallel_loop3A_402, %add3A_193], %parallel_loop3A_408 : memref<2x64x128xf32, #tpu.memory_space<vmem>>[vector<16xi32>, vector<16xi32>, vector<16xi32>], vector<16xf32>,
      %parallel_loop3A_409 = tpu.vector_load_idx %arg7[%add3A_169, %parallel_loop3A_405] : memref<256x128xf32, #tpu.memory_space<vmem>>[vector<16xi32>, vector<16xi32>], vector<16xf32>,
      tpu.vector_store_idx %arg8[%broadcast_in_dim3A_166, %parallel_loop3A_405, %add3A_193], %parallel_loop3A_409 : memref<2x64x128xf32, #tpu.memory_space<vmem>>[vector<16xi32>, vector<16xi32>, vector<16xi32>], vector<16xf32>,
      %parallel_loop3A_410 = tpu.vector_load_idx %arg7[%add3A_172, %parallel_loop3A_396] : memref<256x128xf32, #tpu.memory_space<vmem>>[vector<16xi32>, vector<16xi32>], vector<16xf32>,
      tpu.vector_store_idx %arg8[%broadcast_in_dim3A_166, %parallel_loop3A_396, %add3A_196], %parallel_loop3A_410 : memref<2x64x128xf32, #tpu.memory_space<vmem>>[vector<16xi32>, vector<16xi32>, vector<16xi32>], vector<16xf32>,
      %parallel_loop3A_411 = tpu.vector_load_idx %arg7[%add3A_172, %parallel_loop3A_399] : memref<256x128xf32, #tpu.memory_space<vmem>>[vector<16xi32>, vector<16xi32>], vector<16xf32>,
      tpu.vector_store_idx %arg8[%broadcast_in_dim3A_166, %parallel_loop3A_399, %add3A_196], %parallel_loop3A_411 : memref<2x64x128xf32, #tpu.memory_space<vmem>>[vector<16xi32>, vector<16xi32>, vector<16xi32>], vector<16xf32>,
      %parallel_loop3A_412 = tpu.vector_load_idx %arg7[%add3A_172, %parallel_loop3A_402] : memref<256x128xf32, #tpu.memory_space<vmem>>[vector<16xi32>, vector<16xi32>], vector<16xf32>,
      tpu.vector_store_idx %arg8[%broadcast_in_dim3A_166, %parallel_loop3A_402, %add3A_196], %parallel_loop3A_412 : memref<2x64x128xf32, #tpu.memory_space<vmem>>[vector<16xi32>, vector<16xi32>, vector<16xi32>], vector<16xf32>,
      %parallel_loop3A_413 = tpu.vector_load_idx %arg7[%add3A_172, %parallel_loop3A_405] : memref<256x128xf32, #tpu.memory_space<vmem>>[vector<16xi32>, vector<16xi32>], vector<16xf32>,
      tpu.vector_store_idx %arg8[%broadcast_in_dim3A_166, %parallel_loop3A_405, %add3A_196], %parallel_loop3A_413 : memref<2x64x128xf32, #tpu.memory_space<vmem>>[vector<16xi32>, vector<16xi32>, vector<16xi32>], vector<16xf32>,
      %parallel_loop3A_414 = tpu.vector_load_idx %arg7[%add3A_175, %parallel_loop3A_396] : memref<256x128xf32, #tpu.memory_space<vmem>>[vector<16xi32>, vector<16xi32>], vector<16xf32>,
      tpu.vector_store_idx %arg8[%broadcast_in_dim3A_166, %parallel_loop3A_396, %add3A_199], %parallel_loop3A_414 : memref<2x64x128xf32, #tpu.memory_space<vmem>>[vector<16xi32>, vector<16xi32>, vector<16xi32>], vector<16xf32>,
      %parallel_loop3A_415 = tpu.vector_load_idx %arg7[%add3A_175, %parallel_loop3A_399] : memref<256x128xf32, #tpu.memory_space<vmem>>[vector<16xi32>, vector<16xi32>], vector<16xf32>,
      tpu.vector_store_idx %arg8[%broadcast_in_dim3A_166, %parallel_loop3A_399, %add3A_199], %parallel_loop3A_415 : memref<2x64x128xf32, #tpu.memory_space<vmem>>[vector<16xi32>, vector<16xi32>, vector<16xi32>], vector<16xf32>,
      %parallel_loop3A_416 = tpu.vector_load_idx %arg7[%add3A_175, %parallel_loop3A_402] : memref<256x128xf32, #tpu.memory_space<vmem>>[vector<16xi32>, vector<16xi32>], vector<16xf32>,
      tpu.vector_store_idx %arg8[%broadcast_in_dim3A_166, %parallel_loop3A_402, %add3A_199], %parallel_loop3A_416 : memref<2x64x128xf32, #tpu.memory_space<vmem>>[vector<16xi32>, vector<16xi32>, vector<16xi32>], vector<16xf32>,
      %parallel_loop3A_417 = tpu.vector_load_idx %arg7[%add3A_175, %parallel_loop3A_405] : memref<256x128xf32, #tpu.memory_space<vmem>>[vector<16xi32>, vector<16xi32>], vector<16xf32>,
      tpu.vector_store_idx %arg8[%broadcast_in_dim3A_166, %parallel_loop3A_405, %add3A_199], %parallel_loop3A_417 : memref<2x64x128xf32, #tpu.memory_space<vmem>>[vector<16xi32>, vector<16xi32>, vector<16xi32>], vector<16xf32>,
      %parallel_loop3A_418 = tpu.vector_load_idx %arg7[%add3A_178, %parallel_loop3A_396] : memref<256x128xf32, #tpu.memory_space<vmem>>[vector<16xi32>, vector<16xi32>], vector<16xf32>,
      tpu.vector_store_idx %arg8[%broadcast_in_dim3A_166, %parallel_loop3A_396, %add3A_202], %parallel_loop3A_418 : memref<2x64x128xf32, #tpu.memory_space<vmem>>[vector<16xi32>, vector<16xi32>, vector<16xi32>], vector<16xf32>,
      %parallel_loop3A_419 = tpu.vector_load_idx %arg7[%add3A_178, %parallel_loop3A_399] : memref<256x128xf32, #tpu.memory_space<vmem>>[vector<16xi32>, vector<16xi32>], vector<16xf32>,
      tpu.vector_store_idx %arg8[%broadcast_in_dim3A_166, %parallel_loop3A_399, %add3A_202], %parallel_loop3A_419 : memref<2x64x128xf32, #tpu.memory_space<vmem>>[vector<16xi32>, vector<16xi32>, vector<16xi32>], vector<16xf32>,
      %parallel_loop3A_420 = tpu.vector_load_idx %arg7[%add3A_178, %parallel_loop3A_402] : memref<256x128xf32, #tpu.memory_space<vmem>>[vector<16xi32>, vector<16xi32>], vector<16xf32>,
      tpu.vector_store_idx %arg8[%broadcast_in_dim3A_166, %parallel_loop3A_402, %add3A_202], %parallel_loop3A_420 : memref<2x64x128xf32, #tpu.memory_space<vmem>>[vector<16xi32>, vector<16xi32>, vector<16xi32>], vector<16xf32>,
      %parallel_loop3A_421 = tpu.vector_load_idx %arg7[%add3A_178, %parallel_loop3A_405] : memref<256x128xf32, #tpu.memory_space<vmem>>[vector<16xi32>, vector<16xi32>], vector<16xf32>,
      tpu.vector_store_idx %arg8[%broadcast_in_dim3A_166, %parallel_loop3A_405, %add3A_202], %parallel_loop3A_421 : memref<2x64x128xf32, #tpu.memory_space<vmem>>[vector<16xi32>, vector<16xi32>, vector<16xi32>], vector<16xf32>,
      %parallel_loop3A_422 = tpu.vector_load_idx %arg7[%add3A_181, %parallel_loop3A_396] : memref<256x128xf32, #tpu.memory_space<vmem>>[vector<16xi32>, vector<16xi32>], vector<16xf32>,
      tpu.vector_store_idx %arg8[%broadcast_in_dim3A_166, %parallel_loop3A_396, %add3A_205], %parallel_loop3A_422 : memref<2x64x128xf32, #tpu.memory_space<vmem>>[vector<16xi32>, vector<16xi32>, vector<16xi32>], vector<16xf32>,
      %parallel_loop3A_423 = tpu.vector_load_idx %arg7[%add3A_181, %parallel_loop3A_399] : memref<256x128xf32, #tpu.memory_space<vmem>>[vector<16xi32>, vector<16xi32>], vector<16xf32>,
      tpu.vector_store_idx %arg8[%broadcast_in_dim3A_166, %parallel_loop3A_399, %add3A_205], %parallel_loop3A_423 : memref<2x64x128xf32, #tpu.memory_space<vmem>>[vector<16xi32>, vector<16xi32>, vector<16xi32>], vector<16xf32>,
      %parallel_loop3A_424 = tpu.vector_load_idx %arg7[%add3A_181, %parallel_loop3A_402] : memref<256x128xf32, #tpu.memory_space<vmem>>[vector<16xi32>, vector<16xi32>], vector<16xf32>,
      tpu.vector_store_idx %arg8[%broadcast_in_dim3A_166, %parallel_loop3A_402, %add3A_205], %parallel_loop3A_424 : memref<2x64x128xf32, #tpu.memory_space<vmem>>[vector<16xi32>, vector<16xi32>, vector<16xi32>], vector<16xf32>,
      %parallel_loop3A_425 = tpu.vector_load_idx %arg7[%add3A_181, %parallel_loop3A_405] : memref<256x128xf32, #tpu.memory_space<vmem>>[vector<16xi32>, vector<16xi32>], vector<16xf32>,
      tpu.vector_store_idx %arg8[%broadcast_in_dim3A_166, %parallel_loop3A_405, %add3A_205], %parallel_loop3A_425 : memref<2x64x128xf32, #tpu.memory_space<vmem>>[vector<16xi32>, vector<16xi32>, vector<16xi32>], vector<16xf32>,
      %parallel_loop3A_426 = tpu.vector_load_idx %arg7[%add3A_184, %parallel_loop3A_396] : memref<256x128xf32, #tpu.memory_space<vmem>>[vector<16xi32>, vector<16xi32>], vector<16xf32>,
      tpu.vector_store_idx %arg8[%broadcast_in_dim3A_166, %parallel_loop3A_396, %add3A_208], %parallel_loop3A_426 : memref<2x64x128xf32, #tpu.memory_space<vmem>>[vector<16xi32>, vector<16xi32>, vector<16xi32>], vector<16xf32>,
      %parallel_loop3A_427 = tpu.vector_load_idx %arg7[%add3A_184, %parallel_loop3A_399] : memref<256x128xf32, #tpu.memory_space<vmem>>[vector<16xi32>, vector<16xi32>], vector<16xf32>,
      tpu.vector_store_idx %arg8[%broadcast_in_dim3A_166, %parallel_loop3A_399, %add3A_208], %parallel_loop3A_427 : memref<2x64x128xf32, #tpu.memory_space<vmem>>[vector<16xi32>, vector<16xi32>, vector<16xi32>], vector<16xf32>,
      %parallel_loop3A_428 = tpu.vector_load_idx %arg7[%add3A_184, %parallel_loop3A_402] : memref<256x128xf32, #tpu.memory_space<vmem>>[vector<16xi32>, vector<16xi32>], vector<16xf32>,
      tpu.vector_store_idx %arg8[%broadcast_in_dim3A_166, %parallel_loop3A_402, %add3A_208], %parallel_loop3A_428 : memref<2x64x128xf32, #tpu.memory_space<vmem>>[vector<16xi32>, vector<16xi32>, vector<16xi32>], vector<16xf32>,
      %parallel_loop3A_429 = tpu.vector_load_idx %arg7[%add3A_184, %parallel_loop3A_405] : memref<256x128xf32, #tpu.memory_space<vmem>>[vector<16xi32>, vector<16xi32>], vector<16xf32>,
      tpu.vector_store_idx %arg8[%broadcast_in_dim3A_166, %parallel_loop3A_405, %add3A_208], %parallel_loop3A_429 : memref<2x64x128xf32, #tpu.memory_space<vmem>>[vector<16xi32>, vector<16xi32>, vector<16xi32>], vector<16xf32>,
      %parallel_loop3A_430 = tpu.vector_load_idx %arg7[%add3A_187, %parallel_loop3A_396] : memref<256x128xf32, #tpu.memory_space<vmem>>[vector<16xi32>, vector<16xi32>], vector<16xf32>,
      tpu.vector_store_idx %arg8[%broadcast_in_dim3A_166, %parallel_loop3A_396, %add3A_211], %parallel_loop3A_430 : memref<2x64x128xf32, #tpu.memory_space<vmem>>[vector<16xi32>, vector<16xi32>, vector<16xi32>], vector<16xf32>,
      %parallel_loop3A_431 = tpu.vector_load_idx %arg7[%add3A_187, %parallel_loop3A_399] : memref<256x128xf32, #tpu.memory_space<vmem>>[vector<16xi32>, vector<16xi32>], vector<16xf32>,
      tpu.vector_store_idx %arg8[%broadcast_in_dim3A_166, %parallel_loop3A_399, %add3A_211], %parallel_loop3A_431 : memref<2x64x128xf32, #tpu.memory_space<vmem>>[vector<16xi32>, vector<16xi32>, vector<16xi32>], vector<16xf32>,
      %parallel_loop3A_432 = tpu.vector_load_idx %arg7[%add3A_187, %parallel_loop3A_402] : memref<256x128xf32, #tpu.memory_space<vmem>>[vector<16xi32>, vector<16xi32>], vector<16xf32>,
      tpu.vector_store_idx %arg8[%broadcast_in_dim3A_166, %parallel_loop3A_402, %add3A_211], %parallel_loop3A_432 : memref<2x64x128xf32, #tpu.memory_space<vmem>>[vector<16xi32>, vector<16xi32>, vector<16xi32>], vector<16xf32>,
      %parallel_loop3A_433 = tpu.vector_load_idx %arg7[%add3A_187, %parallel_loop3A_405] : memref<256x128xf32, #tpu.memory_space<vmem>>[vector<16xi32>, vector<16xi32>], vector<16xf32>,
      tpu.vector_store_idx %arg8[%broadcast_in_dim3A_166, %parallel_loop3A_405, %add3A_211], %parallel_loop3A_433 : memref<2x64x128xf32, #tpu.memory_space<vmem>>[vector<16xi32>, vector<16xi32>, vector<16xi32>], vector<16xf32>,
      %parallel_loop3A_434 = tpu.vector_load_idx %arg7[%add3A_190, %parallel_loop3A_396] : memref<256x128xf32, #tpu.memory_space<vmem>>[vector<16xi32>, vector<16xi32>], vector<16xf32>,
      tpu.vector_store_idx %arg8[%broadcast_in_dim3A_166, %parallel_loop3A_396, %add3A_214], %parallel_loop3A_434 : memref<2x64x128xf32, #tpu.memory_space<vmem>>[vector<16xi32>, vector<16xi32>, vector<16xi32>], vector<16xf32>,
      %parallel_loop3A_435 = tpu.vector_load_idx %arg7[%add3A_190, %parallel_loop3A_399] : memref<256x128xf32, #tpu.memory_space<vmem>>[vector<16xi32>, vector<16xi32>], vector<16xf32>,
      tpu.vector_store_idx %arg8[%broadcast_in_dim3A_166, %parallel_loop3A_399, %add3A_214], %parallel_loop3A_435 : memref<2x64x128xf32, #tpu.memory_space<vmem>>[vector<16xi32>, vector<16xi32>, vector<16xi32>], vector<16xf32>,
      %parallel_loop3A_436 = tpu.vector_load_idx %arg7[%add3A_190, %parallel_loop3A_402] : memref<256x128xf32, #tpu.memory_space<vmem>>[vector<16xi32>, vector<16xi32>], vector<16xf32>,
      tpu.vector_store_idx %arg8[%broadcast_in_dim3A_166, %parallel_loop3A_402, %add3A_214], %parallel_loop3A_436 : memref<2x64x128xf32, #tpu.memory_space<vmem>>[vector<16xi32>, vector<16xi32>, vector<16xi32>], vector<16xf32>,
      %parallel_loop3A_437 = tpu.vector_load_idx %arg7[%add3A_190, %parallel_loop3A_405] : memref<256x128xf32, #tpu.memory_space<vmem>>[vector<16xi32>, vector<16xi32>], vector<16xf32>,
      tpu.vector_store_idx %arg8[%broadcast_in_dim3A_166, %parallel_loop3A_405, %add3A_214], %parallel_loop3A_437 : memref<2x64x128xf32, #tpu.memory_space<vmem>>[vector<16xi32>, vector<16xi32>, vector<16xi32>], vector<16xf32>,
    } {sc.loop_unroll_factor = 4 : i64, sc.parallel_access}
    %add3A_217 = arith.constant 199 : i32
    %add3A_218 = arith.addi %mul3A_2, %add3A_217 : i32
    %jit3A_219 = arith.constant 128 : i32
    %div3A_220 = arith.divsi %add3A_218, %jit3A_219 : i32
    %sign3A_221 = arith.constant 0 : i32
    %sign3A_222 = arith.cmpi sgt, %add3A_218, %sign3A_221 : i32
    %sign3A_223 = arith.extui %sign3A_222 : i1 to i32
    %sign3A_224 = arith.constant 0 : i32
    %sign3A_225 = arith.cmpi slt, %add3A_218, %sign3A_224 : i32
    %sign3A_226 = arith.extui %sign3A_225 : i1 to i32
    %sign3A_227 = arith.subi %sign3A_223, %sign3A_226 : i32
    %sign3A_228 = arith.constant 0 : i32
    %sign3A_229 = arith.cmpi sgt, %jit3A_219, %sign3A_228 : i32
    %sign3A_230 = arith.extui %sign3A_229 : i1 to i32
    %sign3A_231 = arith.constant 0 : i32
    %sign3A_232 = arith.cmpi slt, %jit3A_219, %sign3A_231 : i32
    %sign3A_233 = arith.extui %sign3A_232 : i1 to i32
    %sign3A_234 = arith.subi %sign3A_230, %sign3A_233 : i32
    %ne3A_235 = arith.cmpi ne, %sign3A_227, %sign3A_234 : i32
    %rem3A_236 = arith.remsi %add3A_218, %jit3A_219 : i32
    %ne3A_237 = arith.constant 0 : i32
    %ne3A_238 = arith.cmpi ne, %rem3A_236, %ne3A_237 : i32
    %and3A_239 = arith.andi %ne3A_235, %ne3A_238 : i1
    %sub3A_240 = arith.constant 1 : i32
    %sub3A_241 = arith.subi %div3A_220, %sub3A_240 : i32
    %select_n3A_242 = arith.select %and3A_239, %sub3A_241, %div3A_220 : i32
    %jit3A_243 = arith.constant 128 : i32
    %eq3A_244 = arith.constant 0 : i32
    %eq3A_245 = arith.cmpi eq, %jit3A_243, %eq3A_244 : i32
    %jit3A_246 = arith.constant 1 : i32
    %select_n3A_247 = arith.select %eq3A_245, %jit3A_246, %jit3A_243 : i32
    %rem3A_248 = arith.remsi %add3A_218, %select_n3A_247 : i32
    %ne3A_249 = arith.constant 0 : i32
    %ne3A_250 = arith.cmpi ne, %rem3A_248, %ne3A_249 : i32
    %lt3A_251 = arith.constant 0 : i32
    %lt3A_252 = arith.cmpi slt, %rem3A_248, %lt3A_251 : i32
    %lt3A_253 = arith.constant 0 : i32
    %lt3A_254 = arith.cmpi slt, %select_n3A_247, %lt3A_253 : i32
    %ne3A_255 = arith.xori %lt3A_252, %lt3A_254 : i1
    %and3A_256 = arith.andi %ne3A_255, %ne3A_250 : i1
    %add3A_257 = arith.addi %rem3A_248, %select_n3A_247 : i32
    %select_n3A_258 = arith.select %and3A_256, %add3A_257, %rem3A_248 : i32
    %mul3A_259 = arith.constant 128 : i32
    %mul3A_260 = arith.muli %select_n3A_258, %mul3A_259 : i32
    %mul3A_261 = arith.constant 64 : i32
    %mul3A_262 = arith.muli %select_n3A_242, %mul3A_261 : i32
    %dma_start3A_263 = arith.constant 1 : i32
    %dma_start3A_264 = arith.constant 0 : i32
    %dma_start3A_265 = arith.constant 0 : i32
    %dma_start3A_266 = tpu.memref_slice %arg8[%dma_start3A_263, %dma_start3A_264, %dma_start3A_265] : memref<2x64x128xf32, #tpu.memory_space<vmem>> -> memref<1x64x128xf32, #tpu.memory_space<vmem>>
    %dma_start3A_267 = tpu.memref_squeeze %dma_start3A_266 : memref<1x64x128xf32, #tpu.memory_space<vmem>> -> memref<64x128xf32, #tpu.memory_space<vmem>>
    %dma_start3A_268 = tpu.memref_slice %arg4[%mul3A_262, %mul3A_260] : memref<3200x16384xf32, #tpu.memory_space<hbm>> -> memref<64x128xf32, #tpu.memory_space<hbm>>
    %dma_start3A_269 = tpu.memref_slice %arg4[%mul3A_262, %mul3A_260] : memref<3200x16384xf32, #tpu.memory_space<hbm>> -> memref<64x128xf32, #tpu.memory_space<hbm>>
    %dma_start3A_270 = arith.constant 0 : i32
    %dma_start3A_271 = arith.constant 0 : i32
    %dma_start3A_272 = tpu.memref_slice %arg8[%dma_start3A_263, %dma_start3A_270, %dma_start3A_271] : memref<2x64x128xf32, #tpu.memory_space<vmem>> -> memref<1x64x128xf32, #tpu.memory_space<vmem>>
    %dma_start3A_273 = tpu.memref_squeeze %dma_start3A_272 : memref<1x64x128xf32, #tpu.memory_space<vmem>> -> memref<64x128xf32, #tpu.memory_space<vmem>>
    tpu.enqueue_dma source(%dma_start3A_273 : memref<64x128xf32, #tpu.memory_space<vmem>>) target(%dma_start3A_269 : memref<64x128xf32, #tpu.memory_space<hbm>>) target_semaphore(%arg14 : memref<!tpu.dma_semaphore, #tpu.memory_space<semaphore_mem>>)
    %add3A_274 = arith.constant 198 : i32
    %add3A_275 = arith.addi %mul3A_2, %add3A_274 : i32
    %jit3A_276 = arith.constant 128 : i32
    %div3A_277 = arith.divsi %add3A_275, %jit3A_276 : i32
    %sign3A_278 = arith.constant 0 : i32
    %sign3A_279 = arith.cmpi sgt, %add3A_275, %sign3A_278 : i32
    %sign3A_280 = arith.extui %sign3A_279 : i1 to i32
    %sign3A_281 = arith.constant 0 : i32
    %sign3A_282 = arith.cmpi slt, %add3A_275, %sign3A_281 : i32
    %sign3A_283 = arith.extui %sign3A_282 : i1 to i32
    %sign3A_284 = arith.subi %sign3A_280, %sign3A_283 : i32
    %sign3A_285 = arith.constant 0 : i32
    %sign3A_286 = arith.cmpi sgt, %jit3A_276, %sign3A_285 : i32
    %sign3A_287 = arith.extui %sign3A_286 : i1 to i32
    %sign3A_288 = arith.constant 0 : i32
    %sign3A_289 = arith.cmpi slt, %jit3A_276, %sign3A_288 : i32
    %sign3A_290 = arith.extui %sign3A_289 : i1 to i32
    %sign3A_291 = arith.subi %sign3A_287, %sign3A_290 : i32
    %ne3A_292 = arith.cmpi ne, %sign3A_284, %sign3A_291 : i32
    %rem3A_293 = arith.remsi %add3A_275, %jit3A_276 : i32
    %ne3A_294 = arith.constant 0 : i32
    %ne3A_295 = arith.cmpi ne, %rem3A_293, %ne3A_294 : i32
    %and3A_296 = arith.andi %ne3A_292, %ne3A_295 : i1
    %sub3A_297 = arith.constant 1 : i32
    %sub3A_298 = arith.subi %div3A_277, %sub3A_297 : i32
    %select_n3A_299 = arith.select %and3A_296, %sub3A_298, %div3A_277 : i32
    %jit3A_300 = arith.constant 128 : i32
    %eq3A_301 = arith.constant 0 : i32
    %eq3A_302 = arith.cmpi eq, %jit3A_300, %eq3A_301 : i32
    %jit3A_303 = arith.constant 1 : i32
    %select_n3A_304 = arith.select %eq3A_302, %jit3A_303, %jit3A_300 : i32
    %rem3A_305 = arith.remsi %add3A_275, %select_n3A_304 : i32
    %ne3A_306 = arith.constant 0 : i32
    %ne3A_307 = arith.cmpi ne, %rem3A_305, %ne3A_306 : i32
    %lt3A_308 = arith.constant 0 : i32
    %lt3A_309 = arith.cmpi slt, %rem3A_305, %lt3A_308 : i32
    %lt3A_310 = arith.constant 0 : i32
    %lt3A_311 = arith.cmpi slt, %select_n3A_304, %lt3A_310 : i32
    %ne3A_312 = arith.xori %lt3A_309, %lt3A_311 : i1
    %and3A_313 = arith.andi %ne3A_312, %ne3A_307 : i1
    %add3A_314 = arith.addi %rem3A_305, %select_n3A_304 : i32
    %select_n3A_315 = arith.select %and3A_313, %add3A_314, %rem3A_305 : i32
    %mul3A_316 = arith.constant 128 : i32
    %mul3A_317 = arith.muli %select_n3A_315, %mul3A_316 : i32
    %mul3A_318 = arith.constant 64 : i32
    %mul3A_319 = arith.muli %select_n3A_299, %mul3A_318 : i32
    %dma_wait3A_320 = arith.constant 0 : i32
    %dma_wait3A_321 = arith.constant 0 : i32
    %dma_wait3A_322 = arith.constant 0 : i32
    %dma_wait3A_323 = tpu.memref_slice %arg8[%dma_wait3A_320, %dma_wait3A_321, %dma_wait3A_322] : memref<2x64x128xf32, #tpu.memory_space<vmem>> -> memref<1x64x128xf32, #tpu.memory_space<vmem>>
    %dma_wait3A_324 = tpu.memref_squeeze %dma_wait3A_323 : memref<1x64x128xf32, #tpu.memory_space<vmem>> -> memref<64x128xf32, #tpu.memory_space<vmem>>
    %dma_wait3A_325 = tpu.memref_slice %arg4[%mul3A_319, %mul3A_317] : memref<3200x16384xf32, #tpu.memory_space<hbm>> -> memref<64x128xf32, #tpu.memory_space<hbm>>
    %dma_wait3A_326 = tpu.memref_slice %arg4[%mul3A_319, %mul3A_317] : memref<3200x16384xf32, #tpu.memory_space<hbm>> -> memref<64x128xf32, #tpu.memory_space<hbm>>
    %dma_wait3A_327 = arith.constant 0 : i32
    %dma_wait3A_328 = arith.constant 0 : i32
    %dma_wait3A_329 = tpu.memref_slice %arg8[%dma_wait3A_320, %dma_wait3A_327, %dma_wait3A_328] : memref<2x64x128xf32, #tpu.memory_space<vmem>> -> memref<1x64x128xf32, #tpu.memory_space<vmem>>
    %dma_wait3A_330 = tpu.memref_squeeze %dma_wait3A_329 : memref<1x64x128xf32, #tpu.memory_space<vmem>> -> memref<64x128xf32, #tpu.memory_space<vmem>>
    tpu.wait_dma2 semaphore(%arg13 : memref<!tpu.dma_semaphore, #tpu.memory_space<semaphore_mem>>) src(%dma_wait3A_330 : memref<64x128xf32, #tpu.memory_space<vmem>>) dst(%dma_wait3A_326 : memref<64x128xf32, #tpu.memory_space<hbm>>)
    %add3A_331 = arith.constant 199 : i32
    %add3A_332 = arith.addi %mul3A_2, %add3A_331 : i32
    %jit3A_333 = arith.constant 128 : i32
    %div3A_334 = arith.divsi %add3A_332, %jit3A_333 : i32
    %sign3A_335 = arith.constant 0 : i32
    %sign3A_336 = arith.cmpi sgt, %add3A_332, %sign3A_335 : i32
    %sign3A_337 = arith.extui %sign3A_336 : i1 to i32
    %sign3A_338 = arith.constant 0 : i32
    %sign3A_339 = arith.cmpi slt, %add3A_332, %sign3A_338 : i32
    %sign3A_340 = arith.extui %sign3A_339 : i1 to i32
    %sign3A_341 = arith.subi %sign3A_337, %sign3A_340 : i32
    %sign3A_342 = arith.constant 0 : i32
    %sign3A_343 = arith.cmpi sgt, %jit3A_333, %sign3A_342 : i32
    %sign3A_344 = arith.extui %sign3A_343 : i1 to i32
    %sign3A_345 = arith.constant 0 : i32
    %sign3A_346 = arith.cmpi slt, %jit3A_333, %sign3A_345 : i32
    %sign3A_347 = arith.extui %sign3A_346 : i1 to i32
    %sign3A_348 = arith.subi %sign3A_344, %sign3A_347 : i32
    %ne3A_349 = arith.cmpi ne, %sign3A_341, %sign3A_348 : i32
    %rem3A_350 = arith.remsi %add3A_332, %jit3A_333 : i32
    %ne3A_351 = arith.constant 0 : i32
    %ne3A_352 = arith.cmpi ne, %rem3A_350, %ne3A_351 : i32
    %and3A_353 = arith.andi %ne3A_349, %ne3A_352 : i1
    %sub3A_354 = arith.constant 1 : i32
    %sub3A_355 = arith.subi %div3A_334, %sub3A_354 : i32
    %select_n3A_356 = arith.select %and3A_353, %sub3A_355, %div3A_334 : i32
    %jit3A_357 = arith.constant 128 : i32
    %eq3A_358 = arith.constant 0 : i32
    %eq3A_359 = arith.cmpi eq, %jit3A_357, %eq3A_358 : i32
    %jit3A_360 = arith.constant 1 : i32
    %select_n3A_361 = arith.select %eq3A_359, %jit3A_360, %jit3A_357 : i32
    %rem3A_362 = arith.remsi %add3A_332, %select_n3A_361 : i32
    %ne3A_363 = arith.constant 0 : i32
    %ne3A_364 = arith.cmpi ne, %rem3A_362, %ne3A_363 : i32
    %lt3A_365 = arith.constant 0 : i32
    %lt3A_366 = arith.cmpi slt, %rem3A_362, %lt3A_365 : i32
    %lt3A_367 = arith.constant 0 : i32
    %lt3A_368 = arith.cmpi slt, %select_n3A_361, %lt3A_367 : i32
    %ne3A_369 = arith.xori %lt3A_366, %lt3A_368 : i1
    %and3A_370 = arith.andi %ne3A_369, %ne3A_364 : i1
    %add3A_371 = arith.addi %rem3A_362, %select_n3A_361 : i32
    %select_n3A_372 = arith.select %and3A_370, %add3A_371, %rem3A_362 : i32
    %mul3A_373 = arith.constant 128 : i32
    %mul3A_374 = arith.muli %select_n3A_372, %mul3A_373 : i32
    %mul3A_375 = arith.constant 64 : i32
    %mul3A_376 = arith.muli %select_n3A_356, %mul3A_375 : i32
    %dma_wait3A_377 = arith.constant 1 : i32
    %dma_wait3A_378 = arith.constant 0 : i32
    %dma_wait3A_379 = arith.constant 0 : i32
    %dma_wait3A_380 = tpu.memref_slice %arg8[%dma_wait3A_377, %dma_wait3A_378, %dma_wait3A_379] : memref<2x64x128xf32, #tpu.memory_space<vmem>> -> memref<1x64x128xf32, #tpu.memory_space<vmem>>
    %dma_wait3A_381 = tpu.memref_squeeze %dma_wait3A_380 : memref<1x64x128xf32, #tpu.memory_space<vmem>> -> memref<64x128xf32, #tpu.memory_space<vmem>>
    %dma_wait3A_382 = tpu.memref_slice %arg4[%mul3A_376, %mul3A_374] : memref<3200x16384xf32, #tpu.memory_space<hbm>> -> memref<64x128xf32, #tpu.memory_space<hbm>>
    %dma_wait3A_383 = tpu.memref_slice %arg4[%mul3A_376, %mul3A_374] : memref<3200x16384xf32, #tpu.memory_space<hbm>> -> memref<64x128xf32, #tpu.memory_space<hbm>>
    %dma_wait3A_384 = arith.constant 0 : i32
    %dma_wait3A_385 = arith.constant 0 : i32
    %dma_wait3A_386 = tpu.memref_slice %arg8[%dma_wait3A_377, %dma_wait3A_384, %dma_wait3A_385] : memref<2x64x128xf32, #tpu.memory_space<vmem>> -> memref<1x64x128xf32, #tpu.memory_space<vmem>>
    %dma_wait3A_387 = tpu.memref_squeeze %dma_wait3A_386 : memref<1x64x128xf32, #tpu.memory_space<vmem>> -> memref<64x128xf32, #tpu.memory_space<vmem>>
    tpu.wait_dma2 semaphore(%arg14 : memref<!tpu.dma_semaphore, #tpu.memory_space<semaphore_mem>>) src(%dma_wait3A_387 : memref<64x128xf32, #tpu.memory_space<vmem>>) dst(%dma_wait3A_383 : memref<64x128xf32, #tpu.memory_space<hbm>>)
    return
  }
}

</mosaic_0001>

<sc_bundles>
// kernel: kernel.3.cloned.1.call-start
scs
__scs_entry_jumppad:
0x0: {  	(pc) =	sbr.rel $0x88, $3  }
0x1: {  	(tag) =	ssettag $0x0;
	lr =	simm.s32 $0x1  }
0x2: {  	[smem:$0x3F9F] =	sst lr;
	_ =	strace $0xD0000000  }
0x3: {  	_ = 	snop  }
0x4: {  	_ = 	snop  }
0x5: {  	_ = 	snop  }
0x6: {  	_ = 	snop  }
0x7: {  	_ = 	snop  }
__scs_overlays_trampoline_lowered:
0x8: {  	[smem:$0x3FAE] =	sst s0  }
0x9: {  	[smem:$0x3FAF] =	sst s1  }
0xa: {  	[smem:$0x3FB0] =	sst s2  }
0xb: {  	[smem:$0x3FB1] =	sst s3  }
0xc: {  	[smem:$0x3FB2] =	sst s4  }
0xd: {  	[smem:$0x3FB3] =	sst s5  }
0xe: {  	[smem:$0x3FB4] =	sst s6  }
0xf: {  	[smem:$0x3FB5] =	sst s7  }
0x10: {  	[smem:$0x3FB6] =	sst s8  }
0x11: {  	[smem:$0x3FB7] =	sst s9;
	s0 =	simm.s32 @!p0 $0x0  }
0x12: {  	s1 =	sld [smem:$0x3F9D];
	s0 =	simm.s32 @p0 $0x1  }
0x13: {  	[smem:$0x3FB8] =	sst s0;
	s0 =	simm.s32 @!p1 $0x0  }
0x14: {  	s2 =	sld [smem:$0x3F9C];
	s0 =	simm.s32 @p1 $0x1  }
0x15: {  	[smem:$0x3FB9] =	sst s0;
	s0 =	simm.s32 @!p2 $0x0  }
0x16: {  	s3 =	sld [smem:$0x3FDB];
	s0 =	simm.s32 @p2 $0x1  }
0x17: {  	s4 =	simm.s32 $0x1BF5;
	[smem:$0x3FBB] =	sst s0  }
0x18: {  	s0 =	sld [smem:$0x3F9E];
	_ =	swait.ge [sflag:s4], $0x0  }
0x19: {  	s7 =	sld [smem:$0x3F9F]  }
0x1a: {  	s8 =	sadd.s32 $0xFFFFE003, lr  }
0x1b: {  	s9 =	sadd.s32 $0xFFFFFEF7, lr;
	s5 =	simm.s32 $0xFFFFFFFF;
	p2 =	slt.u32 s8, $0xFFFFF086  }
0x1c: {  	p1 =	slt.u32 s9, $0xF7A;
	s5 =	simm.s32 @!p2 $0x0  }
0x1d: {  	s5 =	simm.s32 @p1 $0x1;
	p0 =	seq.s32 s7, s2  }
0x1e: {  	s7 =	smul.u32 @!p0 $0xF7A, s2;
	p2 =	seq.s32 @!p0 s5, $0x0  }
0x1f: {  	s9 =	smul.u32 $0xF7A, s1;
	s8 =	simm.s32 @!p0 $0x1BF5;
	p2 =	por !p2, p0  }
0x20: {  	[sflag:s8] =	ssyncset.s32 @!p0 $0xFFFFF086;
	s6 =	sadd.s32 @!p0 s3, s7;
	s7 =	simm.s32 @!p0 $0x108  }
0x21: {  	s3 =	sadd.s32 s3, s9;
	s6 =	sadd.s32 @!p0 $0x88, s6;
	s7 =	simm.s32 @p2 $0x1082  }
0x22: {  	[simem:s7], [sflag:s8] =	dma.local @!p0 [hbm:s6], $0xF7A  }
0x23: {  	s9 =	sor.u32 $0xD0000000, s2;
	s6 =	simm.s32 $0x108;
	_ =	swait.ge @!p0 [sflag:s8], $0x0  }
0x24: {  	s3 =	sadd.s32 $0x88, s3;
	s6 =	simm.s32 @!p1 $0x1082;
	[sflag:s4] =	ssyncset.s32 $0xFFFFF086  }
0x25: {  	[simem:s6], [sflag:s4] =	dma.local [hbm:s3], $0xF7A  }
0x26: {  	[smem:$0x3F9F] =	sst s1;
	(tag) =	ssettag s2;
	_ =	strace s9  }
0x27: {  	s1 =	sld [smem:$0x3FAF]  }
0x28: {  	s2 =	sld [smem:$0x3FB0]  }
0x29: {  	s4 =	sld [smem:$0x3FB2]  }
0x2a: {  	p0 =	seq.s32 s5, $0x0;
	s5 =	sld [smem:$0x3FB3]  }
0x2b: {  	s6 =	sld [smem:$0x3FB4]  }
0x2c: {  	s7 =	sld [smem:$0x3FB5]  }
0x2d: {  	s3 =	simm.s32 $0x108;
	s8 =	sld [smem:$0x3FB6]  }
0x2e: {  	s3 =	simm.s32 @!p0 $0x1082;
	s9 =	sld [smem:$0x3FB7]  }
0x2f: {  	lr =	sadd.s32 s0, s3;
	s0 =	sld [smem:$0x3FAE]  }
0x30: {  	s3 =	sld [smem:$0x3FB1]  }
0x31: {  	[smem:$0x3FBA] =	sst s10  }
0x32: {  	s10 =	sld [smem:$0x3FB8];
	_ =	sdelay $0x3  }
0x33: {  	p0 =	seq.s32 s10, $0x1;
	s10 =	sld [smem:$0x3FBA];
	_ =	sdelay $0x3  }
0x34: {  	[smem:$0x3FBA] =	sst s10  }
0x35: {  	s10 =	sld [smem:$0x3FB9];
	_ =	sdelay $0x3  }
0x36: {  	p1 =	seq.s32 s10, $0x1;
	s10 =	sld [smem:$0x3FBA];
	_ =	sdelay $0x3  }
0x37: {  	[smem:$0x3FBA] =	sst s10  }
0x38: {  	s10 =	sld [smem:$0x3FBB]  }
0x39: {  	_ = 	snop;
	(pc) =	sbr.ind lr, $3  }
0x3a: {  	_ = 	snop  }
0x3b: {  	_ = 	snop  }
0x3c: {  	p2 =	seq.s32 s10, $0x1;
	s10 =	sld [smem:$0x3FBA]  }
0x3d: {  	_ =	shalt  }
0x3e: {  	_ =	shalt  }
0x3f: {  	_ =	shalt  }
0x40: {  	_ =	shalt  }
0x41: {  	_ =	shalt  }
0x42: {  	_ =	shalt  }
0x43: {  	_ =	shalt  }
0x44: {  	_ =	shalt  }
0x45: {  	_ =	shalt  }
0x46: {  	_ =	shalt  }
0x47: {  	_ =	shalt  }
0x48: {  	_ =	shalt  }
0x49: {  	_ =	shalt  }
0x4a: {  	_ =	shalt  }
0x4b: {  	_ =	shalt  }
0x4c: {  	_ =	shalt  }
0x4d: {  	_ =	shalt  }
0x4e: {  	_ =	shalt  }
0x4f: {  	_ =	shalt  }
0x50: {  	_ =	shalt  }
0x51: {  	_ =	shalt  }
0x52: {  	_ =	shalt  }
0x53: {  	_ =	shalt  }
0x54: {  	_ =	shalt  }
0x55: {  	_ =	shalt  }
0x56: {  	_ =	shalt  }
0x57: {  	_ =	shalt  }
0x58: {  	_ =	shalt  }
0x59: {  	_ =	shalt  }
0x5a: {  	_ =	shalt  }
0x5b: {  	_ =	shalt  }
0x5c: {  	_ =	shalt  }
0x5d: {  	_ =	shalt  }
0x5e: {  	_ =	shalt  }
0x5f: {  	_ =	shalt  }
0x60: {  	_ =	shalt  }
0x61: {  	_ =	shalt  }
0x62: {  	_ =	shalt  }
0x63: {  	_ =	shalt  }
0x64: {  	_ =	shalt  }
0x65: {  	_ =	shalt  }
0x66: {  	_ =	shalt  }
0x67: {  	_ =	shalt  }
0x68: {  	_ =	shalt  }
0x69: {  	_ =	shalt  }
0x6a: {  	_ =	shalt  }
0x6b: {  	_ =	shalt  }
0x6c: {  	_ =	shalt  }
0x6d: {  	_ =	shalt  }
0x6e: {  	_ =	shalt  }
0x6f: {  	_ =	shalt  }
0x70: {  	_ =	shalt  }
0x71: {  	_ =	shalt  }
0x72: {  	_ =	shalt  }
0x73: {  	_ =	shalt  }
0x74: {  	_ =	shalt  }
0x75: {  	_ =	shalt  }
0x76: {  	_ =	shalt  }
0x77: {  	_ =	shalt  }
0x78: {  	_ =	shalt  }
0x79: {  	_ =	shalt  }
0x7a: {  	_ =	shalt  }
0x7b: {  	_ =	shalt  }
0x7c: {  	_ =	shalt  }
0x7d: {  	_ =	shalt  }
0x7e: {  	_ =	shalt  }
0x7f: {  	_ =	shalt  }
0x80: {  	_ =	shalt  }
0x81: {  	_ =	shalt  }
0x82: {  	_ =	shalt  }
0x83: {  	_ =	shalt  }
0x84: {  	_ =	shalt  }
0x85: {  	_ =	shalt  }
0x86: {  	_ =	shalt  }
0x87: {  	_ =	shalt  }
.Lfunc_end0:
.L_simem_size_0:
called_computation_lowered:
.L_overlay_start_0:
0x88: {  	s2 =	sld [smem:$0x3FD9]  }
0x89: {  	s3 =	sld [smem:$0x3FFE];
	_ =	sdelay $0x1  }
0x8a: {  	s1 =	srdreg.scid  }
0x8b: {  	s0 =	sand.u32 $0x1, s1  }
0x8c: {  	s17 =	sshll.u32 s0, $0xA;
	s2 =	sadd.s32 s3, s2  }
0x8d: {  	s2 =	sadd.s32 s2, s17  }
0x8e: {  	[smem:$0x3FC6] =	sst s2  }
0x8f: {  	_ = 	snop  }
0x90: {  	s2 =	sld [smem:$0x3FC9]  }
0x91: {  	s18 =	sld [smem:$0x3FD0];
	(tm) =	ssettm $0x1  }
0x92: {  	s4 =	sld [smem:$0x3FFB];
	_ =	sdelay $0x3  }
0x93: {  	_ =	strace s4  }
0x94: {  	s4 =	sld [smem:$0x3FFC];
	_ =	sdelay $0x3  }
0x95: {  	_ =	strace s4  }
0x96: {  	s4 =	sld [smem:$0x3FFD];
	_ =	sdelay $0x3  }
0x97: {  	_ =	strace s4  }
0x98: {  	_ =	strace $0x8FFFFFFF  }
0x99: {  	s19 =	sld [smem:$0x3FDB];
	_ =	sdelay $0x1  }
0x9a: {  	s5 =	simm.s32 $_scs_section_size  }
0x9b: {  	s6 =	simm.s32 $_size__tile_overlayer_lowered;
	s7 =	simm.s32 $_tile_overlayer_lowered  }
0x9c: {  	s22 =	simm.s32 $0x1BFF;
	s21 =	sshll.u32 s7, $0x1;
	s4 =	sadd.s32 s5, s19  }
0x9d: {  	s8 =	simm.s32 $0x0;
	s20 =	sshll.u32 s6, $0x1;
	s6 =	sadd.s32 s21, s4  }
0x9e: {  	[timem:s8], [sflag:s22] =	dma.local [hbm:s6], s20  }
0x9f: {  	_ =	swait.ge [sflag:s22], s20  }
0xa0: {  	s5 =	ssub.s32 $0x0, s20;
	[sflag:s22] =	ssyncset.done $0x0  }
0xa1: {  	[sflag:s22] =	ssyncadd.s32 s5;
	_ =	sdelay $0x1  }
0xa2: {  	s23 =	simm.s32 $0x1B8B  }
0xa3: {  	_ =	swait.ge [sflag:s23], $0x1  }
0xa4: {  	[sflag:s23] =	ssyncset.done $0x0  }
0xa5: {  	s25 =	simm.s32 $0x1B8E;
	s24 =	sld [smem:$0x3FFE];
	[sflag:s23] =	ssyncadd.s32 $0xFFFFFFFF  }
0xa6: {  	s26 =	simm.s32 $execute0_lowered;
	[smem:$0x3FD2] =	sst s25  }
0xa7: {  	s6 =	sshll.u32 s26, $0x1;
	_ =	strace $0x80000046;
	[dreg:$0x1] =	wrdreg $0xFFFFFFFF  }
0xa8: {  	s28 =	simm.s32 $_size_execute0_lowered;
	s4 =	sadd.s32 s4, s6;
	[dreg:$0x0] =	wrdreg $0x0  }
0xa9: {  	s6 =	sshll.u32 s28, $0x1;
	[dreg:$0x2] =	wrdreg s4  }
0xaa: {  	[dreg:$0x3] =	wrdreg s6  }
0xab: {  	[dreg:$0x4] =	wrdreg $0xC0  }
0xac: {  	_ =	task [dreg:s8], $0x5FFFF  }
0xad: {  	[dreg:$0x1] =	wrdreg $0xFFFFFFFF  }
0xae: {  	[dreg:$0x0] =	wrdreg $0x60  }
0xaf: {  	[dreg:$0x2] =	wrdreg s24  }
0xb0: {  	[dreg:$0x3] =	wrdreg s2  }
0xb1: {  	[dreg:$0x4] =	wrdreg s18  }
0xb2: {  	[dreg:$0x5] =	wrdreg $0x9  }
0xb3: {  	_ =	task.clear_ibuf [dreg:s8], $0x6FFFF;
	_ =	strace $0x90000046  }
0xb4: {  	s29 =	simm.s32 $0x9;
	_ =	strace $0x80000048  }
0xb5: {  	_ =	swait.ge [sflag:s29], $0x1  }
0xb6: {  	[sflag:s29] =	ssyncadd.s32 $0xFFFFFFFF  }
0xb7: {  	_ =	strace $0x90000048  }
0xb8: {  	_ =	sfence  }
0xb9: {  	s30 =	sld [smem:$0x0];
	_ =	sdelay $0x2  }
0xba: {  	s31 =	sshll.u32 s1, $0xD;
	s1 =	sshrl.u32 s1, $0x2  }
0xbb: {  	s3 =	sand.u32 $0x4000, s31;
	s1 =	sadd.s32 s1, s30  }
0xbc: {  	s0 =	sor.u32 s3, s0;
	s1 =	sshll.u32 s1, $0x11  }
0xbd: {  	s0 =	sor.u32 s1, s0  }
0xbe: {  	s0 =	sadd.s32 $0x8F2B, s0  }
0xbf: {  	[sflag:s0] =	ssyncadd.remote.s32 $0x1  }
0xc0: {  	_ =	sfence.sel $0xFFFF  }
0xc1: {  	[dreg:$0x0] =	wrdreg $0xFFFFFFFF;
	(pc) =	sbr.abs _section_cstart, $3  }
0xc2: {  	[dreg:$0x1] =	wrdreg $0xFFFFFFFF  }
0xc3: {  	_ =	task.clear_ibuf [dreg:s8], $0x2FFFF;
	_ =	strace $0x9FFFFFFF  }
0xc4: {  	(tm) =	ssettm $0x7FFFFFFF  }
0xc5: {  	_ =	shalt  }
tec
execute0_lowered:
.L_overlay_start_1:
0x0: {  	(tag) =	ssettag $0x1  }
0x1: {  	v12 =	vlaneseq.u32  }
0x2: {  	v29 =	vmul.u32 $0x80, v12  }
0x3: {  	s0 =	srdreg.scid;
	s2 =	rddreg [dreg:$0x0];
	v62 =	vor.u32 $0x3810, v12  }
0x4: {  	s1 =	stileid.u32;
	s3 =	rddreg [dreg:$0x2];
	s7 =	simm.s32 $0x0;
	[tilespmem:$0x1FC20] =	vst v62;
	v0 =	vor.u32 $0x4830, v29  }
0x5: {  	s0 =	sand.u32 $0x1, s0;
	s1 =	sshll.u32 s1, $0x1;
	[smem:$0x7FF] =	sst s7;
	v63 =	vor.u32 $0x3040, v12;
	[tilespmem:$0x1FC10] =	vst v0  }
0x6: {  	s4 =	sor.u32 s0, s1;
	s1 =	rddreg [dreg:$0x1];
	v36 =	vor.u32 $0x4000, v29;
	_ =	strace $0x80000047;
	[tilespmem:$0x1FC30] =	vst v63  }
0x7: {  	v40 =	vor.u32 $0x2000, v12;
	[tilespmem:$0x1FC40] =	vst v36  }
0x8: {  	v16 =	vor.u32 $0x4010, v29;
	[tilespmem:$0x1FC50] =	vst v40  }
0x9: {  	v60 =	vor.u32 $0x2800, v12;
	[tilespmem:$0x1FC60] =	vst v16  }
0xa: {  	v14 =	vor.u32 $0x4020, v29;
	[tilespmem:$0x1FC70] =	vst v60  }
0xb: {  	v17 =	vor.u32 $0x3000, v12;
	[tilespmem:$0x1FC80] =	vst v14  }
0xc: {  	v18 =	vor.u32 $0x4030, v29;
	[tilespmem:$0x1FC90] =	vst v17  }
0xd: {  	v15 =	vor.u32 $0x3800, v12;
	[tilespmem:$0x1FCA0] =	vst v18  }
0xe: {  	v19 =	vor.u32 $0x4800, v29;
	[tilespmem:$0x1FCB0] =	vst v15  }
0xf: {  	v13 =	vor.u32 $0x2010, v12;
	[tilespmem:$0x1FCC0] =	vst v19  }
0x10: {  	v38 =	vor.u32 $0x4810, v29;
	[tilespmem:$0x1FCD0] =	vst v13  }
0x11: {  	v37 =	vor.u32 $0x2810, v12;
	[tilespmem:$0x1FCE0] =	vst v38  }
0x12: {  	v33 =	vor.u32 $0x4820, v29;
	[tilespmem:$0x1FCF0] =	vst v37  }
0x13: {  	v32 =	vor.u32 $0x3010, v12;
	[tilespmem:$0x1FD00] =	vst v33  }
0x14: {  	v46 =	vor.u32 $0x5000, v29;
	[tilespmem:$0x1FD10] =	vst v32  }
0x15: {  	v20 =	vor.u32 $0x2020, v12;
	[tilespmem:$0x1FD20] =	vst v46  }
0x16: {  	v21 =	vor.u32 $0x5010, v29;
	[tilespmem:$0x1FD30] =	vst v20  }
0x17: {  	v22 =	vor.u32 $0x2820, v12;
	[tilespmem:$0x1FD40] =	vst v21  }
0x18: {  	v24 =	vor.u32 $0x5020, v29;
	[tilespmem:$0x1FD50] =	vst v22  }
0x19: {  	v41 =	vor.u32 $0x3020, v12;
	[tilespmem:$0x1FD60] =	vst v24  }
0x1a: {  	v42 =	vor.u32 $0x5030, v29;
	[tilespmem:$0x1FD70] =	vst v41  }
0x1b: {  	v43 =	vor.u32 $0x3820, v12;
	[tilespmem:$0x1FD80] =	vst v42  }
0x1c: {  	v25 =	vor.u32 $0x5800, v29;
	[tilespmem:$0x1FD90] =	vst v43  }
0x1d: {  	v26 =	vor.u32 $0x2030, v12;
	[tilespmem:$0x1FDA0] =	vst v25  }
0x1e: {  	v27 =	vor.u32 $0x5810, v29;
	[tilespmem:$0x1FDB0] =	vst v26  }
0x1f: {  	v31 =	vor.u32 $0x2830, v12;
	[tilespmem:$0x1FDC0] =	vst v27  }
0x20: {  	v34 =	vor.u32 $0x5820, v29;
	[tilespmem:$0x1FDD0] =	vst v31  }
0x21: {  	v39 =	vor.u32 $0x3030, v12;
	[tilespmem:$0x1FDE0] =	vst v34  }
0x22: {  	v23 =	vor.u32 $0x5830, v29;
	[tilespmem:$0x1FDF0] =	vst v39  }
0x23: {  	v28 =	vor.u32 $0x3830, v12;
	[tilespmem:$0x1FE00] =	vst v23  }
0x24: {  	v35 =	vor.u32 $0x6800, v29;
	[tilespmem:$0x1FE10] =	vst v28  }
0x25: {  	[tilespmem:$0x1FE20] =	vst v35  }
0x26: {  	v2 =	vor.u32 $0x6000, v29;
	[tilespmem:$0x1FE30] =	vst v29  }
0x27: {  	v3 =	vor.u32 $0x2040, v12;
	[tilespmem:$0x1FE40] =	vst v2  }
0x28: {  	v1 =	vor.u32 $0x6010, v29;
	[tilespmem:$0x1FE50] =	vst v3  }
0x29: {  	v56 =	vor.u32 $0x2840, v12;
	[tilespmem:$0x1FE60] =	vst v1  }
0x2a: {  	v5 =	vor.u32 $0x6020, v29;
	[tilespmem:$0x1FE70] =	vst v56  }
0x2b: {  	v0 =	vor.u32 $0x6030, v29;
	[tilespmem:$0x1FE80] =	vst v5  }
0x2c: {  	v53 =	vor.u32 $0x3840, v12;
	[tilespmem:$0x1FE90] =	vst v0  }
0x2d: {  	v54 =	vor.u32 $0x2050, v12;
	[tilespmem:$0x1FEA0] =	vst v53  }
0x2e: {  	v52 =	vor.u32 $0x6810, v29;
	[tilespmem:$0x1FEB0] =	vst v54  }
0x2f: {  	v57 =	vor.u32 $0x2850, v12;
	[tilespmem:$0x1FEC0] =	vst v52  }
0x30: {  	v55 =	vor.u32 $0x6820, v29;
	[tilespmem:$0x1FED0] =	vst v57  }
0x31: {  	v47 =	vor.u32 $0x3050, v12;
	[tilespmem:$0x1FEE0] =	vst v55  }
0x32: {  	v58 =	vor.u32 $0x6830, v29;
	[tilespmem:$0x1FEF0] =	vst v47  }
0x33: {  	v49 =	vor.u32 $0x3850, v12;
	[tilespmem:$0x1FF00] =	vst v58  }
0x34: {  	s14 =	simm.s32 $0x80;
	v50 =	vor.u32 $0x7000, v29;
	[tilespmem:$0x1FF10] =	vst v49  }
0x35: {  	s15 =	simm.s32 $0x1;
	s16 =	simm.s32 $0x100;
	s17 =	simm.s32 $0x200;
	v51 =	vor.u32 $0x2060, v12;
	[tilespmem:$0x1FF20] =	vst v50  }
0x36: {  	s18 =	simm.s32 $0x6;
	s19 =	simm.s32 $0x4;
	s20 =	simm.s32 $0x8200;
	v59 =	vor.u32 $0x7010, v29;
	[tilespmem:$0x1FF30] =	vst v51  }
0x37: {  	s21 =	simm.s32 $0x400;
	s22 =	simm.s32 $0x20000;
	v48 =	vor.u32 $0x2860, v12;
	s5 =	smul.u32 $0x6400, s4;
	[tilespmem:$0x1FF40] =	vst v59  }
0x38: {  	s23 =	simm.s32 $0xA200;
	s28 =	simm.s32 $0x3;
	v61 =	vor.u32 $0x3060, v12;
	s6 =	smul.u32 $0x12000, s4;
	[tilespmem:$0x1FF50] =	vst v48  }
0x39: {  	s29 =	simm.s32 $0x5;
	s30 =	simm.s32 $0x0;
	s4 =	smul.u32 $0xC8, s4;
	v30 =	vor.u32 $0x7030, v29;
	[tilespmem:$0x1FF70] =	vst v61  }
0x3a: {  	v6 =	vor.u32 $0x3860, v12;
	s0 =	ssub.s32 $0x2, s0;
	s5 =	sand.u32 $0xE0000, s5;
	s6 =	sand.u32 $0x1E000, s6;
	[tilespmem:$0x1FF80] =	vst v30  }
0x3b: {  	s25 =	sshrl.u32 s0, $0x1;
	v7 =	vor.u32 $0x7800, v29;
	s24 =	sand.u32 $0x380, s4;
	[tilespmem:$0x1FF90] =	vst v6;
	s5 =	sor.u32 s6, s5  }
0x3c: {  	v44 =	vor.u32 $0x2070, v12;
	s0 =	ssub.s32 s0, s25;
	s25 =	simm.s32 $0x180;
	[tilespmem:$0x1FFA0] =	vst v7;
	s5 =	sor.u32 s24, s5  }
0x3d: {  	v45 =	vor.u32 $0x7810, v29;
	s26 =	sadd.s32 $0xC7, s4;
	s9 =	sor.u32 $0x2, s4;
	[tilespmem:$0x1FFB0] =	vst v44;
	s5 =	sshrl.u32 s5, $0x3  }
0x3e: {  	v10 =	vor.u32 $0x2870, v12;
	s10 =	sadd.s32 $0xFFFFFFFF, s4;
	s11 =	sor.u32 $0x3, s4;
	[tilespmem:$0x1FFC0] =	vst v45;
	s7 =	sadd.s32 s1, s5  }
0x3f: {  	v11 =	vor.u32 $0x7820, v29;
	[tilespmem:$0x1FFD0] =	vst v10;
	s6 =	sadd.s32 $0x400, s2;
	s31 =	sshll.u32 s26, $0x7;
	s5 =	sadd.s32 $0x80, s7  }
0x40: {  	v12 =	vor.u32 $0x3070, v12;
	[tilespmem:$0x1FFE0] =	vst v11;
	s2 =	sshll.u32 s26, $0xA;
	[dreg:$0x4] =	wrdreg s5;
	s5 =	sand.u32 $0x3F80, s31  }
0x41: {  	s13 =	smax.u32 s0, $0x1;
	v63 =	vor.u32 $0x7020, v29;
	[tilespmem:$0x1FFF0] =	vst v12;
	s2 =	sand.u32 $0xFE0000, s2;
	s5 =	sadd.s32 s3, s5  }
0x42: {  	v13 =	vmov v32;
	s26 =	simm.s32 $0x4200;
	v16 =	vmov v37;
	v14 =	vmov v33;
	[tilespmem:$0x1FF60] =	vst v63;
	s24 =	simm.s32 $0x2;
	s12 =	sadd.s32 s2, s5  }
.LBB2_1:
0x43: {  	v54 =	vld [tilespmem:$0x1FCD0]  }
0x44: {  	v51 =	vld [tilespmem:$0x1FC80]  }
0x45: {  	v59 =	vld [tilespmem:$0x1FCB0]  }
0x46: {  	v52 =	vld [tilespmem:$0x1FC60]  }
0x47: {  	v57 =	vld [tilespmem:$0x1FC90]  }
0x48: {  	v55 =	vld [tilespmem:$0x1FCA0]  }
0x49: {  	v45 =	vld [tilespmem:$0x1FCC0]  }
0x4a: {  	v49 =	vld [tilespmem:$0x1FD30]  }
0x4b: {  	s0 =	simm.s32 $0x0;
	v30 =	vld [tilespmem:$0x1FD40]  }
0x4c: {  	v29 =	vld [tilespmem:$0x1FD50];
	[tilespmem:s0], [sflag:$0x1] =	stream.linear.gather [hbm4b:s7+s0], $0x80, $0x38  }
0x4d: {  	s2 =	rddreg [dreg:$0x4];
	s31 =	simm.s32 $0x0;
	v37 =	vld [tilespmem:$0x1FE00]  }
0x4e: {  	v48 =	vlaneseq.u32;
	v61 =	vld [tilespmem:$0x1FE10];
	v44 =	vmovc v13;
	v58 =	vmov v14;
	v7 =	vmov v16;
	[tilespmem:s14], [sflag:$0x2] =	stream.linear.gather [hbm4b:s2+s0], $0x80, $0x38  }
.LBB2_2:
0x4f: {  	_ =	swait.ge [sflag:s15], $0x80  }
0x50: {  	[sflag:s15] =	ssyncset.done $0x0  }
0x51: {  	[sflag:s15] =	ssyncadd.s32 $0xFFFFFF80  }
0x52: {  	v0 =	vld [tilespmem:$0x0]  }
0x53: {  	v1 =	vld [tilespmem:$0x10]  }
0x54: {  	v2 =	vld [tilespmem:$0x20]  }
0x55: {  	v3 =	vld [tilespmem:$0x30]  }
0x56: {  	v4 =	vld [tilespmem:$0x40]  }
0x57: {  	v56 =	vld [tilespmem:$0x50];
	[tilespmem:$0x100] =	vst v0  }
0x58: {  	s2 =	sshll.u32 s31, $0x1;
	p0 =	seq.s32 s31, $0x63;
	v62 =	vld [tilespmem:$0x60];
	[tilespmem:$0x110] =	vst v1  }
0x59: {  	s0 =	sadd.s32 @!p0 s2, s9;
	v63 =	vld [tilespmem:$0x70];
	[tilespmem:$0x120] =	vst v2  }
0x5a: {  	p1 =	slt.u32 @!p0 s31, $0x2;
	s5 =	sshll.u32 @!p0 s0, $0xA;
	[tilespmem:$0x130] =	vst v3  }
0x5b: {  	s8 =	sshll.u32 @!p0 s0, $0x7;
	s0 =	sand.u32 @!p0 $0x380, s0;
	s5 =	sand.u32 @!p0 $0x1F800, s5;
	[tilespmem:$0x140] =	vst v4  }
0x5c: {  	p1 =	por p0, !p1;
	s8 =	sand.u32 @!p0 $0x7FFE0000, s8;
	s0 =	sor.u32 @!p0 s0, s5;
	[tilespmem:$0x150] =	vst v56  }
.Ltmp0:
0x5d: {  	s0 =	sor.u32 @!p0 s8, s0;
	[tilespmem:$0x160] =	vst v62;
	(pc) =	sbr.rel @!p1 .LBB2_7-.Ltmp0, $4  }
0x5e: {  	s0 =	sshrl.u32 @!p0 s0, $0x3;
	[tilespmem:$0x170] =	vst v63  }
0x5f: {  	[tilespmem:s17], [sflag:$0x3] =	stream.indirect.gather [hbm4b:s6+s14], $0x80, s16, s14, $0xb8;
	[tilespmem:$0xC200] =	vst v63  }
0x60: {  	s5 =	simm.s32 @!p0 $0x0;
	s0 =	sadd.s32 @!p0 s1, s0  }
0x61: {  	v47 =	vld [tilespmem:$0x1FC20];
	[tilespmem:s5], [sflag:$0x1] =	stream.linear.gather @!p0 [hbm4b:s0+s5], $0x80, $0x38  }
.Ltmp1:
0x62: {  	(pc) =	sbr.rel .LBB2_4-.Ltmp1, $4  }
0x63: {  	_ = 	snop  }
0x64: {  	_ =	swait.ge [sflag:s18], $0x2000  }
0x65: {  	[sflag:s18] =	ssyncset.done $0x0  }
0x66: {  	[sflag:s18] =	ssyncadd.s32 $0xFFFFE000  }
.LBB2_7:
0x67: {  	p1 =	seq.s32 s31, $0x0  }
.Ltmp2:
0x68: {  	_ = 	snop;
	(pc) =	sbr.rel @p1 .LBB2_8-.Ltmp2, $2  }
0x69: {  	_ =	sdelay $0x2  }
0x6a: {  	v6 =	vld [tilespmem:$0x1FE30]  }
.LBB2_4:
0x6b: {  	s0 =	simm.s32 $0x0  }
0x6c: {  	s8 =	simm.s32 $0x1;
	v63 =	vadd.s32 s0, v48  }
0x6d: {  	v5 =	vadd.s32 s8, v48;
	v53 =	vand.u32 $0xF, v63  }
0x6e: {  	v12 =	vand.u32 $0xF, v5;
	v0 =	vor.u32 v36, v53  }
0x6f: {  	s5 =	simm.s32 $0x3;
	v1 =	vor.u32 v36, v12  }
0x70: {  	_ =	swait.ge [sflag:s19], $0x4000;
	v17 =	vadd.s32 s5, v48;
	s8 =	simm.s32 $0x2  }
0x71: {  	[sflag:s19] =	ssyncset.done $0x0;
	v3 =	vadd.s32 s8, v48;
	v9 =	vand.u32 $0xF, v17  }
0x72: {  	[sflag:s19] =	ssyncadd.s32 $0xFFFFC000;
	v8 =	vand.u32 $0xF, v3;
	v13 =	vor.u32 v36, v9;
	v4 =	vshll.u32 v53, $0x7  }
0x73: {  	v11 =	vshll.u32 v12, $0x7;
	v14 =	vor.u32 v36, v8;
	v15 =	vor.u32 v40, v4;
	v0 =	vld.idx.msk [tilespmem:v0+s17+$0x0], $0xffff  }
0x74: {  	v16 =	vor.u32 v52, v63;
	v18 =	vor.u32 v40, v11;
	v1 =	vld.idx.msk [tilespmem:v1+s17+$0x0], $0xffff  }
0x75: {  	v19 =	vor.u32 v52, v5  }
0x76: {  	v6 =	vshll.u32 v9, $0x7  }
0x77: {  	v10 =	vshll.u32 v8, $0x7;
	v20 =	vor.u32 v40, v6;
	v13 =	vld.idx.msk [tilespmem:v13+s17+$0x0], $0xffff  }
0x78: {  	v22 =	vor.u32 v52, v17;
	v21 =	vor.u32 v40, v10;
	v14 =	vld.idx.msk [tilespmem:v14+s17+$0x0], $0xffff;
	[tilespmem:v15+s20+$0x0] =	vst.idx.msk $0xffff, v0  }
0x79: {  	v0 =	vor.u32 v52, v3;
	[tilespmem:v18+s20+$0x0] =	vst.idx.msk $0xffff, v1;
	v15 =	vld.idx.msk [tilespmem:v16+s17+$0x0], $0xffff;
	v16 =	vor.u32 v60, v4  }
0x7a: {  	v1 =	vor.u32 v51, v53;
	v18 =	vld.idx.msk [tilespmem:v19+s17+$0x0], $0xffff;
	v19 =	vor.u32 v60, v11  }
0x7b: {  	v23 =	vor.u32 v51, v12  }
0x7c: {  	[tilespmem:v20+s20+$0x0] =	vst.idx.msk $0xffff, v13  }
0x7d: {  	[tilespmem:v21+s20+$0x0] =	vst.idx.msk $0xffff, v14;
	v13 =	vld.idx.msk [tilespmem:v22+s17+$0x0], $0xffff;
	v14 =	vor.u32 v60, v6  }
0x7e: {  	v20 =	vor.u32 v60, v10;
	v21 =	vor.u32 v51, v9;
	v0 =	vld.idx.msk [tilespmem:v0+s17+$0x0], $0xffff;
	[tilespmem:v16+s20+$0x0] =	vst.idx.msk $0xffff, v15  }
0x7f: {  	v15 =	vor.u32 v51, v8;
	v16 =	vor.u32 v57, v4;
	[tilespmem:v19+s20+$0x0] =	vst.idx.msk $0xffff, v18;
	v1 =	vld.idx.msk [tilespmem:v1+s17+$0x0], $0xffff  }
0x80: {  	v22 =	vor.u32 v57, v11;
	v18 =	vor.u32 v55, v63;
	v19 =	vld.idx.msk [tilespmem:v23+s17+$0x0], $0xffff  }
0x81: {  	v23 =	vor.u32 v55, v5  }
0x82: {  	[tilespmem:v14+s20+$0x0] =	vst.idx.msk $0xffff, v13  }
0x83: {  	v13 =	vor.u32 v57, v6;
	[tilespmem:v20+s20+$0x0] =	vst.idx.msk $0xffff, v0;
	v0 =	vld.idx.msk [tilespmem:v21+s17+$0x0], $0xffff  }
0x84: {  	v20 =	vor.u32 v55, v17;
	v14 =	vld.idx.msk [tilespmem:v15+s17+$0x0], $0xffff;
	v15 =	vor.u32 v57, v10;
	[tilespmem:v16+s20+$0x0] =	vst.idx.msk $0xffff, v1  }
0x85: {  	v1 =	vor.u32 v55, v3;
	[tilespmem:v22+s20+$0x0] =	vst.idx.msk $0xffff, v19;
	v16 =	vld.idx.msk [tilespmem:v18+s17+$0x0], $0xffff;
	v18 =	vor.u32 v59, v4  }
0x86: {  	v19 =	vor.u32 v45, v53;
	v22 =	vor.u32 v59, v11;
	v21 =	vld.idx.msk [tilespmem:v23+s17+$0x0], $0xffff  }
0x87: {  	v23 =	vor.u32 v45, v12  }
0x88: {  	[tilespmem:v13+s20+$0x0] =	vst.idx.msk $0xffff, v0  }
0x89: {  	v13 =	vor.u32 v59, v6;
	[tilespmem:v15+s20+$0x0] =	vst.idx.msk $0xffff, v14;
	v0 =	vld.idx.msk [tilespmem:v20+s17+$0x0], $0xffff  }
0x8a: {  	v14 =	vor.u32 v59, v10;
	v15 =	vor.u32 v45, v9;
	v1 =	vld.idx.msk [tilespmem:v1+s17+$0x0], $0xffff;
	[tilespmem:v18+s20+$0x0] =	vst.idx.msk $0xffff, v16  }
0x8b: {  	v16 =	vor.u32 v45, v8;
	[tilespmem:v22+s20+$0x0] =	vst.idx.msk $0xffff, v21;
	v18 =	vld.idx.msk [tilespmem:v19+s17+$0x0], $0xffff;
	v19 =	vor.u32 v54, v4  }
0x8c: {  	v20 =	vor.u32 v38, v63;
	v22 =	vor.u32 v54, v11;
	v21 =	vld.idx.msk [tilespmem:v23+s17+$0x0], $0xffff  }
0x8d: {  	v23 =	vor.u32 v38, v5  }
0x8e: {  	[tilespmem:v13+s20+$0x0] =	vst.idx.msk $0xffff, v0  }
0x8f: {  	[tilespmem:v14+s20+$0x0] =	vst.idx.msk $0xffff, v1;
	v0 =	vld.idx.msk [tilespmem:v15+s17+$0x0], $0xffff;
	v1 =	vor.u32 v54, v6  }
0x90: {  	v14 =	vor.u32 v54, v10;
	v13 =	vld.idx.msk [tilespmem:v16+s17+$0x0], $0xffff;
	[tilespmem:v19+s20+$0x0] =	vst.idx.msk $0xffff, v18  }
0x91: {  	v19 =	vor.u32 v7, v4;
	[tilespmem:v22+s20+$0x0] =	vst.idx.msk $0xffff, v21;
	v18 =	vld.idx.msk [tilespmem:v20+s17+$0x0], $0xffff  }
0x92: {  	v15 =	vor.u32 v38, v17;
	v21 =	vor.u32 v7, v11;
	v20 =	vld.idx.msk [tilespmem:v23+s17+$0x0], $0xffff;
	_ =	sdelay $0x1  }
0x93: {  	v16 =	vor.u32 v38, v3;
	[tilespmem:v1+s20+$0x0] =	vst.idx.msk $0xffff, v0  }
0x94: {  	[tilespmem:v14+s20+$0x0] =	vst.idx.msk $0xffff, v13  }
0x95: {  	[tilespmem:v19+s20+$0x0] =	vst.idx.msk $0xffff, v18  }
0x96: {  	v22 =	vor.u32 v58, v53;
	v0 =	vld.idx.msk [tilespmem:v15+s17+$0x0], $0xffff;
	[tilespmem:v21+s20+$0x0] =	vst.idx.msk $0xffff, v20  }
0x97: {  	v23 =	vor.u32 v58, v12;
	v1 =	vor.u32 v7, v6;
	v28 =	vld [tilespmem:$0x1FC10]  }
0x98: {  	v14 =	vor.u32 v7, v10;
	v15 =	vor.u32 v58, v9;
	v13 =	vld.idx.msk [tilespmem:v16+s17+$0x0], $0xffff  }
0x99: {  	v16 =	vor.u32 v58, v8;
	_ =	sdelay $0x1  }
0x9a: {  	v19 =	vor.u32 v44, v4;
	v18 =	vld.idx.msk [tilespmem:v22+s17+$0x0], $0xffff  }
0x9b: {  	v21 =	vor.u32 v44, v11;
	v20 =	vld.idx.msk [tilespmem:v23+s17+$0x0], $0xffff;
	[tilespmem:v1+s20+$0x0] =	vst.idx.msk $0xffff, v0;
	v22 =	vor.u32 v28, v63  }
0x9c: {  	v1 =	vor.u32 v44, v6;
	[tilespmem:v14+s20+$0x0] =	vst.idx.msk $0xffff, v13;
	v0 =	vld.idx.msk [tilespmem:v15+s17+$0x0], $0xffff;
	v23 =	vor.u32 v28, v5  }
0x9d: {  	v14 =	vor.u32 v44, v10;
	v13 =	vld.idx.msk [tilespmem:v16+s17+$0x0], $0xffff;
	v15 =	vor.u32 v28, v17  }
0x9e: {  	v16 =	vor.u32 v28, v3  }
0x9f: {  	[tilespmem:v19+s20+$0x0] =	vst.idx.msk $0xffff, v18  }
0xa0: {  	[tilespmem:v21+s20+$0x0] =	vst.idx.msk $0xffff, v20;
	v19 =	vor.u32 v47, v4;
	v18 =	vld.idx.msk [tilespmem:v22+s17+$0x0], $0xffff  }
0xa1: {  	v21 =	vor.u32 v47, v11;
	[tilespmem:v1+s20+$0x0] =	vst.idx.msk $0xffff, v0;
	v20 =	vld.idx.msk [tilespmem:v23+s17+$0x0], $0xffff;
	v22 =	vor.u32 v46, v53  }
0xa2: {  	v1 =	vor.u32 v47, v6;
	[tilespmem:v14+s20+$0x0] =	vst.idx.msk $0xffff, v13;
	v23 =	vor.u32 v46, v12;
	v0 =	vld.idx.msk [tilespmem:v15+s17+$0x0], $0xffff  }
0xa3: {  	v14 =	vor.u32 v47, v10;
	v13 =	vld.idx.msk [tilespmem:v16+s17+$0x0], $0xffff;
	v15 =	vor.u32 v46, v9  }
0xa4: {  	v16 =	vor.u32 v46, v8  }
0xa5: {  	[tilespmem:v19+s20+$0x0] =	vst.idx.msk $0xffff, v18  }
0xa6: {  	[tilespmem:v21+s20+$0x0] =	vst.idx.msk $0xffff, v20;
	v19 =	vor.u32 v49, v4;
	v18 =	vld.idx.msk [tilespmem:v22+s17+$0x0], $0xffff  }
0xa7: {  	v21 =	vor.u32 v49, v11;
	[tilespmem:v1+s20+$0x0] =	vst.idx.msk $0xffff, v0;
	v20 =	vld.idx.msk [tilespmem:v23+s17+$0x0], $0xffff;
	v22 =	vor.u32 v30, v63  }
0xa8: {  	[tilespmem:v14+s20+$0x0] =	vst.idx.msk $0xffff, v13;
	v1 =	vor.u32 v49, v6;
	v23 =	vor.u32 v30, v5;
	v0 =	vld.idx.msk [tilespmem:v15+s17+$0x0], $0xffff  }
0xa9: {  	v14 =	vor.u32 v49, v10;
	v13 =	vld.idx.msk [tilespmem:v16+s17+$0x0], $0xffff;
	v15 =	vor.u32 v30, v17  }
0xaa: {  	v16 =	vor.u32 v30, v3  }
0xab: {  	[tilespmem:v19+s20+$0x0] =	vst.idx.msk $0xffff, v18  }
0xac: {  	[tilespmem:v21+s20+$0x0] =	vst.idx.msk $0xffff, v20;
	v19 =	vor.u32 v29, v4;
	v18 =	vld.idx.msk [tilespmem:v22+s17+$0x0], $0xffff  }
0xad: {  	v21 =	vor.u32 v29, v11;
	[tilespmem:v1+s20+$0x0] =	vst.idx.msk $0xffff, v0;
	v20 =	vld.idx.msk [tilespmem:v23+s17+$0x0], $0xffff;
	v22 =	vor.u32 v24, v53  }
0xae: {  	[tilespmem:v14+s20+$0x0] =	vst.idx.msk $0xffff, v13;
	v1 =	vor.u32 v29, v6;
	v23 =	vor.u32 v24, v12;
	v0 =	vld.idx.msk [tilespmem:v15+s17+$0x0], $0xffff  }
0xaf: {  	v14 =	vor.u32 v29, v10;
	v13 =	vld.idx.msk [tilespmem:v16+s17+$0x0], $0xffff;
	v15 =	vor.u32 v24, v9  }
0xb0: {  	v16 =	vor.u32 v24, v8  }
0xb1: {  	[tilespmem:v19+s20+$0x0] =	vst.idx.msk $0xffff, v18  }
0xb2: {  	[tilespmem:v21+s20+$0x0] =	vst.idx.msk $0xffff, v20;
	v19 =	vor.u32 v41, v4;
	v18 =	vld.idx.msk [tilespmem:v22+s17+$0x0], $0xffff  }
0xb3: {  	v21 =	vor.u32 v41, v11;
	[tilespmem:v1+s20+$0x0] =	vst.idx.msk $0xffff, v0;
	v20 =	vld.idx.msk [tilespmem:v23+s17+$0x0], $0xffff;
	v22 =	vor.u32 v42, v63  }
0xb4: {  	[tilespmem:v14+s20+$0x0] =	vst.idx.msk $0xffff, v13;
	v1 =	vor.u32 v41, v6;
	v23 =	vor.u32 v42, v5;
	v0 =	vld.idx.msk [tilespmem:v15+s17+$0x0], $0xffff  }
0xb5: {  	v14 =	vor.u32 v41, v10;
	v13 =	vld.idx.msk [tilespmem:v16+s17+$0x0], $0xffff;
	v15 =	vor.u32 v42, v17  }
0xb6: {  	v16 =	vor.u32 v42, v3  }
0xb7: {  	[tilespmem:v19+s20+$0x0] =	vst.idx.msk $0xffff, v18  }
0xb8: {  	[tilespmem:v21+s20+$0x0] =	vst.idx.msk $0xffff, v20;
	v19 =	vor.u32 v43, v4;
	v18 =	vld.idx.msk [tilespmem:v22+s17+$0x0], $0xffff  }
0xb9: {  	v21 =	vor.u32 v43, v11;
	[tilespmem:v1+s20+$0x0] =	vst.idx.msk $0xffff, v0;
	v20 =	vld.idx.msk [tilespmem:v23+s17+$0x0], $0xffff  }
0xba: {  	[tilespmem:v14+s20+$0x0] =	vst.idx.msk $0xffff, v13;
	v1 =	vor.u32 v43, v6;
	v22 =	vor.u32 v25, v53;
	v0 =	vld.idx.msk [tilespmem:v15+s17+$0x0], $0xffff  }
0xbb: {  	v14 =	vor.u32 v43, v10;
	v13 =	vld.idx.msk [tilespmem:v16+s17+$0x0], $0xffff  }
0xbc: {  	v23 =	vor.u32 v25, v12  }
0xbd: {  	v15 =	vor.u32 v25, v9;
	[tilespmem:v19+s20+$0x0] =	vst.idx.msk $0xffff, v18  }
0xbe: {  	v16 =	vor.u32 v25, v8;
	[tilespmem:v21+s20+$0x0] =	vst.idx.msk $0xffff, v20  }
0xbf: {  	v19 =	vor.u32 v26, v4;
	[tilespmem:v1+s20+$0x0] =	vst.idx.msk $0xffff, v0;
	v18 =	vld.idx.msk [tilespmem:v22+s17+$0x0], $0xffff  }
0xc0: {  	[tilespmem:v14+s20+$0x0] =	vst.idx.msk $0xffff, v13  }
0xc1: {  	v13 =	vmov v26;
	v21 =	vld.idx.msk [tilespmem:v23+s17+$0x0], $0xffff;
	v22 =	vor.u32 v27, v63;
	v23 =	vor.u32 v26, v11  }
0xc2: {  	v1 =	vld.idx.msk [tilespmem:v15+s17+$0x0], $0xffff;
	v14 =	vor.u32 v13, v6  }
0xc3: {  	s5 =	simm.s32 $0x4;
	v0 =	vor.u32 v27, v5;
	v15 =	vld.idx.msk [tilespmem:v16+s17+$0x0], $0xffff;
	v16 =	vor.u32 v13, v10  }
0xc4: {  	v24 =	vor.u32 v27, v17;
	v50 =	vld [tilespmem:$0x1FE90];
	v13 =	vadd.s32 s5, v48;
	[tilespmem:v19+s20+$0x0] =	vst.idx.msk $0xffff, v18  }
0xc5: {  	s8 =	simm.s32 $0x5;
	v20 =	vand.u32 $0xF, v13;
	v19 =	vor.u32 v27, v3;
	v27 =	vor.u32 v31, v4;
	v56 =	vld [tilespmem:$0x1FE60]  }
0xc6: {  	v18 =	vadd.s32 s8, v48;
	[tilespmem:v23+s20+$0x0] =	vst.idx.msk $0xffff, v21;
	v23 =	vld.idx.msk [tilespmem:v22+s17+$0x0], $0xffff;
	v22 =	vor.u32 v36, v20  }
0xc7: {  	v33 =	vor.u32 v34, v9;
	v28 =	vor.u32 v34, v53;
	[tilespmem:v14+s20+$0x0] =	vst.idx.msk $0xffff, v1;
	v21 =	vand.u32 $0xF, v18  }
0xc8: {  	v29 =	vor.u32 v31, v11;
	[tilespmem:v16+s20+$0x0] =	vst.idx.msk $0xffff, v15;
	v0 =	vld.idx.msk [tilespmem:v0+s17+$0x0], $0xffff;
	v15 =	vor.u32 v36, v21  }
0xc9: {  	v35 =	vmovc v34;
	s5 =	simm.s32 $0x6;
	v1 =	vor.u32 v34, v12;
	v14 =	vmov v31;
	v16 =	vld.idx.msk [tilespmem:v24+s17+$0x0], $0xffff;
	v24 =	vor.u32 v31, v6  }
0xca: {  	v30 =	vor.u32 v37, v63;
	v41 =	vmovc v37;
	v32 =	vor.u32 v14, v10;
	v31 =	vld.idx.msk [tilespmem:v19+s17+$0x0], $0xffff;
	v19 =	vadd.s32 s5, v48  }
0xcb: {  	v14 =	vshll.u32 v20, $0x7;
	v34 =	vld.idx.msk [tilespmem:v22+s17+$0x0], $0xffff;
	v22 =	vand.u32 $0xF, v19;
	[tilespmem:v27+s20+$0x0] =	vst.idx.msk $0xffff, v23;
	v23 =	vor.u32 v35, v8  }
0xcc: {  	v48 =	vor.u32 v40, v14;
	v27 =	vor.u32 v38, v13;
	v49 =	vor.u32 v36, v22;
	v28 =	vld.idx.msk [tilespmem:v28+s17+$0x0], $0xffff  }
0xcd: {  	[tilespmem:v29+s20+$0x0] =	vst.idx.msk $0xffff, v0;
	v0 =	vor.u32 v52, v13;
	v29 =	vor.u32 v39, v4;
	v37 =	vld.idx.msk [tilespmem:v15+s17+$0x0], $0xffff  }
0xce: {  	v58 =	vmov v39;
	v38 =	vor.u32 v39, v11;
	v15 =	vshll.u32 v21, $0x7;
	[tilespmem:v24+s20+$0x0] =	vst.idx.msk $0xffff, v16;
	v1 =	vld.idx.msk [tilespmem:v1+s17+$0x0], $0xffff  }
0xcf: {  	v43 =	vor.u32 v41, v5;
	v24 =	vor.u32 v40, v15;
	[tilespmem:v32+s20+$0x0] =	vst.idx.msk $0xffff, v31;
	v31 =	vld.idx.msk [tilespmem:v33+s17+$0x0], $0xffff  }
0xd0: {  	v46 =	vor.u32 v58, v6;
	v44 =	vor.u32 v52, v18;
	v23 =	vld.idx.msk [tilespmem:v23+s17+$0x0], $0xffff  }
0xd1: {  	v16 =	vshll.u32 v22, $0x7;
	[tilespmem:v48+s20+$0x0] =	vst.idx.msk $0xffff, v34;
	v48 =	vor.u32 v58, v10;
	v34 =	vld.idx.msk [tilespmem:v49+s17+$0x0], $0xffff  }
0xd2: {  	v0 =	vld.idx.msk [tilespmem:v0+s17+$0x0], $0xffff;
	[tilespmem:v29+s20+$0x0] =	vst.idx.msk $0xffff, v28;
	v28 =	vor.u32 v40, v16  }
0xd3: {  	[tilespmem:v38+s20+$0x0] =	vst.idx.msk $0xffff, v1;
	v1 =	vor.u32 v60, v14;
	v30 =	vld.idx.msk [tilespmem:v30+s17+$0x0], $0xffff  }
0xd4: {  	v38 =	vor.u32 v52, v19;
	[tilespmem:v24+s20+$0x0] =	vst.idx.msk $0xffff, v37;
	v52 =	vor.u32 v61, v4;
	v39 =	vld.idx.msk [tilespmem:v43+s17+$0x0], $0xffff  }
0xd5: {  	v49 =	vor.u32 v41, v17;
	v32 =	vld.idx.msk [tilespmem:v44+s17+$0x0], $0xffff;
	[tilespmem:v46+s20+$0x0] =	vst.idx.msk $0xffff, v31;
	v46 =	vor.u32 v61, v11  }
0xd6: {  	v29 =	vor.u32 v41, v3;
	v58 =	vld [tilespmem:$0x1FE40];
	[tilespmem:v48+s20+$0x0] =	vst.idx.msk $0xffff, v23;
	v23 =	vor.u32 v60, v15  }
0xd7: {  	[tilespmem:v28+s20+$0x0] =	vst.idx.msk $0xffff, v34  }
0xd8: {  	[tilespmem:v1+s20+$0x0] =	vst.idx.msk $0xffff, v0  }
0xd9: {  	v24 =	vor.u32 v51, v20;
	[tilespmem:v52+s20+$0x0] =	vst.idx.msk $0xffff, v30  }
0xda: {  	v36 =	vld.idx.msk [tilespmem:v49+s17+$0x0], $0xffff;
	v28 =	vor.u32 v51, v21;
	v49 =	vor.u32 v61, v6;
	[tilespmem:v46+s20+$0x0] =	vst.idx.msk $0xffff, v39  }
0xdb: {  	v29 =	vld.idx.msk [tilespmem:v29+s17+$0x0], $0xffff;
	v1 =	vor.u32 v61, v10;
	v31 =	vor.u32 v58, v53;
	[tilespmem:v23+s20+$0x0] =	vst.idx.msk $0xffff, v32  }
0xdc: {  	v48 =	vor.u32 v58, v12;
	v61 =	vor.u32 v58, v9;
	v37 =	vor.u32 v58, v8;
	v58 =	vld [tilespmem:$0x1FE50]  }
0xdd: {  	v0 =	vld.idx.msk [tilespmem:v38+s17+$0x0], $0xffff  }
0xde: {  	v30 =	vor.u32 v60, v16;
	v24 =	vld.idx.msk [tilespmem:v24+s17+$0x0], $0xffff  }
0xdf: {  	v33 =	vor.u32 v57, v14;
	v52 =	vld.idx.msk [tilespmem:v28+s17+$0x0], $0xffff;
	[tilespmem:v49+s20+$0x0] =	vst.idx.msk $0xffff, v36  }
0xe0: {  	v41 =	vld [tilespmem:$0x1FE20];
	[tilespmem:v1+s20+$0x0] =	vst.idx.msk $0xffff, v29;
	v1 =	vor.u32 v57, v15  }
0xe1: {  	v31 =	vld.idx.msk [tilespmem:v31+s17+$0x0], $0xffff;
	v32 =	vor.u32 v58, v4  }
0xe2: {  	v35 =	vld.idx.msk [tilespmem:v48+s17+$0x0], $0xffff;
	v42 =	vor.u32 v58, v11  }
0xe3: {  	[tilespmem:v30+s20+$0x0] =	vst.idx.msk $0xffff, v0  }
0xe4: {  	v39 =	vor.u32 v51, v22;
	[tilespmem:v33+s20+$0x0] =	vst.idx.msk $0xffff, v24  }
0xe5: {  	v23 =	vor.u32 v55, v13;
	v36 =	vld.idx.msk [tilespmem:v61+s17+$0x0], $0xffff;
	[tilespmem:v1+s20+$0x0] =	vst.idx.msk $0xffff, v52  }
0xe6: {  	v43 =	vor.u32 v55, v18;
	v30 =	vld.idx.msk [tilespmem:v37+s17+$0x0], $0xffff;
	v37 =	vor.u32 v58, v6;
	[tilespmem:v32+s20+$0x0] =	vst.idx.msk $0xffff, v31  }
0xe7: {  	v46 =	vor.u32 v58, v10;
	[tilespmem:v42+s20+$0x0] =	vst.idx.msk $0xffff, v35  }
0xe8: {  	v25 =	vor.u32 v56, v63;
	v0 =	vld [tilespmem:$0x1FE70]  }
0xe9: {  	v29 =	vor.u32 v56, v5;
	v24 =	vld.idx.msk [tilespmem:v39+s17+$0x0], $0xffff  }
0xea: {  	v23 =	vld.idx.msk [tilespmem:v23+s17+$0x0], $0xffff;
	v48 =	vor.u32 v59, v14  }
0xeb: {  	v52 =	vld.idx.msk [tilespmem:v43+s17+$0x0], $0xffff;
	v31 =	vor.u32 v57, v16;
	[tilespmem:v37+s20+$0x0] =	vst.idx.msk $0xffff, v36  }
0xec: {  	v58 =	vor.u32 v56, v17;
	v40 =	vld [tilespmem:$0x1FE80];
	[tilespmem:v46+s20+$0x0] =	vst.idx.msk $0xffff, v30;
	v30 =	vor.u32 v59, v15  }
0xed: {  	v1 =	vor.u32 v45, v20;
	v25 =	vld.idx.msk [tilespmem:v25+s17+$0x0], $0xffff;
	v51 =	vor.u32 v0, v4  }
0xee: {  	v60 =	vor.u32 v56, v3;
	v29 =	vld.idx.msk [tilespmem:v29+s17+$0x0], $0xffff;
	v56 =	vor.u32 v0, v11  }
0xef: {  	[tilespmem:v48+s20+$0x0] =	vst.idx.msk $0xffff, v23  }
0xf0: {  	v62 =	vmov v45;
	v49 =	vor.u32 v55, v19;
	[tilespmem:v31+s20+$0x0] =	vst.idx.msk $0xffff, v24  }
0xf1: {  	v58 =	vld.idx.msk [tilespmem:v58+s17+$0x0], $0xffff;
	v24 =	vor.u32 v62, v21;
	[tilespmem:v30+s20+$0x0] =	vst.idx.msk $0xffff, v52  }
0xf2: {  	v32 =	vld.idx.msk [tilespmem:v1+s17+$0x0], $0xffff;
	v55 =	vor.u32 v40, v53;
	[tilespmem:v51+s20+$0x0] =	vst.idx.msk $0xffff, v25  }
0xf3: {  	v31 =	vld.idx.msk [tilespmem:v60+s17+$0x0], $0xffff;
	v57 =	vor.u32 v40, v12;
	[tilespmem:v56+s20+$0x0] =	vst.idx.msk $0xffff, v29  }
0xf4: {  	v61 =	vor.u32 v0, v6;
	v38 =	vor.u32 v0, v10;
	v0 =	vld [tilespmem:$0x1FC30]  }
0xf5: {  	v2 =	vlaneseq.u32;
	v35 =	vld.idx.msk [tilespmem:v49+s17+$0x0], $0xffff  }
0xf6: {  	v26 =	vor.u32 v50, v63;
	s8 =	simm.s32 $0x7;
	v28 =	vor.u32 v41, v53;
	v43 =	vor.u32 v59, v16;
	v37 =	vld.idx.msk [tilespmem:v24+s17+$0x0], $0xffff  }
0xf7: {  	v42 =	vor.u32 v62, v22;
	v23 =	vadd.s32 s8, v2;
	v60 =	vmovc v53;
	v33 =	vor.u32 v40, v9;
	v36 =	vld.idx.msk [tilespmem:v55+s17+$0x0], $0xffff  }
0xf8: {  	v34 =	vor.u32 v40, v8;
	v40 =	vor.u32 v54, v14;
	v29 =	vor.u32 v50, v5;
	v30 =	vld.idx.msk [tilespmem:v57+s17+$0x0], $0xffff  }
0xf9: {  	s0 =	simm.s32 $0x8;
	[tilespmem:v61+s20+$0x0] =	vst.idx.msk $0xffff, v58;
	v41 =	vor.u32 v0, v4;
	v46 =	vmov v0;
	v39 =	vor.u32 v0, v11  }
.LBB2_5:
0xfa: {  	_ =	sdelay $0x1  }
0xfb: {  	v59 =	vld [tilespmem:$0x1FCD0]  }
0xfc: {  	v25 =	vld.idx.msk [tilespmem:v33+s17+$0x0], $0xffff  }
0xfd: {  	v54 =	vld [tilespmem:$0x1FC40]  }
0xfe: {  	v2 =	vld [tilespmem:$0x1FE90]  }
0xff: {  	v62 =	vld [tilespmem:$0x1FCF0]  }
0x100: {  	v49 =	vld [tilespmem:$0x1FCE0]  }
0x101: {  	v61 =	vld [tilespmem:$0x1FEA0]  }
0x102: {  	v58 =	vld [tilespmem:$0x1FC50]  }
0x103: {  	v45 =	vor.u32 v46, v6;
	v52 =	vor.u32 v46, v10;
	v46 =	vld [tilespmem:$0x1FE20]  }
0x104: {  	v56 =	vld [tilespmem:$0x1FEB0]  }
0x105: {  	[tilespmem:v40+s20+$0x0] =	vst.idx.msk $0xffff, v32;
	v7 =	vld [tilespmem:$0x1FC70]  }
0x106: {  	[tilespmem:v38+s20+$0x0] =	vst.idx.msk $0xffff, v31;
	v27 =	vld.idx.msk [tilespmem:v27+s17+$0x0], $0xffff  }
0x107: {  	v0 =	vand.u32 $0xF, v23;
	[tilespmem:v43+s20+$0x0] =	vst.idx.msk $0xffff, v35;
	v43 =	vld [tilespmem:$0x1FEF0];
	v1 =	vor.u32 v59, v15  }
0x108: {  	[tilespmem:v41+s20+$0x0] =	vst.idx.msk $0xffff, v36;
	v24 =	vor.u32 v54, v0;
	v31 =	vld.idx.msk [tilespmem:v34+s17+$0x0], $0xffff  }
0x109: {  	[tilespmem:v39+s20+$0x0] =	vst.idx.msk $0xffff, v30;
	v32 =	vld.idx.msk [tilespmem:v42+s17+$0x0], $0xffff  }
0x10a: {  	v53 =	vor.u32 v2, v17;
	v40 =	vor.u32 v62, v14;
	v26 =	vld.idx.msk [tilespmem:v26+s17+$0x0], $0xffff;
	v30 =	vor.u32 v61, v4  }
0x10b: {  	v39 =	vor.u32 v61, v11;
	v50 =	vor.u32 v61, v6;
	v51 =	vor.u32 v61, v10;
	v61 =	vld [tilespmem:$0x1FD00]  }
0x10c: {  	v55 =	vor.u32 v59, v16;
	v41 =	vor.u32 v49, v18;
	v42 =	vld [tilespmem:$0x1FEC0];
	[tilespmem:v1+s20+$0x0] =	vst.idx.msk $0xffff, v37  }
0x10d: {  	v36 =	vor.u32 v2, v3;
	v37 =	vld.idx.msk [tilespmem:v24+s17+$0x0], $0xffff;
	[tilespmem:v45+s20+$0x0] =	vst.idx.msk $0xffff, v25  }
0x10e: {  	[tilespmem:v52+s20+$0x0] =	vst.idx.msk $0xffff, v31;
	v52 =	vld [tilespmem:$0x1FC60]  }
0x10f: {  	v1 =	vor.u32 v49, v19;
	[tilespmem:v40+s20+$0x0] =	vst.idx.msk $0xffff, v27;
	v29 =	vld.idx.msk [tilespmem:v29+s17+$0x0], $0xffff  }
0x110: {  	v31 =	vld.idx.msk [tilespmem:v53+s17+$0x0], $0xffff;
	[tilespmem:v30+s20+$0x0] =	vst.idx.msk $0xffff, v26;
	v30 =	vor.u32 v61, v20  }
0x111: {  	v45 =	vor.u32 v46, v12;
	[tilespmem:v55+s20+$0x0] =	vst.idx.msk $0xffff, v32;
	v27 =	vld.idx.msk [tilespmem:v41+s17+$0x0], $0xffff  }
0x112: {  	v24 =	vshll.u32 v0, $0x7;
	v34 =	vld.idx.msk [tilespmem:v36+s17+$0x0], $0xffff  }
0x113: {  	v25 =	vor.u32 v58, v24;
	v26 =	vor.u32 v46, v8;
	v28 =	vld.idx.msk [tilespmem:v28+s17+$0x0], $0xffff  }
0x114: {  	v48 =	vor.u32 v52, v23;
	v1 =	vld.idx.msk [tilespmem:v1+s17+$0x0], $0xffff  }
0x115: {  	[tilespmem:v39+s20+$0x0] =	vst.idx.msk $0xffff, v29;
	v30 =	vld.idx.msk [tilespmem:v30+s17+$0x0], $0xffff  }
0x116: {  	v55 =	vor.u32 v62, v15;
	v33 =	vld.idx.msk [tilespmem:v45+s17+$0x0], $0xffff  }
0x117: {  	v53 =	vor.u32 v46, v9;
	v41 =	vor.u32 v62, v16;
	[tilespmem:v51+s20+$0x0] =	vst.idx.msk $0xffff, v34;
	v51 =	vld [tilespmem:$0x1FC80]  }
0x118: {  	v29 =	vor.u32 v61, v21;
	[tilespmem:v25+s20+$0x0] =	vst.idx.msk $0xffff, v37;
	v25 =	vor.u32 v56, v4;
	v26 =	vld.idx.msk [tilespmem:v26+s17+$0x0], $0xffff  }
0x119: {  	v44 =	vor.u32 v42, v63;
	v32 =	vld.idx.msk [tilespmem:v48+s17+$0x0], $0xffff  }
0x11a: {  	[tilespmem:v50+s20+$0x0] =	vst.idx.msk $0xffff, v31;
	v50 =	vld [tilespmem:$0x1FD10]  }
0x11b: {  	v45 =	vor.u32 v56, v11;
	[tilespmem:v55+s20+$0x0] =	vst.idx.msk $0xffff, v27;
	v48 =	vld [tilespmem:$0x1FED0]  }
0x11c: {  	v31 =	vor.u32 v7, v24;
	[tilespmem:v41+s20+$0x0] =	vst.idx.msk $0xffff, v1;
	v57 =	vld.idx.msk [tilespmem:v53+s17+$0x0], $0xffff  }
0x11d: {  	v35 =	vor.u32 v42, v5;
	v1 =	vor.u32 v56, v10;
	v29 =	vld.idx.msk [tilespmem:v29+s17+$0x0], $0xffff;
	[tilespmem:v25+s20+$0x0] =	vst.idx.msk $0xffff, v28  }
0x11e: {  	v25 =	vor.u32 v42, v3;
	v37 =	vld.idx.msk [tilespmem:v44+s17+$0x0], $0xffff  }
0x11f: {  	v27 =	vor.u32 v51, v0;
	v44 =	vld [tilespmem:$0x1FC10]  }
0x120: {  	v38 =	vor.u32 v42, v17;
	v55 =	vor.u32 v56, v6;
	v42 =	vld [tilespmem:$0x1FEE0];
	[tilespmem:v45+s20+$0x0] =	vst.idx.msk $0xffff, v33  }
0x121: {  	v53 =	vld [tilespmem:$0x1FC90];
	[tilespmem:v31+s20+$0x0] =	vst.idx.msk $0xffff, v32  }
0x122: {  	v41 =	vor.u32 v61, v22;
	v28 =	vor.u32 v50, v15;
	v32 =	vld.idx.msk [tilespmem:v35+s17+$0x0], $0xffff;
	[tilespmem:v1+s20+$0x0] =	vst.idx.msk $0xffff, v26  }
0x123: {  	v56 =	vor.u32 v50, v14;
	v25 =	vld.idx.msk [tilespmem:v25+s17+$0x0], $0xffff  }
0x124: {  	v39 =	vor.u32 v48, v11;
	v33 =	vor.u32 v44, v13;
	v27 =	vld.idx.msk [tilespmem:v27+s17+$0x0], $0xffff  }
0x125: {  	v45 =	vor.u32 v42, v12;
	[tilespmem:v55+s20+$0x0] =	vst.idx.msk $0xffff, v57;
	v55 =	vld [tilespmem:$0x1FCA0]  }
0x126: {  	v31 =	vor.u32 v48, v4;
	v1 =	vld.idx.msk [tilespmem:v38+s17+$0x0], $0xffff  }
0x127: {  	v57 =	vor.u32 v53, v24;
	[tilespmem:v28+s20+$0x0] =	vst.idx.msk $0xffff, v29;
	v28 =	vld.idx.msk [tilespmem:v41+s17+$0x0], $0xffff  }
0x128: {  	[tilespmem:v56+s20+$0x0] =	vst.idx.msk $0xffff, v30;
	v56 =	vld [tilespmem:$0x1FF10]  }
0x129: {  	v35 =	vor.u32 v42, v60;
	v29 =	vor.u32 v48, v10;
	[tilespmem:v39+s20+$0x0] =	vst.idx.msk $0xffff, v32;
	v33 =	vld.idx.msk [tilespmem:v33+s17+$0x0], $0xffff  }
0x12a: {  	v30 =	vor.u32 v48, v6;
	v48 =	vor.u32 v50, v16;
	v34 =	vld.idx.msk [tilespmem:v45+s17+$0x0], $0xffff  }
0x12b: {  	v26 =	vor.u32 v55, v23;
	[tilespmem:v31+s20+$0x0] =	vst.idx.msk $0xffff, v37;
	v45 =	vld [tilespmem:$0x1FF00]  }
0x12c: {  	v31 =	vor.u32 v42, v8;
	[tilespmem:v57+s20+$0x0] =	vst.idx.msk $0xffff, v27;
	v57 =	vld [tilespmem:$0x1FCB0]  }
0x12d: {  	v38 =	vor.u32 v42, v9;
	v41 =	vor.u32 v44, v18;
	v37 =	vor.u32 v47, v14;
	v42 =	vld [tilespmem:$0x1FF20]  }
0x12e: {  	v35 =	vld.idx.msk [tilespmem:v35+s17+$0x0], $0xffff;
	[tilespmem:v29+s20+$0x0] =	vst.idx.msk $0xffff, v25  }
0x12f: {  	v27 =	vor.u32 v43, v4;
	[tilespmem:v48+s20+$0x0] =	vst.idx.msk $0xffff, v28;
	v48 =	vld [tilespmem:$0x1FCC0]  }
0x130: {  	v32 =	vor.u32 v44, v19;
	v26 =	vld.idx.msk [tilespmem:v26+s17+$0x0], $0xffff  }
0x131: {  	[tilespmem:v30+s20+$0x0] =	vst.idx.msk $0xffff, v1;
	v29 =	vld.idx.msk [tilespmem:v31+s17+$0x0], $0xffff  }
0x132: {  	v39 =	vor.u32 v43, v11;
	v36 =	vor.u32 v45, v63;
	[tilespmem:v37+s20+$0x0] =	vst.idx.msk $0xffff, v33;
	v33 =	vld.idx.msk [tilespmem:v41+s17+$0x0], $0xffff  }
0x133: {  	v1 =	vor.u32 v57, v24;
	v30 =	vor.u32 v45, v5;
	v37 =	vor.u32 v43, v10;
	v25 =	vld.idx.msk [tilespmem:v38+s17+$0x0], $0xffff  }
0x134: {  	v38 =	vor.u32 v45, v17;
	[tilespmem:v27+s20+$0x0] =	vst.idx.msk $0xffff, v35;
	v27 =	vor.u32 v45, v3;
	v45 =	vld [tilespmem:$0x1FD20]  }
0x135: {  	v32 =	vld.idx.msk [tilespmem:v32+s17+$0x0], $0xffff  }
0x136: {  	v31 =	vor.u32 v43, v6;
	v41 =	vor.u32 v47, v16;
	v43 =	vld [tilespmem:$0x1FF30]  }
0x137: {  	[tilespmem:v39+s20+$0x0] =	vst.idx.msk $0xffff, v34;
	v28 =	vor.u32 v48, v0;
	v36 =	vld.idx.msk [tilespmem:v36+s17+$0x0], $0xffff  }
0x138: {  	v2 =	vmov v13;
	v40 =	vor.u32 v47, v15;
	[tilespmem:v1+s20+$0x0] =	vst.idx.msk $0xffff, v26;
	v26 =	vld.idx.msk [tilespmem:v30+s17+$0x0], $0xffff  }
0x139: {  	v13 =	vmov v60;
	v30 =	vor.u32 v42, v60;
	[tilespmem:v37+s20+$0x0] =	vst.idx.msk $0xffff, v29;
	v60 =	vld [tilespmem:$0x1FD40];
	v35 =	vor.u32 v45, v20  }
0x13a: {  	v39 =	vor.u32 v56, v11;
	v1 =	vor.u32 v56, v4;
	v34 =	vor.u32 v45, v21;
	v27 =	vld.idx.msk [tilespmem:v27+s17+$0x0], $0xffff  }
0x13b: {  	v37 =	vor.u32 v56, v6;
	[tilespmem:v41+s20+$0x0] =	vst.idx.msk $0xffff, v32;
	v32 =	vor.u32 v56, v10;
	v56 =	vld [tilespmem:$0x1FD30]  }
0x13c: {  	v28 =	vld.idx.msk [tilespmem:v28+s17+$0x0], $0xffff;
	[tilespmem:v31+s20+$0x0] =	vst.idx.msk $0xffff, v25  }
0x13d: {  	v25 =	vor.u32 v59, v24;
	v31 =	vor.u32 v42, v12;
	v29 =	vld.idx.msk [tilespmem:v38+s17+$0x0], $0xffff  }
0x13e: {  	[tilespmem:v40+s20+$0x0] =	vst.idx.msk $0xffff, v33;
	v33 =	vor.u32 v49, v23;
	v35 =	vld.idx.msk [tilespmem:v35+s17+$0x0], $0xffff  }
0x13f: {  	v34 =	vld.idx.msk [tilespmem:v34+s17+$0x0], $0xffff  }
0x140: {  	v38 =	vor.u32 v42, v9;
	[tilespmem:v1+s20+$0x0] =	vst.idx.msk $0xffff, v36;
	v1 =	vor.u32 v42, v8;
	v42 =	vld [tilespmem:$0x1FF40]  }
0x141: {  	[tilespmem:v39+s20+$0x0] =	vst.idx.msk $0xffff, v26;
	v30 =	vld.idx.msk [tilespmem:v30+s17+$0x0], $0xffff  }
0x142: {  	v41 =	vor.u32 v45, v22;
	v36 =	vor.u32 v56, v15;
	[tilespmem:v25+s20+$0x0] =	vst.idx.msk $0xffff, v28;
	v28 =	vld.idx.msk [tilespmem:v31+s17+$0x0], $0xffff  }
0x143: {  	v40 =	vor.u32 v56, v14;
	v31 =	vld.idx.msk [tilespmem:v33+s17+$0x0], $0xffff  }
0x144: {  	v26 =	vor.u32 v60, v2;
	[tilespmem:v37+s20+$0x0] =	vst.idx.msk $0xffff, v29;
	v29 =	vor.u32 v62, v24;
	v62 =	vld [tilespmem:$0x1FD50]  }
0x145: {  	[tilespmem:v32+s20+$0x0] =	vst.idx.msk $0xffff, v27;
	v25 =	vor.u32 v43, v4;
	v27 =	vld.idx.msk [tilespmem:v38+s17+$0x0], $0xffff  }
0x146: {  	v39 =	vor.u32 v43, v11;
	v33 =	vor.u32 v42, v63;
	v1 =	vld.idx.msk [tilespmem:v1+s17+$0x0], $0xffff  }
0x147: {  	v32 =	vor.u32 v61, v0;
	v37 =	vor.u32 v42, v5;
	[tilespmem:v36+s20+$0x0] =	vst.idx.msk $0xffff, v34;
	v34 =	vld.idx.msk [tilespmem:v41+s17+$0x0], $0xffff  }
0x148: {  	[tilespmem:v40+s20+$0x0] =	vst.idx.msk $0xffff, v35;
	v35 =	vor.u32 v43, v6;
	v36 =	vor.u32 v43, v10;
	v43 =	vld [tilespmem:$0x1FF50]  }
0x149: {  	v26 =	vld.idx.msk [tilespmem:v26+s17+$0x0], $0xffff  }
0x14a: {  	v38 =	vor.u32 v42, v17;
	[tilespmem:v25+s20+$0x0] =	vst.idx.msk $0xffff, v30;
	v25 =	vor.u32 v42, v3;
	v42 =	vld [tilespmem:$0x1FF60]  }
0x14b: {  	v40 =	vor.u32 v56, v16;
	[tilespmem:v39+s20+$0x0] =	vst.idx.msk $0xffff, v28;
	v33 =	vld.idx.msk [tilespmem:v33+s17+$0x0], $0xffff  }
0x14c: {  	[tilespmem:v29+s20+$0x0] =	vst.idx.msk $0xffff, v31;
	v31 =	vld.idx.msk [tilespmem:v37+s17+$0x0], $0xffff  }
0x14d: {  	v41 =	vor.u32 v60, v18;
	v28 =	vor.u32 v60, v19;
	v32 =	vld.idx.msk [tilespmem:v32+s17+$0x0], $0xffff  }
0x14e: {  	v30 =	vor.u32 v62, v14;
	[tilespmem:v35+s20+$0x0] =	vst.idx.msk $0xffff, v27;
	v27 =	vor.u32 v50, v24;
	v50 =	vld [tilespmem:$0x1FD60]  }
0x14f: {  	v29 =	vor.u32 v43, v4;
	[tilespmem:v36+s20+$0x0] =	vst.idx.msk $0xffff, v1;
	v1 =	vld.idx.msk [tilespmem:v38+s17+$0x0], $0xffff  }
0x150: {  	v61 =	vor.u32 v43, v11;
	[tilespmem:v40+s20+$0x0] =	vst.idx.msk $0xffff, v34;
	v34 =	vor.u32 v44, v23;
	v44 =	vld [tilespmem:$0x1FD90]  }
0x151: {  	v25 =	vld.idx.msk [tilespmem:v25+s17+$0x0], $0xffff  }
0x152: {  	v28 =	vld.idx.msk [tilespmem:v28+s17+$0x0], $0xffff  }
0x153: {  	v36 =	vor.u32 v43, v6;
	[tilespmem:v30+s20+$0x0] =	vst.idx.msk $0xffff, v26;
	v26 =	vld.idx.msk [tilespmem:v41+s17+$0x0], $0xffff  }
0x154: {  	v37 =	vor.u32 v42, v13;
	v30 =	vor.u32 v43, v10;
	v43 =	vld [tilespmem:$0x1FF90];
	[tilespmem:v29+s20+$0x0] =	vst.idx.msk $0xffff, v33  }
0x155: {  	v40 =	vor.u32 v62, v15;
	v35 =	vor.u32 v42, v12;
	[tilespmem:v61+s20+$0x0] =	vst.idx.msk $0xffff, v31;
	v61 =	vld [tilespmem:$0x1FF70]  }
0x156: {  	v38 =	vor.u32 v42, v9;
	v29 =	vor.u32 v42, v8;
	[tilespmem:v27+s20+$0x0] =	vst.idx.msk $0xffff, v32;
	v42 =	vld [tilespmem:$0x1FF80]  }
0x157: {  	v34 =	vld.idx.msk [tilespmem:v34+s17+$0x0], $0xffff  }
0x158: {  	[tilespmem:v36+s20+$0x0] =	vst.idx.msk $0xffff, v1;
	v1 =	vor.u32 v47, v24;
	v47 =	vld [tilespmem:$0x1FD70]  }
0x159: {  	v41 =	vor.u32 v62, v16;
	v33 =	vor.u32 v50, v20;
	v37 =	vld.idx.msk [tilespmem:v37+s17+$0x0], $0xffff  }
0x15a: {  	v31 =	vor.u32 v50, v21;
	v32 =	vld.idx.msk [tilespmem:v35+s17+$0x0], $0xffff;
	[tilespmem:v30+s20+$0x0] =	vst.idx.msk $0xffff, v25  }
0x15b: {  	v25 =	vld.idx.msk [tilespmem:v38+s17+$0x0], $0xffff;
	[tilespmem:v40+s20+$0x0] =	vst.idx.msk $0xffff, v26;
	v26 =	vor.u32 v45, v0  }
0x15c: {  	v45 =	vld [tilespmem:$0x1FD80];
	v27 =	vor.u32 v61, v4  }
0x15d: {  	v29 =	vld.idx.msk [tilespmem:v29+s17+$0x0], $0xffff;
	v30 =	vor.u32 v61, v6  }
0x15e: {  	v35 =	vor.u32 v42, v63;
	v39 =	vor.u32 v61, v11;
	v33 =	vld.idx.msk [tilespmem:v33+s17+$0x0], $0xffff;
	[tilespmem:v41+s20+$0x0] =	vst.idx.msk $0xffff, v28  }
0x15f: {  	v36 =	vor.u32 v42, v5;
	v31 =	vld.idx.msk [tilespmem:v31+s17+$0x0], $0xffff;
	[tilespmem:v1+s20+$0x0] =	vst.idx.msk $0xffff, v34  }
0x160: {  	v28 =	vor.u32 v61, v10;
	v38 =	vor.u32 v42, v17;
	v41 =	vor.u32 v50, v22;
	v26 =	vld.idx.msk [tilespmem:v26+s17+$0x0], $0xffff  }
0x161: {  	v61 =	vor.u32 v47, v14;
	[tilespmem:v27+s20+$0x0] =	vst.idx.msk $0xffff, v37;
	v27 =	vor.u32 v42, v3;
	v42 =	vld [tilespmem:$0x1FFA0]  }
0x162: {  	v37 =	vor.u32 v47, v15;
	[tilespmem:v30+s20+$0x0] =	vst.idx.msk $0xffff, v25;
	v25 =	vor.u32 v56, v24;
	v56 =	vld [tilespmem:$0x1FFC0]  }
0x163: {  	[tilespmem:v39+s20+$0x0] =	vst.idx.msk $0xffff, v32;
	v35 =	vld.idx.msk [tilespmem:v35+s17+$0x0], $0xffff  }
0x164: {  	v32 =	vor.u32 v45, v2;
	v34 =	vld.idx.msk [tilespmem:v36+s17+$0x0], $0xffff  }
0x165: {  	v1 =	vor.u32 v43, v4;
	[tilespmem:v28+s20+$0x0] =	vst.idx.msk $0xffff, v29;
	v29 =	vor.u32 v60, v23;
	v28 =	vld.idx.msk [tilespmem:v38+s17+$0x0], $0xffff  }
0x166: {  	v39 =	vor.u32 v43, v11;
	[tilespmem:v61+s20+$0x0] =	vst.idx.msk $0xffff, v33;
	v27 =	vld.idx.msk [tilespmem:v27+s17+$0x0], $0xffff  }
0x167: {  	v61 =	vor.u32 v43, v6;
	[tilespmem:v37+s20+$0x0] =	vst.idx.msk $0xffff, v31;
	v31 =	vld.idx.msk [tilespmem:v41+s17+$0x0], $0xffff  }
0x168: {  	v30 =	vor.u32 v42, v12;
	v37 =	vor.u32 v43, v10;
	v43 =	vld [tilespmem:$0x1FFB0]  }
0x169: {  	v40 =	vor.u32 v47, v16;
	v36 =	vor.u32 v42, v13;
	v32 =	vld.idx.msk [tilespmem:v32+s17+$0x0], $0xffff;
	[tilespmem:v25+s20+$0x0] =	vst.idx.msk $0xffff, v26  }
0x16a: {  	v38 =	vor.u32 v42, v9;
	v41 =	vor.u32 v45, v18;
	[tilespmem:v1+s20+$0x0] =	vst.idx.msk $0xffff, v35;
	v29 =	vld.idx.msk [tilespmem:v29+s17+$0x0], $0xffff  }
0x16b: {  	v1 =	vor.u32 v42, v8;
	v35 =	vor.u32 v44, v14;
	[tilespmem:v39+s20+$0x0] =	vst.idx.msk $0xffff, v34;
	v42 =	vld [tilespmem:$0x1FDA0]  }
0x16c: {  	[tilespmem:v61+s20+$0x0] =	vst.idx.msk $0xffff, v28;
	v28 =	vor.u32 v62, v24;
	v39 =	vld [tilespmem:$0x1FDB0]  }
0x16d: {  	v26 =	vld.idx.msk [tilespmem:v30+s17+$0x0], $0xffff;
	v60 =	vor.u32 v43, v11;
	[tilespmem:v37+s20+$0x0] =	vst.idx.msk $0xffff, v27  }
0x16e: {  	v36 =	vld.idx.msk [tilespmem:v36+s17+$0x0], $0xffff;
	[tilespmem:v40+s20+$0x0] =	vst.idx.msk $0xffff, v31;
	v31 =	vor.u32 v50, v0  }
0x16f: {  	v27 =	vld.idx.msk [tilespmem:v38+s17+$0x0], $0xffff;
	v62 =	vor.u32 v43, v6  }
0x170: {  	v34 =	vor.u32 v45, v19;
	v25 =	vor.u32 v43, v4;
	[tilespmem:v35+s20+$0x0] =	vst.idx.msk $0xffff, v32;
	v32 =	vld.idx.msk [tilespmem:v41+s17+$0x0], $0xffff  }
0x171: {  	[tilespmem:v28+s20+$0x0] =	vst.idx.msk $0xffff, v29;
	v1 =	vld.idx.msk [tilespmem:v1+s17+$0x0], $0xffff  }
0x172: {  	v30 =	vor.u32 v56, v63;
	[tilespmem:v60+s20+$0x0] =	vst.idx.msk $0xffff, v26;
	v60 =	vld [tilespmem:$0x1FFD0]  }
0x173: {  	v61 =	vor.u32 v56, v5;
	v50 =	vor.u32 v44, v15;
	v31 =	vld.idx.msk [tilespmem:v31+s17+$0x0], $0xffff  }
0x174: {  	v38 =	vor.u32 v56, v17;
	v35 =	vor.u32 v43, v10;
	[tilespmem:v62+s20+$0x0] =	vst.idx.msk $0xffff, v27;
	v62 =	vld [tilespmem:$0x1FFE0]  }
0x175: {  	v34 =	vld.idx.msk [tilespmem:v34+s17+$0x0], $0xffff;
	[tilespmem:v25+s20+$0x0] =	vst.idx.msk $0xffff, v36;
	v25 =	vor.u32 v56, v3;
	v56 =	vor.u32 v44, v16  }
0x176: {  	v40 =	vld [tilespmem:$0x1FFF0];
	v27 =	vor.u32 v47, v24  }
0x177: {  	v45 =	vor.u32 v45, v23;
	v30 =	vld.idx.msk [tilespmem:v30+s17+$0x0], $0xffff;
	v26 =	vor.u32 v60, v4  }
0x178: {  	v29 =	vor.u32 v42, v20;
	v28 =	vld.idx.msk [tilespmem:v61+s17+$0x0], $0xffff;
	[tilespmem:v50+s20+$0x0] =	vst.idx.msk $0xffff, v32;
	v61 =	vor.u32 v60, v11  }
0x179: {  	[tilespmem:v35+s20+$0x0] =	vst.idx.msk $0xffff, v1;
	v1 =	vld.idx.msk [tilespmem:v38+s17+$0x0], $0xffff;
	v47 =	vor.u32 v60, v6;
	v43 =	vor.u32 v62, v12  }
0x17a: {  	v25 =	vld.idx.msk [tilespmem:v25+s17+$0x0], $0xffff;
	[tilespmem:v56+s20+$0x0] =	vst.idx.msk $0xffff, v34;
	v50 =	vor.u32 v60, v10;
	v60 =	vmov v20  }
0x17b: {  	v20 =	vor.u32 v39, v14;
	v56 =	vor.u32 v62, v9;
	v9 =	vmov v0;
	[tilespmem:v27+s20+$0x0] =	vst.idx.msk $0xffff, v31;
	v0 =	vld [tilespmem:$0x1FE30]  }
0x17c: {  	v12 =	vmov v21;
	[tilespmem:v26+s20+$0x0] =	vst.idx.msk $0xffff, v30;
	v26 =	vor.u32 v62, v8;
	v30 =	vld.idx.msk [tilespmem:v45+s17+$0x0], $0xffff  }
0x17d: {  	v8 =	vmov v22;
	[tilespmem:v61+s20+$0x0] =	vst.idx.msk $0xffff, v28;
	v28 =	vor.u32 v42, v12;
	v21 =	vld.idx.msk [tilespmem:v29+s17+$0x0], $0xffff  }
0x17e: {  	v31 =	vor.u32 v40, v11;
	[tilespmem:v47+s20+$0x0] =	vst.idx.msk $0xffff, v1;
	v27 =	vld.idx.msk [tilespmem:v43+s17+$0x0], $0xffff;
	v29 =	vor.u32 v42, v8  }
0x17f: {  	v22 =	vor.u32 v62, v13;
	v1 =	vor.u32 v44, v24;
	[tilespmem:v50+s20+$0x0] =	vst.idx.msk $0xffff, v25;
	v50 =	vld [tilespmem:$0x1FDC0]  }
0x180: {  	v25 =	vor.u32 v40, v10;
	v41 =	vld.idx.msk [tilespmem:v56+s17+$0x0], $0xffff;
	v43 =	vor.u32 v42, v9;
	v0 =	vor.u32 $0x7830, v0  }
0x181: {  	v44 =	vor.u32 v40, v6;
	v45 =	vor.u32 v0, v5;
	v47 =	vor.u32 v0, v3;
	v34 =	vld.idx.msk [tilespmem:v26+s17+$0x0], $0xffff  }
0x182: {  	v17 =	vor.u32 v0, v17;
	v3 =	vmov v19;
	v19 =	vld.idx.msk [tilespmem:v28+s17+$0x0], $0xffff;
	[tilespmem:v20+s20+$0x0] =	vst.idx.msk $0xffff, v21  }
0x183: {  	[tilespmem:v31+s20+$0x0] =	vst.idx.msk $0xffff, v27;
	v27 =	vor.u32 v39, v15;
	v28 =	vld.idx.msk [tilespmem:v29+s17+$0x0], $0xffff  }
0x184: {  	v5 =	vmov v18;
	[tilespmem:v1+s20+$0x0] =	vst.idx.msk $0xffff, v30;
	v21 =	vor.u32 v40, v4;
	v18 =	vld.idx.msk [tilespmem:v22+s17+$0x0], $0xffff  }
0x185: {  	v61 =	vor.u32 v39, v24;
	v20 =	vor.u32 v0, v63;
	v63 =	vmov v2;
	v31 =	vld.idx.msk [tilespmem:v43+s17+$0x0], $0xffff  }
0x186: {  	v30 =	vor.u32 v39, v16;
	[tilespmem:v44+s20+$0x0] =	vst.idx.msk $0xffff, v41;
	v2 =	vlaneseq.u32;
	v22 =	vor.u32 v50, v63;
	v33 =	vld.idx.msk [tilespmem:v45+s17+$0x0], $0xffff  }
0x187: {  	v62 =	vor.u32 v50, v23;
	v1 =	vor.u32 $0x3870, v2;
	[tilespmem:v25+s20+$0x0] =	vst.idx.msk $0xffff, v34;
	v25 =	vld.idx.msk [tilespmem:v17+s17+$0x0], $0xffff  }
0x188: {  	v29 =	vor.u32 v50, v5;
	v11 =	vor.u32 v1, v11;
	v37 =	vld.idx.msk [tilespmem:v47+s17+$0x0], $0xffff;
	[tilespmem:v27+s20+$0x0] =	vst.idx.msk $0xffff, v19  }
0x189: {  	v13 =	vadd.s32 s0, v2;
	v34 =	vor.u32 v1, v6;
	v19 =	vor.u32 v50, v3;
	v50 =	vld [tilespmem:$0x1FDD0];
	[tilespmem:v21+s20+$0x0] =	vst.idx.msk $0xffff, v18  }
0x18a: {  	v36 =	vor.u32 v1, v4;
	v27 =	vld.idx.msk [tilespmem:v20+s17+$0x0], $0xffff;
	v20 =	vand.u32 $0xF, v13  }
0x18b: {  	[tilespmem:v30+s20+$0x0] =	vst.idx.msk $0xffff, v28;
	v47 =	vld.idx.msk [tilespmem:v22+s17+$0x0], $0xffff;
	v22 =	vor.u32 v54, v20  }
0x18c: {  	s5 =	sadd.s32 $0x1, s0;
	v10 =	vor.u32 v1, v10;
	[tilespmem:v61+s20+$0x0] =	vst.idx.msk $0xffff, v31;
	v61 =	vld [tilespmem:$0x1FDE0]  }
0x18d: {  	v28 =	vld.idx.msk [tilespmem:v29+s17+$0x0], $0xffff;
	v18 =	vadd.s32 s5, v2;
	[tilespmem:v11+s20+$0x0] =	vst.idx.msk $0xffff, v33  }
0x18e: {  	s8 =	sadd.s32 $0x2, s0;
	v21 =	vand.u32 $0xF, v18;
	[tilespmem:v34+s20+$0x0] =	vst.idx.msk $0xffff, v25  }
0x18f: {  	v11 =	vor.u32 v54, v21;
	v32 =	vld.idx.msk [tilespmem:v19+s17+$0x0], $0xffff;
	v19 =	vadd.s32 s8, v2;
	[tilespmem:v36+s20+$0x0] =	vst.idx.msk $0xffff, v27  }
0x190: {  	v6 =	vmovc v24;
	v24 =	vor.u32 v50, v14;
	v30 =	vor.u32 v50, v15;
	v35 =	vld.idx.msk [tilespmem:v22+s17+$0x0], $0xffff;
	v22 =	vand.u32 $0xF, v19  }
0x191: {  	v25 =	vor.u32 v61, v12;
	[tilespmem:v10+s20+$0x0] =	vst.idx.msk $0xffff, v37;
	v37 =	vor.u32 v54, v22;
	v54 =	vld [tilespmem:$0x1FDF0];
	_ =	sdelay $0x1  }
0x192: {  	v29 =	vor.u32 v61, v60;
	v31 =	vld.idx.msk [tilespmem:v62+s17+$0x0], $0xffff;
	v62 =	vor.u32 v50, v6  }
0x193: {  	v43 =	vld [tilespmem:$0x1FE00];
	v4 =	vmovc v14;
	v10 =	vor.u32 v50, v16;
	v50 =	vor.u32 v61, v9;
	v14 =	vshll.u32 v20, $0x7  }
0x194: {  	v36 =	vor.u32 v58, v14;
	[tilespmem:v30+s20+$0x0] =	vst.idx.msk $0xffff, v28  }
0x195: {  	[tilespmem:v24+s20+$0x0] =	vst.idx.msk $0xffff, v47;
	v24 =	vor.u32 v61, v8;
	v25 =	vld.idx.msk [tilespmem:v25+s17+$0x0], $0xffff;
	v61 =	vor.u32 v54, v15  }
0x196: {  	v47 =	vld.idx.msk [tilespmem:v11+s17+$0x0], $0xffff;
	v11 =	vmov v15;
	v15 =	vshll.u32 v21, $0x7  }
0x197: {  	v28 =	vor.u32 v52, v13;
	[tilespmem:v62+s20+$0x0] =	vst.idx.msk $0xffff, v31;
	v29 =	vld.idx.msk [tilespmem:v29+s17+$0x0], $0xffff;
	v31 =	vor.u32 v58, v15  }
0x198: {  	v62 =	vor.u32 v43, v5;
	[tilespmem:v10+s20+$0x0] =	vst.idx.msk $0xffff, v32;
	v32 =	vld.idx.msk [tilespmem:v50+s17+$0x0], $0xffff  }
0x199: {  	v27 =	vor.u32 v49, v13;
	[tilespmem:v36+s20+$0x0] =	vst.idx.msk $0xffff, v35;
	v35 =	vld.idx.msk [tilespmem:v37+s17+$0x0], $0xffff  }
0x19a: {  	v49 =	vor.u32 v52, v18;
	v30 =	vor.u32 v54, v4;
	[tilespmem:v61+s20+$0x0] =	vst.idx.msk $0xffff, v25;
	v61 =	vld [tilespmem:$0x1FE10]  }
0x19b: {  	v50 =	vor.u32 v54, v6;
	v24 =	vld.idx.msk [tilespmem:v24+s17+$0x0], $0xffff  }
0x19c: {  	v10 =	vmov v16;
	v28 =	vld.idx.msk [tilespmem:v28+s17+$0x0], $0xffff;
	[tilespmem:v31+s20+$0x0] =	vst.idx.msk $0xffff, v47  }
0x19d: {  	v39 =	vor.u32 v43, v63;
	v16 =	vshll.u32 v22, $0x7;
	v36 =	vor.u32 v54, v10;
	v33 =	vld.idx.msk [tilespmem:v62+s17+$0x0], $0xffff  }
0x19e: {  	v37 =	vor.u32 v43, v23;
	v54 =	vor.u32 v58, v16;
	v62 =	vld [tilespmem:$0x1FE40]  }
0x19f: {  	[tilespmem:v30+s20+$0x0] =	vst.idx.msk $0xffff, v29;
	v29 =	vor.u32 v43, v3;
	v34 =	vld.idx.msk [tilespmem:v49+s17+$0x0], $0xffff;
	v49 =	vor.u32 v61, v11  }
0x1a0: {  	v56 =	vld [tilespmem:$0x1FE90];
	[tilespmem:v50+s20+$0x0] =	vst.idx.msk $0xffff, v32;
	v50 =	vor.u32 v7, v15  }
0x1a1: {  	v45 =	vld [tilespmem:$0x1FE60];
	v58 =	vor.u32 v52, v19;
	v30 =	vor.u32 v7, v14  }
0x1a2: {  	v25 =	vor.u32 v51, v20;
	v39 =	vld.idx.msk [tilespmem:v39+s17+$0x0], $0xffff;
	[tilespmem:v36+s20+$0x0] =	vst.idx.msk $0xffff, v24;
	v31 =	vor.u32 v61, v4  }
0x1a3: {  	v24 =	vld.idx.msk [tilespmem:v37+s17+$0x0], $0xffff;
	[tilespmem:v54+s20+$0x0] =	vst.idx.msk $0xffff, v35;
	v38 =	vor.u32 v62, v60  }
0x1a4: {  	v29 =	vld.idx.msk [tilespmem:v29+s17+$0x0], $0xffff;
	v54 =	vor.u32 v61, v6;
	v41 =	vor.u32 v62, v12;
	[tilespmem:v49+s20+$0x0] =	vst.idx.msk $0xffff, v33  }
0x1a5: {  	v52 =	vor.u32 v51, v21;
	v37 =	vor.u32 v61, v10;
	[tilespmem:v50+s20+$0x0] =	vst.idx.msk $0xffff, v34;
	v50 =	vld [tilespmem:$0x1FE50]  }
0x1a6: {  	v43 =	vor.u32 v7, v16;
	[tilespmem:v30+s20+$0x0] =	vst.idx.msk $0xffff, v28;
	v30 =	vld.idx.msk [tilespmem:v58+s17+$0x0], $0xffff;
	v58 =	vor.u32 v62, v9  }
0x1a7: {  	v25 =	vld.idx.msk [tilespmem:v25+s17+$0x0], $0xffff;
	[tilespmem:v31+s20+$0x0] =	vst.idx.msk $0xffff, v39;
	v31 =	vor.u32 v62, v8  }
0x1a8: {  	v61 =	vor.u32 v53, v14;
	v62 =	vor.u32 v51, v22;
	v38 =	vld.idx.msk [tilespmem:v38+s17+$0x0], $0xffff  }
0x1a9: {  	[tilespmem:v54+s20+$0x0] =	vst.idx.msk $0xffff, v24;
	v34 =	vld.idx.msk [tilespmem:v41+s17+$0x0], $0xffff  }
0x1aa: {  	v49 =	vor.u32 v55, v13;
	[tilespmem:v37+s20+$0x0] =	vst.idx.msk $0xffff, v29;
	v36 =	vld.idx.msk [tilespmem:v52+s17+$0x0], $0xffff;
	v51 =	vor.u32 v50, v4  }
0x1ab: {  	[tilespmem:v43+s20+$0x0] =	vst.idx.msk $0xffff, v30;
	v29 =	vld.idx.msk [tilespmem:v58+s17+$0x0], $0xffff;
	v52 =	vor.u32 v50, v11  }
0x1ac: {  	v30 =	vld.idx.msk [tilespmem:v31+s17+$0x0], $0xffff;
	v31 =	vor.u32 v50, v6  }
0x1ad: {  	v17 =	vor.u32 v45, v63;
	[tilespmem:v61+s20+$0x0] =	vst.idx.msk $0xffff, v25;
	v25 =	vld.idx.msk [tilespmem:v62+s17+$0x0], $0xffff;
	v61 =	vor.u32 v50, v10  }
0x1ae: {  	v24 =	vor.u32 v53, v15;
	v62 =	vor.u32 v45, v23;
	v50 =	vld [tilespmem:$0x1FE70]  }
0x1af: {  	v42 =	vor.u32 v53, v16;
	v54 =	vor.u32 v45, v5;
	v33 =	vld.idx.msk [tilespmem:v49+s17+$0x0], $0xffff;
	[tilespmem:v51+s20+$0x0] =	vst.idx.msk $0xffff, v38  }
0x1b0: {  	v28 =	vor.u32 v46, v60;
	v46 =	vld [tilespmem:$0x1FC30];
	v58 =	vor.u32 v55, v18;
	[tilespmem:v52+s20+$0x0] =	vst.idx.msk $0xffff, v34  }
0x1b1: {  	v32 =	vor.u32 v45, v3;
	v53 =	vld [tilespmem:$0x1FE80];
	v38 =	vor.u32 v57, v14;
	[tilespmem:v31+s20+$0x0] =	vst.idx.msk $0xffff, v29  }
0x1b2: {  	v34 =	vor.u32 v48, v20;
	[tilespmem:v61+s20+$0x0] =	vst.idx.msk $0xffff, v30;
	v17 =	vld.idx.msk [tilespmem:v17+s17+$0x0], $0xffff  }
0x1b3: {  	[tilespmem:v24+s20+$0x0] =	vst.idx.msk $0xffff, v36;
	v24 =	vor.u32 v50, v4;
	v61 =	vld.idx.msk [tilespmem:v62+s17+$0x0], $0xffff  }
0x1b4: {  	v52 =	vld.idx.msk [tilespmem:v54+s17+$0x0], $0xffff  }
0x1b5: {  	v43 =	vor.u32 v55, v19;
	v55 =	vor.u32 v50, v11;
	[tilespmem:v42+s20+$0x0] =	vst.idx.msk $0xffff, v25;
	v37 =	vld.idx.msk [tilespmem:v58+s17+$0x0], $0xffff  }
0x1b6: {  	v29 =	vor.u32 v57, v15;
	v54 =	vor.u32 v53, v60;
	v31 =	vld.idx.msk [tilespmem:v32+s17+$0x0], $0xffff;
	[tilespmem:v38+s20+$0x0] =	vst.idx.msk $0xffff, v33  }
0x1b7: {  	v25 =	vor.u32 v50, v6;
	v58 =	vor.u32 v53, v12;
	v32 =	vld.idx.msk [tilespmem:v34+s17+$0x0], $0xffff  }
0x1b8: {  	p1 =	slt.u32 s0, $0xC;
	v62 =	vor.u32 v48, v21;
	[tilespmem:v24+s20+$0x0] =	vst.idx.msk $0xffff, v17;
	v17 =	vld [tilespmem:$0x1FC30]  }
.Ltmp3:
0x1b9: {  	v26 =	vor.u32 v56, v63;
	v40 =	vor.u32 v59, v14;
	v47 =	vld [tilespmem:$0x1FC20];
	(pc) =	sbr.rel @p1 .LBB2_5-.Ltmp3, $4  }
0x1ba: {  	v39 =	vor.u32 v46, v11;
	v42 =	vor.u32 v48, v22;
	v35 =	vld.idx.msk [tilespmem:v43+s17+$0x0], $0xffff;
	[tilespmem:v55+s20+$0x0] =	vst.idx.msk $0xffff, v52  }
0x1bb: {  	v43 =	vor.u32 v57, v16;
	v38 =	vor.u32 v50, v10;
	v36 =	vld.idx.msk [tilespmem:v54+s17+$0x0], $0xffff;
	[tilespmem:v29+s20+$0x0] =	vst.idx.msk $0xffff, v37  }
0x1bc: {  	s8 =	sadd.s32 $0x3, s0;
	v33 =	vor.u32 v53, v9;
	v34 =	vor.u32 v53, v8;
	[tilespmem:v25+s20+$0x0] =	vst.idx.msk $0xffff, v61;
	v30 =	vld.idx.msk [tilespmem:v58+s17+$0x0], $0xffff  }
0x1bd: {  	s0 =	sadd.s32 $0x4, s0;
	v29 =	vor.u32 v56, v5;
	v37 =	vld.idx.msk [tilespmem:v62+s17+$0x0], $0xffff;
	v41 =	vor.u32 v17, v4;
	v17 =	vmovc v23;
	v23 =	vadd.s32 s8, v2  }
0x1be: {  	v24 =	vld [tilespmem:$0x1FC40];
	_ =	sdelay $0x3  }
0x1bf: {  	v25 =	vand.u32 $0xF, v23  }
0x1c0: {  	v45 =	vld [tilespmem:$0x1FC50];
	v44 =	vor.u32 v24, v25;
	_ =	sdelay $0x3  }
0x1c1: {  	v24 =	vshll.u32 v25, $0x7  }
0x1c2: {  	v45 =	vor.u32 v45, v24;
	v44 =	vld.idx.msk [tilespmem:v44+s17+$0x0], $0xffff  }
0x1c3: {  	v51 =	vld [tilespmem:$0x1FC60];
	_ =	sdelay $0x3  }
0x1c4: {  	[tilespmem:v45+s20+$0x0] =	vst.idx.msk $0xffff, v44  }
0x1c5: {  	v2 =	vmov v46;
	v46 =	vor.u32 v51, v23;
	v7 =	vld [tilespmem:$0x1FC70];
	_ =	sdelay $0x4  }
0x1c6: {  	v44 =	vld.idx.msk [tilespmem:v46+s17+$0x0], $0xffff;
	v52 =	vor.u32 v7, v24  }
0x1c7: {  	v53 =	vld [tilespmem:$0x1FC80];
	_ =	sdelay $0x3  }
0x1c8: {  	[tilespmem:v52+s20+$0x0] =	vst.idx.msk $0xffff, v44  }
0x1c9: {  	v46 =	vor.u32 v53, v25;
	v7 =	vld [tilespmem:$0x1FC90];
	_ =	sdelay $0x4  }
0x1ca: {  	v44 =	vld.idx.msk [tilespmem:v46+s17+$0x0], $0xffff;
	v54 =	vor.u32 v7, v24  }
0x1cb: {  	v55 =	vld [tilespmem:$0x1FCA0];
	_ =	sdelay $0x3  }
0x1cc: {  	[tilespmem:v54+s20+$0x0] =	vst.idx.msk $0xffff, v44  }
0x1cd: {  	v46 =	vor.u32 v55, v23;
	v7 =	vld [tilespmem:$0x1FCB0];
	_ =	sdelay $0x4  }
0x1ce: {  	v44 =	vld.idx.msk [tilespmem:v46+s17+$0x0], $0xffff;
	v56 =	vor.u32 v7, v24  }
0x1cf: {  	v57 =	vld [tilespmem:$0x1FCC0];
	_ =	sdelay $0x3  }
0x1d0: {  	[tilespmem:v56+s20+$0x0] =	vst.idx.msk $0xffff, v44  }
0x1d1: {  	v46 =	vor.u32 v57, v25;
	v48 =	vld [tilespmem:$0x1FCD0];
	_ =	sdelay $0x4  }
0x1d2: {  	v44 =	vld.idx.msk [tilespmem:v46+s17+$0x0], $0xffff;
	v58 =	vor.u32 v48, v24  }
0x1d3: {  	[tilespmem:v43+s20+$0x0] =	vst.idx.msk $0xffff, v35;
	v59 =	vor.u32 v48, v15  }
0x1d4: {  	v61 =	vld [tilespmem:$0x1FCE0];
	[tilespmem:v38+s20+$0x0] =	vst.idx.msk $0xffff, v31  }
0x1d5: {  	[tilespmem:v40+s20+$0x0] =	vst.idx.msk $0xffff, v32  }
0x1d6: {  	[tilespmem:v41+s20+$0x0] =	vst.idx.msk $0xffff, v36  }
0x1d7: {  	v49 =	vld.idx.msk [tilespmem:v42+s17+$0x0], $0xffff;
	v50 =	vor.u32 v48, v16;
	[tilespmem:v58+s20+$0x0] =	vst.idx.msk $0xffff, v44  }
0x1d8: {  	[tilespmem:v59+s20+$0x0] =	vst.idx.msk $0xffff, v37  }
0x1d9: {  	v62 =	vor.u32 v61, v23;
	v56 =	vld [tilespmem:$0x1FCF0]  }
0x1da: {  	v51 =	vor.u32 v61, v18  }
0x1db: {  	v33 =	vld.idx.msk [tilespmem:v33+s17+$0x0], $0xffff  }
0x1dc: {  	v53 =	vor.u32 v2, v6;
	v34 =	vld.idx.msk [tilespmem:v34+s17+$0x0], $0xffff;
	[tilespmem:v50+s20+$0x0] =	vst.idx.msk $0xffff, v49  }
0x1dd: {  	v54 =	vor.u32 v2, v10;
	v52 =	vor.u32 v61, v19;
	v45 =	vld [tilespmem:$0x1FD00]  }
0x1de: {  	v55 =	vld.idx.msk [tilespmem:v62+s17+$0x0], $0xffff;
	v57 =	vor.u32 v56, v24  }
0x1df: {  	v58 =	vld.idx.msk [tilespmem:v51+s17+$0x0], $0xffff;
	v59 =	vor.u32 v56, v15  }
0x1e0: {  	[tilespmem:v39+s20+$0x0] =	vst.idx.msk $0xffff, v30  }
0x1e1: {  	v27 =	vld.idx.msk [tilespmem:v27+s17+$0x0], $0xffff;
	[tilespmem:v53+s20+$0x0] =	vst.idx.msk $0xffff, v33  }
0x1e2: {  	v48 =	vld.idx.msk [tilespmem:v52+s17+$0x0], $0xffff;
	[tilespmem:v54+s20+$0x0] =	vst.idx.msk $0xffff, v34;
	v49 =	vor.u32 v56, v16;
	v46 =	vor.u32 v45, v25  }
0x1e3: {  	v7 =	vld [tilespmem:$0x1FEA0];
	[tilespmem:v57+s20+$0x0] =	vst.idx.msk $0xffff, v55  }
0x1e4: {  	v42 =	vld [tilespmem:$0x1FE90];
	[tilespmem:v59+s20+$0x0] =	vst.idx.msk $0xffff, v58  }
0x1e5: {  	v44 =	vld [tilespmem:$0x1FD10]  }
0x1e6: {  	v26 =	vld.idx.msk [tilespmem:v26+s17+$0x0], $0xffff;
	v50 =	vor.u32 v45, v21  }
0x1e7: {  	v51 =	vor.u32 v56, v14;
	v56 =	vld.idx.msk [tilespmem:v46+s17+$0x0], $0xffff;
	[tilespmem:v49+s20+$0x0] =	vst.idx.msk $0xffff, v48  }
0x1e8: {  	v52 =	vor.u32 v45, v22;
	v53 =	vor.u32 v7, v4;
	v46 =	vld [tilespmem:$0x1FC10]  }
0x1e9: {  	v29 =	vld.idx.msk [tilespmem:v29+s17+$0x0], $0xffff;
	v61 =	vor.u32 v45, v20;
	v54 =	vor.u32 v7, v11  }
0x1ea: {  	v62 =	vor.u32 v42, v17;
	v57 =	vor.u32 v44, v24  }
0x1eb: {  	v58 =	vld.idx.msk [tilespmem:v50+s17+$0x0], $0xffff;
	v55 =	vor.u32 v42, v3;
	v59 =	vor.u32 v44, v15  }
0x1ec: {  	[tilespmem:v51+s20+$0x0] =	vst.idx.msk $0xffff, v27  }
0x1ed: {  	v49 =	vld.idx.msk [tilespmem:v52+s17+$0x0], $0xffff;
	[tilespmem:v53+s20+$0x0] =	vst.idx.msk $0xffff, v26;
	v48 =	vor.u32 v46, v23  }
0x1ee: {  	[tilespmem:v54+s20+$0x0] =	vst.idx.msk $0xffff, v29;
	v52 =	vld.idx.msk [tilespmem:v61+s17+$0x0], $0xffff;
	v50 =	vor.u32 v44, v16;
	v51 =	vor.u32 v46, v18  }
0x1ef: {  	v53 =	vor.u32 v44, v14;
	v35 =	vld.idx.msk [tilespmem:v62+s17+$0x0], $0xffff;
	[tilespmem:v57+s20+$0x0] =	vst.idx.msk $0xffff, v56  }
0x1f0: {  	v61 =	vor.u32 v46, v19;
	v62 =	vor.u32 v7, v6;
	v31 =	vld.idx.msk [tilespmem:v55+s17+$0x0], $0xffff;
	[tilespmem:v59+s20+$0x0] =	vst.idx.msk $0xffff, v58  }
0x1f1: {  	v45 =	vor.u32 v46, v13;
	v46 =	vor.u32 v7, v10;
	v56 =	vld [tilespmem:$0x1FE20]  }
0x1f2: {  	v32 =	vld.idx.msk [tilespmem:v48+s17+$0x0], $0xffff;
	v48 =	vor.u32 v47, v24  }
0x1f3: {  	[tilespmem:v50+s20+$0x0] =	vst.idx.msk $0xffff, v49;
	v44 =	vld.idx.msk [tilespmem:v51+s17+$0x0], $0xffff;
	v49 =	vor.u32 v47, v15  }
0x1f4: {  	v41 =	vld [tilespmem:$0x1FD20];
	[tilespmem:v53+s20+$0x0] =	vst.idx.msk $0xffff, v52  }
0x1f5: {  	v57 =	vor.u32 v47, v16;
	v51 =	vld.idx.msk [tilespmem:v61+s17+$0x0], $0xffff;
	[tilespmem:v62+s20+$0x0] =	vst.idx.msk $0xffff, v35  }
0x1f6: {  	[tilespmem:v46+s20+$0x0] =	vst.idx.msk $0xffff, v31  }
0x1f7: {  	v55 =	vld [tilespmem:$0x1FEB0];
	[tilespmem:v48+s20+$0x0] =	vst.idx.msk $0xffff, v32  }
0x1f8: {  	v30 =	vor.u32 v56, v12;
	[tilespmem:v49+s20+$0x0] =	vst.idx.msk $0xffff, v44  }
0x1f9: {  	v50 =	vor.u32 v41, v25;
	v53 =	vld [tilespmem:$0x1FD30]  }
0x1fa: {  	v59 =	vld.idx.msk [tilespmem:v45+s17+$0x0], $0xffff;
	[tilespmem:v57+s20+$0x0] =	vst.idx.msk $0xffff, v51  }
0x1fb: {  	v61 =	vor.u32 v47, v14;
	v58 =	vor.u32 v41, v21;
	v49 =	vld [tilespmem:$0x1FD40]  }
0x1fc: {  	v28 =	vld.idx.msk [tilespmem:v28+s17+$0x0], $0xffff;
	v45 =	vor.u32 v55, v4  }
0x1fd: {  	v48 =	vor.u32 v55, v11;
	v30 =	vld.idx.msk [tilespmem:v30+s17+$0x0], $0xffff  }
0x1fe: {  	v62 =	vor.u32 v41, v22;
	v52 =	vld.idx.msk [tilespmem:v50+s17+$0x0], $0xffff;
	v54 =	vor.u32 v53, v24;
	_ =	sdelay $0x1  }
0x1ff: {  	[tilespmem:v61+s20+$0x0] =	vst.idx.msk $0xffff, v59;
	v57 =	vld.idx.msk [tilespmem:v58+s17+$0x0], $0xffff;
	v44 =	vor.u32 v53, v15;
	v50 =	vor.u32 v49, v23  }
0x200: {  	[tilespmem:v45+s20+$0x0] =	vst.idx.msk $0xffff, v28  }
0x201: {  	[tilespmem:v48+s20+$0x0] =	vst.idx.msk $0xffff, v30  }
0x202: {  	v46 =	vor.u32 v41, v20;
	v51 =	vld.idx.msk [tilespmem:v62+s17+$0x0], $0xffff;
	[tilespmem:v54+s20+$0x0] =	vst.idx.msk $0xffff, v52  }
0x203: {  	v47 =	vor.u32 v56, v9;
	v54 =	vld [tilespmem:$0x1FEC0]  }
0x204: {  	v27 =	vor.u32 v56, v8;
	[tilespmem:v44+s20+$0x0] =	vst.idx.msk $0xffff, v57;
	v34 =	vld.idx.msk [tilespmem:v50+s17+$0x0], $0xffff  }
0x205: {  	v58 =	vor.u32 v53, v16;
	v59 =	vor.u32 v49, v18;
	v50 =	vld [tilespmem:$0x1FD50];
	_ =	sdelay $0x1  }
0x206: {  	v61 =	vld.idx.msk [tilespmem:v46+s17+$0x0], $0xffff;
	v62 =	vor.u32 v53, v14  }
0x207: {  	v32 =	vld.idx.msk [tilespmem:v47+s17+$0x0], $0xffff;
	v46 =	vor.u32 v55, v6  }
0x208: {  	v27 =	vld.idx.msk [tilespmem:v27+s17+$0x0], $0xffff;
	v47 =	vor.u32 v49, v13;
	v45 =	vor.u32 v49, v19;
	v49 =	vor.u32 v55, v10  }
0x209: {  	[tilespmem:v58+s20+$0x0] =	vst.idx.msk $0xffff, v51;
	v29 =	vld.idx.msk [tilespmem:v59+s17+$0x0], $0xffff;
	v57 =	vor.u32 v50, v24  }
0x20a: {  	v51 =	vld [tilespmem:$0x1FD60];
	v58 =	vor.u32 v50, v15  }
0x20b: {  	[tilespmem:v62+s20+$0x0] =	vst.idx.msk $0xffff, v61  }
0x20c: {  	[tilespmem:v46+s20+$0x0] =	vst.idx.msk $0xffff, v32  }
0x20d: {  	[tilespmem:v49+s20+$0x0] =	vst.idx.msk $0xffff, v27;
	v48 =	vor.u32 v54, v63  }
0x20e: {  	v46 =	vld [tilespmem:$0x1FED0];
	v26 =	vor.u32 v54, v5;
	[tilespmem:v57+s20+$0x0] =	vst.idx.msk $0xffff, v34  }
0x20f: {  	v28 =	vld.idx.msk [tilespmem:v45+s17+$0x0], $0xffff;
	v53 =	vor.u32 v50, v16;
	v52 =	vor.u32 v51, v25;
	[tilespmem:v58+s20+$0x0] =	vst.idx.msk $0xffff, v29  }
0x210: {  	v59 =	vor.u32 v51, v21;
	v62 =	vor.u32 v51, v22;
	v49 =	vor.u32 v51, v20;
	v51 =	vld [tilespmem:$0x1FD70]  }
0x211: {  	v30 =	vld.idx.msk [tilespmem:v47+s17+$0x0], $0xffff  }
0x212: {  	v61 =	vor.u32 v50, v14;
	v33 =	vld.idx.msk [tilespmem:v48+s17+$0x0], $0xffff  }
0x213: {  	v48 =	vor.u32 v46, v4;
	v26 =	vld.idx.msk [tilespmem:v26+s17+$0x0], $0xffff  }
0x214: {  	v57 =	vor.u32 v46, v11;
	v58 =	vld.idx.msk [tilespmem:v52+s17+$0x0], $0xffff  }
0x215: {  	[tilespmem:v53+s20+$0x0] =	vst.idx.msk $0xffff, v28;
	v28 =	vld.idx.msk [tilespmem:v59+s17+$0x0], $0xffff;
	v52 =	vor.u32 v51, v24  }
0x216: {  	v59 =	vld [tilespmem:$0x1FD80];
	v53 =	vor.u32 v51, v15  }
0x217: {  	[tilespmem:v61+s20+$0x0] =	vst.idx.msk $0xffff, v30  }
0x218: {  	v50 =	vor.u32 v54, v17;
	[tilespmem:v48+s20+$0x0] =	vst.idx.msk $0xffff, v33  }
0x219: {  	[tilespmem:v57+s20+$0x0] =	vst.idx.msk $0xffff, v26  }
0x21a: {  	v29 =	vor.u32 v54, v3;
	v30 =	vld.idx.msk [tilespmem:v62+s17+$0x0], $0xffff;
	[tilespmem:v52+s20+$0x0] =	vst.idx.msk $0xffff, v58  }
0x21b: {  	v44 =	vor.u32 v59, v23;
	v57 =	vld [tilespmem:$0x1FEE0];
	[tilespmem:v53+s20+$0x0] =	vst.idx.msk $0xffff, v28  }
0x21c: {  	v45 =	vor.u32 v51, v16;
	v61 =	vor.u32 v59, v18;
	v53 =	vld [tilespmem:$0x1FD90]  }
0x21d: {  	v34 =	vld.idx.msk [tilespmem:v50+s17+$0x0], $0xffff  }
0x21e: {  	v62 =	vld.idx.msk [tilespmem:v49+s17+$0x0], $0xffff;
	v47 =	vor.u32 v51, v14  }
0x21f: {  	v49 =	vor.u32 v46, v6;
	v29 =	vld.idx.msk [tilespmem:v29+s17+$0x0], $0xffff  }
0x220: {  	v48 =	vor.u32 v59, v19;
	v52 =	vor.u32 v46, v10;
	v31 =	vld.idx.msk [tilespmem:v44+s17+$0x0], $0xffff  }
0x221: {  	[tilespmem:v45+s20+$0x0] =	vst.idx.msk $0xffff, v30;
	v44 =	vld.idx.msk [tilespmem:v61+s17+$0x0], $0xffff;
	v58 =	vor.u32 v53, v24  }
0x222: {  	v50 =	vor.u32 v59, v13;
	v59 =	vld [tilespmem:$0x1FDA0];
	v45 =	vor.u32 v53, v15  }
0x223: {  	[tilespmem:v47+s20+$0x0] =	vst.idx.msk $0xffff, v62  }
0x224: {  	[tilespmem:v49+s20+$0x0] =	vst.idx.msk $0xffff, v34  }
0x225: {  	v62 =	vld.idx.msk [tilespmem:v48+s17+$0x0], $0xffff;
	[tilespmem:v52+s20+$0x0] =	vst.idx.msk $0xffff, v29;
	v51 =	vor.u32 v57, v60  }
0x226: {  	v28 =	vor.u32 v57, v12;
	v52 =	vld [tilespmem:$0x1FEF0];
	v47 =	vor.u32 v53, v16;
	[tilespmem:v58+s20+$0x0] =	vst.idx.msk $0xffff, v31  }
0x227: {  	v26 =	vld.idx.msk [tilespmem:v50+s17+$0x0], $0xffff;
	v49 =	vor.u32 v53, v14;
	v61 =	vor.u32 v59, v25;
	[tilespmem:v45+s20+$0x0] =	vst.idx.msk $0xffff, v44  }
0x228: {  	v48 =	vor.u32 v59, v21;
	v50 =	vor.u32 v59, v22;
	v53 =	vor.u32 v59, v20;
	v59 =	vld [tilespmem:$0x1FDB0];
	_ =	sdelay $0x1  }
0x229: {  	v35 =	vld.idx.msk [tilespmem:v51+s17+$0x0], $0xffff  }
0x22a: {  	v29 =	vor.u32 v52, v4;
	v28 =	vld.idx.msk [tilespmem:v28+s17+$0x0], $0xffff  }
0x22b: {  	v58 =	vor.u32 v52, v11;
	v45 =	vld.idx.msk [tilespmem:v61+s17+$0x0], $0xffff  }
0x22c: {  	[tilespmem:v47+s20+$0x0] =	vst.idx.msk $0xffff, v62;
	v27 =	vld.idx.msk [tilespmem:v48+s17+$0x0], $0xffff;
	v61 =	vor.u32 v59, v24  }
0x22d: {  	v47 =	vld [tilespmem:$0x1FDC0];
	v62 =	vor.u32 v59, v15  }
0x22e: {  	[tilespmem:v49+s20+$0x0] =	vst.idx.msk $0xffff, v26  }
0x22f: {  	[tilespmem:v29+s20+$0x0] =	vst.idx.msk $0xffff, v35  }
0x230: {  	v30 =	vor.u32 v57, v8;
	v49 =	vld.idx.msk [tilespmem:v50+s17+$0x0], $0xffff;
	[tilespmem:v58+s20+$0x0] =	vst.idx.msk $0xffff, v28  }
0x231: {  	v31 =	vor.u32 v57, v9;
	v29 =	vld.idx.msk [tilespmem:v53+s17+$0x0], $0xffff;
	[tilespmem:v61+s20+$0x0] =	vst.idx.msk $0xffff, v45  }
0x232: {  	v51 =	vor.u32 v59, v16;
	v48 =	vor.u32 v47, v23;
	v45 =	vld [tilespmem:$0x1FF00];
	[tilespmem:v62+s20+$0x0] =	vst.idx.msk $0xffff, v27  }
0x233: {  	v50 =	vor.u32 v47, v18;
	v53 =	vor.u32 v47, v19;
	v58 =	vor.u32 v47, v13;
	v47 =	vld [tilespmem:$0x1FDD0];
	_ =	sdelay $0x1  }
0x234: {  	v30 =	vld.idx.msk [tilespmem:v30+s17+$0x0], $0xffff;
	v35 =	vor.u32 v59, v14  }
0x235: {  	v31 =	vld.idx.msk [tilespmem:v31+s17+$0x0], $0xffff;
	v28 =	vor.u32 v52, v6  }
0x236: {  	v61 =	vor.u32 v52, v10;
	v62 =	vld.idx.msk [tilespmem:v48+s17+$0x0], $0xffff  }
0x237: {  	[tilespmem:v51+s20+$0x0] =	vst.idx.msk $0xffff, v49;
	v26 =	vld.idx.msk [tilespmem:v50+s17+$0x0], $0xffff;
	v48 =	vor.u32 v47, v24  }
0x238: {  	v50 =	vld [tilespmem:$0x1FDE0];
	v49 =	vor.u32 v47, v15  }
0x239: {  	[tilespmem:v35+s20+$0x0] =	vst.idx.msk $0xffff, v29  }
0x23a: {  	[tilespmem:v28+s20+$0x0] =	vst.idx.msk $0xffff, v31  }
0x23b: {  	v35 =	vld.idx.msk [tilespmem:v53+s17+$0x0], $0xffff;
	[tilespmem:v61+s20+$0x0] =	vst.idx.msk $0xffff, v30;
	v59 =	vor.u32 v45, v63  }
0x23c: {  	v27 =	vor.u32 v45, v5;
	v44 =	vld [tilespmem:$0x1FF10];
	[tilespmem:v48+s20+$0x0] =	vst.idx.msk $0xffff, v62  }
0x23d: {  	v28 =	vld.idx.msk [tilespmem:v58+s17+$0x0], $0xffff;
	v53 =	vor.u32 v47, v16;
	v51 =	vor.u32 v50, v25;
	[tilespmem:v49+s20+$0x0] =	vst.idx.msk $0xffff, v26  }
0x23e: {  	v29 =	vor.u32 v50, v21;
	v58 =	vor.u32 v50, v22;
	v61 =	vor.u32 v50, v20;
	v50 =	vld [tilespmem:$0x1FDF0];
	_ =	sdelay $0x1  }
0x23f: {  	v31 =	vor.u32 v47, v14;
	v32 =	vld.idx.msk [tilespmem:v59+s17+$0x0], $0xffff  }
0x240: {  	v59 =	vor.u32 v44, v4;
	v27 =	vld.idx.msk [tilespmem:v27+s17+$0x0], $0xffff  }
0x241: {  	v48 =	vor.u32 v44, v11;
	v49 =	vld.idx.msk [tilespmem:v51+s17+$0x0], $0xffff  }
0x242: {  	v29 =	vld.idx.msk [tilespmem:v29+s17+$0x0], $0xffff;
	[tilespmem:v53+s20+$0x0] =	vst.idx.msk $0xffff, v35;
	v51 =	vor.u32 v50, v24  }
0x243: {  	v53 =	vld [tilespmem:$0x1FE00];
	v35 =	vor.u32 v50, v15  }
0x244: {  	[tilespmem:v31+s20+$0x0] =	vst.idx.msk $0xffff, v28  }
0x245: {  	[tilespmem:v59+s20+$0x0] =	vst.idx.msk $0xffff, v32  }
0x246: {  	v62 =	vor.u32 v45, v17;
	[tilespmem:v48+s20+$0x0] =	vst.idx.msk $0xffff, v27  }
0x247: {  	v26 =	vor.u32 v45, v3;
	v31 =	vld.idx.msk [tilespmem:v58+s17+$0x0], $0xffff;
	[tilespmem:v51+s20+$0x0] =	vst.idx.msk $0xffff, v49  }
0x248: {  	v37 =	vor.u32 v53, v23;
	v51 =	vld [tilespmem:$0x1FF20];
	[tilespmem:v35+s20+$0x0] =	vst.idx.msk $0xffff, v29  }
0x249: {  	v58 =	vor.u32 v50, v16;
	v59 =	vor.u32 v50, v14;
	v28 =	vor.u32 v53, v18;
	v50 =	vld [tilespmem:$0x1FE10]  }
0x24a: {  	v47 =	vld.idx.msk [tilespmem:v61+s17+$0x0], $0xffff  }
0x24b: {  	v33 =	vld.idx.msk [tilespmem:v62+s17+$0x0], $0xffff  }
0x24c: {  	v27 =	vor.u32 v44, v6;
	v26 =	vld.idx.msk [tilespmem:v26+s17+$0x0], $0xffff  }
0x24d: {  	v61 =	vor.u32 v53, v19;
	v49 =	vor.u32 v44, v10;
	v35 =	vld.idx.msk [tilespmem:v37+s17+$0x0], $0xffff  }
0x24e: {  	v28 =	vld.idx.msk [tilespmem:v28+s17+$0x0], $0xffff;
	[tilespmem:v58+s20+$0x0] =	vst.idx.msk $0xffff, v31;
	v37 =	vor.u32 v50, v24  }
0x24f: {  	v62 =	vor.u32 v53, v13;
	v53 =	vld [tilespmem:$0x1FE40];
	v31 =	vor.u32 v50, v15  }
0x250: {  	[tilespmem:v59+s20+$0x0] =	vst.idx.msk $0xffff, v47  }
0x251: {  	[tilespmem:v27+s20+$0x0] =	vst.idx.msk $0xffff, v33  }
0x252: {  	v59 =	vld.idx.msk [tilespmem:v61+s17+$0x0], $0xffff;
	[tilespmem:v49+s20+$0x0] =	vst.idx.msk $0xffff, v26;
	v48 =	vor.u32 v51, v60  }
0x253: {  	v61 =	vor.u32 v50, v16;
	v33 =	vor.u32 v50, v14;
	v50 =	vld [tilespmem:$0x1FF30];
	[tilespmem:v37+s20+$0x0] =	vst.idx.msk $0xffff, v35  }
0x254: {  	v27 =	vld.idx.msk [tilespmem:v62+s17+$0x0], $0xffff;
	v29 =	vor.u32 v51, v12;
	v58 =	vor.u32 v53, v25;
	[tilespmem:v31+s20+$0x0] =	vst.idx.msk $0xffff, v28  }
0x255: {  	v47 =	vor.u32 v53, v21;
	v62 =	vor.u32 v53, v22;
	v40 =	vor.u32 v53, v20;
	v53 =	vld [tilespmem:$0x1FE50];
	_ =	sdelay $0x2  }
0x256: {  	v34 =	vld.idx.msk [tilespmem:v48+s17+$0x0], $0xffff;
	v26 =	vor.u32 v50, v4  }
0x257: {  	v29 =	vld.idx.msk [tilespmem:v29+s17+$0x0], $0xffff;
	v48 =	vor.u32 v50, v11  }
0x258: {  	v49 =	vld.idx.msk [tilespmem:v58+s17+$0x0], $0xffff;
	v58 =	vor.u32 v53, v24  }
0x259: {  	[tilespmem:v61+s20+$0x0] =	vst.idx.msk $0xffff, v59  }
0x25a: {  	v59 =	vld [tilespmem:$0x1FE60];
	[tilespmem:v33+s20+$0x0] =	vst.idx.msk $0xffff, v27  }
0x25b: {  	v35 =	vor.u32 v51, v9;
	[tilespmem:v26+s20+$0x0] =	vst.idx.msk $0xffff, v34  }
0x25c: {  	v28 =	vor.u32 v51, v8;
	v30 =	vld.idx.msk [tilespmem:v47+s17+$0x0], $0xffff;
	[tilespmem:v48+s20+$0x0] =	vst.idx.msk $0xffff, v29;
	v47 =	vor.u32 v53, v15  }
0x25d: {  	v33 =	vld.idx.msk [tilespmem:v62+s17+$0x0], $0xffff;
	v62 =	vor.u32 v53, v16;
	[tilespmem:v58+s20+$0x0] =	vst.idx.msk $0xffff, v49  }
0x25e: {  	v43 =	vld [tilespmem:$0x1FF40]  }
0x25f: {  	v26 =	vld.idx.msk [tilespmem:v40+s17+$0x0], $0xffff  }
0x260: {  	v35 =	vld.idx.msk [tilespmem:v35+s17+$0x0], $0xffff;
	v29 =	vor.u32 v50, v6;
	v34 =	vor.u32 v53, v14  }
0x261: {  	v28 =	vld.idx.msk [tilespmem:v28+s17+$0x0], $0xffff;
	v61 =	vor.u32 v59, v23;
	v27 =	vor.u32 v59, v18;
	[tilespmem:v47+s20+$0x0] =	vst.idx.msk $0xffff, v30  }
0x262: {  	v53 =	vor.u32 v59, v19;
	v48 =	vor.u32 v59, v13;
	v59 =	vld [tilespmem:$0x1FE70];
	[tilespmem:v62+s20+$0x0] =	vst.idx.msk $0xffff, v33  }
0x263: {  	v58 =	vor.u32 v50, v10;
	v62 =	vld [tilespmem:$0x1FE80];
	v49 =	vor.u32 v43, v63;
	_ =	sdelay $0x2  }
0x264: {  	v32 =	vld.idx.msk [tilespmem:v61+s17+$0x0], $0xffff;
	[tilespmem:v34+s20+$0x0] =	vst.idx.msk $0xffff, v26  }
0x265: {  	v27 =	vld.idx.msk [tilespmem:v27+s17+$0x0], $0xffff;
	[tilespmem:v29+s20+$0x0] =	vst.idx.msk $0xffff, v35;
	v61 =	vor.u32 v59, v24  }
0x266: {  	[tilespmem:v58+s20+$0x0] =	vst.idx.msk $0xffff, v28;
	v36 =	vor.u32 v62, v25;
	v31 =	vld.idx.msk [tilespmem:v49+s17+$0x0], $0xffff  }
0x267: {  	v33 =	vor.u32 v59, v15;
	v49 =	vld [tilespmem:$0x1FF50]  }
0x268: {  	v30 =	vor.u32 v43, v5  }
0x269: {  	v34 =	vld.idx.msk [tilespmem:v53+s17+$0x0], $0xffff;
	v53 =	vor.u32 v59, v16;
	v26 =	vor.u32 v62, v21  }
0x26a: {  	v29 =	vld.idx.msk [tilespmem:v48+s17+$0x0], $0xffff;
	v35 =	vor.u32 v59, v14;
	v37 =	vor.u32 v62, v22;
	[tilespmem:v61+s20+$0x0] =	vst.idx.msk $0xffff, v32  }
0x26b: {  	v48 =	vor.u32 v2, v24;
	v61 =	vor.u32 v43, v17;
	v47 =	vld.idx.msk [tilespmem:v36+s17+$0x0], $0xffff  }
0x26c: {  	[tilespmem:v33+s20+$0x0] =	vst.idx.msk $0xffff, v27;
	v27 =	vor.u32 v43, v3;
	v58 =	vor.u32 v49, v4  }
0x26d: {  	v59 =	vor.u32 v62, v20;
	v30 =	vld.idx.msk [tilespmem:v30+s17+$0x0], $0xffff;
	v62 =	vor.u32 v49, v11  }
0x26e: {  	[tilespmem:v53+s20+$0x0] =	vst.idx.msk $0xffff, v34;
	v34 =	vor.u32 v2, v15;
	v26 =	vld.idx.msk [tilespmem:v26+s17+$0x0], $0xffff  }
0x26f: {  	[tilespmem:v35+s20+$0x0] =	vst.idx.msk $0xffff, v29;
	v35 =	vld.idx.msk [tilespmem:v37+s17+$0x0], $0xffff;
	v37 =	vor.u32 v2, v16  }
0x270: {  	v32 =	vld.idx.msk [tilespmem:v61+s17+$0x0], $0xffff;
	v61 =	vor.u32 v49, v6;
	[tilespmem:v48+s20+$0x0] =	vst.idx.msk $0xffff, v47  }
0x271: {  	v27 =	vld.idx.msk [tilespmem:v27+s17+$0x0], $0xffff;
	v47 =	vor.u32 v49, v10;
	[tilespmem:v58+s20+$0x0] =	vst.idx.msk $0xffff, v31  }
0x272: {  	v28 =	vld.idx.msk [tilespmem:v59+s17+$0x0], $0xffff;
	v58 =	vor.u32 v2, v14;
	[tilespmem:v62+s20+$0x0] =	vst.idx.msk $0xffff, v30  }
0x273: {  	v48 =	vld [tilespmem:$0x1FF60];
	[tilespmem:v34+s20+$0x0] =	vst.idx.msk $0xffff, v26  }
0x274: {  	v53 =	vor.u32 v42, v23;
	[tilespmem:v37+s20+$0x0] =	vst.idx.msk $0xffff, v35  }
0x275: {  	v29 =	vor.u32 v42, v18;
	[tilespmem:v61+s20+$0x0] =	vst.idx.msk $0xffff, v32  }
0x276: {  	v59 =	vor.u32 v42, v19;
	[tilespmem:v47+s20+$0x0] =	vst.idx.msk $0xffff, v27  }
0x277: {  	v62 =	vor.u32 v42, v13;
	[tilespmem:v58+s20+$0x0] =	vst.idx.msk $0xffff, v28  }
0x278: {  	v2 =	vor.u32 v48, v60;
	v47 =	vld [tilespmem:$0x1FF70]  }
0x279: {  	v34 =	vld.idx.msk [tilespmem:v53+s17+$0x0], $0xffff;
	v53 =	vor.u32 v7, v24;
	v26 =	vor.u32 v48, v12  }
0x27a: {  	v35 =	vor.u32 v7, v15;
	v37 =	vor.u32 v56, v25;
	v29 =	vld.idx.msk [tilespmem:v29+s17+$0x0], $0xffff  }
0x27b: {  	v28 =	vor.u32 v56, v21;
	v58 =	vld.idx.msk [tilespmem:v59+s17+$0x0], $0xffff;
	v59 =	vor.u32 v7, v16  }
0x27c: {  	v61 =	vor.u32 v7, v14;
	v30 =	vld.idx.msk [tilespmem:v62+s17+$0x0], $0xffff;
	v62 =	vor.u32 v56, v22  }
0x27d: {  	v33 =	vld.idx.msk [tilespmem:v2+s17+$0x0], $0xffff;
	v27 =	vor.u32 v47, v4;
	v2 =	vor.u32 v56, v20  }
0x27e: {  	[tilespmem:v53+s20+$0x0] =	vst.idx.msk $0xffff, v34;
	v34 =	vor.u32 v48, v9;
	v26 =	vld.idx.msk [tilespmem:v26+s17+$0x0], $0xffff;
	v53 =	vor.u32 v47, v11  }
0x27f: {  	[tilespmem:v35+s20+$0x0] =	vst.idx.msk $0xffff, v29;
	v29 =	vor.u32 v48, v8;
	v35 =	vld.idx.msk [tilespmem:v37+s17+$0x0], $0xffff;
	v56 =	vor.u32 v55, v24  }
0x280: {  	v28 =	vld.idx.msk [tilespmem:v28+s17+$0x0], $0xffff;
	[tilespmem:v59+s20+$0x0] =	vst.idx.msk $0xffff, v58;
	v58 =	vor.u32 v55, v15  }
0x281: {  	[tilespmem:v61+s20+$0x0] =	vst.idx.msk $0xffff, v30;
	v61 =	vld.idx.msk [tilespmem:v62+s17+$0x0], $0xffff;
	v62 =	vor.u32 v55, v16  }
0x282: {  	v59 =	vor.u32 v54, v23;
	[tilespmem:v27+s20+$0x0] =	vst.idx.msk $0xffff, v33;
	v27 =	vld.idx.msk [tilespmem:v2+s17+$0x0], $0xffff;
	v33 =	vor.u32 v55, v14  }
0x283: {  	v30 =	vor.u32 v54, v18;
	v34 =	vld.idx.msk [tilespmem:v34+s17+$0x0], $0xffff;
	[tilespmem:v53+s20+$0x0] =	vst.idx.msk $0xffff, v26;
	v53 =	vor.u32 v47, v6  }
0x284: {  	v29 =	vld.idx.msk [tilespmem:v29+s17+$0x0], $0xffff;
	v2 =	vor.u32 v54, v19;
	[tilespmem:v56+s20+$0x0] =	vst.idx.msk $0xffff, v35;
	v56 =	vor.u32 v47, v10  }
0x285: {  	v41 =	vld [tilespmem:$0x1FF80];
	[tilespmem:v58+s20+$0x0] =	vst.idx.msk $0xffff, v28  }
0x286: {  	[tilespmem:v62+s20+$0x0] =	vst.idx.msk $0xffff, v61  }
0x287: {  	v58 =	vld.idx.msk [tilespmem:v59+s17+$0x0], $0xffff;
	[tilespmem:v33+s20+$0x0] =	vst.idx.msk $0xffff, v27  }
0x288: {  	v55 =	vor.u32 v54, v13;
	v59 =	vor.u32 v46, v24;
	v30 =	vld.idx.msk [tilespmem:v30+s17+$0x0], $0xffff;
	[tilespmem:v53+s20+$0x0] =	vst.idx.msk $0xffff, v34  }
0x289: {  	v61 =	vor.u32 v46, v15;
	v62 =	vor.u32 v57, v25;
	v33 =	vld.idx.msk [tilespmem:v2+s17+$0x0], $0xffff;
	[tilespmem:v56+s20+$0x0] =	vst.idx.msk $0xffff, v29  }
0x28a: {  	v54 =	vor.u32 v46, v14;
	v2 =	vor.u32 v46, v16;
	v35 =	vor.u32 v41, v63;
	v46 =	vld [tilespmem:$0x1FF90]  }
0x28b: {  	v28 =	vor.u32 v41, v5  }
0x28c: {  	v27 =	vor.u32 v57, v21  }
0x28d: {  	v53 =	vld.idx.msk [tilespmem:v55+s17+$0x0], $0xffff;
	v55 =	vor.u32 v57, v22;
	[tilespmem:v59+s20+$0x0] =	vst.idx.msk $0xffff, v58  }
0x28e: {  	v58 =	vor.u32 v41, v17;
	[tilespmem:v61+s20+$0x0] =	vst.idx.msk $0xffff, v30;
	v61 =	vld.idx.msk [tilespmem:v62+s17+$0x0], $0xffff;
	v62 =	vor.u32 v52, v24  }
0x28f: {  	v30 =	vor.u32 v41, v3;
	v35 =	vld.idx.msk [tilespmem:v35+s17+$0x0], $0xffff;
	v56 =	vor.u32 v46, v4  }
0x290: {  	v57 =	vor.u32 v57, v20;
	v28 =	vld.idx.msk [tilespmem:v28+s17+$0x0], $0xffff;
	v59 =	vor.u32 v46, v11  }
0x291: {  	v27 =	vld.idx.msk [tilespmem:v27+s17+$0x0], $0xffff;
	[tilespmem:v2+s20+$0x0] =	vst.idx.msk $0xffff, v33;
	v33 =	vor.u32 v52, v15  }
0x292: {  	[tilespmem:v54+s20+$0x0] =	vst.idx.msk $0xffff, v53;
	v53 =	vld.idx.msk [tilespmem:v55+s17+$0x0], $0xffff;
	v54 =	vor.u32 v52, v16  }
0x293: {  	v31 =	vld.idx.msk [tilespmem:v58+s17+$0x0], $0xffff;
	v58 =	vor.u32 v46, v6;
	[tilespmem:v62+s20+$0x0] =	vst.idx.msk $0xffff, v61  }
0x294: {  	v2 =	vor.u32 v45, v23;
	v30 =	vld.idx.msk [tilespmem:v30+s17+$0x0], $0xffff;
	v62 =	vor.u32 v46, v10;
	[tilespmem:v56+s20+$0x0] =	vst.idx.msk $0xffff, v35  }
0x295: {  	v26 =	vor.u32 v45, v18;
	v55 =	vld.idx.msk [tilespmem:v57+s17+$0x0], $0xffff;
	v56 =	vor.u32 v52, v14;
	[tilespmem:v59+s20+$0x0] =	vst.idx.msk $0xffff, v28  }
0x296: {  	v57 =	vor.u32 v45, v19;
	v59 =	vor.u32 v45, v13;
	v45 =	vld [tilespmem:$0x1FFA0];
	[tilespmem:v33+s20+$0x0] =	vst.idx.msk $0xffff, v27  }
0x297: {  	[tilespmem:v54+s20+$0x0] =	vst.idx.msk $0xffff, v53  }
0x298: {  	[tilespmem:v58+s20+$0x0] =	vst.idx.msk $0xffff, v31  }
0x299: {  	v33 =	vld.idx.msk [tilespmem:v2+s17+$0x0], $0xffff;
	v2 =	vor.u32 v44, v24;
	[tilespmem:v62+s20+$0x0] =	vst.idx.msk $0xffff, v30  }
0x29a: {  	v52 =	vor.u32 v44, v15;
	v53 =	vor.u32 v51, v25;
	v26 =	vld.idx.msk [tilespmem:v26+s17+$0x0], $0xffff;
	[tilespmem:v56+s20+$0x0] =	vst.idx.msk $0xffff, v55  }
0x29b: {  	v58 =	vor.u32 v44, v14;
	v56 =	vor.u32 v44, v16;
	v61 =	vor.u32 v45, v60;
	v44 =	vld [tilespmem:$0x1FFB0]  }
0x29c: {  	v27 =	vor.u32 v45, v12  }
0x29d: {  	v54 =	vor.u32 v51, v21;
	v55 =	vld.idx.msk [tilespmem:v57+s17+$0x0], $0xffff  }
0x29e: {  	v57 =	vld.idx.msk [tilespmem:v59+s17+$0x0], $0xffff;
	v59 =	vor.u32 v51, v22;
	[tilespmem:v2+s20+$0x0] =	vst.idx.msk $0xffff, v33  }
0x29f: {  	v2 =	vor.u32 v45, v9;
	[tilespmem:v52+s20+$0x0] =	vst.idx.msk $0xffff, v26;
	v52 =	vld.idx.msk [tilespmem:v53+s17+$0x0], $0xffff;
	v53 =	vor.u32 v50, v24  }
0x2a0: {  	v26 =	vor.u32 v45, v8;
	v32 =	vld.idx.msk [tilespmem:v61+s17+$0x0], $0xffff;
	v61 =	vor.u32 v44, v4  }
0x2a1: {  	v62 =	vor.u32 v51, v20;
	v27 =	vld.idx.msk [tilespmem:v27+s17+$0x0], $0xffff;
	v51 =	vor.u32 v44, v11  }
0x2a2: {  	v29 =	vld.idx.msk [tilespmem:v54+s17+$0x0], $0xffff;
	v54 =	vor.u32 v50, v15;
	[tilespmem:v56+s20+$0x0] =	vst.idx.msk $0xffff, v55  }
0x2a3: {  	[tilespmem:v58+s20+$0x0] =	vst.idx.msk $0xffff, v57;
	v57 =	vld.idx.msk [tilespmem:v59+s17+$0x0], $0xffff;
	v58 =	vor.u32 v50, v16  }
0x2a4: {  	v33 =	vld.idx.msk [tilespmem:v2+s17+$0x0], $0xffff;
	v2 =	vor.u32 v44, v6;
	[tilespmem:v53+s20+$0x0] =	vst.idx.msk $0xffff, v52  }
0x2a5: {  	v55 =	vor.u32 v43, v23;
	v26 =	vld.idx.msk [tilespmem:v26+s17+$0x0], $0xffff;
	v52 =	vor.u32 v44, v10;
	[tilespmem:v61+s20+$0x0] =	vst.idx.msk $0xffff, v32  }
0x2a6: {  	v56 =	vor.u32 v43, v18;
	v59 =	vld.idx.msk [tilespmem:v62+s17+$0x0], $0xffff;
	v61 =	vor.u32 v50, v14;
	[tilespmem:v51+s20+$0x0] =	vst.idx.msk $0xffff, v27  }
0x2a7: {  	v62 =	vor.u32 v43, v19;
	v50 =	vor.u32 v43, v13;
	v43 =	vld [tilespmem:$0x1FFC0];
	[tilespmem:v54+s20+$0x0] =	vst.idx.msk $0xffff, v29  }
0x2a8: {  	[tilespmem:v58+s20+$0x0] =	vst.idx.msk $0xffff, v57  }
0x2a9: {  	[tilespmem:v2+s20+$0x0] =	vst.idx.msk $0xffff, v33  }
0x2aa: {  	v54 =	vld.idx.msk [tilespmem:v55+s17+$0x0], $0xffff;
	v55 =	vor.u32 v49, v24;
	[tilespmem:v52+s20+$0x0] =	vst.idx.msk $0xffff, v26  }
0x2ab: {  	v57 =	vor.u32 v48, v25;
	v28 =	vld.idx.msk [tilespmem:v56+s17+$0x0], $0xffff;
	v56 =	vor.u32 v49, v15;
	[tilespmem:v61+s20+$0x0] =	vst.idx.msk $0xffff, v59  }
0x2ac: {  	v51 =	vor.u32 v43, v63;
	v42 =	vld [tilespmem:$0x1FFD0]  }
0x2ad: {  	v53 =	vor.u32 v43, v5  }
0x2ae: {  	v58 =	vor.u32 v48, v21;
	v59 =	vld.idx.msk [tilespmem:v62+s17+$0x0], $0xffff;
	v61 =	vor.u32 v49, v16  }
0x2af: {  	v2 =	vor.u32 v49, v14;
	v49 =	vor.u32 v48, v22;
	v62 =	vld.idx.msk [tilespmem:v50+s17+$0x0], $0xffff;
	[tilespmem:v55+s20+$0x0] =	vst.idx.msk $0xffff, v54  }
0x2b0: {  	v52 =	vor.u32 v43, v17;
	[tilespmem:v56+s20+$0x0] =	vst.idx.msk $0xffff, v28;
	v55 =	vld.idx.msk [tilespmem:v57+s17+$0x0], $0xffff;
	v56 =	vor.u32 v47, v24  }
0x2b1: {  	v54 =	vor.u32 v43, v3;
	v34 =	vld.idx.msk [tilespmem:v51+s17+$0x0], $0xffff;
	v50 =	vor.u32 v42, v4  }
0x2b2: {  	v51 =	vor.u32 v48, v20;
	v29 =	vld.idx.msk [tilespmem:v53+s17+$0x0], $0xffff;
	v53 =	vor.u32 v42, v11  }
0x2b3: {  	v57 =	vor.u32 v47, v15;
	v30 =	vld.idx.msk [tilespmem:v58+s17+$0x0], $0xffff;
	[tilespmem:v61+s20+$0x0] =	vst.idx.msk $0xffff, v59  }
0x2b4: {  	v58 =	vor.u32 v41, v23;
	[tilespmem:v2+s20+$0x0] =	vst.idx.msk $0xffff, v62;
	v61 =	vld.idx.msk [tilespmem:v49+s17+$0x0], $0xffff;
	v62 =	vor.u32 v47, v16  }
0x2b5: {  	v59 =	vor.u32 v41, v18;
	v35 =	vld.idx.msk [tilespmem:v52+s17+$0x0], $0xffff;
	v49 =	vor.u32 v42, v6;
	[tilespmem:v56+s20+$0x0] =	vst.idx.msk $0xffff, v55  }
0x2b6: {  	v48 =	vor.u32 v41, v19;
	v28 =	vld.idx.msk [tilespmem:v54+s17+$0x0], $0xffff;
	v52 =	vor.u32 v42, v10;
	[tilespmem:v50+s20+$0x0] =	vst.idx.msk $0xffff, v34  }
0x2b7: {  	v47 =	vor.u32 v47, v14;
	v2 =	vld.idx.msk [tilespmem:v51+s17+$0x0], $0xffff;
	[tilespmem:v53+s20+$0x0] =	vst.idx.msk $0xffff, v29  }
0x2b8: {  	v50 =	vor.u32 v41, v13;
	v41 =	vld [tilespmem:$0x1FFE0];
	[tilespmem:v57+s20+$0x0] =	vst.idx.msk $0xffff, v30  }
0x2b9: {  	v54 =	vld.idx.msk [tilespmem:v58+s17+$0x0], $0xffff;
	[tilespmem:v62+s20+$0x0] =	vst.idx.msk $0xffff, v61  }
0x2ba: {  	v55 =	vor.u32 v46, v24;
	v56 =	vor.u32 v46, v15;
	[tilespmem:v49+s20+$0x0] =	vst.idx.msk $0xffff, v35;
	v27 =	vld.idx.msk [tilespmem:v59+s17+$0x0], $0xffff  }
0x2bb: {  	v58 =	vor.u32 v45, v21;
	v61 =	vor.u32 v46, v16;
	[tilespmem:v52+s20+$0x0] =	vst.idx.msk $0xffff, v28;
	v59 =	vld.idx.msk [tilespmem:v48+s17+$0x0], $0xffff  }
0x2bc: {  	[tilespmem:v47+s20+$0x0] =	vst.idx.msk $0xffff, v2;
	v2 =	vor.u32 v46, v14;
	v46 =	vor.u32 v45, v22  }
0x2bd: {  	v51 =	vor.u32 v41, v12;
	v39 =	vld [tilespmem:$0x1FFF0]  }
0x2be: {  	v57 =	vor.u32 v45, v25  }
0x2bf: {  	v53 =	vor.u32 v41, v9;
	v62 =	vld.idx.msk [tilespmem:v50+s17+$0x0], $0xffff;
	[tilespmem:v56+s20+$0x0] =	vst.idx.msk $0xffff, v27  }
0x2c0: {  	v52 =	vor.u32 v44, v15;
	v48 =	vor.u32 v45, v20;
	[tilespmem:v61+s20+$0x0] =	vst.idx.msk $0xffff, v59;
	v26 =	vld.idx.msk [tilespmem:v58+s17+$0x0], $0xffff  }
0x2c1: {  	[tilespmem:v55+s20+$0x0] =	vst.idx.msk $0xffff, v54;
	v8 =	vor.u32 v41, v8;
	v56 =	vor.u32 v44, v16;
	v55 =	vld.idx.msk [tilespmem:v46+s17+$0x0], $0xffff  }
0x2c2: {  	v7 =	vor.u32 v41, v60;
	v12 =	vld.idx.msk [tilespmem:v51+s17+$0x0], $0xffff;
	v47 =	vor.u32 v39, v11  }
0x2c3: {  	v54 =	vor.u32 v43, v18;
	v50 =	vld.idx.msk [tilespmem:v57+s17+$0x0], $0xffff;
	v51 =	vor.u32 v44, v24  }
0x2c4: {  	v9 =	vld.idx.msk [tilespmem:v53+s17+$0x0], $0xffff;
	v49 =	vor.u32 v39, v6;
	v53 =	vor.u32 v43, v23;
	[tilespmem:v2+s20+$0x0] =	vst.idx.msk $0xffff, v62  }
0x2c5: {  	v59 =	vor.u32 v43, v19;
	v58 =	vor.u32 v44, v14;
	v57 =	vld.idx.msk [tilespmem:v48+s17+$0x0], $0xffff;
	[tilespmem:v52+s20+$0x0] =	vst.idx.msk $0xffff, v26  }
0x2c6: {  	v61 =	vor.u32 v43, v13;
	v60 =	vor.u32 v39, v10;
	v8 =	vld.idx.msk [tilespmem:v8+s17+$0x0], $0xffff;
	[tilespmem:v56+s20+$0x0] =	vst.idx.msk $0xffff, v55  }
0x2c7: {  	v62 =	vor.u32 v0, v17;
	v7 =	vld.idx.msk [tilespmem:v7+s17+$0x0], $0xffff;
	v2 =	vor.u32 v39, v4;
	[tilespmem:v47+s20+$0x0] =	vst.idx.msk $0xffff, v12  }
0x2c8: {  	v5 =	vor.u32 v0, v5;
	v40 =	vor.u32 v42, v15;
	v29 =	vld.idx.msk [tilespmem:v54+s17+$0x0], $0xffff;
	[tilespmem:v51+s20+$0x0] =	vst.idx.msk $0xffff, v50  }
0x2c9: {  	v38 =	vor.u32 v42, v24;
	v43 =	vor.u32 v41, v21;
	[tilespmem:v49+s20+$0x0] =	vst.idx.msk $0xffff, v9;
	v37 =	vld.idx.msk [tilespmem:v53+s17+$0x0], $0xffff  }
0x2ca: {  	v45 =	vor.u32 v42, v16;
	v25 =	vor.u32 v41, v25;
	v44 =	vld.idx.msk [tilespmem:v59+s17+$0x0], $0xffff;
	[tilespmem:v58+s20+$0x0] =	vst.idx.msk $0xffff, v57  }
0x2cb: {  	v46 =	vor.u32 v42, v14;
	[tilespmem:v60+s20+$0x0] =	vst.idx.msk $0xffff, v8;
	v47 =	vor.u32 v41, v22;
	v8 =	vld.idx.msk [tilespmem:v61+s17+$0x0], $0xffff  }
0x2cc: {  	v6 =	vor.u32 v1, v6;
	[tilespmem:v2+s20+$0x0] =	vst.idx.msk $0xffff, v7;
	v7 =	vld.idx.msk [tilespmem:v62+s17+$0x0], $0xffff  }
0x2cd: {  	v48 =	vor.u32 v41, v20;
	v50 =	vor.u32 v1, v11;
	v5 =	vld.idx.msk [tilespmem:v5+s17+$0x0], $0xffff;
	[tilespmem:v40+s20+$0x0] =	vst.idx.msk $0xffff, v29  }
0x2ce: {  	v54 =	vor.u32 v39, v15;
	v51 =	vor.u32 v0, v63;
	v12 =	vld.idx.msk [tilespmem:v43+s17+$0x0], $0xffff;
	[tilespmem:v38+s20+$0x0] =	vst.idx.msk $0xffff, v37  }
0x2cf: {  	v49 =	vor.u32 v0, v3;
	v53 =	vor.u32 v39, v24;
	[tilespmem:v45+s20+$0x0] =	vst.idx.msk $0xffff, v44;
	v52 =	vld.idx.msk [tilespmem:v25+s17+$0x0], $0xffff  }
0x2d0: {  	v57 =	vor.u32 v0, v18;
	v56 =	vld.idx.msk [tilespmem:v47+s17+$0x0], $0xffff;
	[tilespmem:v46+s20+$0x0] =	vst.idx.msk $0xffff, v8;
	v8 =	vor.u32 v39, v16  }
0x2d1: {  	v55 =	vor.u32 v0, v23;
	[tilespmem:v6+s20+$0x0] =	vst.idx.msk $0xffff, v7  }
0x2d2: {  	v58 =	vor.u32 v39, v14;
	v6 =	vor.u32 v0, v19;
	[tilespmem:v50+s20+$0x0] =	vst.idx.msk $0xffff, v5;
	v7 =	vld.idx.msk [tilespmem:v48+s17+$0x0], $0xffff  }
0x2d3: {  	v4 =	vor.u32 v1, v4;
	v59 =	vor.u32 v0, v13;
	v2 =	vld.idx.msk [tilespmem:v51+s17+$0x0], $0xffff;
	[tilespmem:v54+s20+$0x0] =	vst.idx.msk $0xffff, v12  }
0x2d4: {  	s0 =	sadd.s32 s2, s10;
	v3 =	vld.idx.msk [tilespmem:v49+s17+$0x0], $0xffff;
	v5 =	vor.u32 v1, v10;
	[tilespmem:v53+s20+$0x0] =	vst.idx.msk $0xffff, v52  }
0x2d5: {  	s5 =	sshra.s32 s0, $0x1F;
	v62 =	vor.u32 v1, v15;
	[tilespmem:v8+s20+$0x0] =	vst.idx.msk $0xffff, v56;
	v8 =	vld.idx.msk [tilespmem:v57+s17+$0x0], $0xffff  }
0x2d6: {  	s8 =	sshrl.u32 s5, $0x19;
	v61 =	vor.u32 v1, v24;
	v60 =	vld.idx.msk [tilespmem:v55+s17+$0x0], $0xffff  }
0x2d7: {  	s8 =	sadd.s32 s8, s0;
	[tilespmem:v58+s20+$0x0] =	vst.idx.msk $0xffff, v7;
	v7 =	vor.u32 v1, v16;
	v6 =	vld.idx.msk [tilespmem:v6+s17+$0x0], $0xffff  }
0x2d8: {  	s8 =	sshrl.u32 s8, $0x7;
	v63 =	vor.u32 v1, v14;
	[tilespmem:v4+s20+$0x0] =	vst.idx.msk $0xffff, v2;
	v0 =	vld.idx.msk [tilespmem:v59+s17+$0x0], $0xffff  }
0x2d9: {  	s0 =	sshll.u32 s0, $0xA;
	s5 =	sadd.s32 s5, s8;
	[tilespmem:v5+s20+$0x0] =	vst.idx.msk $0xffff, v3  }
0x2da: {  	s0 =	sand.u32 $0x1FC00, s0;
	s5 =	sshll.u32 s5, $0x14;
	[tilespmem:v62+s20+$0x0] =	vst.idx.msk $0xffff, v8  }
0x2db: {  	s0 =	sor.u32 s0, s5;
	[tilespmem:v61+s20+$0x0] =	vst.idx.msk $0xffff, v60  }
0x2dc: {  	s0 =	sshrl.u32 s0, $0x3;
	[tilespmem:v7+s20+$0x0] =	vst.idx.msk $0xffff, v6  }
0x2dd: {  	p1 =	por $0x0, $0x0;
	s0 =	sadd.s32 s3, s0;
	[tilespmem:v63+s20+$0x0] =	vst.idx.msk $0xffff, v0  }
0x2de: {  	v48 =	vlaneseq.u32;
	[hbm4b:s0+s21] =	stream.strided.scatter [tilespmem:s23], [sflag:$0x6], $0x2000, s22, s21, $0x38;
	v6 =	vld [tilespmem:$0x1FE30]  }
.LBB2_9:
0x2df: {  	_ =	swait.ge [sflag:s24], $0x80  }
0x2e0: {  	[sflag:s24] =	ssyncset.done $0x0  }
0x2e1: {  	[sflag:s24] =	ssyncadd.s32 $0xFFFFFF80  }
0x2e2: {  	v0 =	vld [tilespmem:$0x80]  }
0x2e3: {  	v1 =	vld [tilespmem:$0x90]  }
0x2e4: {  	v2 =	vld [tilespmem:$0xA0]  }
0x2e5: {  	v3 =	vld [tilespmem:$0xB0]  }
0x2e6: {  	v4 =	vld [tilespmem:$0xC0]  }
0x2e7: {  	[tilespmem:$0x180] =	vst v0;
	v0 =	vld [tilespmem:$0xD0]  }
0x2e8: {  	[tilespmem:$0x190] =	vst v1;
	v1 =	vld [tilespmem:$0xE0]  }
0x2e9: {  	s0 =	sadd.s32 @!p0 s2, s11;
	[tilespmem:$0x1A0] =	vst v2;
	v2 =	vld [tilespmem:$0xF0]  }
0x2ea: {  	s5 =	sshll.u32 @!p0 s0, $0xA;
	[tilespmem:$0x1B0] =	vst v3  }
0x2eb: {  	s8 =	sshll.u32 @!p0 s0, $0x7;
	s0 =	sand.u32 @!p0 $0x380, s0;
	s5 =	sand.u32 @!p0 $0x1FC00, s5;
	[tilespmem:$0x1C0] =	vst v4  }
0x2ec: {  	s8 =	sand.u32 @!p0 $0x7FFE0000, s8;
	s0 =	sor.u32 @!p0 s0, s5;
	[tilespmem:$0x1D0] =	vst v0  }
0x2ed: {  	s0 =	sor.u32 @!p0 s8, s0;
	[tilespmem:$0x1E0] =	vst v1  }
0x2ee: {  	s0 =	sshrl.u32 @!p0 s0, $0x3;
	[tilespmem:$0x1F0] =	vst v2  }
0x2ef: {  	[tilespmem:s26], [sflag:$0x4] =	stream.indirect.gather [hbm4b:s6+s14], $0x80, s25, s14, $0xb8;
	[tilespmem:$0xC200] =	vst v63  }
0x2f0: {  	s5 =	simm.s32 @!p0 $0x0;
	s8 =	simm.s32 @!p0 $0x80;
	s0 =	sadd.s32 @!p0 s1, s0  }
0x2f1: {  	[tilespmem:s8], [sflag:$0x2] =	stream.linear.gather @!p0 [hbm4b:s0+s5], $0x80, $0x38;
	[tilespmem:$0xC200] =	vst v63  }
0x2f2: {  	s0 =	simm.s32 $0x3  }
0x2f3: {  	s5 =	simm.s32 @!p1 $0x5;
	s8 =	simm.s32 $0x1;
	v35 =	vadd.s32 s0, v48  }
0x2f4: {  	_ =	swait.ge @!p1 [sflag:s5], $0x2000;
	v8 =	vadd.s32 s8, v48;
	s0 =	simm.s32 $0x2;
	v7 =	vand.u32 $0xF, v35  }
0x2f5: {  	s8 =	simm.s32 $0x0;
	[sflag:s5] =	ssyncset.done @!p1 $0x0;
	v5 =	vand.u32 $0xF, v8;
	v34 =	vadd.s32 s0, v48;
	v0 =	vor.u32 v6, v7  }
0x2f6: {  	v10 =	vadd.s32 s8, v48;
	[sflag:s5] =	ssyncadd.s32 @!p1 $0xFFFFE000;
	v1 =	vor.u32 v6, v5;
	v11 =	vand.u32 $0xF, v34  }
0x2f7: {  	v9 =	vand.u32 $0xF, v10;
	_ =	swait.ge [sflag:s28], $0x4000;
	v14 =	vor.u32 v6, v11  }
0x2f8: {  	v15 =	vor.u32 v6, v9;
	[sflag:s28] =	ssyncset.done $0x0  }
0x2f9: {  	v12 =	vshll.u32 v7, $0x7;
	[sflag:s28] =	ssyncadd.s32 $0xFFFFC000  }
0x2fa: {  	v13 =	vor.u32 $0x10, v6;
	v4 =	vshll.u32 v5, $0x7;
	v16 =	vor.u32 v48, v12;
	v0 =	vld.idx.msk [tilespmem:v0+s17+$0x0], $0xffff  }
0x2fb: {  	v18 =	vor.u32 v13, v35;
	v17 =	vor.u32 v48, v4;
	v2 =	vshll.u32 v11, $0x7;
	v1 =	vld.idx.msk [tilespmem:v1+s17+$0x0], $0xffff  }
0x2fc: {  	v20 =	vor.u32 v13, v8;
	v3 =	vshll.u32 v9, $0x7;
	v19 =	vor.u32 v48, v2;
	v14 =	vld.idx.msk [tilespmem:v14+s17+$0x0], $0xffff  }
0x2fd: {  	v22 =	vor.u32 v13, v34;
	v21 =	vor.u32 v48, v3;
	v15 =	vld.idx.msk [tilespmem:v15+s17+$0x0], $0xffff  }
0x2fe: {  	v23 =	vor.u32 v13, v10;
	[tilespmem:$0x1F970] =	vst v13  }
0x2ff: {  	v13 =	vor.u32 $0x800, v48;
	[tilespmem:v16+s20+$0x0] =	vst.idx.msk $0xffff, v0  }
0x300: {  	[tilespmem:v17+s20+$0x0] =	vst.idx.msk $0xffff, v1;
	v1 =	vor.u32 v13, v12;
	v0 =	vld.idx.msk [tilespmem:v18+s17+$0x0], $0xffff  }
0x301: {  	v24 =	vor.u32 $0x20, v6;
	v16 =	vor.u32 v13, v4;
	[tilespmem:v19+s20+$0x0] =	vst.idx.msk $0xffff, v14;
	v14 =	vld.idx.msk [tilespmem:v20+s17+$0x0], $0xffff  }
0x302: {  	v17 =	vor.u32 v24, v7;
	[tilespmem:v21+s20+$0x0] =	vst.idx.msk $0xffff, v15;
	v18 =	vor.u32 v13, v2;
	v15 =	vld.idx.msk [tilespmem:v22+s17+$0x0], $0xffff  }
0x303: {  	v19 =	vor.u32 v24, v5;
	v21 =	vor.u32 v13, v3;
	v20 =	vld.idx.msk [tilespmem:v23+s17+$0x0], $0xffff;
	[tilespmem:$0x1F980] =	vst v13  }
0x304: {  	v22 =	vor.u32 v24, v11;
	[tilespmem:$0x1F990] =	vst v24  }
0x305: {  	v23 =	vor.u32 v24, v9;
	[tilespmem:v1+s20+$0x0] =	vst.idx.msk $0xffff, v0  }
0x306: {  	v13 =	vor.u32 $0x1000, v48;
	[tilespmem:v16+s20+$0x0] =	vst.idx.msk $0xffff, v14  }
0x307: {  	v45 =	vor.u32 $0x30, v6;
	v1 =	vor.u32 v13, v12;
	v0 =	vld.idx.msk [tilespmem:v17+s17+$0x0], $0xffff;
	[tilespmem:v18+s20+$0x0] =	vst.idx.msk $0xffff, v15  }
0x308: {  	v14 =	vor.u32 v13, v4;
	v15 =	vor.u32 v45, v35;
	v16 =	vld.idx.msk [tilespmem:v19+s17+$0x0], $0xffff;
	[tilespmem:v21+s20+$0x0] =	vst.idx.msk $0xffff, v20  }
0x309: {  	v18 =	vor.u32 v13, v2;
	v19 =	vor.u32 v45, v8;
	v17 =	vld.idx.msk [tilespmem:v22+s17+$0x0], $0xffff;
	[tilespmem:$0x1F9A0] =	vst v13  }
0x30a: {  	v20 =	vor.u32 v13, v3;
	v22 =	vor.u32 v45, v34;
	v21 =	vld.idx.msk [tilespmem:v23+s17+$0x0], $0xffff  }
0x30b: {  	[tilespmem:$0x1F9B0] =	vst v45;
	v23 =	vor.u32 v45, v10  }
0x30c: {  	v13 =	vor.u32 $0x1800, v48;
	[tilespmem:v1+s20+$0x0] =	vst.idx.msk $0xffff, v0  }
0x30d: {  	v46 =	vor.u32 $0x800, v6;
	v1 =	vor.u32 v13, v12;
	[tilespmem:v14+s20+$0x0] =	vst.idx.msk $0xffff, v16;
	v0 =	vld.idx.msk [tilespmem:v15+s17+$0x0], $0xffff  }
0x30e: {  	v14 =	vor.u32 v13, v4;
	v15 =	vor.u32 v46, v7;
	v16 =	vld.idx.msk [tilespmem:v19+s17+$0x0], $0xffff;
	[tilespmem:v18+s20+$0x0] =	vst.idx.msk $0xffff, v17  }
0x30f: {  	v18 =	vor.u32 v13, v2;
	v19 =	vor.u32 v46, v5;
	[tilespmem:v20+s20+$0x0] =	vst.idx.msk $0xffff, v21;
	v17 =	vld.idx.msk [tilespmem:v22+s17+$0x0], $0xffff  }
0x310: {  	v21 =	vor.u32 v13, v3;
	v22 =	vor.u32 v46, v11;
	v20 =	vld.idx.msk [tilespmem:v23+s17+$0x0], $0xffff;
	[tilespmem:$0x1F9C0] =	vst v13  }
0x311: {  	[tilespmem:$0x1F9D0] =	vst v46;
	v23 =	vor.u32 v46, v9  }
0x312: {  	v13 =	vor.u32 $0x10, v48;
	[tilespmem:v1+s20+$0x0] =	vst.idx.msk $0xffff, v0  }
0x313: {  	v47 =	vor.u32 $0x810, v6;
	v1 =	vor.u32 v13, v12;
	[tilespmem:v14+s20+$0x0] =	vst.idx.msk $0xffff, v16;
	v0 =	vld.idx.msk [tilespmem:v15+s17+$0x0], $0xffff  }
0x314: {  	v14 =	vor.u32 v13, v4;
	v15 =	vor.u32 v47, v35;
	v16 =	vld.idx.msk [tilespmem:v19+s17+$0x0], $0xffff;
	[tilespmem:v18+s20+$0x0] =	vst.idx.msk $0xffff, v17  }
0x315: {  	v18 =	vor.u32 v13, v2;
	v19 =	vor.u32 v47, v8;
	[tilespmem:v21+s20+$0x0] =	vst.idx.msk $0xffff, v20;
	v17 =	vld.idx.msk [tilespmem:v22+s17+$0x0], $0xffff  }
0x316: {  	v21 =	vor.u32 v13, v3;
	v22 =	vor.u32 v47, v34;
	v20 =	vld.idx.msk [tilespmem:v23+s17+$0x0], $0xffff;
	[tilespmem:$0x1F9E0] =	vst v13  }
0x317: {  	[tilespmem:$0x1F9F0] =	vst v47;
	v23 =	vor.u32 v47, v10  }
0x318: {  	v13 =	vor.u32 $0x810, v48;
	[tilespmem:v1+s20+$0x0] =	vst.idx.msk $0xffff, v0  }
0x319: {  	v49 =	vor.u32 $0x820, v6;
	v1 =	vor.u32 v13, v12;
	[tilespmem:v14+s20+$0x0] =	vst.idx.msk $0xffff, v16;
	v0 =	vld.idx.msk [tilespmem:v15+s17+$0x0], $0xffff  }
0x31a: {  	v14 =	vor.u32 v13, v4;
	v15 =	vor.u32 v49, v7;
	v16 =	vld.idx.msk [tilespmem:v19+s17+$0x0], $0xffff;
	[tilespmem:v18+s20+$0x0] =	vst.idx.msk $0xffff, v17  }
0x31b: {  	v18 =	vor.u32 v13, v2;
	v19 =	vor.u32 v49, v5;
	[tilespmem:v21+s20+$0x0] =	vst.idx.msk $0xffff, v20;
	v17 =	vld.idx.msk [tilespmem:v22+s17+$0x0], $0xffff  }
0x31c: {  	v21 =	vor.u32 v13, v3;
	v22 =	vor.u32 v49, v11;
	v20 =	vld.idx.msk [tilespmem:v23+s17+$0x0], $0xffff;
	[tilespmem:$0x1FA00] =	vst v13  }
0x31d: {  	[tilespmem:$0x1FA10] =	vst v49;
	v23 =	vor.u32 v49, v9  }
0x31e: {  	[tilespmem:v1+s20+$0x0] =	vst.idx.msk $0xffff, v0;
	v1 =	vor.u32 $0x1010, v48  }
0x31f: {  	v13 =	vor.u32 $0x830, v6;
	[tilespmem:v14+s20+$0x0] =	vst.idx.msk $0xffff, v16;
	v0 =	vld.idx.msk [tilespmem:v15+s17+$0x0], $0xffff;
	v15 =	vor.u32 v1, v12  }
0x320: {  	v16 =	vor.u32 v13, v35;
	v14 =	vor.u32 v1, v4;
	v19 =	vld.idx.msk [tilespmem:v19+s17+$0x0], $0xffff;
	[tilespmem:v18+s20+$0x0] =	vst.idx.msk $0xffff, v17  }
0x321: {  	v18 =	vor.u32 v1, v2;
	[tilespmem:v21+s20+$0x0] =	vst.idx.msk $0xffff, v20;
	v17 =	vld.idx.msk [tilespmem:v22+s17+$0x0], $0xffff;
	v20 =	vor.u32 v13, v8  }
0x322: {  	v25 =	vor.u32 v13, v34;
	v50 =	vor.u32 v1, v3;
	v21 =	vld.idx.msk [tilespmem:v23+s17+$0x0], $0xffff;
	[tilespmem:$0x1FA20] =	vst v1  }
0x323: {  	v26 =	vor.u32 v13, v10;
	[tilespmem:$0x1FA30] =	vst v13  }
0x324: {  	v1 =	vor.u32 $0x1810, v48;
	[tilespmem:v15+s20+$0x0] =	vst.idx.msk $0xffff, v0  }
0x325: {  	v13 =	vor.u32 $0x1000, v6;
	v15 =	vor.u32 v1, v12;
	[tilespmem:v14+s20+$0x0] =	vst.idx.msk $0xffff, v19;
	v0 =	vld.idx.msk [tilespmem:v16+s17+$0x0], $0xffff  }
0x326: {  	v14 =	vor.u32 v1, v4;
	v16 =	vor.u32 v13, v7;
	v19 =	vld.idx.msk [tilespmem:v20+s17+$0x0], $0xffff;
	[tilespmem:v18+s20+$0x0] =	vst.idx.msk $0xffff, v17  }
0x327: {  	v18 =	vor.u32 v1, v2;
	v20 =	vor.u32 v13, v5;
	[tilespmem:v50+s20+$0x0] =	vst.idx.msk $0xffff, v21;
	v17 =	vld.idx.msk [tilespmem:v25+s17+$0x0], $0xffff  }
0x328: {  	v51 =	vor.u32 v1, v3;
	v27 =	vor.u32 v13, v11;
	v21 =	vld.idx.msk [tilespmem:v26+s17+$0x0], $0xffff;
	[tilespmem:$0x1FA40] =	vst v1  }
0x329: {  	v28 =	vor.u32 v13, v9;
	[tilespmem:$0x1FA50] =	vst v13  }
0x32a: {  	v13 =	vor.u32 $0x20, v48;
	[tilespmem:v15+s20+$0x0] =	vst.idx.msk $0xffff, v0  }
0x32b: {  	v15 =	vor.u32 v13, v12;
	[tilespmem:v14+s20+$0x0] =	vst.idx.msk $0xffff, v19;
	v0 =	vld.idx.msk [tilespmem:v16+s17+$0x0], $0xffff  }
0x32c: {  	v1 =	vor.u32 $0x1010, v6;
	v14 =	vor.u32 v13, v4;
	v19 =	vld.idx.msk [tilespmem:v20+s17+$0x0], $0xffff;
	[tilespmem:v18+s20+$0x0] =	vst.idx.msk $0xffff, v17  }
0x32d: {  	v16 =	vor.u32 v1, v35;
	v18 =	vor.u32 v13, v2;
	[tilespmem:v51+s20+$0x0] =	vst.idx.msk $0xffff, v21;
	v17 =	vld.idx.msk [tilespmem:v27+s17+$0x0], $0xffff  }
0x32e: {  	v53 =	vor.u32 v13, v3;
	v20 =	vor.u32 v1, v8;
	v52 =	vld.idx.msk [tilespmem:v28+s17+$0x0], $0xffff;
	[tilespmem:$0x1FA60] =	vst v13  }
0x32f: {  	v29 =	vor.u32 v1, v34;
	[tilespmem:$0x1FA70] =	vst v1  }
0x330: {  	v30 =	vor.u32 v1, v10;
	[tilespmem:v15+s20+$0x0] =	vst.idx.msk $0xffff, v0  }
0x331: {  	v13 =	vor.u32 $0x820, v48;
	[tilespmem:v14+s20+$0x0] =	vst.idx.msk $0xffff, v19  }
0x332: {  	v15 =	vor.u32 v13, v12;
	v0 =	vld.idx.msk [tilespmem:v16+s17+$0x0], $0xffff;
	[tilespmem:v18+s20+$0x0] =	vst.idx.msk $0xffff, v17  }
0x333: {  	v1 =	vor.u32 $0x1020, v6;
	v14 =	vor.u32 v13, v4;
	v19 =	vld.idx.msk [tilespmem:v20+s17+$0x0], $0xffff;
	[tilespmem:v53+s20+$0x0] =	vst.idx.msk $0xffff, v52  }
0x334: {  	v16 =	vor.u32 v1, v7;
	v17 =	vor.u32 v13, v2;
	v20 =	vld.idx.msk [tilespmem:v29+s17+$0x0], $0xffff;
	[tilespmem:$0x1FA80] =	vst v13  }
0x335: {  	v54 =	vor.u32 v13, v3;
	v18 =	vor.u32 v1, v5;
	v28 =	vld.idx.msk [tilespmem:v30+s17+$0x0], $0xffff  }
0x336: {  	v55 =	vor.u32 v1, v11;
	[tilespmem:$0x1FA90] =	vst v1  }
0x337: {  	v56 =	vor.u32 v1, v9;
	[tilespmem:v15+s20+$0x0] =	vst.idx.msk $0xffff, v0  }
0x338: {  	v13 =	vor.u32 $0x1020, v48;
	[tilespmem:v14+s20+$0x0] =	vst.idx.msk $0xffff, v19  }
0x339: {  	v15 =	vor.u32 v13, v12;
	v0 =	vld.idx.msk [tilespmem:v16+s17+$0x0], $0xffff;
	[tilespmem:v17+s20+$0x0] =	vst.idx.msk $0xffff, v20  }
0x33a: {  	v1 =	vor.u32 $0x1030, v6;
	v14 =	vor.u32 v13, v4;
	v18 =	vld.idx.msk [tilespmem:v18+s17+$0x0], $0xffff;
	[tilespmem:v54+s20+$0x0] =	vst.idx.msk $0xffff, v28  }
0x33b: {  	v16 =	vor.u32 v1, v35;
	v17 =	vor.u32 v13, v2;
	v20 =	vld.idx.msk [tilespmem:v55+s17+$0x0], $0xffff;
	[tilespmem:$0x1FAA0] =	vst v13  }
0x33c: {  	v57 =	vor.u32 v13, v3;
	v19 =	vor.u32 v1, v8;
	v59 =	vld.idx.msk [tilespmem:v56+s17+$0x0], $0xffff  }
0x33d: {  	v58 =	vor.u32 v1, v34;
	[tilespmem:$0x1FAB0] =	vst v1  }
0x33e: {  	v60 =	vor.u32 v1, v10;
	[tilespmem:v15+s20+$0x0] =	vst.idx.msk $0xffff, v0  }
0x33f: {  	v13 =	vor.u32 $0x1820, v48;
	[tilespmem:v14+s20+$0x0] =	vst.idx.msk $0xffff, v18  }
0x340: {  	v15 =	vor.u32 v13, v12;
	v0 =	vld.idx.msk [tilespmem:v16+s17+$0x0], $0xffff;
	[tilespmem:v17+s20+$0x0] =	vst.idx.msk $0xffff, v20  }
0x341: {  	v1 =	vor.u32 $0x1800, v6;
	v14 =	vor.u32 v13, v4;
	v18 =	vld.idx.msk [tilespmem:v19+s17+$0x0], $0xffff;
	[tilespmem:v57+s20+$0x0] =	vst.idx.msk $0xffff, v59  }
0x342: {  	v16 =	vor.u32 v1, v7;
	v17 =	vor.u32 v13, v2;
	v20 =	vld.idx.msk [tilespmem:v58+s17+$0x0], $0xffff;
	[tilespmem:$0x1FAC0] =	vst v13  }
0x343: {  	v61 =	vor.u32 v13, v3;
	v19 =	vor.u32 v1, v5;
	v29 =	vld.idx.msk [tilespmem:v60+s17+$0x0], $0xffff  }
0x344: {  	v62 =	vor.u32 v1, v11;
	[tilespmem:$0x1FAD0] =	vst v1  }
0x345: {  	v63 =	vor.u32 v1, v9;
	[tilespmem:v15+s20+$0x0] =	vst.idx.msk $0xffff, v0  }
0x346: {  	v13 =	vor.u32 $0x30, v48;
	[tilespmem:v14+s20+$0x0] =	vst.idx.msk $0xffff, v18  }
0x347: {  	v15 =	vor.u32 v13, v12;
	[tilespmem:v17+s20+$0x0] =	vst.idx.msk $0xffff, v20;
	v0 =	vld.idx.msk [tilespmem:v16+s17+$0x0], $0xffff  }
0x348: {  	v1 =	vor.u32 $0x1810, v6;
	v14 =	vor.u32 v13, v4;
	v18 =	vld.idx.msk [tilespmem:v19+s17+$0x0], $0xffff;
	[tilespmem:v61+s20+$0x0] =	vst.idx.msk $0xffff, v29  }
0x349: {  	v17 =	vor.u32 v13, v2;
	v16 =	vor.u32 v1, v35;
	v20 =	vld.idx.msk [tilespmem:v62+s17+$0x0], $0xffff;
	[tilespmem:$0x1FAE0] =	vst v13  }
0x34a: {  	v33 =	vor.u32 v13, v3;
	v19 =	vor.u32 v1, v8;
	v29 =	vld.idx.msk [tilespmem:v63+s17+$0x0], $0xffff  }
0x34b: {  	v36 =	vor.u32 v1, v34;
	[tilespmem:$0x1FAF0] =	vst v1  }
0x34c: {  	v37 =	vor.u32 v1, v10;
	[tilespmem:v15+s20+$0x0] =	vst.idx.msk $0xffff, v0  }
0x34d: {  	v13 =	vor.u32 $0x830, v48;
	[tilespmem:v14+s20+$0x0] =	vst.idx.msk $0xffff, v18  }
0x34e: {  	v15 =	vor.u32 v13, v12;
	[tilespmem:v17+s20+$0x0] =	vst.idx.msk $0xffff, v20;
	v0 =	vld.idx.msk [tilespmem:v16+s17+$0x0], $0xffff  }
0x34f: {  	v1 =	vor.u32 $0x1820, v6;
	v14 =	vor.u32 v13, v4;
	v18 =	vld.idx.msk [tilespmem:v19+s17+$0x0], $0xffff;
	[tilespmem:v33+s20+$0x0] =	vst.idx.msk $0xffff, v29  }
0x350: {  	v17 =	vor.u32 v13, v2;
	v16 =	vor.u32 v1, v7;
	v20 =	vld.idx.msk [tilespmem:v36+s17+$0x0], $0xffff;
	[tilespmem:$0x1FB00] =	vst v13  }
0x351: {  	v38 =	vor.u32 v13, v3;
	v19 =	vor.u32 v1, v5;
	v29 =	vld.idx.msk [tilespmem:v37+s17+$0x0], $0xffff  }
0x352: {  	v39 =	vor.u32 v1, v11;
	[tilespmem:$0x1FB10] =	vst v1  }
0x353: {  	v40 =	vor.u32 v1, v9;
	[tilespmem:v15+s20+$0x0] =	vst.idx.msk $0xffff, v0  }
0x354: {  	v13 =	vor.u32 $0x1030, v48;
	[tilespmem:v14+s20+$0x0] =	vst.idx.msk $0xffff, v18  }
0x355: {  	v15 =	vor.u32 v13, v12;
	[tilespmem:v17+s20+$0x0] =	vst.idx.msk $0xffff, v20;
	v0 =	vld.idx.msk [tilespmem:v16+s17+$0x0], $0xffff  }
0x356: {  	v1 =	vor.u32 $0x1830, v6;
	v14 =	vor.u32 v13, v4;
	v18 =	vld.idx.msk [tilespmem:v19+s17+$0x0], $0xffff;
	[tilespmem:v38+s20+$0x0] =	vst.idx.msk $0xffff, v29  }
0x357: {  	v17 =	vor.u32 v13, v2;
	v16 =	vor.u32 v1, v35;
	v20 =	vld.idx.msk [tilespmem:v39+s17+$0x0], $0xffff;
	[tilespmem:$0x1FB20] =	vst v13  }
0x358: {  	v41 =	vor.u32 v13, v3;
	v19 =	vor.u32 v1, v8;
	v29 =	vld.idx.msk [tilespmem:v40+s17+$0x0], $0xffff  }
0x359: {  	v42 =	vor.u32 v1, v34;
	[tilespmem:$0x1FB30] =	vst v1  }
0x35a: {  	v43 =	vor.u32 v1, v10;
	[tilespmem:v15+s20+$0x0] =	vst.idx.msk $0xffff, v0  }
0x35b: {  	v13 =	vor.u32 $0x1830, v48;
	[tilespmem:v14+s20+$0x0] =	vst.idx.msk $0xffff, v18  }
0x35c: {  	v15 =	vor.u32 v13, v12;
	[tilespmem:v17+s20+$0x0] =	vst.idx.msk $0xffff, v20;
	v0 =	vld.idx.msk [tilespmem:v16+s17+$0x0], $0xffff  }
0x35d: {  	v1 =	vor.u32 $0x2000, v6;
	v14 =	vor.u32 v13, v4;
	v18 =	vld.idx.msk [tilespmem:v19+s17+$0x0], $0xffff;
	[tilespmem:v41+s20+$0x0] =	vst.idx.msk $0xffff, v29  }
0x35e: {  	v17 =	vor.u32 v13, v2;
	v16 =	vor.u32 v1, v7;
	v20 =	vld.idx.msk [tilespmem:v42+s17+$0x0], $0xffff;
	[tilespmem:$0x1FB40] =	vst v13  }
0x35f: {  	v44 =	vor.u32 v13, v3;
	v19 =	vor.u32 v1, v5;
	v29 =	vld.idx.msk [tilespmem:v43+s17+$0x0], $0xffff  }
0x360: {  	v45 =	vor.u32 v1, v11;
	[tilespmem:$0x1FB50] =	vst v1  }
0x361: {  	v46 =	vor.u32 v1, v9;
	[tilespmem:v15+s20+$0x0] =	vst.idx.msk $0xffff, v0  }
0x362: {  	v13 =	vor.u32 $0x40, v48;
	[tilespmem:v14+s20+$0x0] =	vst.idx.msk $0xffff, v18  }
0x363: {  	v15 =	vor.u32 v13, v12;
	[tilespmem:v17+s20+$0x0] =	vst.idx.msk $0xffff, v20;
	v0 =	vld.idx.msk [tilespmem:v16+s17+$0x0], $0xffff  }
0x364: {  	v1 =	vor.u32 $0x2010, v6;
	v14 =	vor.u32 v13, v4;
	v18 =	vld.idx.msk [tilespmem:v19+s17+$0x0], $0xffff;
	[tilespmem:v44+s20+$0x0] =	vst.idx.msk $0xffff, v29  }
0x365: {  	v17 =	vor.u32 v13, v2;
	v16 =	vor.u32 v1, v35;
	v20 =	vld.idx.msk [tilespmem:v45+s17+$0x0], $0xffff;
	[tilespmem:$0x1FB60] =	vst v13  }
0x366: {  	v47 =	vor.u32 v13, v3;
	v19 =	vor.u32 v1, v8;
	v29 =	vld.idx.msk [tilespmem:v46+s17+$0x0], $0xffff  }
0x367: {  	v49 =	vor.u32 v1, v34;
	[tilespmem:$0x1FB70] =	vst v1  }
0x368: {  	v50 =	vor.u32 v1, v10;
	[tilespmem:v15+s20+$0x0] =	vst.idx.msk $0xffff, v0  }
0x369: {  	v13 =	vor.u32 $0x840, v48;
	[tilespmem:v14+s20+$0x0] =	vst.idx.msk $0xffff, v18  }
0x36a: {  	v15 =	vor.u32 v13, v12;
	[tilespmem:v17+s20+$0x0] =	vst.idx.msk $0xffff, v20;
	v0 =	vld.idx.msk [tilespmem:v16+s17+$0x0], $0xffff  }
0x36b: {  	v1 =	vor.u32 $0x2020, v6;
	v14 =	vor.u32 v13, v4;
	v18 =	vld.idx.msk [tilespmem:v19+s17+$0x0], $0xffff;
	[tilespmem:v47+s20+$0x0] =	vst.idx.msk $0xffff, v29  }
0x36c: {  	v17 =	vor.u32 v13, v2;
	v16 =	vor.u32 v1, v7;
	v20 =	vld.idx.msk [tilespmem:v49+s17+$0x0], $0xffff;
	[tilespmem:$0x1FB80] =	vst v13  }
0x36d: {  	v51 =	vor.u32 v13, v3;
	v19 =	vor.u32 v1, v5;
	v29 =	vld.idx.msk [tilespmem:v50+s17+$0x0], $0xffff  }
0x36e: {  	v52 =	vor.u32 v1, v11;
	[tilespmem:$0x1FB90] =	vst v1  }
0x36f: {  	v53 =	vor.u32 v1, v9;
	[tilespmem:v15+s20+$0x0] =	vst.idx.msk $0xffff, v0  }
0x370: {  	v13 =	vor.u32 $0x1040, v48;
	[tilespmem:v14+s20+$0x0] =	vst.idx.msk $0xffff, v18  }
0x371: {  	v1 =	vor.u32 $0x2030, v6;
	v15 =	vor.u32 v13, v12;
	[tilespmem:v17+s20+$0x0] =	vst.idx.msk $0xffff, v20;
	v0 =	vld.idx.msk [tilespmem:v16+s17+$0x0], $0xffff  }
0x372: {  	v14 =	vor.u32 v13, v4;
	v16 =	vor.u32 v1, v35;
	v18 =	vld.idx.msk [tilespmem:v19+s17+$0x0], $0xffff;
	[tilespmem:v51+s20+$0x0] =	vst.idx.msk $0xffff, v29  }
0x373: {  	v17 =	vor.u32 v13, v2;
	v19 =	vor.u32 v1, v8;
	v20 =	vld.idx.msk [tilespmem:v52+s17+$0x0], $0xffff;
	[tilespmem:$0x1FBA0] =	vst v13  }
0x374: {  	v54 =	vor.u32 v13, v3;
	v29 =	vld.idx.msk [tilespmem:v53+s17+$0x0], $0xffff  }
0x375: {  	v55 =	vor.u32 v1, v34;
	[tilespmem:$0x1FBB0] =	vst v1  }
0x376: {  	v56 =	vor.u32 v1, v10;
	v1 =	vor.u32 $0x1840, v48;
	[tilespmem:v15+s20+$0x0] =	vst.idx.msk $0xffff, v0  }
0x377: {  	v15 =	vor.u32 v1, v12;
	[tilespmem:v14+s20+$0x0] =	vst.idx.msk $0xffff, v18;
	v0 =	vld.idx.msk [tilespmem:v16+s17+$0x0], $0xffff  }
0x378: {  	s8 =	simm.s32 $0x4;
	v21 =	vor.u32 $0x2800, v6;
	v18 =	vor.u32 v1, v4;
	[tilespmem:v17+s20+$0x0] =	vst.idx.msk $0xffff, v20;
	v19 =	vld.idx.msk [tilespmem:v19+s17+$0x0], $0xffff  }
0x379: {  	v32 =	vor.u32 v21, v5;
	v59 =	vor.u32 v21, v7;
	v14 =	vadd.s32 s8, v48;
	[tilespmem:v54+s20+$0x0] =	vst.idx.msk $0xffff, v29  }
0x37a: {  	v33 =	vor.u32 v21, v11;
	v17 =	vor.u32 v1, v2;
	v57 =	vld.idx.msk [tilespmem:v55+s17+$0x0], $0xffff;
	v20 =	vand.u32 $0xF, v14;
	[tilespmem:$0x1FBC0] =	vst v1  }
0x37b: {  	v60 =	vlaneseq.u32;
	v42 =	vmovc v7;
	v58 =	vor.u32 v1, v3;
	v31 =	vor.u32 v6, v20;
	v29 =	vld.idx.msk [tilespmem:v56+s17+$0x0], $0xffff  }
0x37c: {  	v44 =	vor.u32 v21, v9;
	v7 =	vmovc v5;
	v5 =	vmov v9;
	v9 =	vor.u32 $0x50, v60;
	[tilespmem:v15+s20+$0x0] =	vst.idx.msk $0xffff, v0  }
0x37d: {  	s5 =	simm.s32 $0x5;
	v50 =	vor.u32 v9, v3;
	v51 =	vor.u32 v9, v2;
	[tilespmem:v18+s20+$0x0] =	vst.idx.msk $0xffff, v19  }
0x37e: {  	s8 =	simm.s32 $0x6;
	v16 =	vadd.s32 s5, v48;
	v54 =	vor.u32 v9, v4;
	v1 =	vor.u32 $0x2810, v6;
	[tilespmem:$0x1FBD0] =	vst v21  }
0x37f: {  	v18 =	vand.u32 $0xF, v16;
	v53 =	vor.u32 v1, v35;
	[tilespmem:v17+s20+$0x0] =	vst.idx.msk $0xffff, v57;
	v17 =	vadd.s32 s8, v48;
	v56 =	vld.idx.msk [tilespmem:v59+s17+$0x0], $0xffff  }
0x380: {  	v37 =	vmov v35;
	v0 =	vor.u32 v6, v18;
	v63 =	vld.idx.msk [tilespmem:v31+s17+$0x0], $0xffff;
	v19 =	vand.u32 $0xF, v17;
	[tilespmem:v58+s20+$0x0] =	vst.idx.msk $0xffff, v29  }
0x381: {  	v13 =	vmov v11;
	v52 =	vor.u32 v1, v8;
	v57 =	vld.idx.msk [tilespmem:v32+s17+$0x0], $0xffff;
	v62 =	vor.u32 v6, v19;
	[tilespmem:$0x1FBE0] =	vst v9  }
0x382: {  	v15 =	vshll.u32 v20, $0x7;
	v49 =	vor.u32 v1, v10;
	v58 =	vor.u32 v9, v12;
	v55 =	vld.idx.msk [tilespmem:v33+s17+$0x0], $0xffff;
	[tilespmem:$0x1FBF0] =	vst v10  }
0x383: {  	s2 =	sadd.s32 s4, s2;
	s0 =	simm.s32 $0x8;
	v11 =	vmovc v8;
	s5 =	simm.s32 $0x7;
	v61 =	vor.u32 v48, v15;
	v59 =	vmov v34;
	v48 =	vor.u32 v1, v34;
	[tilespmem:$0x1FC00] =	vst v1  }
.LBB2_10:
0x384: {  	v27 =	vld.idx.msk [tilespmem:v44+s17+$0x0], $0xffff  }
0x385: {  	v0 =	vld.idx.msk [tilespmem:v0+s17+$0x0], $0xffff;
	v8 =	vor.u32 $0x850, v60  }
0x386: {  	v46 =	vshll.u32 v18, $0x7;
	v43 =	vadd.s32 s5, v60;
	v36 =	vld.idx.msk [tilespmem:v62+s17+$0x0], $0xffff;
	[tilespmem:$0x1F8A0] =	vst v8  }
0x387: {  	v44 =	vshll.u32 v19, $0x7;
	v9 =	vld [tilespmem:$0x1F970];
	v28 =	vor.u32 v60, v46;
	v39 =	vand.u32 $0xF, v43;
	[tilespmem:v58+s20+$0x0] =	vst.idx.msk $0xffff, v56  }
0x388: {  	v22 =	vld [tilespmem:$0x1F980];
	v29 =	vor.u32 v60, v44;
	v31 =	vor.u32 v6, v39;
	[tilespmem:v61+s20+$0x0] =	vst.idx.msk $0xffff, v63  }
0x389: {  	v35 =	vor.u32 v8, v12;
	[tilespmem:v51+s20+$0x0] =	vst.idx.msk $0xffff, v55;
	v33 =	vld.idx.msk [tilespmem:v53+s17+$0x0], $0xffff  }
0x38a: {  	v1 =	vor.u32 $0x2820, v6;
	v38 =	vor.u32 v8, v2;
	[tilespmem:v54+s20+$0x0] =	vst.idx.msk $0xffff, v57;
	v47 =	vld.idx.msk [tilespmem:v48+s17+$0x0], $0xffff  }
0x38b: {  	v34 =	vor.u32 v8, v4;
	v40 =	vor.u32 v1, v42;
	v63 =	vld.idx.msk [tilespmem:v52+s17+$0x0], $0xffff;
	[tilespmem:v50+s20+$0x0] =	vst.idx.msk $0xffff, v27  }
0x38c: {  	v23 =	vld [tilespmem:$0x1F990];
	v45 =	vor.u32 v1, v7;
	[tilespmem:v28+s20+$0x0] =	vst.idx.msk $0xffff, v0  }
0x38d: {  	v26 =	vor.u32 v1, v13;
	[tilespmem:v29+s20+$0x0] =	vst.idx.msk $0xffff, v36;
	v0 =	vld.idx.msk [tilespmem:v31+s17+$0x0], $0xffff  }
0x38e: {  	v48 =	vshll.u32 v39, $0x7;
	v54 =	vor.u32 v9, v16;
	v31 =	vld.idx.msk [tilespmem:v49+s17+$0x0], $0xffff;
	[tilespmem:v35+s20+$0x0] =	vst.idx.msk $0xffff, v33  }
0x38f: {  	v28 =	vor.u32 v60, v48;
	v29 =	vor.u32 v9, v17;
	[tilespmem:v38+s20+$0x0] =	vst.idx.msk $0xffff, v47;
	v47 =	vld [tilespmem:$0x1FBF0]  }
0x390: {  	v41 =	vor.u32 v8, v3;
	v55 =	vor.u32 v9, v43;
	[tilespmem:v34+s20+$0x0] =	vst.idx.msk $0xffff, v63;
	v40 =	vld.idx.msk [tilespmem:v40+s17+$0x0], $0xffff  }
0x391: {  	v10 =	vmov v42;
	v21 =	vor.u32 $0x1850, v60;
	[tilespmem:$0x1F8B0] =	vst v1;
	v8 =	vor.u32 $0x1050, v60;
	v42 =	vld.idx.msk [tilespmem:v45+s17+$0x0], $0xffff  }
0x392: {  	[tilespmem:$0x1F8E0] =	vst v21;
	v56 =	vor.u32 v8, v12;
	v57 =	vor.u32 v9, v14;
	v50 =	vld.idx.msk [tilespmem:v26+s17+$0x0], $0xffff  }
0x393: {  	[tilespmem:$0x1F8C0] =	vst v8;
	v61 =	vor.u32 v8, v4;
	v27 =	vor.u32 v1, v5;
	v1 =	vor.u32 $0x2830, v6;
	v33 =	vld.idx.msk [tilespmem:v54+s17+$0x0], $0xffff  }
0x394: {  	v58 =	vor.u32 v1, v37;
	v9 =	vor.u32 $0x3000, v6;
	v29 =	vld.idx.msk [tilespmem:v29+s17+$0x0], $0xffff;
	[tilespmem:v28+s20+$0x0] =	vst.idx.msk $0xffff, v0  }
0x395: {  	v63 =	vor.u32 v22, v48;
	v28 =	vor.u32 v1, v11;
	[tilespmem:v41+s20+$0x0] =	vst.idx.msk $0xffff, v31;
	v62 =	vld.idx.msk [tilespmem:v55+s17+$0x0], $0xffff  }
0x396: {  	[tilespmem:$0x1F8D0] =	vst v1;
	v31 =	vor.u32 v1, v59;
	v41 =	vor.u32 v23, v39;
	v49 =	vor.u32 v1, v47;
	v1 =	vld [tilespmem:$0x1F9A0]  }
0x397: {  	v53 =	vor.u32 v22, v44;
	[tilespmem:$0x1F8F0] =	vst v9;
	v51 =	vld.idx.msk [tilespmem:v57+s17+$0x0], $0xffff  }
0x398: {  	v55 =	vor.u32 v22, v15;
	[tilespmem:v56+s20+$0x0] =	vst.idx.msk $0xffff, v40;
	v40 =	vor.u32 v22, v46;
	v22 =	vld [tilespmem:$0x1F9B0]  }
0x399: {  	v54 =	vor.u32 v21, v12;
	v56 =	vor.u32 v23, v18;
	[tilespmem:v61+s20+$0x0] =	vst.idx.msk $0xffff, v42;
	v34 =	vld.idx.msk [tilespmem:v58+s17+$0x0], $0xffff  }
0x39a: {  	v57 =	vor.u32 v9, v10;
	v61 =	vld.idx.msk [tilespmem:v28+s17+$0x0], $0xffff;
	[tilespmem:v63+s20+$0x0] =	vst.idx.msk $0xffff, v62  }
0x39b: {  	v38 =	vor.u32 v8, v2;
	v0 =	vor.u32 v8, v3;
	v28 =	vld.idx.msk [tilespmem:v41+s17+$0x0], $0xffff;
	v36 =	vor.u32 v1, v48  }
0x39c: {  	v8 =	vmov v59;
	v59 =	vor.u32 v23, v19;
	v27 =	vld.idx.msk [tilespmem:v27+s17+$0x0], $0xffff;
	[tilespmem:v53+s20+$0x0] =	vst.idx.msk $0xffff, v29  }
0x39d: {  	v32 =	vor.u32 $0x3010, v6;
	v26 =	vor.u32 $0x60, v60;
	v58 =	vor.u32 v23, v20;
	v23 =	vld [tilespmem:$0x1F9D0];
	[tilespmem:v40+s20+$0x0] =	vst.idx.msk $0xffff, v33  }
0x39e: {  	v42 =	vor.u32 v1, v46;
	v29 =	vor.u32 v22, v43;
	[tilespmem:v54+s20+$0x0] =	vst.idx.msk $0xffff, v34;
	v40 =	vld.idx.msk [tilespmem:v56+s17+$0x0], $0xffff  }
0x39f: {  	v62 =	vor.u32 v21, v4;
	v41 =	vor.u32 v26, v12;
	v33 =	vor.u32 v21, v2;
	v34 =	vld.idx.msk [tilespmem:v57+s17+$0x0], $0xffff  }
0x3a0: {  	v56 =	vor.u32 v32, v37;
	[tilespmem:v36+s20+$0x0] =	vst.idx.msk $0xffff, v28;
	v36 =	vor.u32 v21, v3;
	v21 =	vld [tilespmem:$0x1F9C0]  }
0x3a1: {  	[tilespmem:v55+s20+$0x0] =	vst.idx.msk $0xffff, v51;
	v55 =	vor.u32 v1, v44;
	v45 =	vor.u32 v22, v16;
	v54 =	vld.idx.msk [tilespmem:v59+s17+$0x0], $0xffff  }
0x3a2: {  	v53 =	vor.u32 v1, v15;
	v24 =	vor.u32 v22, v17;
	[tilespmem:v38+s20+$0x0] =	vst.idx.msk $0xffff, v50;
	v57 =	vld.idx.msk [tilespmem:v58+s17+$0x0], $0xffff  }
0x3a3: {  	v1 =	vor.u32 v9, v7;
	v38 =	vor.u32 v9, v13;
	v28 =	vld.idx.msk [tilespmem:v29+s17+$0x0], $0xffff;
	[tilespmem:v42+s20+$0x0] =	vst.idx.msk $0xffff, v40  }
0x3a4: {  	v58 =	vor.u32 v22, v14;
	v42 =	vor.u32 v9, v5;
	v9 =	vld [tilespmem:$0x1F9E0];
	[tilespmem:v41+s20+$0x0] =	vst.idx.msk $0xffff, v34  }
0x3a5: {  	v22 =	vor.u32 v23, v19;
	v52 =	vld.idx.msk [tilespmem:v56+s17+$0x0], $0xffff;
	v25 =	vor.u32 v21, v48  }
0x3a6: {  	v35 =	vor.u32 $0x3020, v6;
	v40 =	vor.u32 $0x860, v60;
	[tilespmem:v55+s20+$0x0] =	vst.idx.msk $0xffff, v54;
	v56 =	vld.idx.msk [tilespmem:v45+s17+$0x0], $0xffff;
	v29 =	vor.u32 v21, v46  }
0x3a7: {  	v34 =	vor.u32 v23, v39;
	[tilespmem:v53+s20+$0x0] =	vst.idx.msk $0xffff, v57;
	v53 =	vld.idx.msk [tilespmem:v24+s17+$0x0], $0xffff;
	v57 =	vor.u32 v35, v10  }
0x3a8: {  	v24 =	vld.idx.msk [tilespmem:v31+s17+$0x0], $0xffff;
	v55 =	vor.u32 v21, v44;
	v59 =	vor.u32 v21, v15;
	v21 =	vor.u32 v23, v18  }
0x3a9: {  	v45 =	vor.u32 v40, v12;
	v58 =	vld.idx.msk [tilespmem:v58+s17+$0x0], $0xffff;
	[tilespmem:v0+s20+$0x0] =	vst.idx.msk $0xffff, v27;
	v23 =	vor.u32 v23, v20  }
0x3aa: {  	v0 =	vor.u32 v9, v46;
	v50 =	vor.u32 v9, v48;
	[tilespmem:v25+s20+$0x0] =	vst.idx.msk $0xffff, v28;
	v25 =	vld [tilespmem:$0x1F9F0]  }
0x3ab: {  	v54 =	vor.u32 v9, v44;
	[tilespmem:v29+s20+$0x0] =	vst.idx.msk $0xffff, v56;
	v56 =	vor.u32 v9, v15;
	v9 =	vld [tilespmem:$0x1FA00]  }
0x3ac: {  	[tilespmem:$0x1F900] =	vst v26;
	v31 =	vld.idx.msk [tilespmem:v34+s17+$0x0], $0xffff  }
0x3ad: {  	[tilespmem:v55+s20+$0x0] =	vst.idx.msk $0xffff, v53;
	v21 =	vld.idx.msk [tilespmem:v21+s17+$0x0], $0xffff  }
0x3ae: {  	[tilespmem:v59+s20+$0x0] =	vst.idx.msk $0xffff, v58;
	v22 =	vld.idx.msk [tilespmem:v22+s17+$0x0], $0xffff  }
0x3af: {  	[tilespmem:v45+s20+$0x0] =	vst.idx.msk $0xffff, v52;
	v45 =	vor.u32 $0x1060, v60;
	v23 =	vld.idx.msk [tilespmem:v23+s17+$0x0], $0xffff;
	v29 =	vor.u32 v25, v43  }
0x3b0: {  	v51 =	vor.u32 v26, v4;
	v52 =	vld.idx.msk [tilespmem:v57+s17+$0x0], $0xffff;
	v53 =	vor.u32 v45, v12;
	v57 =	vor.u32 v25, v16  }
0x3b1: {  	[tilespmem:v62+s20+$0x0] =	vst.idx.msk $0xffff, v61;
	v58 =	vor.u32 v25, v17;
	v63 =	vor.u32 v25, v14;
	v25 =	vld.idx.msk [tilespmem:v49+s17+$0x0], $0xffff  }
0x3b2: {  	v49 =	vor.u32 v26, v3;
	[tilespmem:v50+s20+$0x0] =	vst.idx.msk $0xffff, v31;
	v50 =	vor.u32 v26, v2;
	v26 =	vld [tilespmem:$0x1FA10]  }
0x3b3: {  	v41 =	vor.u32 $0x3030, v6;
	v27 =	vld [tilespmem:$0x1FA30];
	[tilespmem:v0+s20+$0x0] =	vst.idx.msk $0xffff, v21  }
0x3b4: {  	v55 =	vor.u32 v41, v37;
	[tilespmem:v54+s20+$0x0] =	vst.idx.msk $0xffff, v22;
	v34 =	vld.idx.msk [tilespmem:v29+s17+$0x0], $0xffff  }
0x3b5: {  	v62 =	vor.u32 v9, v48;
	[tilespmem:v53+s20+$0x0] =	vst.idx.msk $0xffff, v52;
	v53 =	vld.idx.msk [tilespmem:v57+s17+$0x0], $0xffff  }
0x3b6: {  	v61 =	vor.u32 v9, v46;
	[tilespmem:v56+s20+$0x0] =	vst.idx.msk $0xffff, v23;
	v23 =	vld.idx.msk [tilespmem:v58+s17+$0x0], $0xffff  }
0x3b7: {  	v54 =	vor.u32 v9, v44;
	v56 =	vld.idx.msk [tilespmem:v63+s17+$0x0], $0xffff;
	v0 =	vor.u32 v26, v39  }
0x3b8: {  	v31 =	vor.u32 $0x1860, v60;
	v57 =	vor.u32 v9, v15;
	v9 =	vld [tilespmem:$0x1FA20];
	v58 =	vor.u32 v26, v18  }
0x3b9: {  	v22 =	vor.u32 v31, v12;
	[tilespmem:v33+s20+$0x0] =	vst.idx.msk $0xffff, v24;
	v21 =	vld.idx.msk [tilespmem:v55+s17+$0x0], $0xffff;
	v63 =	vor.u32 v26, v19  }
0x3ba: {  	[tilespmem:v62+s20+$0x0] =	vst.idx.msk $0xffff, v34  }
0x3bb: {  	v59 =	vor.u32 $0x3800, v6;
	v1 =	vld.idx.msk [tilespmem:v1+s17+$0x0], $0xffff;
	v26 =	vor.u32 v26, v20;
	[tilespmem:v61+s20+$0x0] =	vst.idx.msk $0xffff, v53  }
0x3bc: {  	v55 =	vor.u32 v59, v10;
	[tilespmem:v54+s20+$0x0] =	vst.idx.msk $0xffff, v23;
	v0 =	vld.idx.msk [tilespmem:v0+s17+$0x0], $0xffff  }
0x3bd: {  	v24 =	vor.u32 v9, v46;
	[tilespmem:v57+s20+$0x0] =	vst.idx.msk $0xffff, v56;
	v53 =	vld.idx.msk [tilespmem:v58+s17+$0x0], $0xffff  }
0x3be: {  	v30 =	vor.u32 v9, v48;
	v61 =	vor.u32 v27, v17;
	[tilespmem:v22+s20+$0x0] =	vst.idx.msk $0xffff, v21;
	v54 =	vld.idx.msk [tilespmem:v63+s17+$0x0], $0xffff  }
0x3bf: {  	v21 =	vor.u32 v27, v43;
	v58 =	vor.u32 v27, v16;
	v63 =	vor.u32 v27, v14;
	v27 =	vld [tilespmem:$0x1FA40]  }
0x3c0: {  	[tilespmem:$0x1F910] =	vst v32;
	v34 =	vor.u32 $0x70, v60;
	v57 =	vor.u32 v9, v15;
	v26 =	vld.idx.msk [tilespmem:v26+s17+$0x0], $0xffff  }
0x3c1: {  	[tilespmem:$0x1F920] =	vst v40;
	v23 =	vor.u32 v34, v12;
	v22 =	vld.idx.msk [tilespmem:v55+s17+$0x0], $0xffff  }
0x3c2: {  	v52 =	vor.u32 v32, v8;
	v33 =	vor.u32 $0x3810, v6;
	[tilespmem:v36+s20+$0x0] =	vst.idx.msk $0xffff, v25;
	v55 =	vor.u32 v9, v44  }
0x3c3: {  	v28 =	vld [tilespmem:$0x1FA50];
	v62 =	vor.u32 v32, v11;
	v56 =	vor.u32 v33, v37;
	[tilespmem:v30+s20+$0x0] =	vst.idx.msk $0xffff, v0  }
0x3c4: {  	v25 =	vor.u32 v40, v4;
	v9 =	vor.u32 v27, v48;
	[tilespmem:v24+s20+$0x0] =	vst.idx.msk $0xffff, v53;
	v21 =	vld.idx.msk [tilespmem:v21+s17+$0x0], $0xffff  }
0x3c5: {  	v36 =	vor.u32 $0x870, v60;
	v0 =	vor.u32 v32, v47;
	v30 =	vld.idx.msk [tilespmem:v38+s17+$0x0], $0xffff;
	[tilespmem:v57+s20+$0x0] =	vst.idx.msk $0xffff, v26  }
0x3c6: {  	v32 =	vor.u32 v27, v46;
	v53 =	vor.u32 v36, v12;
	[tilespmem:v23+s20+$0x0] =	vst.idx.msk $0xffff, v22;
	v24 =	vld.idx.msk [tilespmem:v58+s17+$0x0], $0xffff  }
0x3c7: {  	v38 =	vor.u32 $0x3820, v6;
	v57 =	vor.u32 v27, v15;
	[tilespmem:v55+s20+$0x0] =	vst.idx.msk $0xffff, v54;
	v54 =	vor.u32 v27, v44;
	v27 =	vld [tilespmem:$0x1FA70]  }
0x3c8: {  	v22 =	vor.u32 v28, v39;
	v55 =	vor.u32 v38, v10;
	v58 =	vor.u32 v28, v18;
	v23 =	vld.idx.msk [tilespmem:v56+s17+$0x0], $0xffff  }
0x3c9: {  	v10 =	vor.u32 v40, v3;
	[tilespmem:v9+s20+$0x0] =	vst.idx.msk $0xffff, v21;
	v21 =	vor.u32 v40, v2;
	v40 =	vld [tilespmem:$0x1FA60]  }
0x3ca: {  	v26 =	vld.idx.msk [tilespmem:v61+s17+$0x0], $0xffff  }
0x3cb: {  	v56 =	vld.idx.msk [tilespmem:v63+s17+$0x0], $0xffff;
	v61 =	vor.u32 v28, v19  }
0x3cc: {  	[tilespmem:v51+s20+$0x0] =	vst.idx.msk $0xffff, v1;
	v63 =	vor.u32 v28, v20;
	v9 =	vld.idx.msk [tilespmem:v42+s17+$0x0], $0xffff  }
0x3cd: {  	[tilespmem:v32+s20+$0x0] =	vst.idx.msk $0xffff, v24;
	v22 =	vld.idx.msk [tilespmem:v22+s17+$0x0], $0xffff  }
0x3ce: {  	[tilespmem:v53+s20+$0x0] =	vst.idx.msk $0xffff, v23;
	v32 =	vld.idx.msk [tilespmem:v58+s17+$0x0], $0xffff;
	v42 =	vor.u32 v40, v48  }
0x3cf: {  	v28 =	vmov v39;
	v39 =	vor.u32 $0x1070, v60;
	[tilespmem:v54+s20+$0x0] =	vst.idx.msk $0xffff, v26;
	v24 =	vld.idx.msk [tilespmem:v55+s17+$0x0], $0xffff;
	v1 =	vor.u32 v40, v46  }
0x3d0: {  	v23 =	vor.u32 v27, v43;
	[tilespmem:v57+s20+$0x0] =	vst.idx.msk $0xffff, v56;
	v53 =	vld.idx.msk [tilespmem:v61+s17+$0x0], $0xffff;
	v54 =	vor.u32 v40, v44  }
0x3d1: {  	v26 =	vor.u32 v39, v12;
	v58 =	vor.u32 v27, v16;
	v56 =	vld.idx.msk [tilespmem:v63+s17+$0x0], $0xffff  }
0x3d2: {  	v29 =	vor.u32 $0x3830, v6;
	[tilespmem:v50+s20+$0x0] =	vst.idx.msk $0xffff, v30;
	v57 =	vor.u32 v40, v15;
	v40 =	vld [tilespmem:$0x1FA80]  }
0x3d3: {  	v55 =	vor.u32 v29, v37;
	v37 =	vld [tilespmem:$0x1FA90];
	[tilespmem:v42+s20+$0x0] =	vst.idx.msk $0xffff, v22  }
0x3d4: {  	v61 =	vor.u32 v27, v17;
	v22 =	vld.idx.msk [tilespmem:v62+s17+$0x0], $0xffff;
	[tilespmem:v1+s20+$0x0] =	vst.idx.msk $0xffff, v32  }
0x3d5: {  	v63 =	vor.u32 v27, v14;
	[tilespmem:v54+s20+$0x0] =	vst.idx.msk $0xffff, v53;
	v23 =	vld.idx.msk [tilespmem:v23+s17+$0x0], $0xffff  }
0x3d6: {  	[tilespmem:v26+s20+$0x0] =	vst.idx.msk $0xffff, v24;
	v26 =	vld.idx.msk [tilespmem:v58+s17+$0x0], $0xffff  }
0x3d7: {  	v62 =	vor.u32 v40, v48;
	v42 =	vld.idx.msk [tilespmem:v52+s17+$0x0], $0xffff  }
0x3d8: {  	v1 =	vor.u32 v37, v28;
	v52 =	vld [tilespmem:$0x1FAA0]  }
0x3d9: {  	[tilespmem:v57+s20+$0x0] =	vst.idx.msk $0xffff, v56;
	v56 =	vld.idx.msk [tilespmem:v61+s17+$0x0], $0xffff  }
0x3da: {  	[tilespmem:$0x1F950] =	vst v41;
	v27 =	vmov v43;
	v43 =	vor.u32 $0x1870, v60;
	v32 =	vor.u32 v40, v44;
	v57 =	vld.idx.msk [tilespmem:v63+s17+$0x0], $0xffff  }
0x3db: {  	v50 =	vor.u32 v40, v46;
	v54 =	vor.u32 v40, v15;
	v40 =	vor.u32 v37, v19;
	v24 =	vld.idx.msk [tilespmem:v55+s17+$0x0], $0xffff  }
0x3dc: {  	v53 =	vor.u32 v43, v12;
	v12 =	vmov v48;
	v58 =	vor.u32 v37, v20;
	[tilespmem:v62+s20+$0x0] =	vst.idx.msk $0xffff, v23;
	v62 =	vld [tilespmem:$0x1FAB0]  }
0x3dd: {  	[tilespmem:$0x1F940] =	vst v45;
	v48 =	vor.u32 v52, v12;
	v1 =	vld.idx.msk [tilespmem:v1+s17+$0x0], $0xffff  }
0x3de: {  	[tilespmem:v49+s20+$0x0] =	vst.idx.msk $0xffff, v9  }
0x3df: {  	v0 =	vld.idx.msk [tilespmem:v0+s17+$0x0], $0xffff;
	[tilespmem:v32+s20+$0x0] =	vst.idx.msk $0xffff, v56  }
0x3e0: {  	v51 =	vor.u32 v35, v7;
	v55 =	vor.u32 v37, v18;
	[tilespmem:v54+s20+$0x0] =	vst.idx.msk $0xffff, v57;
	v54 =	vld.idx.msk [tilespmem:v40+s17+$0x0], $0xffff  }
0x3e1: {  	[tilespmem:v53+s20+$0x0] =	vst.idx.msk $0xffff, v24;
	v40 =	vld.idx.msk [tilespmem:v58+s17+$0x0], $0xffff;
	v58 =	vor.u32 v41, v11;
	v63 =	vor.u32 v62, v27  }
0x3e2: {  	[tilespmem:v48+s20+$0x0] =	vst.idx.msk $0xffff, v1;
	v1 =	vor.u32 v41, v47;
	v48 =	vor.u32 v41, v8;
	v41 =	vld [tilespmem:$0x1FAC0]  }
0x3e3: {  	v30 =	vor.u32 v35, v13;
	[tilespmem:v25+s20+$0x0] =	vst.idx.msk $0xffff, v22;
	v22 =	vor.u32 v45, v2  }
0x3e4: {  	v23 =	vor.u32 v45, v4;
	[tilespmem:v50+s20+$0x0] =	vst.idx.msk $0xffff, v26;
	v57 =	vor.u32 v45, v3;
	v45 =	vld [tilespmem:$0x1FAD0]  }
0x3e5: {  	v25 =	vor.u32 v52, v46;
	v50 =	vor.u32 v52, v15;
	v24 =	vor.u32 v52, v44;
	v52 =	vld.idx.msk [tilespmem:v55+s17+$0x0], $0xffff  }
0x3e6: {  	[tilespmem:v21+s20+$0x0] =	vst.idx.msk $0xffff, v42;
	v21 =	vld.idx.msk [tilespmem:v51+s17+$0x0], $0xffff;
	v53 =	vor.u32 v62, v16  }
0x3e7: {  	v26 =	vld.idx.msk [tilespmem:v63+s17+$0x0], $0xffff;
	v42 =	vor.u32 v41, v12  }
0x3e8: {  	[tilespmem:$0x1F960] =	vst v59  }
0x3e9: {  	v9 =	vor.u32 v35, v5;
	[tilespmem:v10+s20+$0x0] =	vst.idx.msk $0xffff, v0;
	v55 =	vor.u32 v62, v17  }
0x3ea: {  	v32 =	vor.u32 v62, v14;
	v10 =	vor.u32 v45, v28;
	[tilespmem:v25+s20+$0x0] =	vst.idx.msk $0xffff, v52;
	v25 =	vld.idx.msk [tilespmem:v30+s17+$0x0], $0xffff  }
0x3eb: {  	v52 =	vld.idx.msk [tilespmem:v53+s17+$0x0], $0xffff;
	[tilespmem:v23+s20+$0x0] =	vst.idx.msk $0xffff, v21;
	v21 =	vor.u32 v59, v7;
	v23 =	vor.u32 v59, v5  }
0x3ec: {  	v51 =	vor.u32 v41, v46;
	[tilespmem:v42+s20+$0x0] =	vst.idx.msk $0xffff, v26;
	v26 =	vor.u32 v59, v13;
	v59 =	vld [tilespmem:$0x1FAE0]  }
0x3ed: {  	[tilespmem:v24+s20+$0x0] =	vst.idx.msk $0xffff, v54;
	v0 =	vor.u32 v41, v44;
	v30 =	vor.u32 v41, v15;
	v41 =	vld [tilespmem:$0x1FAF0]  }
0x3ee: {  	[tilespmem:v50+s20+$0x0] =	vst.idx.msk $0xffff, v40;
	v53 =	vor.u32 v45, v18;
	v50 =	vld.idx.msk [tilespmem:v55+s17+$0x0], $0xffff  }
0x3ef: {  	v54 =	vor.u32 v45, v19;
	v32 =	vld.idx.msk [tilespmem:v32+s17+$0x0], $0xffff  }
0x3f0: {  	v24 =	vor.u32 v45, v20;
	v9 =	vld.idx.msk [tilespmem:v9+s17+$0x0], $0xffff  }
0x3f1: {  	[tilespmem:v51+s20+$0x0] =	vst.idx.msk $0xffff, v52;
	v10 =	vld.idx.msk [tilespmem:v10+s17+$0x0], $0xffff;
	v45 =	vor.u32 v59, v12  }
0x3f2: {  	[tilespmem:v22+s20+$0x0] =	vst.idx.msk $0xffff, v25;
	v42 =	vor.u32 v41, v27;
	v51 =	vld.idx.msk [tilespmem:v58+s17+$0x0], $0xffff  }
0x3f3: {  	[tilespmem:v0+s20+$0x0] =	vst.idx.msk $0xffff, v50;
	v53 =	vld.idx.msk [tilespmem:v53+s17+$0x0], $0xffff  }
0x3f4: {  	[tilespmem:v30+s20+$0x0] =	vst.idx.msk $0xffff, v32;
	v30 =	vld.idx.msk [tilespmem:v54+s17+$0x0], $0xffff  }
0x3f5: {  	v24 =	vld.idx.msk [tilespmem:v24+s17+$0x0], $0xffff  }
0x3f6: {  	v63 =	vor.u32 v59, v46;
	[tilespmem:v45+s20+$0x0] =	vst.idx.msk $0xffff, v10;
	v45 =	vld [tilespmem:$0x1FB00]  }
0x3f7: {  	v52 =	vor.u32 v59, v15;
	v25 =	vld.idx.msk [tilespmem:v42+s17+$0x0], $0xffff  }
0x3f8: {  	v58 =	vor.u32 v41, v16;
	v22 =	vor.u32 v59, v44;
	v42 =	vld [tilespmem:$0x1FB10]  }
0x3f9: {  	[tilespmem:$0x1F930] =	vst v35;
	v32 =	vor.u32 v41, v17  }
0x3fa: {  	v49 =	vor.u32 v31, v4;
	v0 =	vor.u32 v41, v14;
	[tilespmem:v57+s20+$0x0] =	vst.idx.msk $0xffff, v9;
	v35 =	vld.idx.msk [tilespmem:v48+s17+$0x0], $0xffff  }
0x3fb: {  	v1 =	vld.idx.msk [tilespmem:v1+s17+$0x0], $0xffff;
	[tilespmem:v63+s20+$0x0] =	vst.idx.msk $0xffff, v53  }
0x3fc: {  	[tilespmem:v52+s20+$0x0] =	vst.idx.msk $0xffff, v24;
	v52 =	vor.u32 v38, v7;
	v7 =	vld [tilespmem:$0x1FB20];
	v40 =	vor.u32 v45, v12  }
0x3fd: {  	v61 =	vor.u32 v31, v2;
	[tilespmem:v22+s20+$0x0] =	vst.idx.msk $0xffff, v30;
	v58 =	vld.idx.msk [tilespmem:v58+s17+$0x0], $0xffff;
	v63 =	vor.u32 v42, v28  }
0x3fe: {  	v55 =	vor.u32 v31, v3;
	v24 =	vld.idx.msk [tilespmem:v32+s17+$0x0], $0xffff  }
0x3ff: {  	v0 =	vld.idx.msk [tilespmem:v0+s17+$0x0], $0xffff;
	[tilespmem:v49+s20+$0x0] =	vst.idx.msk $0xffff, v51;
	v51 =	vor.u32 v38, v5;
	v48 =	vor.u32 v45, v46  }
0x400: {  	v5 =	vld [tilespmem:$0x1FB30];
	v53 =	vor.u32 v45, v44;
	v41 =	vor.u32 v45, v15;
	v45 =	vor.u32 v42, v18  }
0x401: {  	v37 =	vor.u32 v36, v4;
	v21 =	vld.idx.msk [tilespmem:v21+s17+$0x0], $0xffff;
	v30 =	vor.u32 v42, v19;
	[tilespmem:v40+s20+$0x0] =	vst.idx.msk $0xffff, v25  }
0x402: {  	v56 =	vor.u32 v34, v4;
	[tilespmem:v61+s20+$0x0] =	vst.idx.msk $0xffff, v35;
	v35 =	vor.u32 v7, v12;
	v40 =	vld.idx.msk [tilespmem:v63+s17+$0x0], $0xffff  }
0x403: {  	v62 =	vor.u32 v34, v2;
	[tilespmem:v55+s20+$0x0] =	vst.idx.msk $0xffff, v1;
	v26 =	vld.idx.msk [tilespmem:v26+s17+$0x0], $0xffff;
	v22 =	vor.u32 v42, v20  }
0x404: {  	v50 =	vor.u32 v36, v2;
	v25 =	vor.u32 v38, v13;
	[tilespmem:v48+s20+$0x0] =	vst.idx.msk $0xffff, v58;
	v13 =	vld [tilespmem:$0x1FB60]  }
0x405: {  	v9 =	vor.u32 v34, v3;
	v61 =	vmov v20;
	[tilespmem:v53+s20+$0x0] =	vst.idx.msk $0xffff, v24;
	v45 =	vld.idx.msk [tilespmem:v45+s17+$0x0], $0xffff  }
0x406: {  	v20 =	vor.u32 v7, v46;
	v59 =	vor.u32 v5, v27;
	[tilespmem:v41+s20+$0x0] =	vst.idx.msk $0xffff, v0;
	v24 =	vld.idx.msk [tilespmem:v30+s17+$0x0], $0xffff  }
0x407: {  	v54 =	vor.u32 v33, v11;
	[tilespmem:v35+s20+$0x0] =	vst.idx.msk $0xffff, v40;
	v35 =	vor.u32 v29, v11;
	v11 =	vld [tilespmem:$0x1FB40]  }
0x408: {  	v57 =	vor.u32 v33, v8;
	v1 =	vor.u32 v7, v44;
	v55 =	vor.u32 v5, v16;
	v22 =	vld.idx.msk [tilespmem:v22+s17+$0x0], $0xffff  }
0x409: {  	v10 =	vor.u32 v33, v47;
	v49 =	vor.u32 v7, v15;
	v30 =	vor.u32 v5, v17;
	v23 =	vld.idx.msk [tilespmem:v23+s17+$0x0], $0xffff  }
0x40a: {  	v0 =	vor.u32 v5, v14;
	[tilespmem:v56+s20+$0x0] =	vst.idx.msk $0xffff, v21;
	v40 =	vor.u32 v29, v8;
	v8 =	vld [tilespmem:$0x1FB50]  }
0x40b: {  	v32 =	vor.u32 v36, v3;
	v41 =	vor.u32 v39, v3;
	[tilespmem:v20+s20+$0x0] =	vst.idx.msk $0xffff, v45;
	v7 =	vld.idx.msk [tilespmem:v59+s17+$0x0], $0xffff  }
0x40c: {  	v48 =	vor.u32 v43, v4;
	[tilespmem:v62+s20+$0x0] =	vst.idx.msk $0xffff, v26;
	v45 =	vld.idx.msk [tilespmem:v54+s17+$0x0], $0xffff;
	v5 =	vor.u32 v11, v12  }
0x40d: {  	v63 =	vor.u32 v39, v4;
	v21 =	vor.u32 v39, v2;
	[tilespmem:v1+s20+$0x0] =	vst.idx.msk $0xffff, v24;
	v55 =	vld.idx.msk [tilespmem:v55+s17+$0x0], $0xffff  }
0x40e: {  	v4 =	vmov v46;
	v46 =	vor.u32 v43, v3;
	v3 =	vmov v15;
	[tilespmem:v49+s20+$0x0] =	vst.idx.msk $0xffff, v22;
	v22 =	vld.idx.msk [tilespmem:v30+s17+$0x0], $0xffff  }
0x40f: {  	v49 =	vor.u32 v43, v2;
	v0 =	vld.idx.msk [tilespmem:v0+s17+$0x0], $0xffff;
	v56 =	vor.u32 v11, v4;
	v26 =	vor.u32 v8, v28  }
0x410: {  	[tilespmem:v9+s20+$0x0] =	vst.idx.msk $0xffff, v23;
	v9 =	vld.idx.msk [tilespmem:v57+s17+$0x0], $0xffff;
	v20 =	vor.u32 v11, v44;
	v62 =	vor.u32 v8, v18  }
0x411: {  	v2 =	vmov v44;
	v54 =	vor.u32 v11, v15;
	v42 =	vor.u32 v8, v19;
	[tilespmem:v5+s20+$0x0] =	vst.idx.msk $0xffff, v7;
	v7 =	vld [tilespmem:$0x1FB70]  }
0x412: {  	v59 =	vmovc v16;
	v16 =	vor.u32 v13, v12;
	v10 =	vld.idx.msk [tilespmem:v10+s17+$0x0], $0xffff;
	v1 =	vor.u32 v8, v61;
	v8 =	vmov v17  }
0x413: {  	v11 =	vmovc v19;
	v15 =	vor.u32 v13, v4;
	v17 =	vor.u32 v13, v2;
	v19 =	vor.u32 v13, v3;
	v13 =	vld [tilespmem:$0x1FB80]  }
0x414: {  	v53 =	vor.u32 v29, v47;
	v47 =	vmov v14;
	[tilespmem:v56+s20+$0x0] =	vst.idx.msk $0xffff, v55;
	v14 =	vld.idx.msk [tilespmem:v26+s17+$0x0], $0xffff  }
0x415: {  	[tilespmem:v20+s20+$0x0] =	vst.idx.msk $0xffff, v22;
	v23 =	vld.idx.msk [tilespmem:v62+s17+$0x0], $0xffff  }
0x416: {  	v5 =	vmov v18;
	[tilespmem:v54+s20+$0x0] =	vst.idx.msk $0xffff, v0;
	v20 =	vld.idx.msk [tilespmem:v42+s17+$0x0], $0xffff;
	v18 =	vor.u32 v7, v27  }
0x417: {  	v1 =	vld.idx.msk [tilespmem:v1+s17+$0x0], $0xffff;
	[tilespmem:v37+s20+$0x0] =	vst.idx.msk $0xffff, v45;
	v56 =	vor.u32 v7, v59  }
0x418: {  	[tilespmem:v50+s20+$0x0] =	vst.idx.msk $0xffff, v9;
	v0 =	vor.u32 v7, v47;
	v22 =	vor.u32 v7, v8;
	v7 =	vld [tilespmem:$0x1FB90]  }
0x419: {  	[tilespmem:v16+s20+$0x0] =	vst.idx.msk $0xffff, v14;
	v14 =	vld.idx.msk [tilespmem:v52+s17+$0x0], $0xffff  }
0x41a: {  	[tilespmem:v15+s20+$0x0] =	vst.idx.msk $0xffff, v23;
	v23 =	vld.idx.msk [tilespmem:v25+s17+$0x0], $0xffff  }
0x41b: {  	[tilespmem:v32+s20+$0x0] =	vst.idx.msk $0xffff, v10;
	v16 =	vld.idx.msk [tilespmem:v18+s17+$0x0], $0xffff  }
0x41c: {  	v10 =	vor.u32 v13, v2;
	[tilespmem:v17+s20+$0x0] =	vst.idx.msk $0xffff, v20;
	v58 =	vld.idx.msk [tilespmem:v56+s17+$0x0], $0xffff  }
0x41d: {  	[tilespmem:v19+s20+$0x0] =	vst.idx.msk $0xffff, v1;
	v18 =	vor.u32 v13, v12;
	v15 =	vor.u32 v7, v28;
	v17 =	vld.idx.msk [tilespmem:v22+s17+$0x0], $0xffff  }
0x41e: {  	v62 =	vor.u32 v7, v5;
	v1 =	vor.u32 v7, v61;
	v19 =	vor.u32 v7, v11;
	v7 =	vld [tilespmem:$0x1FBB0]  }
0x41f: {  	v57 =	vor.u32 v13, v3;
	v0 =	vld.idx.msk [tilespmem:v0+s17+$0x0], $0xffff  }
0x420: {  	v9 =	vor.u32 v13, v4;
	v13 =	vld [tilespmem:$0x1FBA0];
	[tilespmem:v63+s20+$0x0] =	vst.idx.msk $0xffff, v14  }
0x421: {  	[tilespmem:v21+s20+$0x0] =	vst.idx.msk $0xffff, v23  }
0x422: {  	[tilespmem:v18+s20+$0x0] =	vst.idx.msk $0xffff, v16  }
0x423: {  	v16 =	vld.idx.msk [tilespmem:v51+s17+$0x0], $0xffff;
	v21 =	vor.u32 v7, v27;
	v30 =	vor.u32 v7, v59;
	[tilespmem:v10+s20+$0x0] =	vst.idx.msk $0xffff, v17  }
0x424: {  	[tilespmem:v57+s20+$0x0] =	vst.idx.msk $0xffff, v0;
	v0 =	vor.u32 v7, v47;
	v17 =	vor.u32 v7, v8;
	v7 =	vld [tilespmem:$0x1FBC0]  }
0x425: {  	v22 =	vor.u32 v13, v12;
	[tilespmem:v9+s20+$0x0] =	vst.idx.msk $0xffff, v58;
	v15 =	vld.idx.msk [tilespmem:v15+s17+$0x0], $0xffff  }
0x426: {  	v23 =	vld.idx.msk [tilespmem:v35+s17+$0x0], $0xffff  }
0x427: {  	v18 =	vor.u32 v13, v4;
	v26 =	vld.idx.msk [tilespmem:v62+s17+$0x0], $0xffff  }
0x428: {  	v9 =	vor.u32 v13, v2;
	v10 =	vld.idx.msk [tilespmem:v19+s17+$0x0], $0xffff  }
0x429: {  	[tilespmem:$0x1FBF0] =	vst v47;
	v63 =	vor.u32 v13, v3;
	v1 =	vld.idx.msk [tilespmem:v1+s17+$0x0], $0xffff  }
0x42a: {  	[tilespmem:v22+s20+$0x0] =	vst.idx.msk $0xffff, v15;
	v22 =	vld.idx.msk [tilespmem:v40+s17+$0x0], $0xffff  }
0x42b: {  	[tilespmem:v41+s20+$0x0] =	vst.idx.msk $0xffff, v16;
	v15 =	vld [tilespmem:$0x1FBD0]  }
0x42c: {  	v14 =	vadd.s32 s0, v60;
	v51 =	vld.idx.msk [tilespmem:v53+s17+$0x0], $0xffff;
	[tilespmem:v18+s20+$0x0] =	vst.idx.msk $0xffff, v26  }
0x42d: {  	v20 =	vand.u32 $0xF, v14;
	v50 =	vor.u32 v7, v12;
	[tilespmem:v9+s20+$0x0] =	vst.idx.msk $0xffff, v10;
	v21 =	vld.idx.msk [tilespmem:v21+s17+$0x0], $0xffff  }
0x42e: {  	s8 =	sadd.s32 $0x1, s0;
	v24 =	vor.u32 v6, v20;
	v32 =	vor.u32 v7, v4;
	[tilespmem:v63+s20+$0x0] =	vst.idx.msk $0xffff, v1;
	v30 =	vld.idx.msk [tilespmem:v30+s17+$0x0], $0xffff  }
0x42f: {  	v13 =	vmov v11;
	v16 =	vadd.s32 s8, v60;
	v26 =	vor.u32 v7, v2;
	v1 =	vld.idx.msk [tilespmem:v17+s17+$0x0], $0xffff;
	[tilespmem:v48+s20+$0x0] =	vst.idx.msk $0xffff, v23  }
0x430: {  	v41 =	vor.u32 v7, v3;
	s8 =	sadd.s32 $0x2, s0;
	v10 =	vld.idx.msk [tilespmem:v0+s17+$0x0], $0xffff;
	v58 =	vor.u32 v15, v28;
	[tilespmem:v49+s20+$0x0] =	vst.idx.msk $0xffff, v22  }
0x431: {  	v17 =	vadd.s32 s8, v60;
	v45 =	vor.u32 v15, v5;
	v9 =	vor.u32 v15, v11;
	v11 =	vld [tilespmem:$0x1FBE0];
	[tilespmem:v46+s20+$0x0] =	vst.idx.msk $0xffff, v51  }
0x432: {  	v18 =	vand.u32 $0xF, v16;
	v19 =	vand.u32 $0xF, v17;
	[tilespmem:v50+s20+$0x0] =	vst.idx.msk $0xffff, v21;
	v21 =	vld [tilespmem:$0x1FC00]  }
0x433: {  	p0 =	slt.u32 s0, $0xC;
	v0 =	vor.u32 v6, v18;
	v62 =	vor.u32 v6, v19;
	[tilespmem:v32+s20+$0x0] =	vst.idx.msk $0xffff, v30  }
.Ltmp4:
0x434: {  	v42 =	vmov v28;
	v44 =	vor.u32 v15, v61;
	v15 =	vshll.u32 v20, $0x7;
	v63 =	vld.idx.msk [tilespmem:v24+s17+$0x0], $0xffff;
	[tilespmem:v26+s20+$0x0] =	vst.idx.msk $0xffff, v1;
	(pc) =	sbr.rel @p0 .LBB2_10-.Ltmp4, $4  }
0x435: {  	v7 =	vmov v5;
	v5 =	vmov v61;
	v61 =	vor.u32 v60, v15;
	[tilespmem:v41+s20+$0x0] =	vst.idx.msk $0xffff, v10;
	v56 =	vld.idx.msk [tilespmem:v58+s17+$0x0], $0xffff  }
0x436: {  	v54 =	vor.u32 v11, v4;
	v58 =	vor.u32 v11, v12;
	v51 =	vor.u32 v11, v2;
	v57 =	vld.idx.msk [tilespmem:v45+s17+$0x0], $0xffff  }
0x437: {  	v37 =	vmovc v27;
	v50 =	vor.u32 v11, v3;
	v11 =	vmov v59;
	v55 =	vld.idx.msk [tilespmem:v9+s17+$0x0], $0xffff;
	v53 =	vor.u32 v21, v27  }
0x438: {  	s5 =	sadd.s32 $0x3, s0;
	s0 =	sadd.s32 $0x4, s0;
	v52 =	vor.u32 v21, v59;
	v49 =	vor.u32 v21, v47;
	v59 =	vmovc v8;
	v48 =	vor.u32 v21, v8  }
0x439: {  	v27 =	vadd.s32 s5, v60  }
0x43a: {  	v28 =	vand.u32 $0xF, v27  }
0x43b: {  	v1 =	vor.u32 v6, v28;
	_ =	sdelay $0x2  }
0x43c: {  	v45 =	vshll.u32 v18, $0x7;
	v0 =	vld.idx.msk [tilespmem:v0+s17+$0x0], $0xffff  }
0x43d: {  	v10 =	vor.u32 v60, v45;
	v41 =	vshll.u32 v28, $0x7;
	v6 =	vld [tilespmem:$0x1F970]  }
0x43e: {  	v9 =	vor.u32 v60, v41;
	v1 =	vld.idx.msk [tilespmem:v1+s17+$0x0], $0xffff;
	_ =	sdelay $0x3  }
0x43f: {  	v8 =	vshll.u32 v19, $0x7;
	[tilespmem:v10+s20+$0x0] =	vst.idx.msk $0xffff, v0  }
0x440: {  	v22 =	vld.idx.msk [tilespmem:v62+s17+$0x0], $0xffff;
	v23 =	vor.u32 v60, v8;
	v24 =	vor.u32 v6, v16;
	[tilespmem:v9+s20+$0x0] =	vst.idx.msk $0xffff, v1  }
0x441: {  	v21 =	vor.u32 v6, v27;
	v25 =	vor.u32 v6, v17;
	v26 =	vor.u32 v6, v14;
	v6 =	vld [tilespmem:$0x1F980];
	_ =	sdelay $0x3  }
0x442: {  	v62 =	vld.idx.msk [tilespmem:v24+s17+$0x0], $0xffff  }
0x443: {  	v0 =	vld.idx.msk [tilespmem:v21+s17+$0x0], $0xffff;
	[tilespmem:v23+s20+$0x0] =	vst.idx.msk $0xffff, v22;
	v1 =	vor.u32 v6, v41  }
0x444: {  	v60 =	vmov v8;
	v8 =	vld [tilespmem:$0x1F990];
	v40 =	vor.u32 v6, v45;
	_ =	sdelay $0x2  }
0x445: {  	[tilespmem:v61+s20+$0x0] =	vst.idx.msk $0xffff, v63  }
0x446: {  	v22 =	vld.idx.msk [tilespmem:v25+s17+$0x0], $0xffff;
	[tilespmem:v1+s20+$0x0] =	vst.idx.msk $0xffff, v0  }
0x447: {  	v25 =	vld.idx.msk [tilespmem:v26+s17+$0x0], $0xffff;
	v46 =	vor.u32 v8, v28;
	[tilespmem:v40+s20+$0x0] =	vst.idx.msk $0xffff, v62  }
0x448: {  	v47 =	vor.u32 v6, v60;
	v26 =	vor.u32 v6, v15;
	v24 =	vor.u32 v8, v18;
	v6 =	vld [tilespmem:$0x1F9A0];
	_ =	sdelay $0x3  }
0x449: {  	v0 =	vld.idx.msk [tilespmem:v46+s17+$0x0], $0xffff  }
0x44a: {  	[tilespmem:v47+s20+$0x0] =	vst.idx.msk $0xffff, v22;
	v9 =	vld.idx.msk [tilespmem:v24+s17+$0x0], $0xffff;
	v61 =	vor.u32 v6, v41  }
0x44b: {  	v30 =	vor.u32 v8, v19;
	v32 =	vor.u32 v8, v20;
	v8 =	vld [tilespmem:$0x1F9B0];
	v62 =	vor.u32 v6, v45;
	_ =	sdelay $0x2  }
0x44c: {  	[tilespmem:v26+s20+$0x0] =	vst.idx.msk $0xffff, v25  }
0x44d: {  	[tilespmem:v61+s20+$0x0] =	vst.idx.msk $0xffff, v0  }
0x44e: {  	v22 =	vld.idx.msk [tilespmem:v30+s17+$0x0], $0xffff;
	v63 =	vor.u32 v8, v27;
	[tilespmem:v62+s20+$0x0] =	vst.idx.msk $0xffff, v9  }
0x44f: {  	v40 =	vor.u32 v6, v60;
	v25 =	vor.u32 v6, v15;
	v24 =	vor.u32 v8, v16;
	v6 =	vld [tilespmem:$0x1F9C0];
	_ =	sdelay $0x2  }
0x450: {  	v26 =	vld.idx.msk [tilespmem:v32+s17+$0x0], $0xffff  }
0x451: {  	v0 =	vld.idx.msk [tilespmem:v63+s17+$0x0], $0xffff  }
0x452: {  	[tilespmem:v40+s20+$0x0] =	vst.idx.msk $0xffff, v22;
	v9 =	vld.idx.msk [tilespmem:v24+s17+$0x0], $0xffff;
	v47 =	vor.u32 v6, v41  }
0x453: {  	v30 =	vor.u32 v8, v17;
	v46 =	vor.u32 v8, v14;
	v8 =	vld [tilespmem:$0x1F9D0];
	v61 =	vor.u32 v6, v45;
	_ =	sdelay $0x2  }
0x454: {  	[tilespmem:v25+s20+$0x0] =	vst.idx.msk $0xffff, v26  }
0x455: {  	[tilespmem:v47+s20+$0x0] =	vst.idx.msk $0xffff, v0  }
0x456: {  	v22 =	vld.idx.msk [tilespmem:v30+s17+$0x0], $0xffff;
	v62 =	vor.u32 v8, v28;
	[tilespmem:v61+s20+$0x0] =	vst.idx.msk $0xffff, v9  }
0x457: {  	v63 =	vor.u32 v6, v60;
	v26 =	vor.u32 v6, v15;
	v24 =	vor.u32 v8, v18;
	v6 =	vld [tilespmem:$0x1F9E0];
	_ =	sdelay $0x2  }
0x458: {  	v25 =	vld.idx.msk [tilespmem:v46+s17+$0x0], $0xffff  }
0x459: {  	v0 =	vld.idx.msk [tilespmem:v62+s17+$0x0], $0xffff  }
0x45a: {  	[tilespmem:v63+s20+$0x0] =	vst.idx.msk $0xffff, v22;
	v9 =	vld.idx.msk [tilespmem:v24+s17+$0x0], $0xffff;
	v40 =	vor.u32 v6, v41  }
0x45b: {  	v30 =	vor.u32 v8, v19;
	v32 =	vor.u32 v8, v20;
	v8 =	vld [tilespmem:$0x1F9F0];
	v46 =	vor.u32 v6, v45;
	_ =	sdelay $0x2  }
0x45c: {  	[tilespmem:v26+s20+$0x0] =	vst.idx.msk $0xffff, v25  }
0x45d: {  	[tilespmem:v40+s20+$0x0] =	vst.idx.msk $0xffff, v0  }
0x45e: {  	v22 =	vld.idx.msk [tilespmem:v30+s17+$0x0], $0xffff;
	v47 =	vor.u32 v8, v27;
	[tilespmem:v46+s20+$0x0] =	vst.idx.msk $0xffff, v9  }
0x45f: {  	v63 =	vor.u32 v6, v60;
	v26 =	vor.u32 v6, v15;
	v24 =	vor.u32 v8, v16;
	v6 =	vld [tilespmem:$0x1FA00];
	_ =	sdelay $0x2  }
0x460: {  	v25 =	vld.idx.msk [tilespmem:v32+s17+$0x0], $0xffff  }
0x461: {  	v0 =	vld.idx.msk [tilespmem:v47+s17+$0x0], $0xffff  }
0x462: {  	[tilespmem:v63+s20+$0x0] =	vst.idx.msk $0xffff, v22;
	v9 =	vld.idx.msk [tilespmem:v24+s17+$0x0], $0xffff;
	v1 =	vor.u32 v6, v41  }
0x463: {  	v30 =	vor.u32 v8, v17;
	v32 =	vor.u32 v8, v14;
	v8 =	vld [tilespmem:$0x1FA10];
	v40 =	vor.u32 v6, v45;
	_ =	sdelay $0x2  }
0x464: {  	[tilespmem:v26+s20+$0x0] =	vst.idx.msk $0xffff, v25  }
0x465: {  	[tilespmem:v1+s20+$0x0] =	vst.idx.msk $0xffff, v0  }
0x466: {  	v22 =	vld.idx.msk [tilespmem:v30+s17+$0x0], $0xffff;
	v46 =	vor.u32 v8, v28;
	[tilespmem:v40+s20+$0x0] =	vst.idx.msk $0xffff, v9  }
0x467: {  	v47 =	vor.u32 v6, v60;
	v26 =	vor.u32 v6, v15;
	v24 =	vor.u32 v8, v18;
	v6 =	vld [tilespmem:$0x1FA20];
	_ =	sdelay $0x2  }
0x468: {  	v25 =	vld.idx.msk [tilespmem:v32+s17+$0x0], $0xffff  }
0x469: {  	v0 =	vld.idx.msk [tilespmem:v46+s17+$0x0], $0xffff  }
0x46a: {  	[tilespmem:v47+s20+$0x0] =	vst.idx.msk $0xffff, v22;
	v9 =	vld.idx.msk [tilespmem:v24+s17+$0x0], $0xffff;
	v63 =	vor.u32 v6, v41  }
0x46b: {  	v30 =	vor.u32 v8, v19;
	v32 =	vor.u32 v8, v20;
	v8 =	vld [tilespmem:$0x1FA30];
	v40 =	vor.u32 v6, v45;
	_ =	sdelay $0x2  }
0x46c: {  	[tilespmem:v26+s20+$0x0] =	vst.idx.msk $0xffff, v25  }
0x46d: {  	[tilespmem:v63+s20+$0x0] =	vst.idx.msk $0xffff, v0  }
0x46e: {  	v22 =	vld.idx.msk [tilespmem:v30+s17+$0x0], $0xffff;
	v46 =	vor.u32 v8, v27;
	[tilespmem:v40+s20+$0x0] =	vst.idx.msk $0xffff, v9  }
0x46f: {  	v47 =	vor.u32 v6, v60;
	v26 =	vor.u32 v6, v15;
	v24 =	vor.u32 v8, v16;
	v6 =	vld [tilespmem:$0x1FA40];
	_ =	sdelay $0x2  }
0x470: {  	v25 =	vld.idx.msk [tilespmem:v32+s17+$0x0], $0xffff  }
0x471: {  	v0 =	vld.idx.msk [tilespmem:v46+s17+$0x0], $0xffff  }
0x472: {  	v30 =	vor.u32 v8, v17;
	[tilespmem:v47+s20+$0x0] =	vst.idx.msk $0xffff, v22;
	v9 =	vld.idx.msk [tilespmem:v24+s17+$0x0], $0xffff;
	v63 =	vor.u32 v6, v41  }
0x473: {  	v32 =	vor.u32 v8, v14;
	v8 =	vld [tilespmem:$0x1FA50];
	v40 =	vor.u32 v6, v45;
	_ =	sdelay $0x2  }
0x474: {  	[tilespmem:v26+s20+$0x0] =	vst.idx.msk $0xffff, v25  }
0x475: {  	v22 =	vld.idx.msk [tilespmem:v30+s17+$0x0], $0xffff;
	[tilespmem:v63+s20+$0x0] =	vst.idx.msk $0xffff, v0  }
0x476: {  	v25 =	vld.idx.msk [tilespmem:v32+s17+$0x0], $0xffff;
	v46 =	vor.u32 v8, v28;
	[tilespmem:v40+s20+$0x0] =	vst.idx.msk $0xffff, v9  }
0x477: {  	v24 =	vor.u32 v8, v18;
	v30 =	vor.u32 v8, v19;
	v32 =	vor.u32 v8, v20;
	v8 =	vld [tilespmem:$0x1FA60]  }
0x478: {  	v47 =	vor.u32 v6, v60  }
0x479: {  	v26 =	vor.u32 v6, v15;
	_ =	sdelay $0x2  }
0x47a: {  	v0 =	vld.idx.msk [tilespmem:v46+s17+$0x0], $0xffff;
	v63 =	vor.u32 v8, v41  }
0x47b: {  	[tilespmem:v47+s20+$0x0] =	vst.idx.msk $0xffff, v22;
	v9 =	vld.idx.msk [tilespmem:v24+s17+$0x0], $0xffff;
	v40 =	vor.u32 v8, v45  }
0x47c: {  	v6 =	vld [tilespmem:$0x1FA70];
	[tilespmem:v26+s20+$0x0] =	vst.idx.msk $0xffff, v25  }
0x47d: {  	[tilespmem:v58+s20+$0x0] =	vst.idx.msk $0xffff, v56  }
0x47e: {  	[tilespmem:v54+s20+$0x0] =	vst.idx.msk $0xffff, v57  }
0x47f: {  	[tilespmem:v63+s20+$0x0] =	vst.idx.msk $0xffff, v0  }
0x480: {  	[tilespmem:v40+s20+$0x0] =	vst.idx.msk $0xffff, v9  }
0x481: {  	v47 =	vor.u32 v8, v60;
	v26 =	vor.u32 v8, v15;
	v46 =	vor.u32 v6, v27;
	v8 =	vld [tilespmem:$0x1FA80]  }
0x482: {  	v22 =	vld.idx.msk [tilespmem:v30+s17+$0x0], $0xffff;
	v24 =	vor.u32 v6, v16  }
0x483: {  	v25 =	vld.idx.msk [tilespmem:v32+s17+$0x0], $0xffff;
	_ =	sdelay $0x1  }
0x484: {  	v58 =	vld.idx.msk [tilespmem:v44+s17+$0x0], $0xffff  }
0x485: {  	v1 =	vld.idx.msk [tilespmem:v46+s17+$0x0], $0xffff;
	v63 =	vor.u32 v8, v41  }
0x486: {  	[tilespmem:v47+s20+$0x0] =	vst.idx.msk $0xffff, v22;
	v10 =	vld.idx.msk [tilespmem:v24+s17+$0x0], $0xffff;
	v40 =	vor.u32 v8, v45  }
0x487: {  	v30 =	vor.u32 v6, v17;
	v57 =	vor.u32 v6, v14;
	v6 =	vld [tilespmem:$0x1FA90];
	[tilespmem:v26+s20+$0x0] =	vst.idx.msk $0xffff, v25  }
0x488: {  	[tilespmem:v51+s20+$0x0] =	vst.idx.msk $0xffff, v55  }
0x489: {  	[tilespmem:v50+s20+$0x0] =	vst.idx.msk $0xffff, v58  }
0x48a: {  	v46 =	vld [tilespmem:$0x1F8A0];
	[tilespmem:v63+s20+$0x0] =	vst.idx.msk $0xffff, v1  }
0x48b: {  	[tilespmem:v40+s20+$0x0] =	vst.idx.msk $0xffff, v10  }
0x48c: {  	v61 =	vmov v27;
	v54 =	vor.u32 v6, v28;
	v27 =	vld [tilespmem:$0x1FAA0]  }
0x48d: {  	v23 =	vld.idx.msk [tilespmem:v30+s17+$0x0], $0xffff;
	v24 =	vor.u32 v8, v60;
	v25 =	vor.u32 v6, v18  }
0x48e: {  	v30 =	vld.idx.msk [tilespmem:v57+s17+$0x0], $0xffff;
	v26 =	vor.u32 v8, v15  }
0x48f: {  	v56 =	vld.idx.msk [tilespmem:v53+s17+$0x0], $0xffff;
	v55 =	vor.u32 v6, v19;
	v35 =	vor.u32 v6, v20;
	v6 =	vor.u32 v46, v12  }
0x490: {  	v57 =	vld.idx.msk [tilespmem:v52+s17+$0x0], $0xffff;
	v58 =	vor.u32 v46, v4  }
0x491: {  	v63 =	vld.idx.msk [tilespmem:v54+s17+$0x0], $0xffff;
	v40 =	vor.u32 v27, v41  }
0x492: {  	[tilespmem:v24+s20+$0x0] =	vst.idx.msk $0xffff, v23;
	v44 =	vld.idx.msk [tilespmem:v25+s17+$0x0], $0xffff;
	v47 =	vor.u32 v27, v45  }
0x493: {  	v8 =	vld [tilespmem:$0x1FAB0];
	[tilespmem:v26+s20+$0x0] =	vst.idx.msk $0xffff, v30  }
0x494: {  	[tilespmem:v6+s20+$0x0] =	vst.idx.msk $0xffff, v56  }
0x495: {  	[tilespmem:v58+s20+$0x0] =	vst.idx.msk $0xffff, v57  }
0x496: {  	[tilespmem:v40+s20+$0x0] =	vst.idx.msk $0xffff, v63  }
0x497: {  	v62 =	vmov v28;
	v28 =	vld [tilespmem:$0x1F8B0];
	[tilespmem:v47+s20+$0x0] =	vst.idx.msk $0xffff, v44  }
0x498: {  	v26 =	vor.u32 v27, v60;
	v50 =	vor.u32 v27, v15;
	v24 =	vor.u32 v8, v61;
	v27 =	vld [tilespmem:$0x1FAC0]  }
0x499: {  	v25 =	vld.idx.msk [tilespmem:v55+s17+$0x0], $0xffff;
	v30 =	vor.u32 v8, v16  }
0x49a: {  	v51 =	vld.idx.msk [tilespmem:v35+s17+$0x0], $0xffff  }
0x49b: {  	v53 =	vld.idx.msk [tilespmem:v48+s17+$0x0], $0xffff;
	v6 =	vor.u32 v46, v2  }
0x49c: {  	v55 =	vld.idx.msk [tilespmem:v49+s17+$0x0], $0xffff;
	v40 =	vor.u32 v46, v3  }
0x49d: {  	v57 =	vld.idx.msk [tilespmem:v24+s17+$0x0], $0xffff;
	v24 =	vor.u32 v27, v41  }
0x49e: {  	[tilespmem:v26+s20+$0x0] =	vst.idx.msk $0xffff, v25;
	v25 =	vld.idx.msk [tilespmem:v30+s17+$0x0], $0xffff;
	v26 =	vor.u32 v27, v45  }
0x49f: {  	v52 =	vor.u32 v8, v17;
	v54 =	vor.u32 v8, v14;
	v8 =	vld [tilespmem:$0x1FAD0];
	[tilespmem:v50+s20+$0x0] =	vst.idx.msk $0xffff, v51  }
0x4a0: {  	[tilespmem:v6+s20+$0x0] =	vst.idx.msk $0xffff, v53  }
0x4a1: {  	[tilespmem:v40+s20+$0x0] =	vst.idx.msk $0xffff, v55  }
0x4a2: {  	v56 =	vor.u32 v28, v42;
	v48 =	vld [tilespmem:$0x1F8C0];
	[tilespmem:v24+s20+$0x0] =	vst.idx.msk $0xffff, v57  }
0x4a3: {  	v58 =	vor.u32 v28, v7;
	v47 =	vld [tilespmem:$0x1F8D0];
	[tilespmem:v26+s20+$0x0] =	vst.idx.msk $0xffff, v25  }
0x4a4: {  	v30 =	vor.u32 v8, v62;
	v55 =	vld [tilespmem:$0x1FAE0]  }
0x4a5: {  	v0 =	vld.idx.msk [tilespmem:v52+s17+$0x0], $0xffff;
	v32 =	vor.u32 v27, v60;
	v63 =	vor.u32 v8, v18  }
0x4a6: {  	v9 =	vld.idx.msk [tilespmem:v54+s17+$0x0], $0xffff;
	v1 =	vor.u32 v27, v15  }
0x4a7: {  	v52 =	vld.idx.msk [tilespmem:v56+s17+$0x0], $0xffff;
	v50 =	vor.u32 v48, v12  }
0x4a8: {  	v51 =	vld.idx.msk [tilespmem:v58+s17+$0x0], $0xffff;
	v24 =	vor.u32 v48, v4  }
0x4a9: {  	v25 =	vld.idx.msk [tilespmem:v30+s17+$0x0], $0xffff;
	v30 =	vor.u32 v55, v41  }
0x4aa: {  	[tilespmem:v32+s20+$0x0] =	vst.idx.msk $0xffff, v0;
	v0 =	vld.idx.msk [tilespmem:v63+s17+$0x0], $0xffff;
	v63 =	vor.u32 v55, v45  }
0x4ab: {  	v6 =	vor.u32 v8, v19;
	v53 =	vor.u32 v8, v20;
	v8 =	vld [tilespmem:$0x1FAF0];
	[tilespmem:v1+s20+$0x0] =	vst.idx.msk $0xffff, v9  }
0x4ac: {  	[tilespmem:v50+s20+$0x0] =	vst.idx.msk $0xffff, v52  }
0x4ad: {  	[tilespmem:v24+s20+$0x0] =	vst.idx.msk $0xffff, v51  }
0x4ae: {  	v54 =	vor.u32 v47, v37;
	v50 =	vld [tilespmem:$0x1F8E0];
	[tilespmem:v30+s20+$0x0] =	vst.idx.msk $0xffff, v25  }
0x4af: {  	v26 =	vor.u32 v28, v13;
	v49 =	vld [tilespmem:$0x1F8F0];
	[tilespmem:v63+s20+$0x0] =	vst.idx.msk $0xffff, v0  }
0x4b0: {  	v56 =	vor.u32 v8, v61;
	v63 =	vld [tilespmem:$0x1FB00]  }
0x4b1: {  	v57 =	vld.idx.msk [tilespmem:v6+s17+$0x0], $0xffff;
	v44 =	vor.u32 v55, v60;
	v6 =	vor.u32 v8, v16  }
0x4b2: {  	v21 =	vld.idx.msk [tilespmem:v53+s17+$0x0], $0xffff;
	v52 =	vor.u32 v55, v15  }
0x4b3: {  	v53 =	vor.u32 v8, v17;
	v54 =	vld.idx.msk [tilespmem:v54+s17+$0x0], $0xffff;
	v24 =	vor.u32 v50, v12  }
0x4b4: {  	v55 =	vor.u32 v8, v14;
	v25 =	vld.idx.msk [tilespmem:v26+s17+$0x0], $0xffff;
	v26 =	vor.u32 v48, v2  }
0x4b5: {  	v0 =	vld.idx.msk [tilespmem:v56+s17+$0x0], $0xffff;
	v35 =	vor.u32 v63, v41  }
0x4b6: {  	[tilespmem:v44+s20+$0x0] =	vst.idx.msk $0xffff, v57;
	v1 =	vld.idx.msk [tilespmem:v6+s17+$0x0], $0xffff;
	v9 =	vor.u32 v63, v45  }
0x4b7: {  	v8 =	vld [tilespmem:$0x1FB10];
	[tilespmem:v52+s20+$0x0] =	vst.idx.msk $0xffff, v21  }
0x4b8: {  	v44 =	vld.idx.msk [tilespmem:v53+s17+$0x0], $0xffff;
	[tilespmem:v24+s20+$0x0] =	vst.idx.msk $0xffff, v54;
	v56 =	vor.u32 v63, v60  }
0x4b9: {  	v23 =	vld.idx.msk [tilespmem:v55+s17+$0x0], $0xffff;
	[tilespmem:v26+s20+$0x0] =	vst.idx.msk $0xffff, v25  }
0x4ba: {  	v30 =	vor.u32 v49, v42;
	v52 =	vld [tilespmem:$0x1F900];
	[tilespmem:v35+s20+$0x0] =	vst.idx.msk $0xffff, v0  }
0x4bb: {  	v32 =	vor.u32 v28, v5;
	v51 =	vld [tilespmem:$0x1F910];
	[tilespmem:v9+s20+$0x0] =	vst.idx.msk $0xffff, v1  }
0x4bc: {  	v6 =	vor.u32 v8, v62;
	v55 =	vld [tilespmem:$0x1FB20]  }
0x4bd: {  	[tilespmem:v56+s20+$0x0] =	vst.idx.msk $0xffff, v44  }
0x4be: {  	v63 =	vor.u32 v63, v15;
	v57 =	vor.u32 v8, v18;
	v56 =	vld [tilespmem:$0x1FB30]  }
0x4bf: {  	v25 =	vld.idx.msk [tilespmem:v30+s17+$0x0], $0xffff;
	v30 =	vor.u32 v52, v12  }
0x4c0: {  	v0 =	vld.idx.msk [tilespmem:v32+s17+$0x0], $0xffff;
	v32 =	vor.u32 v48, v3;
	v54 =	vor.u32 v51, v37  }
0x4c1: {  	v1 =	vld.idx.msk [tilespmem:v6+s17+$0x0], $0xffff;
	v6 =	vor.u32 v55, v41;
	_ =	sdelay $0x1  }
0x4c2: {  	v10 =	vld.idx.msk [tilespmem:v57+s17+$0x0], $0xffff;
	[tilespmem:v63+s20+$0x0] =	vst.idx.msk $0xffff, v23;
	v44 =	vor.u32 v55, v45;
	v57 =	vor.u32 v56, v61  }
0x4c3: {  	[tilespmem:v30+s20+$0x0] =	vst.idx.msk $0xffff, v25  }
0x4c4: {  	v24 =	vor.u32 v8, v19;
	[tilespmem:v32+s20+$0x0] =	vst.idx.msk $0xffff, v0;
	v0 =	vld.idx.msk [tilespmem:v54+s17+$0x0], $0xffff  }
0x4c5: {  	v26 =	vor.u32 v8, v20;
	v54 =	vld [tilespmem:$0x1F920];
	[tilespmem:v6+s20+$0x0] =	vst.idx.msk $0xffff, v1  }
0x4c6: {  	v9 =	vor.u32 v47, v11;
	v53 =	vld [tilespmem:$0x1F930]  }
0x4c7: {  	[tilespmem:v44+s20+$0x0] =	vst.idx.msk $0xffff, v10;
	v10 =	vld.idx.msk [tilespmem:v57+s17+$0x0], $0xffff  }
0x4c8: {  	v57 =	vld [tilespmem:$0x1FB40]  }
0x4c9: {  	v22 =	vld.idx.msk [tilespmem:v24+s17+$0x0], $0xffff;
	v63 =	vor.u32 v55, v60  }
0x4ca: {  	v26 =	vld.idx.msk [tilespmem:v26+s17+$0x0], $0xffff;
	v25 =	vor.u32 v55, v15;
	v24 =	vor.u32 v56, v16  }
0x4cb: {  	v30 =	vor.u32 v56, v17;
	v32 =	vor.u32 v56, v14;
	v56 =	vor.u32 v50, v4;
	v1 =	vld.idx.msk [tilespmem:v9+s17+$0x0], $0xffff  }
0x4cc: {  	v35 =	vor.u32 v54, v12  }
0x4cd: {  	v40 =	vor.u32 v57, v41  }
0x4ce: {  	[tilespmem:v63+s20+$0x0] =	vst.idx.msk $0xffff, v22  }
0x4cf: {  	v21 =	vor.u32 v47, v59;
	v44 =	vmov v59;
	v59 =	vld [tilespmem:$0x1FB50];
	[tilespmem:v25+s20+$0x0] =	vst.idx.msk $0xffff, v26  }
0x4d0: {  	[tilespmem:v56+s20+$0x0] =	vst.idx.msk $0xffff, v1  }
0x4d1: {  	v22 =	vld.idx.msk [tilespmem:v24+s17+$0x0], $0xffff;
	v63 =	vor.u32 v57, v45;
	[tilespmem:v35+s20+$0x0] =	vst.idx.msk $0xffff, v0  }
0x4d2: {  	v56 =	vld [tilespmem:$0x1F940];
	[tilespmem:v40+s20+$0x0] =	vst.idx.msk $0xffff, v10  }
0x4d3: {  	v55 =	vld [tilespmem:$0x1F950];
	_ =	sdelay $0x1  }
0x4d4: {  	v6 =	vor.u32 v53, v42  }
0x4d5: {  	v25 =	vld.idx.msk [tilespmem:v30+s17+$0x0], $0xffff;
	v26 =	vor.u32 v57, v60;
	v24 =	vor.u32 v59, v62;
	[tilespmem:v63+s20+$0x0] =	vst.idx.msk $0xffff, v22  }
0x4d6: {  	v30 =	vor.u32 v59, v18;
	v9 =	vor.u32 v59, v20;
	v35 =	vor.u32 v59, v19;
	v59 =	vld [tilespmem:$0x1FBF0]  }
0x4d7: {  	v27 =	vmov v37;
	v40 =	vor.u32 v55, v37;
	v37 =	vld [tilespmem:$0x1FB60]  }
0x4d8: {  	v32 =	vld.idx.msk [tilespmem:v32+s17+$0x0], $0xffff  }
0x4d9: {  	v0 =	vor.u32 v57, v15;
	v1 =	vld.idx.msk [tilespmem:v6+s17+$0x0], $0xffff  }
0x4da: {  	v10 =	vld.idx.msk [tilespmem:v21+s17+$0x0], $0xffff;
	v21 =	vor.u32 v50, v2  }
0x4db: {  	v22 =	vld.idx.msk [tilespmem:v24+s17+$0x0], $0xffff;
	v6 =	vor.u32 v56, v12;
	[tilespmem:v26+s20+$0x0] =	vst.idx.msk $0xffff, v25  }
0x4dc: {  	v63 =	vor.u32 v47, v59;
	v57 =	vld [tilespmem:$0x1FB70];
	v24 =	vor.u32 v37, v41  }
0x4dd: {  	v25 =	vld.idx.msk [tilespmem:v30+s17+$0x0], $0xffff;
	v26 =	vor.u32 v37, v45  }
0x4de: {  	[tilespmem:v0+s20+$0x0] =	vst.idx.msk $0xffff, v32  }
0x4df: {  	[tilespmem:v21+s20+$0x0] =	vst.idx.msk $0xffff, v10  }
0x4e0: {  	v0 =	vld.idx.msk [tilespmem:v35+s17+$0x0], $0xffff;
	[tilespmem:v6+s20+$0x0] =	vst.idx.msk $0xffff, v1;
	v32 =	vor.u32 v37, v60;
	v1 =	vor.u32 v37, v15  }
0x4e1: {  	v30 =	vor.u32 v57, v61;
	v35 =	vor.u32 v57, v16;
	[tilespmem:v24+s20+$0x0] =	vst.idx.msk $0xffff, v22;
	v22 =	vld.idx.msk [tilespmem:v63+s17+$0x0], $0xffff  }
0x4e2: {  	v37 =	vor.u32 v57, v17;
	v21 =	vor.u32 v57, v14;
	v57 =	vld [tilespmem:$0x1F960];
	[tilespmem:v26+s20+$0x0] =	vst.idx.msk $0xffff, v25  }
0x4e3: {  	v63 =	vld [tilespmem:$0x1FB80];
	_ =	sdelay $0x1  }
0x4e4: {  	v9 =	vld.idx.msk [tilespmem:v9+s17+$0x0], $0xffff  }
0x4e5: {  	v10 =	vld.idx.msk [tilespmem:v40+s17+$0x0], $0xffff;
	v40 =	vor.u32 v31, v12  }
0x4e6: {  	v23 =	vor.u32 v50, v3;
	v25 =	vld.idx.msk [tilespmem:v30+s17+$0x0], $0xffff  }
0x4e7: {  	[tilespmem:v32+s20+$0x0] =	vst.idx.msk $0xffff, v0;
	v0 =	vld.idx.msk [tilespmem:v35+s17+$0x0], $0xffff;
	v30 =	vor.u32 v63, v41  }
0x4e8: {  	v6 =	vld [tilespmem:$0x1FB90];
	v32 =	vor.u32 v63, v45  }
0x4e9: {  	[tilespmem:v1+s20+$0x0] =	vst.idx.msk $0xffff, v9  }
0x4ea: {  	[tilespmem:v40+s20+$0x0] =	vst.idx.msk $0xffff, v10  }
0x4eb: {  	[tilespmem:v23+s20+$0x0] =	vst.idx.msk $0xffff, v22;
	v24 =	vor.u32 v57, v42  }
0x4ec: {  	v26 =	vor.u32 v49, v7;
	[tilespmem:v30+s20+$0x0] =	vst.idx.msk $0xffff, v25  }
0x4ed: {  	v58 =	vmov v13;
	v1 =	vld.idx.msk [tilespmem:v37+s17+$0x0], $0xffff;
	v13 =	vor.u32 v6, v62;
	[tilespmem:v32+s20+$0x0] =	vst.idx.msk $0xffff, v0  }
0x4ee: {  	v8 =	vmov v11;
	v9 =	vor.u32 v63, v60;
	v37 =	vor.u32 v6, v18;
	v11 =	vld [tilespmem:$0x1FBA0]  }
0x4ef: {  	v21 =	vld.idx.msk [tilespmem:v21+s17+$0x0], $0xffff  }
0x4f0: {  	v10 =	vor.u32 v63, v15;
	v22 =	vld.idx.msk [tilespmem:v24+s17+$0x0], $0xffff  }
0x4f1: {  	v24 =	vor.u32 v34, v12;
	v25 =	vld.idx.msk [tilespmem:v26+s17+$0x0], $0xffff  }
0x4f2: {  	v26 =	vor.u32 v52, v4;
	v0 =	vld.idx.msk [tilespmem:v13+s17+$0x0], $0xffff  }
0x4f3: {  	v63 =	vor.u32 v6, v19;
	[tilespmem:v9+s20+$0x0] =	vst.idx.msk $0xffff, v1;
	v1 =	vld.idx.msk [tilespmem:v37+s17+$0x0], $0xffff;
	v13 =	vor.u32 v11, v41  }
0x4f4: {  	v23 =	vor.u32 v6, v20;
	v30 =	vor.u32 v33, v27;
	v6 =	vld [tilespmem:$0x1FBB0];
	v9 =	vor.u32 v11, v45  }
0x4f5: {  	[tilespmem:v10+s20+$0x0] =	vst.idx.msk $0xffff, v21  }
0x4f6: {  	[tilespmem:v24+s20+$0x0] =	vst.idx.msk $0xffff, v22  }
0x4f7: {  	[tilespmem:v26+s20+$0x0] =	vst.idx.msk $0xffff, v25  }
0x4f8: {  	v32 =	vor.u32 v49, v58;
	v10 =	vld.idx.msk [tilespmem:v63+s17+$0x0], $0xffff;
	[tilespmem:v13+s20+$0x0] =	vst.idx.msk $0xffff, v0  }
0x4f9: {  	v25 =	vld.idx.msk [tilespmem:v30+s17+$0x0], $0xffff;
	v21 =	vor.u32 v11, v60;
	v37 =	vor.u32 v6, v61;
	[tilespmem:v9+s20+$0x0] =	vst.idx.msk $0xffff, v1  }
0x4fa: {  	v63 =	vor.u32 v6, v16;
	v24 =	vor.u32 v6, v17;
	v30 =	vor.u32 v6, v14;
	v6 =	vld [tilespmem:$0x1FBC0];
	_ =	sdelay $0x1  }
0x4fb: {  	v23 =	vld.idx.msk [tilespmem:v23+s17+$0x0], $0xffff;
	v22 =	vor.u32 v11, v15  }
0x4fc: {  	v26 =	vor.u32 v36, v12;
	v32 =	vld.idx.msk [tilespmem:v32+s17+$0x0], $0xffff  }
0x4fd: {  	v0 =	vor.u32 v52, v2;
	v9 =	vld.idx.msk [tilespmem:v37+s17+$0x0], $0xffff  }
0x4fe: {  	[tilespmem:v21+s20+$0x0] =	vst.idx.msk $0xffff, v10;
	v63 =	vld.idx.msk [tilespmem:v63+s17+$0x0], $0xffff;
	v35 =	vor.u32 v6, v41  }
0x4ff: {  	v13 =	vor.u32 v38, v42;
	v42 =	vld [tilespmem:$0x1FBD0];
	v10 =	vor.u32 v6, v45  }
0x500: {  	[tilespmem:v22+s20+$0x0] =	vst.idx.msk $0xffff, v23;
	v24 =	vld.idx.msk [tilespmem:v24+s17+$0x0], $0xffff;
	v22 =	vor.u32 v6, v60  }
0x501: {  	[tilespmem:v26+s20+$0x0] =	vst.idx.msk $0xffff, v25  }
0x502: {  	[tilespmem:v0+s20+$0x0] =	vst.idx.msk $0xffff, v32  }
0x503: {  	[tilespmem:v35+s20+$0x0] =	vst.idx.msk $0xffff, v9  }
0x504: {  	v1 =	vor.u32 v49, v5;
	[tilespmem:v10+s20+$0x0] =	vst.idx.msk $0xffff, v63  }
0x505: {  	v21 =	vor.u32 v42, v62;
	v10 =	vor.u32 v29, v27;
	v27 =	vld [tilespmem:$0x1FBE0];
	[tilespmem:v22+s20+$0x0] =	vst.idx.msk $0xffff, v24  }
0x506: {  	v25 =	vor.u32 v6, v15;
	v23 =	vor.u32 v42, v18;
	v6 =	vld [tilespmem:$0x1FC00]  }
0x507: {  	v30 =	vld.idx.msk [tilespmem:v30+s17+$0x0], $0xffff;
	v26 =	vor.u32 v42, v19  }
0x508: {  	v40 =	vor.u32 v39, v12;
	v0 =	vld.idx.msk [tilespmem:v13+s17+$0x0], $0xffff;
	v32 =	vor.u32 v42, v20  }
0x509: {  	v1 =	vld.idx.msk [tilespmem:v1+s17+$0x0], $0xffff;
	v42 =	vor.u32 v51, v8;
	v9 =	vor.u32 v52, v3  }
0x50a: {  	v11 =	vld.idx.msk [tilespmem:v21+s17+$0x0], $0xffff;
	v63 =	vor.u32 v27, v41  }
0x50b: {  	v23 =	vld.idx.msk [tilespmem:v23+s17+$0x0], $0xffff;
	v37 =	vor.u32 v27, v45;
	v24 =	vor.u32 v6, v61  }
0x50c: {  	[tilespmem:v25+s20+$0x0] =	vst.idx.msk $0xffff, v30;
	v26 =	vld.idx.msk [tilespmem:v26+s17+$0x0], $0xffff;
	v25 =	vor.u32 v27, v60;
	v30 =	vor.u32 v6, v16  }
0x50d: {  	[tilespmem:v40+s20+$0x0] =	vst.idx.msk $0xffff, v0;
	v32 =	vld.idx.msk [tilespmem:v32+s17+$0x0], $0xffff;
	v40 =	vor.u32 v27, v15;
	v13 =	vor.u32 v6, v17  }
0x50e: {  	v42 =	vld.idx.msk [tilespmem:v42+s17+$0x0], $0xffff;
	[tilespmem:v9+s20+$0x0] =	vst.idx.msk $0xffff, v1;
	v1 =	vor.u32 v54, v4;
	v35 =	vor.u32 v6, v14  }
0x50f: {  	v12 =	vor.u32 v43, v12;
	v10 =	vld.idx.msk [tilespmem:v10+s17+$0x0], $0xffff;
	[tilespmem:v63+s20+$0x0] =	vst.idx.msk $0xffff, v11;
	v11 =	vor.u32 v51, v44  }
0x510: {  	v21 =	vor.u32 v51, v59;
	[tilespmem:v37+s20+$0x0] =	vst.idx.msk $0xffff, v23;
	v37 =	vor.u32 v46, v41;
	v63 =	vld.idx.msk [tilespmem:v24+s17+$0x0], $0xffff  }
0x511: {  	[tilespmem:v25+s20+$0x0] =	vst.idx.msk $0xffff, v26;
	v25 =	vor.u32 v28, v62;
	v24 =	vor.u32 v46, v45;
	v26 =	vld.idx.msk [tilespmem:v30+s17+$0x0], $0xffff  }
0x512: {  	[tilespmem:v40+s20+$0x0] =	vst.idx.msk $0xffff, v32;
	v40 =	vor.u32 v46, v60;
	v30 =	vor.u32 v28, v18;
	v13 =	vld.idx.msk [tilespmem:v13+s17+$0x0], $0xffff  }
0x513: {  	v9 =	vor.u32 v28, v19;
	[tilespmem:v1+s20+$0x0] =	vst.idx.msk $0xffff, v42;
	v42 =	vor.u32 v46, v15;
	v32 =	vld.idx.msk [tilespmem:v35+s17+$0x0], $0xffff  }
0x514: {  	[tilespmem:v12+s20+$0x0] =	vst.idx.msk $0xffff, v10;
	v12 =	vor.u32 v28, v20;
	v46 =	vor.u32 v54, v2;
	v11 =	vld.idx.msk [tilespmem:v11+s17+$0x0], $0xffff  }
0x515: {  	v22 =	vor.u32 v54, v3;
	v21 =	vld.idx.msk [tilespmem:v21+s17+$0x0], $0xffff;
	[tilespmem:v37+s20+$0x0] =	vst.idx.msk $0xffff, v63;
	v63 =	vor.u32 v53, v7  }
0x516: {  	[tilespmem:v24+s20+$0x0] =	vst.idx.msk $0xffff, v26;
	v24 =	vor.u32 v53, v58;
	v26 =	vor.u32 v48, v41;
	v25 =	vld.idx.msk [tilespmem:v25+s17+$0x0], $0xffff  }
0x517: {  	v0 =	vor.u32 v47, v61;
	[tilespmem:v40+s20+$0x0] =	vst.idx.msk $0xffff, v13;
	v37 =	vld.idx.msk [tilespmem:v30+s17+$0x0], $0xffff;
	v30 =	vor.u32 v48, v45  }
0x518: {  	[tilespmem:v42+s20+$0x0] =	vst.idx.msk $0xffff, v32;
	v40 =	vor.u32 v48, v60;
	v42 =	vor.u32 v47, v16;
	v9 =	vld.idx.msk [tilespmem:v9+s17+$0x0], $0xffff  }
0x519: {  	v12 =	vld.idx.msk [tilespmem:v12+s17+$0x0], $0xffff;
	[tilespmem:v46+s20+$0x0] =	vst.idx.msk $0xffff, v11;
	v46 =	vor.u32 v48, v15;
	v11 =	vor.u32 v47, v17  }
0x51a: {  	[tilespmem:v22+s20+$0x0] =	vst.idx.msk $0xffff, v21;
	v21 =	vor.u32 v56, v4;
	v48 =	vld.idx.msk [tilespmem:v63+s17+$0x0], $0xffff;
	v63 =	vor.u32 v47, v14  }
0x51b: {  	v24 =	vld.idx.msk [tilespmem:v24+s17+$0x0], $0xffff;
	[tilespmem:v26+s20+$0x0] =	vst.idx.msk $0xffff, v25;
	v25 =	vor.u32 v53, v5;
	v26 =	vor.u32 v56, v2  }
0x51c: {  	[tilespmem:v30+s20+$0x0] =	vst.idx.msk $0xffff, v37;
	v37 =	vor.u32 v55, v8;
	v30 =	vor.u32 v50, v41;
	v0 =	vld.idx.msk [tilespmem:v0+s17+$0x0], $0xffff  }
0x51d: {  	v1 =	vor.u32 v49, v62;
	[tilespmem:v40+s20+$0x0] =	vst.idx.msk $0xffff, v9;
	v40 =	vld.idx.msk [tilespmem:v42+s17+$0x0], $0xffff;
	v42 =	vor.u32 v50, v45  }
0x51e: {  	v47 =	vor.u32 v49, v18;
	[tilespmem:v46+s20+$0x0] =	vst.idx.msk $0xffff, v12;
	v46 =	vor.u32 v50, v60;
	v11 =	vld.idx.msk [tilespmem:v11+s17+$0x0], $0xffff  }
0x51f: {  	[tilespmem:v21+s20+$0x0] =	vst.idx.msk $0xffff, v48;
	v48 =	vor.u32 v50, v15;
	v50 =	vor.u32 v49, v19;
	v23 =	vld.idx.msk [tilespmem:v63+s17+$0x0], $0xffff  }
0x520: {  	[tilespmem:v26+s20+$0x0] =	vst.idx.msk $0xffff, v24;
	v24 =	vor.u32 v56, v3;
	v25 =	vld.idx.msk [tilespmem:v25+s17+$0x0], $0xffff;
	v26 =	vor.u32 v49, v20  }
0x521: {  	v63 =	vor.u32 v55, v44;
	v13 =	vld.idx.msk [tilespmem:v37+s17+$0x0], $0xffff;
	[tilespmem:v30+s20+$0x0] =	vst.idx.msk $0xffff, v0;
	v30 =	vor.u32 v31, v4  }
0x522: {  	v37 =	vor.u32 v55, v59;
	[tilespmem:v42+s20+$0x0] =	vst.idx.msk $0xffff, v40;
	v40 =	vor.u32 v52, v41;
	v1 =	vld.idx.msk [tilespmem:v1+s17+$0x0], $0xffff  }
0x523: {  	v42 =	vor.u32 v51, v61;
	v12 =	vld.idx.msk [tilespmem:v47+s17+$0x0], $0xffff;
	[tilespmem:v46+s20+$0x0] =	vst.idx.msk $0xffff, v11;
	v46 =	vor.u32 v52, v45  }
0x524: {  	v47 =	vor.u32 v52, v60;
	[tilespmem:v48+s20+$0x0] =	vst.idx.msk $0xffff, v23;
	v48 =	vor.u32 v51, v16;
	v22 =	vld.idx.msk [tilespmem:v50+s17+$0x0], $0xffff  }
0x525: {  	[tilespmem:v24+s20+$0x0] =	vst.idx.msk $0xffff, v25;
	v24 =	vor.u32 v52, v15;
	v25 =	vor.u32 v51, v17;
	v26 =	vld.idx.msk [tilespmem:v26+s17+$0x0], $0xffff  }
0x526: {  	v49 =	vor.u32 v31, v2;
	v0 =	vld.idx.msk [tilespmem:v63+s17+$0x0], $0xffff;
	[tilespmem:v30+s20+$0x0] =	vst.idx.msk $0xffff, v13;
	v30 =	vor.u32 v51, v14  }
0x527: {  	v50 =	vor.u32 v31, v3;
	v51 =	vor.u32 v57, v7;
	v9 =	vld.idx.msk [tilespmem:v37+s17+$0x0], $0xffff;
	[tilespmem:v40+s20+$0x0] =	vst.idx.msk $0xffff, v1  }
0x528: {  	v63 =	vor.u32 v54, v41;
	v52 =	vor.u32 v57, v58;
	[tilespmem:v46+s20+$0x0] =	vst.idx.msk $0xffff, v12;
	v10 =	vld.idx.msk [tilespmem:v42+s17+$0x0], $0xffff  }
0x529: {  	v37 =	vor.u32 v53, v62;
	v40 =	vor.u32 v54, v45;
	[tilespmem:v47+s20+$0x0] =	vst.idx.msk $0xffff, v22;
	v23 =	vld.idx.msk [tilespmem:v48+s17+$0x0], $0xffff  }
0x52a: {  	[tilespmem:v24+s20+$0x0] =	vst.idx.msk $0xffff, v26;
	v24 =	vor.u32 v54, v60;
	v26 =	vor.u32 v53, v18;
	v25 =	vld.idx.msk [tilespmem:v25+s17+$0x0], $0xffff  }
0x52b: {  	v42 =	vor.u32 v54, v15;
	v46 =	vor.u32 v53, v19;
	[tilespmem:v49+s20+$0x0] =	vst.idx.msk $0xffff, v0;
	v30 =	vld.idx.msk [tilespmem:v30+s17+$0x0], $0xffff  }
0x52c: {  	v47 =	vor.u32 v34, v4;
	v49 =	vor.u32 v53, v20;
	[tilespmem:v50+s20+$0x0] =	vst.idx.msk $0xffff, v9;
	v48 =	vld.idx.msk [tilespmem:v51+s17+$0x0], $0xffff  }
0x52d: {  	v11 =	vld.idx.msk [tilespmem:v52+s17+$0x0], $0xffff;
	v50 =	vor.u32 v57, v5;
	v51 =	vor.u32 v34, v2;
	[tilespmem:v63+s20+$0x0] =	vst.idx.msk $0xffff, v10  }
0x52e: {  	v52 =	vor.u32 v33, v8;
	v53 =	vor.u32 v56, v41;
	[tilespmem:v40+s20+$0x0] =	vst.idx.msk $0xffff, v23;
	v21 =	vld.idx.msk [tilespmem:v37+s17+$0x0], $0xffff  }
0x52f: {  	[tilespmem:v24+s20+$0x0] =	vst.idx.msk $0xffff, v25;
	v24 =	vor.u32 v55, v61;
	v25 =	vor.u32 v56, v45;
	v26 =	vld.idx.msk [tilespmem:v26+s17+$0x0], $0xffff  }
0x530: {  	v54 =	vor.u32 v56, v60;
	[tilespmem:v42+s20+$0x0] =	vst.idx.msk $0xffff, v30;
	v30 =	vor.u32 v55, v16;
	v13 =	vld.idx.msk [tilespmem:v46+s17+$0x0], $0xffff  }
0x531: {  	v63 =	vor.u32 v55, v17;
	v56 =	vor.u32 v56, v15;
	[tilespmem:v47+s20+$0x0] =	vst.idx.msk $0xffff, v48;
	v28 =	vld.idx.msk [tilespmem:v49+s17+$0x0], $0xffff  }
0x532: {  	v35 =	vor.u32 v34, v3;
	v37 =	vor.u32 v55, v14;
	[tilespmem:v51+s20+$0x0] =	vst.idx.msk $0xffff, v11;
	v10 =	vld.idx.msk [tilespmem:v50+s17+$0x0], $0xffff  }
0x533: {  	v40 =	vor.u32 v33, v44;
	v42 =	vor.u32 v36, v4;
	v22 =	vld.idx.msk [tilespmem:v52+s17+$0x0], $0xffff;
	[tilespmem:v53+s20+$0x0] =	vst.idx.msk $0xffff, v21  }
0x534: {  	[tilespmem:v25+s20+$0x0] =	vst.idx.msk $0xffff, v26;
	v25 =	vor.u32 v33, v59;
	v24 =	vld.idx.msk [tilespmem:v24+s17+$0x0], $0xffff;
	v26 =	vor.u32 v31, v41  }
0x535: {  	v46 =	vor.u32 v57, v62;
	v47 =	vor.u32 v31, v45;
	[tilespmem:v54+s20+$0x0] =	vst.idx.msk $0xffff, v13;
	v27 =	vld.idx.msk [tilespmem:v30+s17+$0x0], $0xffff  }
0x536: {  	v48 =	vor.u32 v31, v60;
	[tilespmem:v56+s20+$0x0] =	vst.idx.msk $0xffff, v28;
	v28 =	vor.u32 v57, v18;
	v9 =	vld.idx.msk [tilespmem:v63+s17+$0x0], $0xffff  }
0x537: {  	v50 =	vor.u32 v57, v19;
	v49 =	vor.u32 v31, v15;
	[tilespmem:v35+s20+$0x0] =	vst.idx.msk $0xffff, v10;
	v12 =	vld.idx.msk [tilespmem:v37+s17+$0x0], $0xffff  }
0x538: {  	v51 =	vor.u32 v36, v2;
	v52 =	vor.u32 v57, v20;
	v21 =	vld.idx.msk [tilespmem:v40+s17+$0x0], $0xffff;
	[tilespmem:v42+s20+$0x0] =	vst.idx.msk $0xffff, v22  }
0x539: {  	[tilespmem:v26+s20+$0x0] =	vst.idx.msk $0xffff, v24;
	v24 =	vor.u32 v36, v3;
	v26 =	vor.u32 v38, v7;
	v25 =	vld.idx.msk [tilespmem:v25+s17+$0x0], $0xffff  }
0x53a: {  	v53 =	vor.u32 v38, v58;
	[tilespmem:v47+s20+$0x0] =	vst.idx.msk $0xffff, v27;
	v0 =	vld.idx.msk [tilespmem:v46+s17+$0x0], $0xffff;
	v27 =	vor.u32 v34, v41  }
0x53b: {  	v55 =	vor.u32 v34, v45;
	v54 =	vor.u32 v33, v61;
	[tilespmem:v48+s20+$0x0] =	vst.idx.msk $0xffff, v9;
	v28 =	vld.idx.msk [tilespmem:v28+s17+$0x0], $0xffff  }
0x53c: {  	v56 =	vor.u32 v34, v60;
	v57 =	vor.u32 v33, v16;
	[tilespmem:v49+s20+$0x0] =	vst.idx.msk $0xffff, v12;
	v11 =	vld.idx.msk [tilespmem:v50+s17+$0x0], $0xffff  }
0x53d: {  	v58 =	vor.u32 v34, v15;
	v63 =	vor.u32 v33, v17;
	[tilespmem:v51+s20+$0x0] =	vst.idx.msk $0xffff, v21;
	v23 =	vld.idx.msk [tilespmem:v52+s17+$0x0], $0xffff  }
0x53e: {  	[tilespmem:v24+s20+$0x0] =	vst.idx.msk $0xffff, v25;
	v24 =	vor.u32 v39, v4;
	v25 =	vld.idx.msk [tilespmem:v26+s17+$0x0], $0xffff;
	v26 =	vor.u32 v33, v14  }
0x53f: {  	v6 =	vor.u32 v39, v2;
	v32 =	vor.u32 v38, v5;
	v13 =	vld.idx.msk [tilespmem:v53+s17+$0x0], $0xffff;
	[tilespmem:v27+s20+$0x0] =	vst.idx.msk $0xffff, v0  }
0x540: {  	v8 =	vor.u32 v29, v8;
	v33 =	vor.u32 v36, v41;
	[tilespmem:v55+s20+$0x0] =	vst.idx.msk $0xffff, v28;
	v1 =	vld.idx.msk [tilespmem:v54+s17+$0x0], $0xffff  }
0x541: {  	v35 =	vor.u32 v36, v45;
	v34 =	vor.u32 v38, v62;
	[tilespmem:v56+s20+$0x0] =	vst.idx.msk $0xffff, v11;
	v12 =	vld.idx.msk [tilespmem:v57+s17+$0x0], $0xffff  }
0x542: {  	v40 =	vor.u32 v38, v18;
	v37 =	vor.u32 v36, v60;
	[tilespmem:v58+s20+$0x0] =	vst.idx.msk $0xffff, v23;
	v22 =	vld.idx.msk [tilespmem:v63+s17+$0x0], $0xffff  }
0x543: {  	v42 =	vor.u32 v36, v15;
	v46 =	vor.u32 v38, v19;
	[tilespmem:v24+s20+$0x0] =	vst.idx.msk $0xffff, v25;
	v24 =	vld.idx.msk [tilespmem:v26+s17+$0x0], $0xffff  }
0x544: {  	v47 =	vor.u32 v39, v3;
	[tilespmem:v6+s20+$0x0] =	vst.idx.msk $0xffff, v13;
	v6 =	vor.u32 v38, v20;
	v0 =	vld.idx.msk [tilespmem:v32+s17+$0x0], $0xffff  }
0x545: {  	v48 =	vor.u32 v29, v44;
	v4 =	vor.u32 v43, v4;
	v7 =	vld.idx.msk [tilespmem:v8+s17+$0x0], $0xffff;
	[tilespmem:v33+s20+$0x0] =	vst.idx.msk $0xffff, v1  }
0x546: {  	v5 =	vor.u32 v29, v59;
	v49 =	vor.u32 v39, v41;
	[tilespmem:v35+s20+$0x0] =	vst.idx.msk $0xffff, v12;
	v8 =	vld.idx.msk [tilespmem:v34+s17+$0x0], $0xffff  }
0x547: {  	v51 =	vor.u32 v39, v45;
	v50 =	vor.u32 v29, v61;
	[tilespmem:v37+s20+$0x0] =	vst.idx.msk $0xffff, v22;
	v12 =	vld.idx.msk [tilespmem:v40+s17+$0x0], $0xffff  }
0x548: {  	v53 =	vor.u32 v29, v16;
	v52 =	vor.u32 v39, v60;
	[tilespmem:v42+s20+$0x0] =	vst.idx.msk $0xffff, v24;
	v19 =	vld.idx.msk [tilespmem:v46+s17+$0x0], $0xffff  }
0x549: {  	v54 =	vor.u32 v39, v15;
	v55 =	vor.u32 v29, v17;
	[tilespmem:v47+s20+$0x0] =	vst.idx.msk $0xffff, v0;
	v6 =	vld.idx.msk [tilespmem:v6+s17+$0x0], $0xffff  }
0x54a: {  	v56 =	vor.u32 v43, v2;
	v1 =	vld.idx.msk [tilespmem:v48+s17+$0x0], $0xffff;
	[tilespmem:v4+s20+$0x0] =	vst.idx.msk $0xffff, v7;
	v4 =	vor.u32 v29, v14  }
0x54b: {  	v57 =	vor.u32 v43, v3;
	v5 =	vld.idx.msk [tilespmem:v5+s17+$0x0], $0xffff;
	[tilespmem:v49+s20+$0x0] =	vst.idx.msk $0xffff, v8  }
0x54c: {  	v8 =	vor.u32 v43, v41;
	[tilespmem:v51+s20+$0x0] =	vst.idx.msk $0xffff, v12;
	v7 =	vld.idx.msk [tilespmem:v50+s17+$0x0], $0xffff  }
0x54d: {  	v58 =	vor.u32 v43, v45;
	[tilespmem:v52+s20+$0x0] =	vst.idx.msk $0xffff, v19;
	v59 =	vld.idx.msk [tilespmem:v53+s17+$0x0], $0xffff  }
0x54e: {  	v61 =	vor.u32 v43, v60;
	[tilespmem:v54+s20+$0x0] =	vst.idx.msk $0xffff, v6;
	v6 =	vld.idx.msk [tilespmem:v55+s17+$0x0], $0xffff  }
0x54f: {  	v62 =	vor.u32 v43, v15;
	[tilespmem:v56+s20+$0x0] =	vst.idx.msk $0xffff, v1;
	v63 =	vld.idx.msk [tilespmem:v4+s17+$0x0], $0xffff  }
0x550: {  	[tilespmem:v57+s20+$0x0] =	vst.idx.msk $0xffff, v5  }
0x551: {  	[tilespmem:v8+s20+$0x0] =	vst.idx.msk $0xffff, v7  }
0x552: {  	[tilespmem:v58+s20+$0x0] =	vst.idx.msk $0xffff, v59  }
0x553: {  	[tilespmem:v61+s20+$0x0] =	vst.idx.msk $0xffff, v6  }
0x554: {  	[tilespmem:v62+s20+$0x0] =	vst.idx.msk $0xffff, v63  }
0x555: {  	v36 =	vld [tilespmem:$0x1FC40]  }
0x556: {  	v40 =	vld [tilespmem:$0x1FC50]  }
0x557: {  	v52 =	vld [tilespmem:$0x1FC60]  }
0x558: {  	v60 =	vld [tilespmem:$0x1FC70]  }
0x559: {  	v51 =	vld [tilespmem:$0x1FC80]  }
0x55a: {  	v57 =	vld [tilespmem:$0x1FC90]  }
0x55b: {  	v55 =	vld [tilespmem:$0x1FCA0]  }
0x55c: {  	v59 =	vld [tilespmem:$0x1FCB0]  }
0x55d: {  	v45 =	vld [tilespmem:$0x1FCC0]  }
0x55e: {  	v54 =	vld [tilespmem:$0x1FCD0]  }
0x55f: {  	v38 =	vld [tilespmem:$0x1FCE0]  }
0x560: {  	v7 =	vld [tilespmem:$0x1FCF0]  }
0x561: {  	v58 =	vld [tilespmem:$0x1FD00]  }
0x562: {  	v44 =	vld [tilespmem:$0x1FD10]  }
0x563: {  	v46 =	vld [tilespmem:$0x1FD20]  }
0x564: {  	v49 =	vld [tilespmem:$0x1FD30]  }
0x565: {  	v30 =	vld [tilespmem:$0x1FD40]  }
0x566: {  	v29 =	vld [tilespmem:$0x1FD50]  }
0x567: {  	v24 =	vld [tilespmem:$0x1FD60]  }
0x568: {  	v41 =	vld [tilespmem:$0x1FD70]  }
0x569: {  	v42 =	vld [tilespmem:$0x1FD80]  }
0x56a: {  	v43 =	vld [tilespmem:$0x1FD90]  }
0x56b: {  	v25 =	vld [tilespmem:$0x1FDA0]  }
0x56c: {  	v26 =	vld [tilespmem:$0x1FDB0]  }
0x56d: {  	s31 =	sadd.s32 $0x1, s31;
	v27 =	vld [tilespmem:$0x1FDC0]  }
0x56e: {  	p0 =	sne.s32 s31, $0x64;
	v31 =	vld [tilespmem:$0x1FDD0]  }
.Ltmp5:
0x56f: {  	s0 =	sshll.u32 s2, $0x7;
	v34 =	vld [tilespmem:$0x1FDE0];
	(pc) =	sbr.rel @p0 .LBB2_2-.Ltmp5, $4  }
.Ltmp6:
0x570: {  	s8 =	sshll.u32 s2, $0xA;
	s0 =	sand.u32 $0x3F00, s0;
	v39 =	vld [tilespmem:$0x1FDF0];
	(pc) =	sbr.rel @!p0 .LBB2_12-.Ltmp6, $4  }
0x571: {  	s2 =	sand.u32 $0xFFE0000, s8;
	s0 =	sadd.s32 s3, s0;
	v37 =	vld [tilespmem:$0x1FE00]  }
0x572: {  	s0 =	sadd.s32 s2, s0;
	v61 =	vld [tilespmem:$0x1FE10]  }
0x573: {  	v48 =	vlaneseq.u32;
	[hbm4b:s0+s21] =	stream.strided.scatter [tilespmem:s20], [sflag:$0x5], $0x2000, s22, s21, $0x38;
	v28 =	vld [tilespmem:$0x1FE20]  }
0x574: {  	_ = 	snop  }
.LBB2_8:
.Ltmp7:
0x575: {  	(pc) =	sbr.rel .LBB2_9-.Ltmp7, $2  }
0x576: {  	_ =	sdelay $0x2  }
0x577: {  	p1 =	por $0x1, $0x1  }
.LBB2_12:
0x578: {  	s0 =	simm.s32 $0x0  }
0x579: {  	s5 =	simm.s32 $0x1;
	v56 =	vadd.s32 s0, v48  }
0x57a: {  	_ =	swait.ge [sflag:s18], $0x2000;
	v2 =	vmov v49;
	v5 =	vadd.s32 s5, v48;
	v49 =	vand.u32 $0xF, v56  }
0x57b: {  	v53 =	vmov v7;
	[sflag:s18] =	ssyncset.done $0x0;
	v7 =	vand.u32 $0xF, v5;
	v0 =	vor.u32 v36, v49  }
0x57c: {  	s8 =	simm.s32 $0x3;
	[sflag:s18] =	ssyncadd.s32 $0xFFFFE000;
	v1 =	vor.u32 v36, v7  }
0x57d: {  	s31 =	simm.s32 $0x2;
	v16 =	vadd.s32 s8, v48;
	_ =	swait.ge [sflag:s19], $0x4000  }
0x57e: {  	v62 =	vadd.s32 s31, v48;
	v9 =	vand.u32 $0xF, v16;
	[sflag:s19] =	ssyncset.done $0x0  }
0x57f: {  	v8 =	vand.u32 $0xF, v62;
	v12 =	vor.u32 v36, v9;
	v4 =	vshll.u32 v49, $0x7;
	[sflag:s19] =	ssyncadd.s32 $0xFFFFC000  }
0x580: {  	v13 =	vor.u32 v36, v8;
	v11 =	vshll.u32 v7, $0x7;
	v14 =	vor.u32 v40, v4;
	v0 =	vld.idx.msk [tilespmem:v0+s17+$0x0], $0xffff  }
0x581: {  	v15 =	vor.u32 v52, v56;
	v17 =	vor.u32 v40, v11;
	v1 =	vld.idx.msk [tilespmem:v1+s17+$0x0], $0xffff  }
0x582: {  	v18 =	vor.u32 v52, v5  }
0x583: {  	v6 =	vshll.u32 v9, $0x7  }
0x584: {  	v10 =	vshll.u32 v8, $0x7;
	v19 =	vor.u32 v40, v6;
	v12 =	vld.idx.msk [tilespmem:v12+s17+$0x0], $0xffff  }
0x585: {  	v21 =	vor.u32 v52, v16;
	v20 =	vor.u32 v40, v10;
	v13 =	vld.idx.msk [tilespmem:v13+s17+$0x0], $0xffff;
	[tilespmem:v14+s20+$0x0] =	vst.idx.msk $0xffff, v0  }
0x586: {  	v32 =	vor.u32 v52, v62;
	[tilespmem:v17+s20+$0x0] =	vst.idx.msk $0xffff, v1;
	v14 =	vld.idx.msk [tilespmem:v15+s17+$0x0], $0xffff;
	v15 =	vor.u32 v60, v4  }
0x587: {  	v33 =	vor.u32 v51, v49;
	v17 =	vld.idx.msk [tilespmem:v18+s17+$0x0], $0xffff;
	v18 =	vor.u32 v60, v11  }
0x588: {  	v22 =	vor.u32 v51, v7  }
0x589: {  	[tilespmem:v19+s20+$0x0] =	vst.idx.msk $0xffff, v12  }
0x58a: {  	[tilespmem:v20+s20+$0x0] =	vst.idx.msk $0xffff, v13;
	v13 =	vor.u32 v60, v6;
	v12 =	vld.idx.msk [tilespmem:v21+s17+$0x0], $0xffff  }
0x58b: {  	v19 =	vor.u32 v60, v10;
	v20 =	vor.u32 v51, v9;
	v0 =	vld.idx.msk [tilespmem:v32+s17+$0x0], $0xffff;
	[tilespmem:v15+s20+$0x0] =	vst.idx.msk $0xffff, v14  }
0x58c: {  	v14 =	vor.u32 v51, v8;
	v15 =	vor.u32 v57, v4;
	[tilespmem:v18+s20+$0x0] =	vst.idx.msk $0xffff, v17;
	v1 =	vld.idx.msk [tilespmem:v33+s17+$0x0], $0xffff  }
0x58d: {  	v21 =	vor.u32 v57, v11;
	v17 =	vor.u32 v55, v56;
	v18 =	vld.idx.msk [tilespmem:v22+s17+$0x0], $0xffff  }
0x58e: {  	v22 =	vor.u32 v55, v5  }
0x58f: {  	[tilespmem:v13+s20+$0x0] =	vst.idx.msk $0xffff, v12  }
0x590: {  	[tilespmem:v19+s20+$0x0] =	vst.idx.msk $0xffff, v0;
	v12 =	vor.u32 v57, v6;
	v35 =	vld.idx.msk [tilespmem:v20+s17+$0x0], $0xffff  }
0x591: {  	v19 =	vor.u32 v55, v16;
	v13 =	vld.idx.msk [tilespmem:v14+s17+$0x0], $0xffff;
	v14 =	vor.u32 v57, v10;
	[tilespmem:v15+s20+$0x0] =	vst.idx.msk $0xffff, v1  }
0x592: {  	v47 =	vor.u32 v55, v62;
	[tilespmem:v21+s20+$0x0] =	vst.idx.msk $0xffff, v18;
	v15 =	vld.idx.msk [tilespmem:v17+s17+$0x0], $0xffff;
	v17 =	vor.u32 v59, v4  }
0x593: {  	v18 =	vor.u32 v45, v49;
	v21 =	vor.u32 v59, v11;
	v20 =	vld.idx.msk [tilespmem:v22+s17+$0x0], $0xffff  }
0x594: {  	v22 =	vor.u32 v45, v7  }
0x595: {  	[tilespmem:v12+s20+$0x0] =	vst.idx.msk $0xffff, v35  }
0x596: {  	v12 =	vor.u32 v59, v6;
	v0 =	vld.idx.msk [tilespmem:v19+s17+$0x0], $0xffff;
	[tilespmem:v14+s20+$0x0] =	vst.idx.msk $0xffff, v13  }
0x597: {  	v13 =	vor.u32 v59, v10;
	v14 =	vor.u32 v45, v9;
	v1 =	vld.idx.msk [tilespmem:v47+s17+$0x0], $0xffff;
	[tilespmem:v17+s20+$0x0] =	vst.idx.msk $0xffff, v15  }
0x598: {  	v15 =	vor.u32 v45, v8;
	[tilespmem:v21+s20+$0x0] =	vst.idx.msk $0xffff, v20;
	v17 =	vld.idx.msk [tilespmem:v18+s17+$0x0], $0xffff;
	v18 =	vor.u32 v54, v4  }
0x599: {  	v19 =	vor.u32 v38, v56;
	v21 =	vor.u32 v54, v11;
	v20 =	vld.idx.msk [tilespmem:v22+s17+$0x0], $0xffff  }
0x59a: {  	v22 =	vor.u32 v38, v5  }
0x59b: {  	[tilespmem:v12+s20+$0x0] =	vst.idx.msk $0xffff, v0  }
0x59c: {  	v50 =	vor.u32 v54, v6;
	v0 =	vld.idx.msk [tilespmem:v14+s17+$0x0], $0xffff;
	[tilespmem:v13+s20+$0x0] =	vst.idx.msk $0xffff, v1  }
0x59d: {  	v14 =	vor.u32 v38, v16;
	v13 =	vor.u32 v54, v10;
	v12 =	vld.idx.msk [tilespmem:v15+s17+$0x0], $0xffff;
	[tilespmem:v18+s20+$0x0] =	vst.idx.msk $0xffff, v17  }
0x59e: {  	v15 =	vor.u32 v38, v62;
	v18 =	vor.u32 v53, v4;
	[tilespmem:v21+s20+$0x0] =	vst.idx.msk $0xffff, v20;
	v17 =	vld.idx.msk [tilespmem:v19+s17+$0x0], $0xffff  }
0x59f: {  	v20 =	vor.u32 v53, v11;
	v21 =	vor.u32 v58, v49;
	v19 =	vld.idx.msk [tilespmem:v22+s17+$0x0], $0xffff  }
0x5a0: {  	v22 =	vor.u32 v58, v7  }
0x5a1: {  	[tilespmem:v50+s20+$0x0] =	vst.idx.msk $0xffff, v0  }
0x5a2: {  	v0 =	vld.idx.msk [tilespmem:v14+s17+$0x0], $0xffff;
	[tilespmem:v13+s20+$0x0] =	vst.idx.msk $0xffff, v12  }
0x5a3: {  	v54 =	vor.u32 v53, v6;
	v12 =	vld.idx.msk [tilespmem:v15+s17+$0x0], $0xffff;
	[tilespmem:v18+s20+$0x0] =	vst.idx.msk $0xffff, v17  }
0x5a4: {  	v13 =	vor.u32 v53, v10;
	[tilespmem:v20+s20+$0x0] =	vst.idx.msk $0xffff, v19;
	v17 =	vld.idx.msk [tilespmem:v21+s17+$0x0], $0xffff  }
0x5a5: {  	v14 =	vor.u32 v58, v9;
	v18 =	vor.u32 v44, v4;
	v19 =	vld.idx.msk [tilespmem:v22+s17+$0x0], $0xffff  }
0x5a6: {  	v15 =	vor.u32 v58, v8;
	v20 =	vor.u32 v44, v11;
	v23 =	vld [tilespmem:$0x1FC10];
	_ =	sdelay $0x1  }
0x5a7: {  	[tilespmem:v54+s20+$0x0] =	vst.idx.msk $0xffff, v0  }
0x5a8: {  	[tilespmem:v13+s20+$0x0] =	vst.idx.msk $0xffff, v12  }
0x5a9: {  	v0 =	vld.idx.msk [tilespmem:v14+s17+$0x0], $0xffff;
	[tilespmem:v18+s20+$0x0] =	vst.idx.msk $0xffff, v17  }
0x5aa: {  	v12 =	vld.idx.msk [tilespmem:v15+s17+$0x0], $0xffff;
	v21 =	vor.u32 v23, v56;
	[tilespmem:v20+s20+$0x0] =	vst.idx.msk $0xffff, v19  }
0x5ab: {  	v22 =	vor.u32 v23, v5;
	v14 =	vor.u32 v23, v16;
	v15 =	vor.u32 v23, v62;
	v23 =	vld [tilespmem:$0x1FC20];
	_ =	sdelay $0x1  }
0x5ac: {  	v58 =	vor.u32 v44, v6  }
0x5ad: {  	v13 =	vor.u32 v44, v10;
	_ =	sdelay $0x1  }
0x5ae: {  	v17 =	vld.idx.msk [tilespmem:v21+s17+$0x0], $0xffff;
	v18 =	vor.u32 v23, v4  }
0x5af: {  	v21 =	vor.u32 v46, v49  }
0x5b0: {  	[tilespmem:v58+s20+$0x0] =	vst.idx.msk $0xffff, v0;
	v19 =	vld.idx.msk [tilespmem:v22+s17+$0x0], $0xffff;
	v20 =	vor.u32 v23, v11  }
0x5b1: {  	[tilespmem:v13+s20+$0x0] =	vst.idx.msk $0xffff, v12;
	v22 =	vor.u32 v46, v7;
	v0 =	vld.idx.msk [tilespmem:v14+s17+$0x0], $0xffff;
	v63 =	vor.u32 v23, v6  }
0x5b2: {  	v12 =	vld.idx.msk [tilespmem:v15+s17+$0x0], $0xffff;
	v14 =	vor.u32 v46, v9;
	v13 =	vor.u32 v23, v10  }
0x5b3: {  	v15 =	vor.u32 v46, v8;
	[tilespmem:v18+s20+$0x0] =	vst.idx.msk $0xffff, v17  }
0x5b4: {  	v18 =	vor.u32 v2, v4;
	v17 =	vld.idx.msk [tilespmem:v21+s17+$0x0], $0xffff  }
0x5b5: {  	[tilespmem:v20+s20+$0x0] =	vst.idx.msk $0xffff, v19;
	v21 =	vor.u32 v30, v56  }
0x5b6: {  	v20 =	vor.u32 v2, v11;
	[tilespmem:v63+s20+$0x0] =	vst.idx.msk $0xffff, v0;
	v19 =	vld.idx.msk [tilespmem:v22+s17+$0x0], $0xffff  }
0x5b7: {  	v32 =	vor.u32 v2, v6;
	[tilespmem:v13+s20+$0x0] =	vst.idx.msk $0xffff, v12;
	v22 =	vor.u32 v30, v5;
	v0 =	vld.idx.msk [tilespmem:v14+s17+$0x0], $0xffff  }
0x5b8: {  	v13 =	vor.u32 v2, v10;
	v12 =	vld.idx.msk [tilespmem:v15+s17+$0x0], $0xffff;
	v14 =	vor.u32 v30, v16  }
0x5b9: {  	v15 =	vor.u32 v30, v62;
	[tilespmem:v18+s20+$0x0] =	vst.idx.msk $0xffff, v17  }
0x5ba: {  	v18 =	vor.u32 v29, v4;
	v17 =	vld.idx.msk [tilespmem:v21+s17+$0x0], $0xffff  }
0x5bb: {  	[tilespmem:v20+s20+$0x0] =	vst.idx.msk $0xffff, v19;
	v21 =	vor.u32 v24, v49  }
0x5bc: {  	v20 =	vor.u32 v29, v11;
	[tilespmem:v32+s20+$0x0] =	vst.idx.msk $0xffff, v0;
	v19 =	vld.idx.msk [tilespmem:v22+s17+$0x0], $0xffff  }
0x5bd: {  	v33 =	vor.u32 v29, v6;
	[tilespmem:v13+s20+$0x0] =	vst.idx.msk $0xffff, v12;
	v22 =	vor.u32 v24, v7;
	v0 =	vld.idx.msk [tilespmem:v14+s17+$0x0], $0xffff  }
0x5be: {  	v13 =	vor.u32 v29, v10;
	v12 =	vld.idx.msk [tilespmem:v15+s17+$0x0], $0xffff;
	v14 =	vor.u32 v24, v9  }
0x5bf: {  	v15 =	vor.u32 v24, v8;
	[tilespmem:v18+s20+$0x0] =	vst.idx.msk $0xffff, v17  }
0x5c0: {  	v18 =	vor.u32 v41, v4;
	v17 =	vld.idx.msk [tilespmem:v21+s17+$0x0], $0xffff  }
0x5c1: {  	[tilespmem:v20+s20+$0x0] =	vst.idx.msk $0xffff, v19;
	v21 =	vor.u32 v42, v56  }
0x5c2: {  	v20 =	vor.u32 v41, v11;
	[tilespmem:v33+s20+$0x0] =	vst.idx.msk $0xffff, v0;
	v19 =	vld.idx.msk [tilespmem:v22+s17+$0x0], $0xffff  }
0x5c3: {  	v35 =	vor.u32 v41, v6;
	[tilespmem:v13+s20+$0x0] =	vst.idx.msk $0xffff, v12;
	v22 =	vor.u32 v42, v5;
	v0 =	vld.idx.msk [tilespmem:v14+s17+$0x0], $0xffff  }
0x5c4: {  	v13 =	vor.u32 v41, v10;
	v12 =	vld.idx.msk [tilespmem:v15+s17+$0x0], $0xffff;
	v14 =	vor.u32 v42, v16  }
0x5c5: {  	v15 =	vor.u32 v42, v62;
	[tilespmem:v18+s20+$0x0] =	vst.idx.msk $0xffff, v17  }
0x5c6: {  	v18 =	vor.u32 v43, v4;
	v17 =	vld.idx.msk [tilespmem:v21+s17+$0x0], $0xffff  }
0x5c7: {  	[tilespmem:v20+s20+$0x0] =	vst.idx.msk $0xffff, v19;
	v21 =	vor.u32 v25, v49  }
0x5c8: {  	v20 =	vor.u32 v43, v11;
	[tilespmem:v35+s20+$0x0] =	vst.idx.msk $0xffff, v0;
	v19 =	vld.idx.msk [tilespmem:v22+s17+$0x0], $0xffff  }
0x5c9: {  	v42 =	vor.u32 v43, v6;
	[tilespmem:v13+s20+$0x0] =	vst.idx.msk $0xffff, v12;
	v22 =	vor.u32 v25, v7;
	v0 =	vld.idx.msk [tilespmem:v14+s17+$0x0], $0xffff  }
0x5ca: {  	v13 =	vor.u32 v43, v10;
	v12 =	vld.idx.msk [tilespmem:v15+s17+$0x0], $0xffff;
	v14 =	vor.u32 v25, v9  }
0x5cb: {  	v15 =	vor.u32 v25, v8;
	[tilespmem:v18+s20+$0x0] =	vst.idx.msk $0xffff, v17  }
0x5cc: {  	v18 =	vor.u32 v26, v4;
	v17 =	vld.idx.msk [tilespmem:v21+s17+$0x0], $0xffff  }
0x5cd: {  	[tilespmem:v20+s20+$0x0] =	vst.idx.msk $0xffff, v19  }
0x5ce: {  	[tilespmem:v42+s20+$0x0] =	vst.idx.msk $0xffff, v0;
	v20 =	vld.idx.msk [tilespmem:v22+s17+$0x0], $0xffff;
	v21 =	vor.u32 v27, v56;
	v22 =	vor.u32 v26, v11  }
0x5cf: {  	[tilespmem:v13+s20+$0x0] =	vst.idx.msk $0xffff, v12;
	v13 =	vor.u32 v26, v6;
	v1 =	vld.idx.msk [tilespmem:v14+s17+$0x0], $0xffff  }
0x5d0: {  	s2 =	simm.s32 $0x4;
	v43 =	vor.u32 v27, v5;
	v14 =	vld.idx.msk [tilespmem:v15+s17+$0x0], $0xffff;
	v15 =	vor.u32 v26, v10  }
0x5d1: {  	v23 =	vor.u32 v27, v16;
	v12 =	vadd.s32 s2, v48;
	v54 =	vld [tilespmem:$0x1FE90];
	[tilespmem:v18+s20+$0x0] =	vst.idx.msk $0xffff, v17  }
0x5d2: {  	s5 =	simm.s32 $0x5;
	v19 =	vand.u32 $0xF, v12;
	v26 =	vor.u32 v31, v4;
	v18 =	vor.u32 v27, v62;
	v50 =	vld [tilespmem:$0x1FE60]  }
0x5d3: {  	v17 =	vadd.s32 s5, v48;
	[tilespmem:v22+s20+$0x0] =	vst.idx.msk $0xffff, v20;
	v22 =	vld.idx.msk [tilespmem:v21+s17+$0x0], $0xffff;
	v21 =	vor.u32 v36, v19  }
0x5d4: {  	v47 =	vmov v28;
	v27 =	vor.u32 v34, v49;
	[tilespmem:v13+s20+$0x0] =	vst.idx.msk $0xffff, v1;
	v20 =	vand.u32 $0xF, v17  }
0x5d5: {  	v28 =	vor.u32 v31, v11;
	[tilespmem:v15+s20+$0x0] =	vst.idx.msk $0xffff, v14;
	v0 =	vld.idx.msk [tilespmem:v43+s17+$0x0], $0xffff;
	v14 =	vor.u32 v36, v20  }
0x5d6: {  	v44 =	vor.u32 v34, v7;
	v15 =	vld.idx.msk [tilespmem:v23+s17+$0x0], $0xffff  }
0x5d7: {  	s8 =	simm.s32 $0x6;
	v32 =	vor.u32 v34, v9;
	v23 =	vor.u32 v31, v6;
	v30 =	vld.idx.msk [tilespmem:v18+s17+$0x0], $0xffff  }
0x5d8: {  	v13 =	vshll.u32 v19, $0x7;
	v31 =	vor.u32 v31, v10;
	v18 =	vadd.s32 s8, v48;
	v33 =	vld.idx.msk [tilespmem:v21+s17+$0x0], $0xffff;
	[tilespmem:v26+s20+$0x0] =	vst.idx.msk $0xffff, v22  }
0x5d9: {  	v53 =	vor.u32 v40, v13;
	v21 =	vand.u32 $0xF, v18;
	v22 =	vor.u32 v34, v8;
	v27 =	vld.idx.msk [tilespmem:v27+s17+$0x0], $0xffff  }
0x5da: {  	v35 =	vor.u32 v36, v21;
	[tilespmem:v28+s20+$0x0] =	vst.idx.msk $0xffff, v0;
	v28 =	vor.u32 v39, v4;
	v58 =	vld.idx.msk [tilespmem:v14+s17+$0x0], $0xffff  }
0x5db: {  	v41 =	vor.u32 v39, v11;
	v0 =	vor.u32 v52, v12;
	v14 =	vshll.u32 v20, $0x7;
	v1 =	vld.idx.msk [tilespmem:v44+s17+$0x0], $0xffff  }
0x5dc: {  	v63 =	vmov v37;
	v29 =	vor.u32 v37, v56;
	[tilespmem:v23+s20+$0x0] =	vst.idx.msk $0xffff, v15;
	v23 =	vor.u32 v40, v14  }
0x5dd: {  	v42 =	vor.u32 v63, v5;
	v43 =	vor.u32 v39, v6;
	[tilespmem:v31+s20+$0x0] =	vst.idx.msk $0xffff, v30;
	v30 =	vld.idx.msk [tilespmem:v32+s17+$0x0], $0xffff  }
0x5de: {  	v15 =	vshll.u32 v21, $0x7;
	v22 =	vld.idx.msk [tilespmem:v22+s17+$0x0], $0xffff;
	[tilespmem:v53+s20+$0x0] =	vst.idx.msk $0xffff, v33  }
0x5df: {  	v44 =	vor.u32 v39, v10;
	v31 =	vor.u32 v52, v17;
	v33 =	vld.idx.msk [tilespmem:v35+s17+$0x0], $0xffff;
	[tilespmem:v28+s20+$0x0] =	vst.idx.msk $0xffff, v27  }
0x5e0: {  	v53 =	vor.u32 v63, v16;
	v0 =	vld.idx.msk [tilespmem:v0+s17+$0x0], $0xffff;
	v27 =	vor.u32 v40, v15;
	[tilespmem:v41+s20+$0x0] =	vst.idx.msk $0xffff, v1  }
0x5e1: {  	v28 =	vor.u32 v63, v62;
	v63 =	vor.u32 v60, v13;
	v29 =	vld.idx.msk [tilespmem:v29+s17+$0x0], $0xffff;
	[tilespmem:v23+s20+$0x0] =	vst.idx.msk $0xffff, v58  }
0x5e2: {  	v26 =	vor.u32 v38, v12;
	v41 =	vor.u32 v61, v4;
	v38 =	vld.idx.msk [tilespmem:v42+s17+$0x0], $0xffff;
	[tilespmem:v43+s20+$0x0] =	vst.idx.msk $0xffff, v30  }
0x5e3: {  	v43 =	vor.u32 v61, v11;
	v42 =	vld [tilespmem:$0x1FE40]  }
0x5e4: {  	v31 =	vld.idx.msk [tilespmem:v31+s17+$0x0], $0xffff;
	[tilespmem:v44+s20+$0x0] =	vst.idx.msk $0xffff, v22;
	v22 =	vor.u32 v60, v14  }
0x5e5: {  	[tilespmem:v27+s20+$0x0] =	vst.idx.msk $0xffff, v33  }
0x5e6: {  	v40 =	vor.u32 v52, v18;
	[tilespmem:v63+s20+$0x0] =	vst.idx.msk $0xffff, v0  }
0x5e7: {  	v23 =	vor.u32 v51, v19;
	[tilespmem:v41+s20+$0x0] =	vst.idx.msk $0xffff, v29  }
0x5e8: {  	v35 =	vld.idx.msk [tilespmem:v53+s17+$0x0], $0xffff;
	[tilespmem:v43+s20+$0x0] =	vst.idx.msk $0xffff, v38;
	v44 =	vor.u32 v42, v7  }
0x5e9: {  	v27 =	vor.u32 v51, v20;
	v28 =	vld.idx.msk [tilespmem:v28+s17+$0x0], $0xffff;
	[tilespmem:v22+s20+$0x0] =	vst.idx.msk $0xffff, v31  }
0x5ea: {  	v33 =	vor.u32 v61, v6;
	v30 =	vor.u32 v42, v49;
	v43 =	vld [tilespmem:$0x1FE50]  }
0x5eb: {  	v52 =	vor.u32 v61, v10;
	v0 =	vld.idx.msk [tilespmem:v40+s17+$0x0], $0xffff  }
0x5ec: {  	v23 =	vld.idx.msk [tilespmem:v23+s17+$0x0], $0xffff;
	v29 =	vor.u32 v60, v15  }
0x5ed: {  	v63 =	vor.u32 v57, v13;
	v53 =	vor.u32 v42, v9;
	v34 =	vld.idx.msk [tilespmem:v44+s17+$0x0], $0xffff  }
0x5ee: {  	v61 =	vor.u32 v42, v8;
	v42 =	vor.u32 v51, v21;
	v51 =	vor.u32 v57, v14;
	v44 =	vld.idx.msk [tilespmem:v27+s17+$0x0], $0xffff  }
0x5ef: {  	[tilespmem:v33+s20+$0x0] =	vst.idx.msk $0xffff, v35;
	v30 =	vld.idx.msk [tilespmem:v30+s17+$0x0], $0xffff;
	v31 =	vor.u32 v43, v4  }
0x5f0: {  	[tilespmem:v52+s20+$0x0] =	vst.idx.msk $0xffff, v28;
	v27 =	vor.u32 v47, v49;
	v47 =	vor.u32 v43, v11  }
0x5f1: {  	[tilespmem:v29+s20+$0x0] =	vst.idx.msk $0xffff, v0  }
0x5f2: {  	[tilespmem:v63+s20+$0x0] =	vst.idx.msk $0xffff, v23  }
0x5f3: {  	v22 =	vor.u32 v55, v12;
	[tilespmem:v51+s20+$0x0] =	vst.idx.msk $0xffff, v44  }
0x5f4: {  	v52 =	vor.u32 v55, v17;
	v35 =	vld.idx.msk [tilespmem:v53+s17+$0x0], $0xffff;
	[tilespmem:v31+s20+$0x0] =	vst.idx.msk $0xffff, v30  }
0x5f5: {  	v24 =	vor.u32 v50, v56;
	v29 =	vld.idx.msk [tilespmem:v61+s17+$0x0], $0xffff;
	[tilespmem:v47+s20+$0x0] =	vst.idx.msk $0xffff, v34  }
0x5f6: {  	v28 =	vor.u32 v50, v5;
	v53 =	vor.u32 v43, v6;
	v39 =	vld [tilespmem:$0x1FE70]  }
0x5f7: {  	v23 =	vld.idx.msk [tilespmem:v42+s17+$0x0], $0xffff  }
0x5f8: {  	v22 =	vld.idx.msk [tilespmem:v22+s17+$0x0], $0xffff;
	v60 =	vor.u32 v43, v10  }
0x5f9: {  	v33 =	vor.u32 v59, v13;
	v0 =	vld.idx.msk [tilespmem:v52+s17+$0x0], $0xffff  }
0x5fa: {  	v61 =	vor.u32 v50, v16;
	v30 =	vor.u32 v57, v15;
	v24 =	vld.idx.msk [tilespmem:v24+s17+$0x0], $0xffff  }
0x5fb: {  	v31 =	vor.u32 v50, v62;
	v28 =	vld.idx.msk [tilespmem:v28+s17+$0x0], $0xffff;
	[tilespmem:v53+s20+$0x0] =	vst.idx.msk $0xffff, v35;
	v47 =	vor.u32 v39, v4  }
0x5fc: {  	v63 =	vor.u32 v45, v19;
	v34 =	vor.u32 v55, v18;
	v52 =	vld [tilespmem:$0x1FE80];
	v55 =	vor.u32 v39, v11  }
0x5fd: {  	[tilespmem:v60+s20+$0x0] =	vst.idx.msk $0xffff, v29;
	v29 =	vor.u32 v59, v14  }
0x5fe: {  	[tilespmem:v33+s20+$0x0] =	vst.idx.msk $0xffff, v22  }
0x5ff: {  	v61 =	vld.idx.msk [tilespmem:v61+s17+$0x0], $0xffff;
	[tilespmem:v30+s20+$0x0] =	vst.idx.msk $0xffff, v23  }
0x600: {  	v30 =	vld.idx.msk [tilespmem:v31+s17+$0x0], $0xffff;
	[tilespmem:v47+s20+$0x0] =	vst.idx.msk $0xffff, v24  }
0x601: {  	v31 =	vld.idx.msk [tilespmem:v63+s17+$0x0], $0xffff;
	v53 =	vor.u32 v52, v49;
	[tilespmem:v55+s20+$0x0] =	vst.idx.msk $0xffff, v28  }
0x602: {  	v3 =	vor.u32 v39, v6;
	v60 =	vor.u32 v52, v7;
	v63 =	vld [tilespmem:$0x1FCD0];
	[tilespmem:v29+s20+$0x0] =	vst.idx.msk $0xffff, v0  }
0x603: {  	v23 =	vor.u32 v45, v20;
	v0 =	vld [tilespmem:$0x1FC30]  }
0x604: {  	v25 =	vor.u32 v54, v56  }
0x605: {  	v58 =	vmovc v56;
	v41 =	vor.u32 v45, v21;
	v42 =	vor.u32 v59, v15;
	v50 =	vmov v49;
	v34 =	vld.idx.msk [tilespmem:v34+s17+$0x0], $0xffff  }
0x606: {  	s31 =	simm.s32 $0x7;
	v37 =	vor.u32 v39, v10;
	v32 =	vor.u32 v52, v9;
	v33 =	vor.u32 v52, v8;
	v35 =	vld.idx.msk [tilespmem:v53+s17+$0x0], $0xffff  }
0x607: {  	v22 =	vadd.s32 s31, v48;
	v49 =	vmov v12;
	v28 =	vor.u32 v54, v5;
	v29 =	vld.idx.msk [tilespmem:v60+s17+$0x0], $0xffff;
	[tilespmem:v3+s20+$0x0] =	vst.idx.msk $0xffff, v61  }
0x608: {  	s0 =	simm.s32 $0x8;
	v36 =	vld.idx.msk [tilespmem:v23+s17+$0x0], $0xffff;
	v39 =	vor.u32 v63, v13;
	v40 =	vor.u32 v0, v4;
	v38 =	vor.u32 v0, v11  }
.LBB2_13:
0x609: {  	_ =	sdelay $0x1  }
0x60a: {  	v57 =	vld [tilespmem:$0x1FCD0]  }
0x60b: {  	v24 =	vld.idx.msk [tilespmem:v32+s17+$0x0], $0xffff  }
0x60c: {  	v2 =	vld [tilespmem:$0x1FC30]  }
0x60d: {  	v44 =	vld [tilespmem:$0x1FCF0]  }
0x60e: {  	v48 =	vld [tilespmem:$0x1FCE0]  }
0x60f: {  	v55 =	vld [tilespmem:$0x1FEA0]  }
0x610: {  	v47 =	vld [tilespmem:$0x1FC50]  }
0x611: {  	v61 =	vld [tilespmem:$0x1FE20]  }
0x612: {  	v12 =	vld [tilespmem:$0x1FC60]  }
0x613: {  	v43 =	vld [tilespmem:$0x1FD00]  }
0x614: {  	v45 =	vld [tilespmem:$0x1FEB0]  }
0x615: {  	v60 =	vld [tilespmem:$0x1FEC0];
	[tilespmem:v37+s20+$0x0] =	vst.idx.msk $0xffff, v30  }
0x616: {  	[tilespmem:v42+s20+$0x0] =	vst.idx.msk $0xffff, v34;
	v42 =	vld [tilespmem:$0x1FC40]  }
0x617: {  	[tilespmem:v39+s20+$0x0] =	vst.idx.msk $0xffff, v31;
	v30 =	vld.idx.msk [tilespmem:v33+s17+$0x0], $0xffff  }
0x618: {  	v1 =	vor.u32 v57, v14;
	v63 =	vor.u32 v2, v6;
	v33 =	vor.u32 v2, v10;
	v2 =	vld [tilespmem:$0x1FE90]  }
0x619: {  	v26 =	vld.idx.msk [tilespmem:v26+s17+$0x0], $0xffff;
	[tilespmem:v40+s20+$0x0] =	vst.idx.msk $0xffff, v35;
	v53 =	vor.u32 v44, v13  }
0x61a: {  	[tilespmem:v38+s20+$0x0] =	vst.idx.msk $0xffff, v29;
	v54 =	vor.u32 v48, v17;
	v25 =	vld.idx.msk [tilespmem:v25+s17+$0x0], $0xffff;
	v29 =	vor.u32 v55, v4  }
0x61b: {  	v0 =	vand.u32 $0xF, v22;
	v31 =	vld.idx.msk [tilespmem:v41+s17+$0x0], $0xffff  }
0x61c: {  	v37 =	vor.u32 v57, v15;
	v41 =	vld [tilespmem:$0x1FC10];
	v23 =	vor.u32 v42, v0  }
0x61d: {  	v3 =	vmov v58;
	v34 =	vor.u32 v2, v16;
	[tilespmem:v1+s20+$0x0] =	vst.idx.msk $0xffff, v36;
	v36 =	vor.u32 v60, v58;
	v58 =	vld [tilespmem:$0x1FF00]  }
0x61e: {  	v52 =	vor.u32 v2, v62;
	[tilespmem:v53+s20+$0x0] =	vst.idx.msk $0xffff, v26;
	v28 =	vld.idx.msk [tilespmem:v28+s17+$0x0], $0xffff  }
0x61f: {  	v1 =	vor.u32 v48, v18;
	v26 =	vld.idx.msk [tilespmem:v54+s17+$0x0], $0xffff;
	[tilespmem:v29+s20+$0x0] =	vst.idx.msk $0xffff, v25  }
0x620: {  	v59 =	vor.u32 v55, v11;
	[tilespmem:v33+s20+$0x0] =	vst.idx.msk $0xffff, v30;
	v27 =	vld.idx.msk [tilespmem:v27+s17+$0x0], $0xffff  }
0x621: {  	v29 =	vor.u32 v43, v19;
	v56 =	vld.idx.msk [tilespmem:v23+s17+$0x0], $0xffff;
	[tilespmem:v63+s20+$0x0] =	vst.idx.msk $0xffff, v24  }
0x622: {  	v51 =	vor.u32 v61, v7;
	[tilespmem:v37+s20+$0x0] =	vst.idx.msk $0xffff, v31;
	v23 =	vshll.u32 v0, $0x7;
	v30 =	vld.idx.msk [tilespmem:v34+s17+$0x0], $0xffff  }
0x623: {  	v24 =	vor.u32 v47, v23;
	v33 =	vld.idx.msk [tilespmem:v52+s17+$0x0], $0xffff  }
0x624: {  	v53 =	vor.u32 v55, v10;
	v31 =	vor.u32 v12, v22;
	v25 =	vor.u32 v61, v8;
	v1 =	vld.idx.msk [tilespmem:v1+s17+$0x0], $0xffff  }
0x625: {  	v52 =	vor.u32 v55, v6;
	v55 =	vor.u32 v44, v14;
	[tilespmem:v59+s20+$0x0] =	vst.idx.msk $0xffff, v28;
	v59 =	vld [tilespmem:$0x1FC70]  }
0x626: {  	v40 =	vor.u32 v44, v15;
	v29 =	vld.idx.msk [tilespmem:v29+s17+$0x0], $0xffff  }
0x627: {  	v28 =	vor.u32 v43, v20;
	v32 =	vld.idx.msk [tilespmem:v51+s17+$0x0], $0xffff  }
0x628: {  	v54 =	vor.u32 v61, v9;
	[tilespmem:v24+s20+$0x0] =	vst.idx.msk $0xffff, v56;
	v56 =	vld [tilespmem:$0x1FC80]  }
0x629: {  	v63 =	vor.u32 v45, v11;
	[tilespmem:v53+s20+$0x0] =	vst.idx.msk $0xffff, v33;
	v31 =	vld.idx.msk [tilespmem:v31+s17+$0x0], $0xffff  }
0x62a: {  	v24 =	vor.u32 v45, v4;
	[tilespmem:v55+s20+$0x0] =	vst.idx.msk $0xffff, v26;
	v25 =	vld.idx.msk [tilespmem:v25+s17+$0x0], $0xffff  }
0x62b: {  	v53 =	vor.u32 v45, v6;
	[tilespmem:v40+s20+$0x0] =	vst.idx.msk $0xffff, v1;
	v1 =	vor.u32 v45, v10;
	v45 =	vld [tilespmem:$0x1FD10]  }
0x62c: {  	[tilespmem:v52+s20+$0x0] =	vst.idx.msk $0xffff, v30;
	v28 =	vld.idx.msk [tilespmem:v28+s17+$0x0], $0xffff  }
0x62d: {  	v51 =	vor.u32 v60, v5;
	v30 =	vor.u32 v59, v23;
	v52 =	vld.idx.msk [tilespmem:v54+s17+$0x0], $0xffff  }
0x62e: {  	[tilespmem:v63+s20+$0x0] =	vst.idx.msk $0xffff, v32;
	v63 =	vld [tilespmem:$0x1FEE0]  }
0x62f: {  	v2 =	vmov v49;
	v32 =	vor.u32 v41, v49;
	v49 =	vld [tilespmem:$0x1FD40];
	v26 =	vor.u32 v56, v0  }
0x630: {  	v54 =	vor.u32 v60, v16;
	[tilespmem:v24+s20+$0x0] =	vst.idx.msk $0xffff, v27;
	v24 =	vor.u32 v60, v62;
	v60 =	vmov v46;
	v46 =	vld [tilespmem:$0x1FED0]  }
0x631: {  	v36 =	vld.idx.msk [tilespmem:v36+s17+$0x0], $0xffff  }
0x632: {  	[tilespmem:v30+s20+$0x0] =	vst.idx.msk $0xffff, v31;
	v31 =	vld.idx.msk [tilespmem:v51+s17+$0x0], $0xffff  }
0x633: {  	v55 =	vor.u32 v45, v13;
	v51 =	vld [tilespmem:$0x1FC90]  }
0x634: {  	v40 =	vor.u32 v43, v21;
	v27 =	vor.u32 v45, v14;
	[tilespmem:v1+s20+$0x0] =	vst.idx.msk $0xffff, v25;
	v26 =	vld.idx.msk [tilespmem:v26+s17+$0x0], $0xffff  }
0x635: {  	[tilespmem:v53+s20+$0x0] =	vst.idx.msk $0xffff, v52;
	v52 =	vld [tilespmem:$0x1FCA0]  }
0x636: {  	v30 =	vor.u32 v46, v4;
	v24 =	vld.idx.msk [tilespmem:v24+s17+$0x0], $0xffff  }
0x637: {  	v53 =	vld [tilespmem:$0x1FCC0]  }
0x638: {  	v1 =	vld.idx.msk [tilespmem:v54+s17+$0x0], $0xffff;
	[tilespmem:v55+s20+$0x0] =	vst.idx.msk $0xffff, v29  }
0x639: {  	v34 =	vor.u32 v63, v50;
	v38 =	vor.u32 v46, v11;
	[tilespmem:v27+s20+$0x0] =	vst.idx.msk $0xffff, v28;
	v27 =	vld.idx.msk [tilespmem:v40+s17+$0x0], $0xffff  }
0x63a: {  	v35 =	vor.u32 v63, v7;
	v37 =	vor.u32 v63, v9;
	v33 =	vor.u32 v51, v23;
	v32 =	vld.idx.msk [tilespmem:v32+s17+$0x0], $0xffff  }
0x63b: {  	v28 =	vor.u32 v46, v10;
	[tilespmem:v30+s20+$0x0] =	vst.idx.msk $0xffff, v36;
	v30 =	vor.u32 v63, v8;
	v63 =	vld [tilespmem:$0x1FC20]  }
0x63c: {  	v39 =	vor.u32 v45, v15;
	v29 =	vor.u32 v46, v6;
	v46 =	vld [tilespmem:$0x1FEF0];
	v25 =	vor.u32 v52, v22  }
0x63d: {  	v55 =	vld [tilespmem:$0x1FCB0]  }
0x63e: {  	v54 =	vld [tilespmem:$0x1FF10];
	[tilespmem:v38+s20+$0x0] =	vst.idx.msk $0xffff, v31;
	v31 =	vor.u32 v41, v18  }
0x63f: {  	v34 =	vld.idx.msk [tilespmem:v34+s17+$0x0], $0xffff;
	[tilespmem:v33+s20+$0x0] =	vst.idx.msk $0xffff, v26  }
0x640: {  	v40 =	vor.u32 v41, v17;
	v33 =	vld.idx.msk [tilespmem:v35+s17+$0x0], $0xffff;
	[tilespmem:v28+s20+$0x0] =	vst.idx.msk $0xffff, v24;
	v36 =	vor.u32 v63, v13  }
0x641: {  	v26 =	vor.u32 v46, v4;
	[tilespmem:v39+s20+$0x0] =	vst.idx.msk $0xffff, v27;
	v25 =	vld.idx.msk [tilespmem:v25+s17+$0x0], $0xffff  }
0x642: {  	v38 =	vor.u32 v46, v11;
	v28 =	vld.idx.msk [tilespmem:v30+s17+$0x0], $0xffff  }
0x643: {  	[tilespmem:v29+s20+$0x0] =	vst.idx.msk $0xffff, v1;
	v1 =	vor.u32 v55, v23;
	v29 =	vor.u32 v58, v5;
	v31 =	vld.idx.msk [tilespmem:v31+s17+$0x0], $0xffff  }
0x644: {  	v27 =	vor.u32 v53, v0;
	v24 =	vld.idx.msk [tilespmem:v37+s17+$0x0], $0xffff  }
0x645: {  	v35 =	vor.u32 v58, v3;
	[tilespmem:v36+s20+$0x0] =	vst.idx.msk $0xffff, v32;
	v32 =	vld.idx.msk [tilespmem:v40+s17+$0x0], $0xffff;
	v36 =	vor.u32 v46, v10  }
0x646: {  	v30 =	vor.u32 v46, v6;
	v46 =	vld [tilespmem:$0x1FF30];
	[tilespmem:v26+s20+$0x0] =	vst.idx.msk $0xffff, v34;
	v26 =	vor.u32 v58, v62  }
0x647: {  	v37 =	vor.u32 v58, v16;
	v40 =	vor.u32 v63, v15;
	[tilespmem:v38+s20+$0x0] =	vst.idx.msk $0xffff, v33;
	v58 =	vld [tilespmem:$0x1FF20]  }
0x648: {  	[tilespmem:v1+s20+$0x0] =	vst.idx.msk $0xffff, v25;
	v25 =	vld.idx.msk [tilespmem:v29+s17+$0x0], $0xffff  }
0x649: {  	v39 =	vor.u32 v63, v14;
	v34 =	vor.u32 v60, v19;
	v27 =	vld.idx.msk [tilespmem:v27+s17+$0x0], $0xffff  }
0x64a: {  	v33 =	vor.u32 v60, v20;
	v1 =	vor.u32 v54, v4;
	v35 =	vld.idx.msk [tilespmem:v35+s17+$0x0], $0xffff;
	[tilespmem:v36+s20+$0x0] =	vst.idx.msk $0xffff, v28  }
0x64b: {  	v38 =	vor.u32 v54, v11;
	[tilespmem:v30+s20+$0x0] =	vst.idx.msk $0xffff, v24;
	v36 =	vor.u32 v54, v6;
	v26 =	vld.idx.msk [tilespmem:v26+s17+$0x0], $0xffff  }
0x64c: {  	v29 =	vor.u32 v58, v50;
	[tilespmem:v40+s20+$0x0] =	vst.idx.msk $0xffff, v31;
	v31 =	vor.u32 v54, v10;
	v54 =	vld [tilespmem:$0x1FD30]  }
0x64d: {  	v24 =	vor.u32 v57, v23;
	v28 =	vld.idx.msk [tilespmem:v37+s17+$0x0], $0xffff;
	v30 =	vor.u32 v58, v7  }
0x64e: {  	[tilespmem:v39+s20+$0x0] =	vst.idx.msk $0xffff, v32;
	v32 =	vor.u32 v48, v22;
	v34 =	vld.idx.msk [tilespmem:v34+s17+$0x0], $0xffff  }
0x64f: {  	v33 =	vld.idx.msk [tilespmem:v33+s17+$0x0], $0xffff  }
0x650: {  	v37 =	vor.u32 v58, v9;
	[tilespmem:v1+s20+$0x0] =	vst.idx.msk $0xffff, v35;
	v1 =	vor.u32 v58, v8;
	v58 =	vld [tilespmem:$0x1FF40]  }
0x651: {  	[tilespmem:v38+s20+$0x0] =	vst.idx.msk $0xffff, v25;
	v39 =	vor.u32 v54, v13;
	v29 =	vld.idx.msk [tilespmem:v29+s17+$0x0], $0xffff  }
0x652: {  	v25 =	vor.u32 v49, v2;
	[tilespmem:v24+s20+$0x0] =	vst.idx.msk $0xffff, v27;
	v27 =	vld.idx.msk [tilespmem:v30+s17+$0x0], $0xffff  }
0x653: {  	v24 =	vor.u32 v46, v4;
	v30 =	vld.idx.msk [tilespmem:v32+s17+$0x0], $0xffff  }
0x654: {  	v35 =	vor.u32 v54, v14;
	[tilespmem:v31+s20+$0x0] =	vst.idx.msk $0xffff, v26;
	v31 =	vor.u32 v43, v0;
	v43 =	vld [tilespmem:$0x1FF50]  }
0x655: {  	v40 =	vor.u32 v60, v21;
	[tilespmem:v36+s20+$0x0] =	vst.idx.msk $0xffff, v28;
	v28 =	vor.u32 v44, v23;
	v44 =	vld [tilespmem:$0x1FF60]  }
0x656: {  	v38 =	vor.u32 v46, v11;
	v26 =	vld.idx.msk [tilespmem:v37+s17+$0x0], $0xffff;
	[tilespmem:v39+s20+$0x0] =	vst.idx.msk $0xffff, v34  }
0x657: {  	v32 =	vor.u32 v58, v3;
	v36 =	vor.u32 v58, v5;
	v37 =	vor.u32 v58, v16;
	v25 =	vld.idx.msk [tilespmem:v25+s17+$0x0], $0xffff  }
0x658: {  	v34 =	vor.u32 v46, v6;
	[tilespmem:v24+s20+$0x0] =	vst.idx.msk $0xffff, v29;
	v24 =	vor.u32 v58, v62;
	v58 =	vld [tilespmem:$0x1FD50]  }
0x659: {  	v1 =	vld.idx.msk [tilespmem:v1+s17+$0x0], $0xffff;
	[tilespmem:v35+s20+$0x0] =	vst.idx.msk $0xffff, v33;
	v35 =	vor.u32 v46, v10  }
0x65a: {  	v33 =	vld.idx.msk [tilespmem:v40+s17+$0x0], $0xffff;
	v39 =	vor.u32 v54, v15  }
0x65b: {  	[tilespmem:v28+s20+$0x0] =	vst.idx.msk $0xffff, v30;
	v46 =	vor.u32 v41, v22;
	v41 =	vld [tilespmem:$0x1FD60]  }
0x65c: {  	[tilespmem:v38+s20+$0x0] =	vst.idx.msk $0xffff, v27;
	v27 =	vor.u32 v49, v18;
	v31 =	vld.idx.msk [tilespmem:v31+s17+$0x0], $0xffff  }
0x65d: {  	v40 =	vor.u32 v49, v17;
	v32 =	vld.idx.msk [tilespmem:v32+s17+$0x0], $0xffff;
	[tilespmem:v34+s20+$0x0] =	vst.idx.msk $0xffff, v26;
	v29 =	vor.u32 v58, v13  }
0x65e: {  	v30 =	vld.idx.msk [tilespmem:v36+s17+$0x0], $0xffff;
	v26 =	vor.u32 v45, v23;
	[tilespmem:v35+s20+$0x0] =	vst.idx.msk $0xffff, v1  }
0x65f: {  	v1 =	vld.idx.msk [tilespmem:v37+s17+$0x0], $0xffff;
	[tilespmem:v39+s20+$0x0] =	vst.idx.msk $0xffff, v33  }
0x660: {  	v38 =	vor.u32 v43, v11;
	v24 =	vld.idx.msk [tilespmem:v24+s17+$0x0], $0xffff  }
0x661: {  	v28 =	vor.u32 v43, v4;
	v45 =	vor.u32 v44, v7;
	v27 =	vld.idx.msk [tilespmem:v27+s17+$0x0], $0xffff  }
0x662: {  	v36 =	vor.u32 v44, v50;
	[tilespmem:v29+s20+$0x0] =	vst.idx.msk $0xffff, v25;
	v25 =	vld.idx.msk [tilespmem:v40+s17+$0x0], $0xffff  }
0x663: {  	v35 =	vor.u32 v43, v6;
	[tilespmem:v26+s20+$0x0] =	vst.idx.msk $0xffff, v31;
	v29 =	vor.u32 v43, v10;
	v43 =	vld [tilespmem:$0x1FF70]  }
0x664: {  	v33 =	vld.idx.msk [tilespmem:v46+s17+$0x0], $0xffff  }
0x665: {  	v37 =	vor.u32 v44, v9;
	[tilespmem:v38+s20+$0x0] =	vst.idx.msk $0xffff, v30;
	v46 =	vld [tilespmem:$0x1FFA0]  }
0x666: {  	v39 =	vor.u32 v58, v14;
	[tilespmem:v28+s20+$0x0] =	vst.idx.msk $0xffff, v32;
	v28 =	vor.u32 v44, v8;
	v31 =	vld.idx.msk [tilespmem:v45+s17+$0x0], $0xffff  }
0x667: {  	v32 =	vor.u32 v41, v19;
	v44 =	vld [tilespmem:$0x1FF80]  }
0x668: {  	v36 =	vld.idx.msk [tilespmem:v36+s17+$0x0], $0xffff;
	v26 =	vor.u32 v43, v4  }
0x669: {  	v40 =	vor.u32 v58, v15;
	[tilespmem:v35+s20+$0x0] =	vst.idx.msk $0xffff, v1;
	v45 =	vld [tilespmem:$0x1FD70]  }
0x66a: {  	v30 =	vor.u32 v41, v20;
	[tilespmem:v29+s20+$0x0] =	vst.idx.msk $0xffff, v24;
	v24 =	vld.idx.msk [tilespmem:v37+s17+$0x0], $0xffff  }
0x66b: {  	v1 =	vor.u32 v63, v23;
	v38 =	vor.u32 v43, v11;
	[tilespmem:v39+s20+$0x0] =	vst.idx.msk $0xffff, v25;
	v28 =	vld.idx.msk [tilespmem:v28+s17+$0x0], $0xffff  }
0x66c: {  	v25 =	vor.u32 v60, v0;
	v34 =	vor.u32 v44, v3;
	v63 =	vor.u32 v44, v5;
	v32 =	vld.idx.msk [tilespmem:v32+s17+$0x0], $0xffff  }
0x66d: {  	v37 =	vor.u32 v44, v16;
	[tilespmem:v26+s20+$0x0] =	vst.idx.msk $0xffff, v36;
	v26 =	vor.u32 v44, v62;
	v44 =	vld [tilespmem:$0x1FD80]  }
0x66e: {  	v29 =	vor.u32 v43, v6;
	[tilespmem:v40+s20+$0x0] =	vst.idx.msk $0xffff, v27;
	v27 =	vor.u32 v43, v10;
	v43 =	vld [tilespmem:$0x1FF90];
	_ =	sdelay $0x1  }
0x66f: {  	[tilespmem:v1+s20+$0x0] =	vst.idx.msk $0xffff, v33;
	v39 =	vor.u32 v45, v13;
	v30 =	vld.idx.msk [tilespmem:v30+s17+$0x0], $0xffff  }
0x670: {  	v36 =	vor.u32 v45, v14;
	v25 =	vld.idx.msk [tilespmem:v25+s17+$0x0], $0xffff  }
0x671: {  	[tilespmem:v38+s20+$0x0] =	vst.idx.msk $0xffff, v31;
	v34 =	vld.idx.msk [tilespmem:v34+s17+$0x0], $0xffff;
	v31 =	vor.u32 v44, v2  }
0x672: {  	v60 =	vor.u32 v46, v50;
	[tilespmem:v29+s20+$0x0] =	vst.idx.msk $0xffff, v24;
	v1 =	vor.u32 v43, v4;
	v33 =	vld.idx.msk [tilespmem:v63+s17+$0x0], $0xffff  }
0x673: {  	v40 =	vor.u32 v41, v21;
	v24 =	vor.u32 v54, v23;
	[tilespmem:v27+s20+$0x0] =	vst.idx.msk $0xffff, v28;
	v27 =	vld.idx.msk [tilespmem:v37+s17+$0x0], $0xffff  }
0x674: {  	v63 =	vor.u32 v43, v11;
	[tilespmem:v39+s20+$0x0] =	vst.idx.msk $0xffff, v32;
	v28 =	vor.u32 v49, v22;
	v26 =	vld.idx.msk [tilespmem:v26+s17+$0x0], $0xffff  }
0x675: {  	v49 =	vor.u32 v43, v6;
	[tilespmem:v36+s20+$0x0] =	vst.idx.msk $0xffff, v30;
	v36 =	vor.u32 v43, v10;
	v43 =	vld [tilespmem:$0x1FD90]  }
0x676: {  	v29 =	vor.u32 v46, v7;
	v31 =	vld.idx.msk [tilespmem:v31+s17+$0x0], $0xffff  }
0x677: {  	v37 =	vor.u32 v46, v9;
	[tilespmem:v1+s20+$0x0] =	vst.idx.msk $0xffff, v34;
	v1 =	vor.u32 v46, v8;
	v46 =	vld [tilespmem:$0x1FFB0]  }
0x678: {  	v30 =	vld.idx.msk [tilespmem:v40+s17+$0x0], $0xffff  }
0x679: {  	v54 =	vor.u32 v45, v15;
	[tilespmem:v24+s20+$0x0] =	vst.idx.msk $0xffff, v25;
	v35 =	vld.idx.msk [tilespmem:v60+s17+$0x0], $0xffff  }
0x67a: {  	[tilespmem:v63+s20+$0x0] =	vst.idx.msk $0xffff, v33;
	v33 =	vor.u32 v44, v18;
	v60 =	vld [tilespmem:$0x1FFC0]  }
0x67b: {  	v40 =	vor.u32 v44, v17;
	v28 =	vld.idx.msk [tilespmem:v28+s17+$0x0], $0xffff;
	v34 =	vor.u32 v43, v13  }
0x67c: {  	[tilespmem:v49+s20+$0x0] =	vst.idx.msk $0xffff, v27;
	v25 =	vld.idx.msk [tilespmem:v29+s17+$0x0], $0xffff;
	v63 =	vor.u32 v46, v11  }
0x67d: {  	v38 =	vld [tilespmem:$0x1FDA0];
	v27 =	vor.u32 v58, v23;
	[tilespmem:v36+s20+$0x0] =	vst.idx.msk $0xffff, v26  }
0x67e: {  	v26 =	vld.idx.msk [tilespmem:v37+s17+$0x0], $0xffff;
	[tilespmem:v54+s20+$0x0] =	vst.idx.msk $0xffff, v30;
	v30 =	vor.u32 v41, v0  }
0x67f: {  	v33 =	vld.idx.msk [tilespmem:v33+s17+$0x0], $0xffff;
	v24 =	vor.u32 v46, v4;
	v49 =	vor.u32 v60, v5  }
0x680: {  	v54 =	vor.u32 v46, v6;
	[tilespmem:v34+s20+$0x0] =	vst.idx.msk $0xffff, v31;
	v31 =	vld.idx.msk [tilespmem:v40+s17+$0x0], $0xffff  }
0x681: {  	[tilespmem:v63+s20+$0x0] =	vst.idx.msk $0xffff, v25;
	v63 =	vld [tilespmem:$0x1FFD0]  }
0x682: {  	v58 =	vor.u32 v43, v14;
	[tilespmem:v27+s20+$0x0] =	vst.idx.msk $0xffff, v28;
	v1 =	vld.idx.msk [tilespmem:v1+s17+$0x0], $0xffff;
	v29 =	vor.u32 v60, v3  }
0x683: {  	v34 =	vor.u32 v46, v10;
	v37 =	vor.u32 v60, v16;
	v30 =	vld.idx.msk [tilespmem:v30+s17+$0x0], $0xffff  }
0x684: {  	[tilespmem:v24+s20+$0x0] =	vst.idx.msk $0xffff, v35;
	v24 =	vor.u32 v60, v62;
	v60 =	vor.u32 v43, v15;
	v27 =	vld.idx.msk [tilespmem:v49+s17+$0x0], $0xffff  }
0x685: {  	[tilespmem:v54+s20+$0x0] =	vst.idx.msk $0xffff, v26;
	v26 =	vor.u32 v45, v23;
	v49 =	vld [tilespmem:$0x1FFE0]  }
0x686: {  	v45 =	vld [tilespmem:$0x1FDB0];
	v46 =	vor.u32 v63, v11  }
0x687: {  	v29 =	vld.idx.msk [tilespmem:v29+s17+$0x0], $0xffff;
	[tilespmem:v58+s20+$0x0] =	vst.idx.msk $0xffff, v31;
	v31 =	vor.u32 v44, v22;
	v25 =	vor.u32 v63, v4  }
0x688: {  	[tilespmem:v34+s20+$0x0] =	vst.idx.msk $0xffff, v1;
	v1 =	vld.idx.msk [tilespmem:v37+s17+$0x0], $0xffff;
	v58 =	vor.u32 v63, v6  }
0x689: {  	v28 =	vor.u32 v38, v19;
	v24 =	vld.idx.msk [tilespmem:v24+s17+$0x0], $0xffff;
	[tilespmem:v60+s20+$0x0] =	vst.idx.msk $0xffff, v33;
	v60 =	vor.u32 v63, v10  }
0x68a: {  	[tilespmem:v26+s20+$0x0] =	vst.idx.msk $0xffff, v30;
	v54 =	vor.u32 v49, v7;
	v63 =	vor.u32 v49, v9;
	v9 =	vmov v0;
	v0 =	vld [tilespmem:$0x1FE30]  }
0x68b: {  	[tilespmem:v46+s20+$0x0] =	vst.idx.msk $0xffff, v27;
	v46 =	vld [tilespmem:$0x1FFF0]  }
0x68c: {  	[tilespmem:v25+s20+$0x0] =	vst.idx.msk $0xffff, v29;
	v29 =	vld.idx.msk [tilespmem:v31+s17+$0x0], $0xffff  }
0x68d: {  	v7 =	vmov v20;
	v25 =	vor.u32 v49, v8;
	[tilespmem:v58+s20+$0x0] =	vst.idx.msk $0xffff, v1;
	v1 =	vor.u32 v43, v23;
	v43 =	vld [tilespmem:$0x1FDC0]  }
0x68e: {  	v44 =	vmov v19;
	v19 =	vor.u32 v45, v13;
	v27 =	vor.u32 v38, v7;
	v20 =	vld.idx.msk [tilespmem:v28+s17+$0x0], $0xffff  }
0x68f: {  	v8 =	vmov v21;
	v21 =	vor.u32 v49, v50;
	v26 =	vld.idx.msk [tilespmem:v54+s17+$0x0], $0xffff  }
0x690: {  	v28 =	vor.u32 v38, v8;
	v31 =	vld.idx.msk [tilespmem:v63+s17+$0x0], $0xffff;
	v30 =	vor.u32 v46, v11  }
0x691: {  	[tilespmem:v60+s20+$0x0] =	vst.idx.msk $0xffff, v24;
	v49 =	vor.u32 v38, v9;
	v0 =	vor.u32 $0x7830, v0;
	v63 =	vld [tilespmem:$0x1FDD0]  }
0x692: {  	v41 =	vor.u32 v0, v62;
	v16 =	vor.u32 v0, v16;
	v33 =	vld.idx.msk [tilespmem:v25+s17+$0x0], $0xffff;
	v50 =	vor.u32 v46, v6  }
0x693: {  	v62 =	vmov v18;
	v24 =	vor.u32 v46, v10;
	v18 =	vld.idx.msk [tilespmem:v27+s17+$0x0], $0xffff;
	[tilespmem:v19+s20+$0x0] =	vst.idx.msk $0xffff, v20  }
0x694: {  	v58 =	vmovc v2;
	v40 =	vor.u32 v0, v5;
	v5 =	vmov v17;
	v20 =	vor.u32 v46, v4;
	v17 =	vld.idx.msk [tilespmem:v21+s17+$0x0], $0xffff  }
0x695: {  	v19 =	vor.u32 v0, v3;
	v27 =	vld.idx.msk [tilespmem:v28+s17+$0x0], $0xffff;
	[tilespmem:v30+s20+$0x0] =	vst.idx.msk $0xffff, v26;
	v26 =	vor.u32 v45, v14  }
0x696: {  	v2 =	vlaneseq.u32;
	[tilespmem:v1+s20+$0x0] =	vst.idx.msk $0xffff, v29;
	v46 =	vld [tilespmem:$0x1FDE0];
	v21 =	vor.u32 v43, v58  }
0x697: {  	v29 =	vor.u32 v45, v15;
	v1 =	vor.u32 $0x3870, v2;
	v30 =	vld.idx.msk [tilespmem:v49+s17+$0x0], $0xffff;
	[tilespmem:v50+s20+$0x0] =	vst.idx.msk $0xffff, v31  }
0x698: {  	v28 =	vor.u32 v43, v5;
	v31 =	vor.u32 v45, v23;
	[tilespmem:v24+s20+$0x0] =	vst.idx.msk $0xffff, v33;
	v24 =	vld.idx.msk [tilespmem:v16+s17+$0x0], $0xffff  }
0x699: {  	v49 =	vadd.s32 s0, v2;
	v33 =	vor.u32 v1, v6;
	v32 =	vld.idx.msk [tilespmem:v40+s17+$0x0], $0xffff;
	[tilespmem:v20+s20+$0x0] =	vst.idx.msk $0xffff, v17  }
0x69a: {  	v35 =	vor.u32 v1, v4;
	[tilespmem:v26+s20+$0x0] =	vst.idx.msk $0xffff, v18;
	v26 =	vld.idx.msk [tilespmem:v19+s17+$0x0], $0xffff;
	v19 =	vand.u32 $0xF, v49  }
0x69b: {  	v11 =	vor.u32 v1, v11;
	v60 =	vld.idx.msk [tilespmem:v21+s17+$0x0], $0xffff;
	v21 =	vor.u32 v42, v19  }
0x69c: {  	v6 =	vmov v23;
	v23 =	vor.u32 v63, v13;
	v36 =	vld.idx.msk [tilespmem:v41+s17+$0x0], $0xffff;
	[tilespmem:v29+s20+$0x0] =	vst.idx.msk $0xffff, v27  }
0x69d: {  	v50 =	vor.u32 v43, v22;
	[tilespmem:v31+s20+$0x0] =	vst.idx.msk $0xffff, v30  }
0x69e: {  	s2 =	sadd.s32 $0x1, s0;
	v39 =	vld [tilespmem:$0x1FE70];
	v10 =	vor.u32 v1, v10;
	v29 =	vor.u32 v63, v14;
	[tilespmem:v33+s20+$0x0] =	vst.idx.msk $0xffff, v24  }
0x69f: {  	v17 =	vadd.s32 s2, v2;
	v18 =	vor.u32 v43, v62;
	v27 =	vld.idx.msk [tilespmem:v28+s17+$0x0], $0xffff;
	[tilespmem:v35+s20+$0x0] =	vst.idx.msk $0xffff, v26  }
0x6a0: {  	v20 =	vand.u32 $0xF, v17;
	v24 =	vor.u32 v46, v7;
	[tilespmem:v11+s20+$0x0] =	vst.idx.msk $0xffff, v32;
	v34 =	vld.idx.msk [tilespmem:v21+s17+$0x0], $0xffff  }
0x6a1: {  	v11 =	vor.u32 v42, v20;
	[tilespmem:v23+s20+$0x0] =	vst.idx.msk $0xffff, v60;
	v60 =	vld [tilespmem:$0x1FDF0]  }
0x6a2: {  	v32 =	vor.u32 v63, v6;
	v30 =	vld.idx.msk [tilespmem:v50+s17+$0x0], $0xffff  }
0x6a3: {  	v43 =	vld [tilespmem:$0x1FE00]  }
0x6a4: {  	s8 =	sadd.s32 $0x2, s0;
	v28 =	vor.u32 v46, v44;
	v50 =	vor.u32 v46, v9;
	v31 =	vld.idx.msk [tilespmem:v18+s17+$0x0], $0xffff;
	[tilespmem:v29+s20+$0x0] =	vst.idx.msk $0xffff, v27  }
0x6a5: {  	[tilespmem:v10+s20+$0x0] =	vst.idx.msk $0xffff, v36;
	v18 =	vadd.s32 s8, v2;
	v10 =	vor.u32 v63, v15;
	v24 =	vld.idx.msk [tilespmem:v24+s17+$0x0], $0xffff  }
0x6a6: {  	v23 =	vor.u32 v46, v8;
	v63 =	vld.idx.msk [tilespmem:v11+s17+$0x0], $0xffff;
	v11 =	vmovc v14;
	v46 =	vor.u32 v60, v14;
	v14 =	vshll.u32 v20, $0x7  }
0x6a7: {  	v54 =	vld [tilespmem:$0x1FE90];
	v4 =	vmovc v13;
	v13 =	vshll.u32 v19, $0x7;
	v21 =	vand.u32 $0xF, v18;
	[tilespmem:v32+s20+$0x0] =	vst.idx.msk $0xffff, v30;
	v30 =	vor.u32 v47, v14  }
0x6a8: {  	v3 =	vld [tilespmem:$0x1FC30];
	v35 =	vor.u32 v47, v13;
	v36 =	vor.u32 v42, v21  }
0x6a9: {  	v27 =	vor.u32 v12, v49;
	v28 =	vld.idx.msk [tilespmem:v28+s17+$0x0], $0xffff  }
0x6aa: {  	v38 =	vor.u32 v43, v58;
	[tilespmem:v10+s20+$0x0] =	vst.idx.msk $0xffff, v31;
	v31 =	vld.idx.msk [tilespmem:v50+s17+$0x0], $0xffff;
	v29 =	vor.u32 v60, v4  }
0x6ab: {  	v26 =	vor.u32 v48, v49;
	v48 =	vor.u32 v43, v5;
	v23 =	vld.idx.msk [tilespmem:v23+s17+$0x0], $0xffff;
	[tilespmem:v46+s20+$0x0] =	vst.idx.msk $0xffff, v24  }
0x6ac: {  	v50 =	vor.u32 v12, v17;
	v10 =	vmov v15;
	v40 =	vor.u32 v60, v6;
	[tilespmem:v30+s20+$0x0] =	vst.idx.msk $0xffff, v63;
	v63 =	vld [tilespmem:$0x1FE10]  }
0x6ad: {  	v15 =	vshll.u32 v21, $0x7;
	[tilespmem:v35+s20+$0x0] =	vst.idx.msk $0xffff, v34;
	v35 =	vor.u32 v60, v10;
	v34 =	vld.idx.msk [tilespmem:v36+s17+$0x0], $0xffff  }
0x6ae: {  	v41 =	vor.u32 v47, v15;
	v36 =	vor.u32 v43, v22;
	v27 =	vld.idx.msk [tilespmem:v27+s17+$0x0], $0xffff  }
0x6af: {  	v47 =	vld [tilespmem:$0x1FE40];
	[tilespmem:v29+s20+$0x0] =	vst.idx.msk $0xffff, v28;
	v28 =	vor.u32 v43, v62  }
0x6b0: {  	v60 =	vor.u32 v12, v18;
	v29 =	vor.u32 v59, v13;
	v32 =	vld.idx.msk [tilespmem:v48+s17+$0x0], $0xffff  }
0x6b1: {  	[tilespmem:v40+s20+$0x0] =	vst.idx.msk $0xffff, v31;
	v33 =	vld.idx.msk [tilespmem:v50+s17+$0x0], $0xffff;
	v50 =	vor.u32 v63, v11  }
0x6b2: {  	v24 =	vor.u32 v56, v19;
	[tilespmem:v35+s20+$0x0] =	vst.idx.msk $0xffff, v23;
	v38 =	vld.idx.msk [tilespmem:v38+s17+$0x0], $0xffff;
	v30 =	vor.u32 v63, v4  }
0x6b3: {  	v23 =	vld.idx.msk [tilespmem:v36+s17+$0x0], $0xffff;
	[tilespmem:v41+s20+$0x0] =	vst.idx.msk $0xffff, v34;
	v34 =	vor.u32 v63, v6  }
0x6b4: {  	v48 =	vor.u32 v47, v44;
	v28 =	vld.idx.msk [tilespmem:v28+s17+$0x0], $0xffff;
	v36 =	vor.u32 v63, v10  }
0x6b5: {  	v31 =	vor.u32 v59, v14;
	[tilespmem:v29+s20+$0x0] =	vst.idx.msk $0xffff, v27;
	v29 =	vld.idx.msk [tilespmem:v60+s17+$0x0], $0xffff;
	v60 =	vor.u32 v47, v9  }
0x6b6: {  	v42 =	vor.u32 v59, v15;
	[tilespmem:v50+s20+$0x0] =	vst.idx.msk $0xffff, v32;
	v50 =	vld [tilespmem:$0x1FE50]  }
0x6b7: {  	v40 =	vor.u32 v47, v7;
	v24 =	vld.idx.msk [tilespmem:v24+s17+$0x0], $0xffff;
	[tilespmem:v30+s20+$0x0] =	vst.idx.msk $0xffff, v38  }
0x6b8: {  	v45 =	vld [tilespmem:$0x1FE60];
	v35 =	vor.u32 v56, v20;
	v63 =	vor.u32 v56, v21;
	[tilespmem:v34+s20+$0x0] =	vst.idx.msk $0xffff, v23  }
0x6b9: {  	v30 =	vor.u32 v47, v8;
	v38 =	vor.u32 v51, v13;
	[tilespmem:v36+s20+$0x0] =	vst.idx.msk $0xffff, v28;
	v37 =	vld.idx.msk [tilespmem:v48+s17+$0x0], $0xffff  }
0x6ba: {  	v48 =	vor.u32 v52, v49;
	[tilespmem:v31+s20+$0x0] =	vst.idx.msk $0xffff, v33;
	v28 =	vld.idx.msk [tilespmem:v60+s17+$0x0], $0xffff;
	v60 =	vor.u32 v52, v17  }
0x6bb: {  	[tilespmem:v42+s20+$0x0] =	vst.idx.msk $0xffff, v29;
	v42 =	vor.u32 v52, v18;
	v52 =	vld [tilespmem:$0x1FE80];
	v31 =	vor.u32 v50, v4  }
0x6bc: {  	v33 =	vld.idx.msk [tilespmem:v40+s17+$0x0], $0xffff;
	v56 =	vor.u32 v50, v11  }
0x6bd: {  	v16 =	vor.u32 v45, v58;
	v23 =	vor.u32 v51, v14;
	v35 =	vld.idx.msk [tilespmem:v35+s17+$0x0], $0xffff  }
0x6be: {  	v59 =	vor.u32 v45, v5;
	v29 =	vld.idx.msk [tilespmem:v30+s17+$0x0], $0xffff;
	v30 =	vor.u32 v50, v6  }
0x6bf: {  	v27 =	vor.u32 v61, v44;
	[tilespmem:v38+s20+$0x0] =	vst.idx.msk $0xffff, v24;
	v24 =	vld.idx.msk [tilespmem:v63+s17+$0x0], $0xffff;
	v61 =	vor.u32 v50, v10  }
0x6c0: {  	v41 =	vor.u32 v51, v15;
	v63 =	vor.u32 v45, v22;
	v32 =	vld.idx.msk [tilespmem:v48+s17+$0x0], $0xffff;
	[tilespmem:v31+s20+$0x0] =	vst.idx.msk $0xffff, v37  }
0x6c1: {  	v46 =	vld [tilespmem:$0x1FD20];
	v31 =	vor.u32 v45, v62;
	v37 =	vor.u32 v55, v13;
	[tilespmem:v56+s20+$0x0] =	vst.idx.msk $0xffff, v33  }
0x6c2: {  	v33 =	vor.u32 v53, v19;
	v16 =	vld.idx.msk [tilespmem:v16+s17+$0x0], $0xffff;
	[tilespmem:v23+s20+$0x0] =	vst.idx.msk $0xffff, v35;
	v23 =	vor.u32 v39, v4  }
0x6c3: {  	[tilespmem:v30+s20+$0x0] =	vst.idx.msk $0xffff, v28;
	v43 =	vld.idx.msk [tilespmem:v59+s17+$0x0], $0xffff;
	v59 =	vor.u32 v39, v11  }
0x6c4: {  	v56 =	vor.u32 v52, v44;
	v28 =	vor.u32 v55, v14;
	[tilespmem:v61+s20+$0x0] =	vst.idx.msk $0xffff, v29;
	v36 =	vld.idx.msk [tilespmem:v60+s17+$0x0], $0xffff  }
0x6c5: {  	v25 =	vor.u32 v54, v58;
	v61 =	vld.idx.msk [tilespmem:v63+s17+$0x0], $0xffff;
	[tilespmem:v41+s20+$0x0] =	vst.idx.msk $0xffff, v24;
	v60 =	vor.u32 v52, v7  }
0x6c6: {  	p0 =	slt.u32 s0, $0xC;
	v63 =	vor.u32 v53, v20;
	v24 =	vor.u32 v39, v6;
	v30 =	vld.idx.msk [tilespmem:v31+s17+$0x0], $0xffff;
	[tilespmem:v37+s20+$0x0] =	vst.idx.msk $0xffff, v32  }
.Ltmp8:
0x6c7: {  	v40 =	vor.u32 v3, v4;
	v50 =	vmov v44;
	v31 =	vld.idx.msk [tilespmem:v33+s17+$0x0], $0xffff;
	[tilespmem:v23+s20+$0x0] =	vst.idx.msk $0xffff, v16;
	(pc) =	sbr.rel @p0 .LBB2_13-.Ltmp8, $4  }
0x6c8: {  	v38 =	vor.u32 v3, v11;
	v41 =	vor.u32 v53, v21;
	v34 =	vld.idx.msk [tilespmem:v42+s17+$0x0], $0xffff;
	[tilespmem:v59+s20+$0x0] =	vst.idx.msk $0xffff, v43  }
0x6c9: {  	v42 =	vor.u32 v55, v15;
	v37 =	vor.u32 v39, v10;
	v35 =	vld.idx.msk [tilespmem:v56+s17+$0x0], $0xffff;
	[tilespmem:v28+s20+$0x0] =	vst.idx.msk $0xffff, v36  }
0x6ca: {  	s31 =	sadd.s32 $0x3, s0;
	v32 =	vor.u32 v52, v9;
	v39 =	vor.u32 v57, v13;
	v33 =	vor.u32 v52, v8;
	v29 =	vld.idx.msk [tilespmem:v60+s17+$0x0], $0xffff  }
0x6cb: {  	s0 =	sadd.s32 $0x4, s0;
	[tilespmem:v24+s20+$0x0] =	vst.idx.msk $0xffff, v61;
	v16 =	vmov v22;
	v22 =	vadd.s32 s31, v2;
	v28 =	vor.u32 v54, v5;
	v36 =	vld.idx.msk [tilespmem:v63+s17+$0x0], $0xffff  }
0x6cc: {  	v23 =	vld [tilespmem:$0x1FC40];
	_ =	sdelay $0x3  }
0x6cd: {  	v24 =	vand.u32 $0xF, v22  }
0x6ce: {  	v44 =	vld [tilespmem:$0x1FC50];
	v43 =	vor.u32 v23, v24;
	_ =	sdelay $0x3  }
0x6cf: {  	v23 =	vshll.u32 v24, $0x7  }
0x6d0: {  	v44 =	vor.u32 v44, v23;
	v43 =	vld.idx.msk [tilespmem:v43+s17+$0x0], $0xffff  }
0x6d1: {  	v12 =	vld [tilespmem:$0x1FC60];
	_ =	sdelay $0x3  }
0x6d2: {  	[tilespmem:v44+s20+$0x0] =	vst.idx.msk $0xffff, v43  }
0x6d3: {  	v45 =	vor.u32 v12, v22;
	v44 =	vld [tilespmem:$0x1FC70];
	_ =	sdelay $0x4  }
0x6d4: {  	v43 =	vld.idx.msk [tilespmem:v45+s17+$0x0], $0xffff;
	v44 =	vor.u32 v44, v23  }
0x6d5: {  	v2 =	vld [tilespmem:$0x1FC80];
	_ =	sdelay $0x3  }
0x6d6: {  	[tilespmem:v44+s20+$0x0] =	vst.idx.msk $0xffff, v43  }
0x6d7: {  	v52 =	vor.u32 v2, v24;
	v44 =	vld [tilespmem:$0x1FC90];
	_ =	sdelay $0x4  }
0x6d8: {  	v43 =	vld.idx.msk [tilespmem:v52+s17+$0x0], $0xffff;
	v44 =	vor.u32 v44, v23  }
0x6d9: {  	v53 =	vld [tilespmem:$0x1FCA0];
	_ =	sdelay $0x3  }
0x6da: {  	[tilespmem:v44+s20+$0x0] =	vst.idx.msk $0xffff, v43  }
0x6db: {  	v45 =	vor.u32 v53, v22;
	v44 =	vld [tilespmem:$0x1FCB0];
	_ =	sdelay $0x4  }
0x6dc: {  	v43 =	vld.idx.msk [tilespmem:v45+s17+$0x0], $0xffff;
	v44 =	vor.u32 v44, v23  }
0x6dd: {  	v54 =	vld [tilespmem:$0x1FCC0];
	_ =	sdelay $0x3  }
0x6de: {  	[tilespmem:v44+s20+$0x0] =	vst.idx.msk $0xffff, v43  }
0x6df: {  	v45 =	vor.u32 v54, v24;
	v55 =	vld [tilespmem:$0x1FCD0];
	_ =	sdelay $0x4  }
0x6e0: {  	v43 =	vld.idx.msk [tilespmem:v45+s17+$0x0], $0xffff;
	v56 =	vor.u32 v55, v23  }
0x6e1: {  	[tilespmem:v42+s20+$0x0] =	vst.idx.msk $0xffff, v34;
	v57 =	vor.u32 v55, v14  }
0x6e2: {  	v59 =	vld [tilespmem:$0x1FCE0];
	[tilespmem:v37+s20+$0x0] =	vst.idx.msk $0xffff, v30  }
0x6e3: {  	[tilespmem:v39+s20+$0x0] =	vst.idx.msk $0xffff, v31  }
0x6e4: {  	[tilespmem:v40+s20+$0x0] =	vst.idx.msk $0xffff, v35  }
0x6e5: {  	v45 =	vld [tilespmem:$0x1FC30];
	[tilespmem:v56+s20+$0x0] =	vst.idx.msk $0xffff, v43  }
0x6e6: {  	[tilespmem:v57+s20+$0x0] =	vst.idx.msk $0xffff, v36  }
0x6e7: {  	v60 =	vor.u32 v59, v22;
	v52 =	vld [tilespmem:$0x1FCF0]  }
0x6e8: {  	v30 =	vld.idx.msk [tilespmem:v41+s17+$0x0], $0xffff;
	v61 =	vor.u32 v55, v15;
	v63 =	vor.u32 v59, v17;
	_ =	sdelay $0x1  }
0x6e9: {  	v32 =	vld.idx.msk [tilespmem:v32+s17+$0x0], $0xffff;
	v47 =	vor.u32 v45, v6  }
0x6ea: {  	v33 =	vld.idx.msk [tilespmem:v33+s17+$0x0], $0xffff;
	v48 =	vor.u32 v45, v10  }
0x6eb: {  	v51 =	vld.idx.msk [tilespmem:v60+s17+$0x0], $0xffff;
	v53 =	vor.u32 v52, v23  }
0x6ec: {  	[tilespmem:v61+s20+$0x0] =	vst.idx.msk $0xffff, v30;
	v30 =	vld.idx.msk [tilespmem:v63+s17+$0x0], $0xffff;
	v54 =	vor.u32 v52, v14  }
0x6ed: {  	v3 =	vld [tilespmem:$0x1FD00];
	[tilespmem:v38+s20+$0x0] =	vst.idx.msk $0xffff, v29  }
0x6ee: {  	v31 =	vor.u32 v59, v18;
	[tilespmem:v47+s20+$0x0] =	vst.idx.msk $0xffff, v32  }
0x6ef: {  	[tilespmem:v48+s20+$0x0] =	vst.idx.msk $0xffff, v33  }
0x6f0: {  	v2 =	vld [tilespmem:$0x1FEA0];
	[tilespmem:v53+s20+$0x0] =	vst.idx.msk $0xffff, v51  }
0x6f1: {  	v42 =	vld [tilespmem:$0x1FE90];
	[tilespmem:v54+s20+$0x0] =	vst.idx.msk $0xffff, v30  }
0x6f2: {  	v55 =	vor.u32 v3, v24;
	v48 =	vld [tilespmem:$0x1FD10]  }
0x6f3: {  	v29 =	vld.idx.msk [tilespmem:v31+s17+$0x0], $0xffff;
	v31 =	vor.u32 v52, v15;
	v56 =	vor.u32 v3, v20  }
0x6f4: {  	v26 =	vld.idx.msk [tilespmem:v26+s17+$0x0], $0xffff;
	v57 =	vor.u32 v52, v13  }
0x6f5: {  	v25 =	vld.idx.msk [tilespmem:v25+s17+$0x0], $0xffff;
	v60 =	vor.u32 v2, v4  }
0x6f6: {  	v28 =	vld.idx.msk [tilespmem:v28+s17+$0x0], $0xffff;
	v44 =	vor.u32 v2, v11  }
0x6f7: {  	v47 =	vld.idx.msk [tilespmem:v55+s17+$0x0], $0xffff;
	v51 =	vor.u32 v48, v23  }
0x6f8: {  	v59 =	vor.u32 v3, v21;
	[tilespmem:v31+s20+$0x0] =	vst.idx.msk $0xffff, v29;
	v29 =	vld.idx.msk [tilespmem:v56+s17+$0x0], $0xffff;
	v31 =	vor.u32 v48, v14  }
0x6f9: {  	v52 =	vld [tilespmem:$0x1FC10];
	[tilespmem:v57+s20+$0x0] =	vst.idx.msk $0xffff, v26  }
0x6fa: {  	v61 =	vor.u32 v3, v19;
	[tilespmem:v60+s20+$0x0] =	vst.idx.msk $0xffff, v25  }
0x6fb: {  	[tilespmem:v44+s20+$0x0] =	vst.idx.msk $0xffff, v28;
	v63 =	vor.u32 v42, v16  }
0x6fc: {  	v30 =	vor.u32 v42, v62;
	[tilespmem:v51+s20+$0x0] =	vst.idx.msk $0xffff, v47  }
0x6fd: {  	v26 =	vld.idx.msk [tilespmem:v59+s17+$0x0], $0xffff;
	[tilespmem:v31+s20+$0x0] =	vst.idx.msk $0xffff, v29  }
0x6fe: {  	v53 =	vor.u32 v52, v22;
	v40 =	vld [tilespmem:$0x1FC20]  }
0x6ff: {  	v25 =	vld.idx.msk [tilespmem:v61+s17+$0x0], $0xffff;
	v54 =	vor.u32 v48, v15;
	v55 =	vor.u32 v52, v17  }
0x700: {  	v56 =	vor.u32 v48, v13;
	v34 =	vld.idx.msk [tilespmem:v63+s17+$0x0], $0xffff  }
0x701: {  	v28 =	vor.u32 v2, v6;
	v30 =	vld.idx.msk [tilespmem:v30+s17+$0x0], $0xffff  }
0x702: {  	v60 =	vor.u32 v2, v10;
	v57 =	vor.u32 v52, v18;
	v3 =	vld [tilespmem:$0x1FE20]  }
0x703: {  	v31 =	vld.idx.msk [tilespmem:v53+s17+$0x0], $0xffff;
	v61 =	vor.u32 v40, v23  }
0x704: {  	v59 =	vor.u32 v52, v49;
	[tilespmem:v54+s20+$0x0] =	vst.idx.msk $0xffff, v26;
	v26 =	vld.idx.msk [tilespmem:v55+s17+$0x0], $0xffff;
	v63 =	vor.u32 v40, v14  }
0x705: {  	[tilespmem:v56+s20+$0x0] =	vst.idx.msk $0xffff, v25  }
0x706: {  	[tilespmem:v28+s20+$0x0] =	vst.idx.msk $0xffff, v34  }
0x707: {  	v25 =	vld.idx.msk [tilespmem:v57+s17+$0x0], $0xffff;
	[tilespmem:v60+s20+$0x0] =	vst.idx.msk $0xffff, v30  }
0x708: {  	v54 =	vld [tilespmem:$0x1FEB0];
	v29 =	vor.u32 v3, v7;
	[tilespmem:v61+s20+$0x0] =	vst.idx.msk $0xffff, v31  }
0x709: {  	v43 =	vor.u32 v46, v24;
	v28 =	vld.idx.msk [tilespmem:v59+s17+$0x0], $0xffff;
	[tilespmem:v63+s20+$0x0] =	vst.idx.msk $0xffff, v26  }
0x70a: {  	v47 =	vor.u32 v46, v20;
	v44 =	vor.u32 v40, v15;
	v59 =	vld [tilespmem:$0x1FD30];
	_ =	sdelay $0x1  }
0x70b: {  	v27 =	vld.idx.msk [tilespmem:v27+s17+$0x0], $0xffff;
	v48 =	vor.u32 v40, v13  }
0x70c: {  	v30 =	vor.u32 v54, v4;
	v29 =	vld.idx.msk [tilespmem:v29+s17+$0x0], $0xffff  }
0x70d: {  	v51 =	vor.u32 v46, v21;
	v53 =	vor.u32 v54, v11;
	v55 =	vld.idx.msk [tilespmem:v43+s17+$0x0], $0xffff  }
0x70e: {  	v52 =	vor.u32 v46, v19;
	[tilespmem:v44+s20+$0x0] =	vst.idx.msk $0xffff, v25;
	v25 =	vld.idx.msk [tilespmem:v47+s17+$0x0], $0xffff;
	v60 =	vor.u32 v59, v23  }
0x70f: {  	v63 =	vld [tilespmem:$0x1FD40];
	v61 =	vor.u32 v59, v14  }
0x710: {  	[tilespmem:v48+s20+$0x0] =	vst.idx.msk $0xffff, v28  }
0x711: {  	[tilespmem:v30+s20+$0x0] =	vst.idx.msk $0xffff, v27  }
0x712: {  	v31 =	vor.u32 v3, v9;
	v28 =	vld.idx.msk [tilespmem:v51+s17+$0x0], $0xffff;
	[tilespmem:v53+s20+$0x0] =	vst.idx.msk $0xffff, v29  }
0x713: {  	v26 =	vor.u32 v3, v8;
	v27 =	vld.idx.msk [tilespmem:v52+s17+$0x0], $0xffff;
	[tilespmem:v60+s20+$0x0] =	vst.idx.msk $0xffff, v55  }
0x714: {  	v47 =	vor.u32 v59, v15;
	v44 =	vor.u32 v63, v22;
	v52 =	vld [tilespmem:$0x1FEC0];
	[tilespmem:v61+s20+$0x0] =	vst.idx.msk $0xffff, v25  }
0x715: {  	v48 =	vor.u32 v63, v17;
	v56 =	vor.u32 v63, v18;
	v57 =	vor.u32 v63, v49;
	v63 =	vld [tilespmem:$0x1FD50];
	_ =	sdelay $0x1  }
0x716: {  	v31 =	vld.idx.msk [tilespmem:v31+s17+$0x0], $0xffff;
	v30 =	vor.u32 v59, v13  }
0x717: {  	v29 =	vor.u32 v54, v6;
	v26 =	vld.idx.msk [tilespmem:v26+s17+$0x0], $0xffff  }
0x718: {  	v60 =	vor.u32 v54, v10;
	v61 =	vld.idx.msk [tilespmem:v44+s17+$0x0], $0xffff  }
0x719: {  	[tilespmem:v47+s20+$0x0] =	vst.idx.msk $0xffff, v28;
	v28 =	vld.idx.msk [tilespmem:v48+s17+$0x0], $0xffff;
	v43 =	vor.u32 v63, v23  }
0x71a: {  	v12 =	vld [tilespmem:$0x1FD60];
	v44 =	vor.u32 v63, v14  }
0x71b: {  	[tilespmem:v30+s20+$0x0] =	vst.idx.msk $0xffff, v27  }
0x71c: {  	[tilespmem:v29+s20+$0x0] =	vst.idx.msk $0xffff, v31  }
0x71d: {  	v29 =	vld.idx.msk [tilespmem:v57+s17+$0x0], $0xffff;
	[tilespmem:v60+s20+$0x0] =	vst.idx.msk $0xffff, v26;
	v59 =	vor.u32 v52, v58  }
0x71e: {  	v25 =	vor.u32 v52, v5;
	v57 =	vld [tilespmem:$0x1FED0];
	[tilespmem:v43+s20+$0x0] =	vst.idx.msk $0xffff, v61  }
0x71f: {  	v27 =	vld.idx.msk [tilespmem:v56+s17+$0x0], $0xffff;
	v30 =	vor.u32 v63, v15;
	v47 =	vor.u32 v12, v24;
	[tilespmem:v44+s20+$0x0] =	vst.idx.msk $0xffff, v28  }
0x720: {  	v48 =	vor.u32 v12, v20;
	v51 =	vor.u32 v12, v21;
	v53 =	vor.u32 v12, v19;
	v12 =	vld [tilespmem:$0x1FD70];
	_ =	sdelay $0x1  }
0x721: {  	v31 =	vor.u32 v63, v13;
	v32 =	vld.idx.msk [tilespmem:v59+s17+$0x0], $0xffff  }
0x722: {  	v26 =	vor.u32 v57, v4;
	v25 =	vld.idx.msk [tilespmem:v25+s17+$0x0], $0xffff  }
0x723: {  	v55 =	vor.u32 v52, v16;
	v56 =	vor.u32 v57, v11;
	v59 =	vld.idx.msk [tilespmem:v47+s17+$0x0], $0xffff  }
0x724: {  	[tilespmem:v30+s20+$0x0] =	vst.idx.msk $0xffff, v27;
	v27 =	vld.idx.msk [tilespmem:v48+s17+$0x0], $0xffff;
	v60 =	vor.u32 v12, v23  }
0x725: {  	v61 =	vld [tilespmem:$0x1FD80];
	v30 =	vor.u32 v12, v14  }
0x726: {  	[tilespmem:v31+s20+$0x0] =	vst.idx.msk $0xffff, v29  }
0x727: {  	[tilespmem:v26+s20+$0x0] =	vst.idx.msk $0xffff, v32  }
0x728: {  	v33 =	vld.idx.msk [tilespmem:v55+s17+$0x0], $0xffff;
	[tilespmem:v56+s20+$0x0] =	vst.idx.msk $0xffff, v25  }
0x729: {  	v28 =	vor.u32 v52, v62;
	v29 =	vld.idx.msk [tilespmem:v51+s17+$0x0], $0xffff;
	[tilespmem:v60+s20+$0x0] =	vst.idx.msk $0xffff, v59  }
0x72a: {  	v63 =	vor.u32 v61, v22;
	v55 =	vld [tilespmem:$0x1FEE0];
	[tilespmem:v30+s20+$0x0] =	vst.idx.msk $0xffff, v27  }
0x72b: {  	v31 =	vor.u32 v12, v15;
	v32 =	vor.u32 v12, v13;
	v48 =	vor.u32 v61, v17;
	v12 =	vld [tilespmem:$0x1FD90];
	_ =	sdelay $0x1  }
0x72c: {  	v26 =	vld.idx.msk [tilespmem:v53+s17+$0x0], $0xffff  }
0x72d: {  	v25 =	vor.u32 v57, v6;
	v28 =	vld.idx.msk [tilespmem:v28+s17+$0x0], $0xffff  }
0x72e: {  	v51 =	vor.u32 v61, v18;
	v60 =	vor.u32 v57, v10;
	v30 =	vld.idx.msk [tilespmem:v63+s17+$0x0], $0xffff  }
0x72f: {  	v39 =	vor.u32 v61, v49;
	[tilespmem:v31+s20+$0x0] =	vst.idx.msk $0xffff, v29;
	v29 =	vld.idx.msk [tilespmem:v48+s17+$0x0], $0xffff;
	v61 =	vor.u32 v12, v23  }
0x730: {  	v63 =	vld [tilespmem:$0x1FDA0];
	v31 =	vor.u32 v12, v14  }
0x731: {  	[tilespmem:v32+s20+$0x0] =	vst.idx.msk $0xffff, v26  }
0x732: {  	[tilespmem:v25+s20+$0x0] =	vst.idx.msk $0xffff, v33  }
0x733: {  	[tilespmem:v60+s20+$0x0] =	vst.idx.msk $0xffff, v28;
	v59 =	vor.u32 v55, v50  }
0x734: {  	v27 =	vor.u32 v55, v7;
	v47 =	vld [tilespmem:$0x1FEF0];
	[tilespmem:v61+s20+$0x0] =	vst.idx.msk $0xffff, v30  }
0x735: {  	v26 =	vld.idx.msk [tilespmem:v51+s17+$0x0], $0xffff;
	v48 =	vor.u32 v63, v24;
	[tilespmem:v31+s20+$0x0] =	vst.idx.msk $0xffff, v29  }
0x736: {  	v44 =	vmovc v50;
	v50 =	vor.u32 v12, v15;
	v53 =	vor.u32 v12, v13;
	v51 =	vor.u32 v63, v20;
	v12 =	vld [tilespmem:$0x1FDB0]  }
0x737: {  	v25 =	vld.idx.msk [tilespmem:v39+s17+$0x0], $0xffff  }
0x738: {  	v34 =	vld.idx.msk [tilespmem:v59+s17+$0x0], $0xffff  }
0x739: {  	v28 =	vor.u32 v47, v4;
	v27 =	vld.idx.msk [tilespmem:v27+s17+$0x0], $0xffff  }
0x73a: {  	v60 =	vor.u32 v47, v11;
	v31 =	vld.idx.msk [tilespmem:v48+s17+$0x0], $0xffff  }
0x73b: {  	v56 =	vor.u32 v63, v21;
	[tilespmem:v50+s20+$0x0] =	vst.idx.msk $0xffff, v26;
	v26 =	vld.idx.msk [tilespmem:v51+s17+$0x0], $0xffff;
	v61 =	vor.u32 v12, v23  }
0x73c: {  	v59 =	vor.u32 v63, v19;
	v48 =	vld [tilespmem:$0x1FDC0];
	v63 =	vor.u32 v12, v14  }
0x73d: {  	[tilespmem:v53+s20+$0x0] =	vst.idx.msk $0xffff, v25  }
0x73e: {  	[tilespmem:v28+s20+$0x0] =	vst.idx.msk $0xffff, v34  }
0x73f: {  	v30 =	vor.u32 v55, v9;
	[tilespmem:v60+s20+$0x0] =	vst.idx.msk $0xffff, v27  }
0x740: {  	v29 =	vor.u32 v55, v8;
	v25 =	vld.idx.msk [tilespmem:v56+s17+$0x0], $0xffff;
	[tilespmem:v61+s20+$0x0] =	vst.idx.msk $0xffff, v31  }
0x741: {  	v50 =	vor.u32 v48, v22;
	v41 =	vld [tilespmem:$0x1FF00];
	[tilespmem:v63+s20+$0x0] =	vst.idx.msk $0xffff, v26  }
0x742: {  	v53 =	vor.u32 v12, v15;
	v56 =	vor.u32 v12, v13;
	v51 =	vor.u32 v48, v17;
	v12 =	vld [tilespmem:$0x1FDD0]  }
0x743: {  	v28 =	vld.idx.msk [tilespmem:v59+s17+$0x0], $0xffff  }
0x744: {  	v30 =	vld.idx.msk [tilespmem:v30+s17+$0x0], $0xffff  }
0x745: {  	v27 =	vor.u32 v47, v6;
	v29 =	vld.idx.msk [tilespmem:v29+s17+$0x0], $0xffff  }
0x746: {  	v59 =	vor.u32 v48, v18;
	v61 =	vor.u32 v47, v10;
	v32 =	vld.idx.msk [tilespmem:v50+s17+$0x0], $0xffff  }
0x747: {  	[tilespmem:v53+s20+$0x0] =	vst.idx.msk $0xffff, v25;
	v25 =	vld.idx.msk [tilespmem:v51+s17+$0x0], $0xffff;
	v35 =	vor.u32 v12, v23  }
0x748: {  	v63 =	vld [tilespmem:$0x1FDE0];
	v33 =	vor.u32 v12, v14  }
0x749: {  	[tilespmem:v56+s20+$0x0] =	vst.idx.msk $0xffff, v28  }
0x74a: {  	v60 =	vor.u32 v48, v49;
	[tilespmem:v27+s20+$0x0] =	vst.idx.msk $0xffff, v30  }
0x74b: {  	v56 =	vld.idx.msk [tilespmem:v59+s17+$0x0], $0xffff;
	[tilespmem:v61+s20+$0x0] =	vst.idx.msk $0xffff, v29;
	v31 =	vor.u32 v41, v58;
	v26 =	vor.u32 v41, v5  }
0x74c: {  	v59 =	vor.u32 v12, v15;
	v30 =	vor.u32 v12, v13;
	v12 =	vmov v49;
	v49 =	vld [tilespmem:$0x1FF10];
	[tilespmem:v35+s20+$0x0] =	vst.idx.msk $0xffff, v32  }
0x74d: {  	v53 =	vor.u32 v63, v24;
	[tilespmem:v33+s20+$0x0] =	vst.idx.msk $0xffff, v25  }
0x74e: {  	v28 =	vor.u32 v63, v20;
	v43 =	vld [tilespmem:$0x1FDF0]  }
0x74f: {  	v27 =	vld.idx.msk [tilespmem:v60+s17+$0x0], $0xffff  }
0x750: {  	v31 =	vld.idx.msk [tilespmem:v31+s17+$0x0], $0xffff  }
0x751: {  	v26 =	vld.idx.msk [tilespmem:v26+s17+$0x0], $0xffff;
	v29 =	vor.u32 v49, v4  }
0x752: {  	v48 =	vor.u32 v49, v11;
	v50 =	vld.idx.msk [tilespmem:v53+s17+$0x0], $0xffff  }
0x753: {  	v60 =	vor.u32 v63, v21;
	v28 =	vld.idx.msk [tilespmem:v28+s17+$0x0], $0xffff;
	[tilespmem:v59+s20+$0x0] =	vst.idx.msk $0xffff, v56;
	v51 =	vor.u32 v43, v23  }
0x754: {  	v56 =	vld [tilespmem:$0x1FE00];
	v53 =	vor.u32 v43, v14  }
0x755: {  	[tilespmem:v30+s20+$0x0] =	vst.idx.msk $0xffff, v27  }
0x756: {  	v61 =	vor.u32 v63, v19;
	v63 =	vor.u32 v41, v16;
	[tilespmem:v29+s20+$0x0] =	vst.idx.msk $0xffff, v31  }
0x757: {  	[tilespmem:v48+s20+$0x0] =	vst.idx.msk $0xffff, v26  }
0x758: {  	v25 =	vor.u32 v41, v62;
	v30 =	vld.idx.msk [tilespmem:v60+s17+$0x0], $0xffff;
	[tilespmem:v51+s20+$0x0] =	vst.idx.msk $0xffff, v50  }
0x759: {  	v59 =	vor.u32 v56, v22;
	v50 =	vld [tilespmem:$0x1FF20];
	[tilespmem:v53+s20+$0x0] =	vst.idx.msk $0xffff, v28  }
0x75a: {  	v60 =	vor.u32 v43, v15;
	v27 =	vor.u32 v56, v17;
	v53 =	vld [tilespmem:$0x1FE10]  }
0x75b: {  	v32 =	vld.idx.msk [tilespmem:v63+s17+$0x0], $0xffff  }
0x75c: {  	v29 =	vld.idx.msk [tilespmem:v61+s17+$0x0], $0xffff;
	v31 =	vor.u32 v43, v13  }
0x75d: {  	v26 =	vor.u32 v49, v6;
	v25 =	vld.idx.msk [tilespmem:v25+s17+$0x0], $0xffff  }
0x75e: {  	v51 =	vor.u32 v49, v10;
	v34 =	vld.idx.msk [tilespmem:v59+s17+$0x0], $0xffff  }
0x75f: {  	v27 =	vld.idx.msk [tilespmem:v27+s17+$0x0], $0xffff;
	[tilespmem:v60+s20+$0x0] =	vst.idx.msk $0xffff, v30;
	v36 =	vor.u32 v53, v23  }
0x760: {  	v61 =	vor.u32 v56, v18;
	v63 =	vor.u32 v56, v12;
	v56 =	vld [tilespmem:$0x1FE40];
	v30 =	vor.u32 v53, v14  }
0x761: {  	[tilespmem:v31+s20+$0x0] =	vst.idx.msk $0xffff, v29  }
0x762: {  	[tilespmem:v26+s20+$0x0] =	vst.idx.msk $0xffff, v32  }
0x763: {  	[tilespmem:v51+s20+$0x0] =	vst.idx.msk $0xffff, v25;
	v48 =	vor.u32 v50, v44  }
0x764: {  	v28 =	vor.u32 v50, v7;
	v51 =	vld [tilespmem:$0x1FF30];
	[tilespmem:v36+s20+$0x0] =	vst.idx.msk $0xffff, v34  }
0x765: {  	v31 =	vld.idx.msk [tilespmem:v61+s17+$0x0], $0xffff;
	v60 =	vor.u32 v53, v15;
	v59 =	vor.u32 v56, v24;
	[tilespmem:v30+s20+$0x0] =	vst.idx.msk $0xffff, v27  }
0x766: {  	v61 =	vor.u32 v53, v13;
	v53 =	vld [tilespmem:$0x1FE50]  }
0x767: {  	v26 =	vld.idx.msk [tilespmem:v63+s17+$0x0], $0xffff;
	v29 =	vor.u32 v56, v20  }
0x768: {  	v63 =	vor.u32 v56, v21;
	v33 =	vld.idx.msk [tilespmem:v48+s17+$0x0], $0xffff  }
0x769: {  	v39 =	vor.u32 v56, v19;
	v25 =	vor.u32 v51, v4;
	v28 =	vld.idx.msk [tilespmem:v28+s17+$0x0], $0xffff  }
0x76a: {  	v48 =	vor.u32 v51, v11;
	v34 =	vor.u32 v50, v9;
	v30 =	vld.idx.msk [tilespmem:v59+s17+$0x0], $0xffff;
	[tilespmem:v60+s20+$0x0] =	vst.idx.msk $0xffff, v31  }
0x76b: {  	v27 =	vor.u32 v50, v8;
	v59 =	vld [tilespmem:$0x1FE60];
	v56 =	vor.u32 v53, v23  }
0x76c: {  	v29 =	vld.idx.msk [tilespmem:v29+s17+$0x0], $0xffff;
	v31 =	vor.u32 v53, v14  }
0x76d: {  	[tilespmem:v61+s20+$0x0] =	vst.idx.msk $0xffff, v26;
	v61 =	vld.idx.msk [tilespmem:v63+s17+$0x0], $0xffff;
	v63 =	vor.u32 v53, v15  }
0x76e: {  	[tilespmem:v25+s20+$0x0] =	vst.idx.msk $0xffff, v33;
	v25 =	vld.idx.msk [tilespmem:v39+s17+$0x0], $0xffff;
	v33 =	vor.u32 v53, v13  }
0x76f: {  	[tilespmem:v48+s20+$0x0] =	vst.idx.msk $0xffff, v28;
	v28 =	vor.u32 v51, v6;
	v48 =	vor.u32 v51, v10;
	v34 =	vld.idx.msk [tilespmem:v34+s17+$0x0], $0xffff  }
0x770: {  	v27 =	vld.idx.msk [tilespmem:v27+s17+$0x0], $0xffff;
	v60 =	vor.u32 v59, v22;
	v26 =	vor.u32 v59, v17;
	[tilespmem:v56+s20+$0x0] =	vst.idx.msk $0xffff, v30  }
0x771: {  	v39 =	vor.u32 v59, v18;
	v43 =	vor.u32 v59, v12;
	v59 =	vld [tilespmem:$0x1FF40];
	[tilespmem:v31+s20+$0x0] =	vst.idx.msk $0xffff, v29  }
0x772: {  	v56 =	vld [tilespmem:$0x1FE70];
	[tilespmem:v63+s20+$0x0] =	vst.idx.msk $0xffff, v61  }
0x773: {  	v53 =	vld [tilespmem:$0x1FE80];
	[tilespmem:v33+s20+$0x0] =	vst.idx.msk $0xffff, v25  }
0x774: {  	[tilespmem:v28+s20+$0x0] =	vst.idx.msk $0xffff, v34  }
0x775: {  	[tilespmem:v48+s20+$0x0] =	vst.idx.msk $0xffff, v27  }
0x776: {  	v48 =	vld [tilespmem:$0x1FF50];
	v30 =	vor.u32 v59, v58  }
0x777: {  	v31 =	vld.idx.msk [tilespmem:v60+s17+$0x0], $0xffff;
	v29 =	vor.u32 v59, v5;
	v60 =	vor.u32 v56, v23  }
0x778: {  	v26 =	vld.idx.msk [tilespmem:v26+s17+$0x0], $0xffff;
	v61 =	vor.u32 v56, v14;
	v63 =	vor.u32 v53, v24  }
0x779: {  	v33 =	vld.idx.msk [tilespmem:v39+s17+$0x0], $0xffff;
	v39 =	vor.u32 v56, v15;
	v25 =	vor.u32 v53, v20  }
0x77a: {  	v28 =	vld.idx.msk [tilespmem:v43+s17+$0x0], $0xffff;
	v34 =	vor.u32 v56, v13;
	v43 =	vor.u32 v53, v21  }
0x77b: {  	v56 =	vor.u32 v53, v19;
	v27 =	vor.u32 v48, v4;
	v30 =	vld.idx.msk [tilespmem:v30+s17+$0x0], $0xffff  }
0x77c: {  	v29 =	vld.idx.msk [tilespmem:v29+s17+$0x0], $0xffff;
	[tilespmem:v60+s20+$0x0] =	vst.idx.msk $0xffff, v31;
	v31 =	vor.u32 v59, v16;
	v60 =	vor.u32 v48, v11  }
0x77d: {  	[tilespmem:v61+s20+$0x0] =	vst.idx.msk $0xffff, v26;
	v26 =	vor.u32 v59, v62;
	v61 =	vld.idx.msk [tilespmem:v63+s17+$0x0], $0xffff;
	v63 =	vor.u32 v45, v23  }
0x77e: {  	[tilespmem:v39+s20+$0x0] =	vst.idx.msk $0xffff, v33;
	v33 =	vor.u32 v45, v14;
	v25 =	vld.idx.msk [tilespmem:v25+s17+$0x0], $0xffff  }
0x77f: {  	[tilespmem:v34+s20+$0x0] =	vst.idx.msk $0xffff, v28;
	v34 =	vld.idx.msk [tilespmem:v43+s17+$0x0], $0xffff;
	v43 =	vor.u32 v45, v15  }
0x780: {  	[tilespmem:v27+s20+$0x0] =	vst.idx.msk $0xffff, v30;
	v27 =	vld.idx.msk [tilespmem:v56+s17+$0x0], $0xffff;
	v30 =	vor.u32 v45, v13  }
0x781: {  	v39 =	vor.u32 v42, v22;
	v31 =	vld.idx.msk [tilespmem:v31+s17+$0x0], $0xffff;
	[tilespmem:v60+s20+$0x0] =	vst.idx.msk $0xffff, v29;
	v29 =	vor.u32 v48, v6  }
0x782: {  	v28 =	vor.u32 v42, v17;
	v26 =	vld.idx.msk [tilespmem:v26+s17+$0x0], $0xffff;
	[tilespmem:v63+s20+$0x0] =	vst.idx.msk $0xffff, v61;
	v61 =	vor.u32 v48, v10  }
0x783: {  	v63 =	vld [tilespmem:$0x1FF60];
	[tilespmem:v33+s20+$0x0] =	vst.idx.msk $0xffff, v25  }
0x784: {  	[tilespmem:v43+s20+$0x0] =	vst.idx.msk $0xffff, v34  }
0x785: {  	v53 =	vor.u32 v42, v18;
	[tilespmem:v30+s20+$0x0] =	vst.idx.msk $0xffff, v27  }
0x786: {  	v56 =	vor.u32 v42, v12;
	v33 =	vld.idx.msk [tilespmem:v39+s17+$0x0], $0xffff;
	v39 =	vor.u32 v2, v23;
	[tilespmem:v29+s20+$0x0] =	vst.idx.msk $0xffff, v31  }
0x787: {  	v42 =	vor.u32 v2, v14;
	v43 =	vor.u32 v3, v24;
	v28 =	vld.idx.msk [tilespmem:v28+s17+$0x0], $0xffff;
	[tilespmem:v61+s20+$0x0] =	vst.idx.msk $0xffff, v26  }
0x788: {  	v60 =	vor.u32 v63, v44;
	v61 =	vld [tilespmem:$0x1FF70]  }
0x789: {  	v25 =	vor.u32 v63, v7  }
0x78a: {  	v45 =	vor.u32 v2, v15;
	v30 =	vld.idx.msk [tilespmem:v53+s17+$0x0], $0xffff  }
0x78b: {  	v29 =	vld.idx.msk [tilespmem:v56+s17+$0x0], $0xffff;
	v31 =	vor.u32 v2, v13;
	[tilespmem:v39+s20+$0x0] =	vst.idx.msk $0xffff, v33  }
0x78c: {  	[tilespmem:v42+s20+$0x0] =	vst.idx.msk $0xffff, v28;
	v42 =	vld.idx.msk [tilespmem:v43+s17+$0x0], $0xffff;
	v43 =	vor.u32 v54, v23  }
0x78d: {  	v27 =	vor.u32 v3, v20;
	v53 =	vor.u32 v3, v21;
	v32 =	vld.idx.msk [tilespmem:v60+s17+$0x0], $0xffff;
	v26 =	vor.u32 v61, v4  }
0x78e: {  	v56 =	vor.u32 v3, v19;
	v60 =	vor.u32 v63, v9;
	v25 =	vld.idx.msk [tilespmem:v25+s17+$0x0], $0xffff;
	v3 =	vor.u32 v61, v11  }
0x78f: {  	[tilespmem:v45+s20+$0x0] =	vst.idx.msk $0xffff, v30  }
0x790: {  	[tilespmem:v31+s20+$0x0] =	vst.idx.msk $0xffff, v29  }
0x791: {  	[tilespmem:v43+s20+$0x0] =	vst.idx.msk $0xffff, v42  }
0x792: {  	v28 =	vor.u32 v63, v8;
	[tilespmem:v26+s20+$0x0] =	vst.idx.msk $0xffff, v32  }
0x793: {  	v33 =	vld.idx.msk [tilespmem:v60+s17+$0x0], $0xffff;
	[tilespmem:v3+s20+$0x0] =	vst.idx.msk $0xffff, v25  }
0x794: {  	v60 =	vld [tilespmem:$0x1FF80]  }
0x795: {  	v27 =	vld.idx.msk [tilespmem:v27+s17+$0x0], $0xffff;
	v30 =	vor.u32 v54, v14  }
0x796: {  	v31 =	vld.idx.msk [tilespmem:v53+s17+$0x0], $0xffff;
	v53 =	vor.u32 v54, v15  }
0x797: {  	v45 =	vor.u32 v52, v22;
	v28 =	vld.idx.msk [tilespmem:v28+s17+$0x0], $0xffff;
	v43 =	vor.u32 v61, v10  }
0x798: {  	v29 =	vor.u32 v52, v17;
	v26 =	vld.idx.msk [tilespmem:v56+s17+$0x0], $0xffff;
	v56 =	vor.u32 v54, v13  }
0x799: {  	v25 =	vor.u32 v61, v6;
	v42 =	vor.u32 v60, v58  }
0x79a: {  	[tilespmem:v30+s20+$0x0] =	vst.idx.msk $0xffff, v27  }
0x79b: {  	[tilespmem:v53+s20+$0x0] =	vst.idx.msk $0xffff, v31  }
0x79c: {  	v2 =	vor.u32 v52, v18;
	v30 =	vld.idx.msk [tilespmem:v45+s17+$0x0], $0xffff;
	[tilespmem:v43+s20+$0x0] =	vst.idx.msk $0xffff, v28  }
0x79d: {  	v3 =	vor.u32 v52, v12;
	v45 =	vor.u32 v57, v23;
	v29 =	vld.idx.msk [tilespmem:v29+s17+$0x0], $0xffff;
	[tilespmem:v56+s20+$0x0] =	vst.idx.msk $0xffff, v26  }
0x79e: {  	v52 =	vor.u32 v55, v24;
	v31 =	vor.u32 v57, v14;
	[tilespmem:v25+s20+$0x0] =	vst.idx.msk $0xffff, v33;
	v34 =	vld.idx.msk [tilespmem:v42+s17+$0x0], $0xffff  }
0x79f: {  	v42 =	vld [tilespmem:$0x1FF90]  }
0x7a0: {  	v27 =	vor.u32 v60, v5  }
0x7a1: {  	v54 =	vor.u32 v57, v15;
	v53 =	vld.idx.msk [tilespmem:v2+s17+$0x0], $0xffff;
	v26 =	vor.u32 v55, v20  }
0x7a2: {  	v56 =	vor.u32 v57, v13;
	v57 =	vor.u32 v55, v21;
	v25 =	vld.idx.msk [tilespmem:v3+s17+$0x0], $0xffff;
	[tilespmem:v45+s20+$0x0] =	vst.idx.msk $0xffff, v30  }
0x7a3: {  	v43 =	vor.u32 v47, v23;
	[tilespmem:v31+s20+$0x0] =	vst.idx.msk $0xffff, v29;
	v29 =	vor.u32 v60, v62;
	v31 =	vld.idx.msk [tilespmem:v52+s17+$0x0], $0xffff  }
0x7a4: {  	v2 =	vor.u32 v55, v19;
	v28 =	vor.u32 v42, v4  }
0x7a5: {  	v30 =	vor.u32 v60, v16;
	v27 =	vld.idx.msk [tilespmem:v27+s17+$0x0], $0xffff;
	v3 =	vor.u32 v42, v11  }
0x7a6: {  	v32 =	vor.u32 v47, v14;
	[tilespmem:v54+s20+$0x0] =	vst.idx.msk $0xffff, v53;
	v26 =	vld.idx.msk [tilespmem:v26+s17+$0x0], $0xffff  }
0x7a7: {  	[tilespmem:v56+s20+$0x0] =	vst.idx.msk $0xffff, v25;
	v53 =	vor.u32 v47, v15;
	v52 =	vld.idx.msk [tilespmem:v57+s17+$0x0], $0xffff  }
0x7a8: {  	v29 =	vld.idx.msk [tilespmem:v29+s17+$0x0], $0xffff;
	v57 =	vor.u32 v42, v10;
	[tilespmem:v43+s20+$0x0] =	vst.idx.msk $0xffff, v31  }
0x7a9: {  	v45 =	vor.u32 v41, v22;
	v54 =	vor.u32 v47, v13;
	[tilespmem:v28+s20+$0x0] =	vst.idx.msk $0xffff, v34;
	v28 =	vld.idx.msk [tilespmem:v2+s17+$0x0], $0xffff  }
0x7aa: {  	v25 =	vor.u32 v41, v17;
	v30 =	vld.idx.msk [tilespmem:v30+s17+$0x0], $0xffff;
	[tilespmem:v3+s20+$0x0] =	vst.idx.msk $0xffff, v27;
	v27 =	vor.u32 v42, v6  }
0x7ab: {  	v40 =	vld [tilespmem:$0x1FFA0];
	[tilespmem:v32+s20+$0x0] =	vst.idx.msk $0xffff, v26  }
0x7ac: {  	[tilespmem:v53+s20+$0x0] =	vst.idx.msk $0xffff, v52  }
0x7ad: {  	v55 =	vor.u32 v41, v18;
	[tilespmem:v57+s20+$0x0] =	vst.idx.msk $0xffff, v29  }
0x7ae: {  	v56 =	vor.u32 v41, v12;
	v2 =	vor.u32 v49, v23;
	v32 =	vld.idx.msk [tilespmem:v45+s17+$0x0], $0xffff;
	[tilespmem:v54+s20+$0x0] =	vst.idx.msk $0xffff, v28  }
0x7af: {  	v52 =	vor.u32 v49, v14;
	v53 =	vor.u32 v50, v24;
	v25 =	vld.idx.msk [tilespmem:v25+s17+$0x0], $0xffff;
	[tilespmem:v27+s20+$0x0] =	vst.idx.msk $0xffff, v30  }
0x7b0: {  	v3 =	vmov v44;
	v31 =	vor.u32 v40, v44;
	v44 =	vld [tilespmem:$0x1FFB0]  }
0x7b1: {  	v26 =	vor.u32 v40, v7  }
0x7b2: {  	v28 =	vor.u32 v50, v20;
	v54 =	vld.idx.msk [tilespmem:v55+s17+$0x0], $0xffff;
	v55 =	vor.u32 v49, v15  }
0x7b3: {  	v30 =	vor.u32 v49, v13;
	v27 =	vld.idx.msk [tilespmem:v56+s17+$0x0], $0xffff;
	v56 =	vor.u32 v50, v21;
	[tilespmem:v2+s20+$0x0] =	vst.idx.msk $0xffff, v32  }
0x7b4: {  	v47 =	vor.u32 v51, v23;
	[tilespmem:v52+s20+$0x0] =	vst.idx.msk $0xffff, v25;
	v25 =	vor.u32 v40, v8;
	v45 =	vld.idx.msk [tilespmem:v53+s17+$0x0], $0xffff  }
0x7b5: {  	v57 =	vor.u32 v50, v19;
	v31 =	vld.idx.msk [tilespmem:v31+s17+$0x0], $0xffff;
	v29 =	vor.u32 v44, v4  }
0x7b6: {  	v2 =	vor.u32 v40, v9;
	v26 =	vld.idx.msk [tilespmem:v26+s17+$0x0], $0xffff;
	v43 =	vor.u32 v44, v11  }
0x7b7: {  	v49 =	vor.u32 v51, v14;
	v28 =	vld.idx.msk [tilespmem:v28+s17+$0x0], $0xffff;
	[tilespmem:v55+s20+$0x0] =	vst.idx.msk $0xffff, v54  }
0x7b8: {  	v52 =	vor.u32 v51, v15;
	[tilespmem:v30+s20+$0x0] =	vst.idx.msk $0xffff, v27;
	v30 =	vld.idx.msk [tilespmem:v56+s17+$0x0], $0xffff  }
0x7b9: {  	v56 =	vor.u32 v44, v10;
	[tilespmem:v47+s20+$0x0] =	vst.idx.msk $0xffff, v45;
	v25 =	vld.idx.msk [tilespmem:v25+s17+$0x0], $0xffff  }
0x7ba: {  	v50 =	vor.u32 v59, v22;
	[tilespmem:v29+s20+$0x0] =	vst.idx.msk $0xffff, v31;
	v29 =	vld.idx.msk [tilespmem:v57+s17+$0x0], $0xffff;
	v31 =	vor.u32 v51, v13  }
0x7bb: {  	v27 =	vor.u32 v59, v17;
	v32 =	vld.idx.msk [tilespmem:v2+s17+$0x0], $0xffff;
	[tilespmem:v43+s20+$0x0] =	vst.idx.msk $0xffff, v26;
	v26 =	vor.u32 v44, v6  }
0x7bc: {  	v45 =	vld [tilespmem:$0x1FFC0];
	[tilespmem:v49+s20+$0x0] =	vst.idx.msk $0xffff, v28  }
0x7bd: {  	[tilespmem:v52+s20+$0x0] =	vst.idx.msk $0xffff, v30  }
0x7be: {  	v53 =	vor.u32 v59, v18;
	[tilespmem:v56+s20+$0x0] =	vst.idx.msk $0xffff, v25  }
0x7bf: {  	v54 =	vor.u32 v59, v12;
	v59 =	vor.u32 v48, v23;
	v57 =	vld.idx.msk [tilespmem:v50+s17+$0x0], $0xffff;
	[tilespmem:v31+s20+$0x0] =	vst.idx.msk $0xffff, v29  }
0x7c0: {  	v2 =	vor.u32 v63, v24;
	v30 =	vor.u32 v48, v14;
	v27 =	vld.idx.msk [tilespmem:v27+s17+$0x0], $0xffff;
	[tilespmem:v26+s20+$0x0] =	vst.idx.msk $0xffff, v32  }
0x7c1: {  	v55 =	vor.u32 v45, v58;
	v43 =	vld [tilespmem:$0x1FFD0]  }
0x7c2: {  	v28 =	vor.u32 v45, v5  }
0x7c3: {  	v47 =	vor.u32 v48, v15;
	v29 =	vor.u32 v63, v20;
	v31 =	vld.idx.msk [tilespmem:v53+s17+$0x0], $0xffff  }
0x7c4: {  	v50 =	vor.u32 v63, v21;
	v49 =	vor.u32 v48, v13;
	v26 =	vld.idx.msk [tilespmem:v54+s17+$0x0], $0xffff;
	[tilespmem:v59+s20+$0x0] =	vst.idx.msk $0xffff, v57  }
0x7c5: {  	v54 =	vor.u32 v61, v23;
	[tilespmem:v30+s20+$0x0] =	vst.idx.msk $0xffff, v27;
	v27 =	vor.u32 v45, v62;
	v30 =	vld.idx.msk [tilespmem:v2+s17+$0x0], $0xffff  }
0x7c6: {  	v51 =	vor.u32 v63, v19;
	v33 =	vld.idx.msk [tilespmem:v55+s17+$0x0], $0xffff;
	v25 =	vor.u32 v43, v4  }
0x7c7: {  	v52 =	vor.u32 v45, v16;
	v28 =	vld.idx.msk [tilespmem:v28+s17+$0x0], $0xffff;
	v53 =	vor.u32 v43, v11  }
0x7c8: {  	v29 =	vld.idx.msk [tilespmem:v29+s17+$0x0], $0xffff;
	[tilespmem:v47+s20+$0x0] =	vst.idx.msk $0xffff, v31;
	v31 =	vor.u32 v61, v14  }
0x7c9: {  	v57 =	vor.u32 v61, v15;
	[tilespmem:v49+s20+$0x0] =	vst.idx.msk $0xffff, v26;
	v56 =	vld.idx.msk [tilespmem:v50+s17+$0x0], $0xffff  }
0x7ca: {  	[tilespmem:v54+s20+$0x0] =	vst.idx.msk $0xffff, v30;
	v27 =	vld.idx.msk [tilespmem:v27+s17+$0x0], $0xffff;
	v30 =	vor.u32 v43, v10  }
0x7cb: {  	v59 =	vor.u32 v61, v13;
	[tilespmem:v25+s20+$0x0] =	vst.idx.msk $0xffff, v33;
	v25 =	vld.idx.msk [tilespmem:v51+s17+$0x0], $0xffff  }
0x7cc: {  	v34 =	vld.idx.msk [tilespmem:v52+s17+$0x0], $0xffff;
	[tilespmem:v53+s20+$0x0] =	vst.idx.msk $0xffff, v28;
	v28 =	vor.u32 v43, v6  }
0x7cd: {  	v38 =	vld [tilespmem:$0x1FFE0];
	[tilespmem:v31+s20+$0x0] =	vst.idx.msk $0xffff, v29  }
0x7ce: {  	v55 =	vor.u32 v60, v22;
	[tilespmem:v57+s20+$0x0] =	vst.idx.msk $0xffff, v56  }
0x7cf: {  	v26 =	vor.u32 v60, v17;
	[tilespmem:v30+s20+$0x0] =	vst.idx.msk $0xffff, v27  }
0x7d0: {  	v61 =	vor.u32 v60, v18;
	[tilespmem:v59+s20+$0x0] =	vst.idx.msk $0xffff, v25  }
0x7d1: {  	v63 =	vor.u32 v60, v12;
	[tilespmem:v28+s20+$0x0] =	vst.idx.msk $0xffff, v34  }
0x7d2: {  	v41 =	vor.u32 v38, v7;
	v39 =	vld [tilespmem:$0x1FFF0]  }
0x7d3: {  	v29 =	vld.idx.msk [tilespmem:v55+s17+$0x0], $0xffff;
	v31 =	vor.u32 v42, v23;
	v47 =	vor.u32 v38, v9  }
0x7d4: {  	v48 =	vor.u32 v42, v14;
	v49 =	vor.u32 v40, v24;
	v26 =	vld.idx.msk [tilespmem:v26+s17+$0x0], $0xffff  }
0x7d5: {  	v51 =	vor.u32 v42, v15;
	v50 =	vld.idx.msk [tilespmem:v61+s17+$0x0], $0xffff;
	v25 =	vor.u32 v40, v20  }
0x7d6: {  	v52 =	vor.u32 v42, v13;
	v53 =	vor.u32 v40, v21;
	v28 =	vld.idx.msk [tilespmem:v63+s17+$0x0], $0xffff  }
0x7d7: {  	v2 =	vmov v58;
	v30 =	vor.u32 v40, v19;
	v7 =	vld.idx.msk [tilespmem:v41+s17+$0x0], $0xffff;
	v27 =	vor.u32 v39, v11  }
0x7d8: {  	[tilespmem:v31+s20+$0x0] =	vst.idx.msk $0xffff, v29;
	v54 =	vor.u32 v38, v8;
	v9 =	vld.idx.msk [tilespmem:v47+s17+$0x0], $0xffff;
	v29 =	vor.u32 v39, v6  }
0x7d9: {  	v55 =	vor.u32 v44, v23;
	[tilespmem:v48+s20+$0x0] =	vst.idx.msk $0xffff, v26;
	v26 =	vor.u32 v38, v3;
	v31 =	vld.idx.msk [tilespmem:v49+s17+$0x0], $0xffff  }
0x7da: {  	v56 =	vor.u32 v44, v14;
	v57 =	vor.u32 v45, v22;
	[tilespmem:v51+s20+$0x0] =	vst.idx.msk $0xffff, v50;
	v25 =	vld.idx.msk [tilespmem:v25+s17+$0x0], $0xffff  }
0x7db: {  	v59 =	vor.u32 v44, v15;
	v58 =	vld.idx.msk [tilespmem:v53+s17+$0x0], $0xffff;
	[tilespmem:v52+s20+$0x0] =	vst.idx.msk $0xffff, v28;
	v28 =	vor.u32 v45, v17  }
0x7dc: {  	v60 =	vld.idx.msk [tilespmem:v30+s17+$0x0], $0xffff;
	v30 =	vor.u32 v45, v18;
	[tilespmem:v27+s20+$0x0] =	vst.idx.msk $0xffff, v7;
	v27 =	vor.u32 v44, v13  }
0x7dd: {  	v61 =	vor.u32 v39, v10;
	v8 =	vld.idx.msk [tilespmem:v54+s17+$0x0], $0xffff;
	[tilespmem:v29+s20+$0x0] =	vst.idx.msk $0xffff, v9;
	v29 =	vor.u32 v45, v12  }
0x7de: {  	v16 =	vor.u32 v0, v16;
	[tilespmem:v55+s20+$0x0] =	vst.idx.msk $0xffff, v31;
	v26 =	vld.idx.msk [tilespmem:v26+s17+$0x0], $0xffff;
	v31 =	vor.u32 v39, v4  }
0x7df: {  	v63 =	vor.u32 v0, v5;
	v3 =	vor.u32 v43, v23;
	[tilespmem:v56+s20+$0x0] =	vst.idx.msk $0xffff, v25;
	v25 =	vld.idx.msk [tilespmem:v57+s17+$0x0], $0xffff  }
0x7e0: {  	v37 =	vor.u32 v43, v14;
	v24 =	vor.u32 v38, v24;
	[tilespmem:v59+s20+$0x0] =	vst.idx.msk $0xffff, v58;
	v28 =	vld.idx.msk [tilespmem:v28+s17+$0x0], $0xffff  }
0x7e1: {  	v40 =	vor.u32 v38, v20;
	v41 =	vld.idx.msk [tilespmem:v30+s17+$0x0], $0xffff;
	[tilespmem:v27+s20+$0x0] =	vst.idx.msk $0xffff, v60;
	v27 =	vor.u32 v43, v15  }
0x7e2: {  	[tilespmem:v61+s20+$0x0] =	vst.idx.msk $0xffff, v8;
	v44 =	vor.u32 v43, v13;
	v45 =	vor.u32 v38, v21;
	v42 =	vld.idx.msk [tilespmem:v29+s17+$0x0], $0xffff  }
0x7e3: {  	v19 =	vor.u32 v38, v19;
	v47 =	vor.u32 v1, v6;
	[tilespmem:v31+s20+$0x0] =	vst.idx.msk $0xffff, v26;
	v16 =	vld.idx.msk [tilespmem:v16+s17+$0x0], $0xffff  }
0x7e4: {  	v2 =	vor.u32 v0, v2;
	v49 =	vor.u32 v1, v11;
	v5 =	vld.idx.msk [tilespmem:v63+s17+$0x0], $0xffff;
	[tilespmem:v3+s20+$0x0] =	vst.idx.msk $0xffff, v25  }
0x7e5: {  	v48 =	vor.u32 v0, v62;
	v25 =	vor.u32 v39, v23;
	[tilespmem:v37+s20+$0x0] =	vst.idx.msk $0xffff, v28;
	v24 =	vld.idx.msk [tilespmem:v24+s17+$0x0], $0xffff  }
0x7e6: {  	v51 =	vor.u32 v0, v22;
	v50 =	vor.u32 v39, v14;
	v7 =	vld.idx.msk [tilespmem:v40+s17+$0x0], $0xffff;
	[tilespmem:v27+s20+$0x0] =	vst.idx.msk $0xffff, v41  }
0x7e7: {  	v52 =	vor.u32 v39, v15;
	v17 =	vor.u32 v0, v17;
	[tilespmem:v44+s20+$0x0] =	vst.idx.msk $0xffff, v42;
	v53 =	vld.idx.msk [tilespmem:v45+s17+$0x0], $0xffff  }
0x7e8: {  	v54 =	vor.u32 v0, v18;
	v18 =	vor.u32 v39, v13;
	[tilespmem:v47+s20+$0x0] =	vst.idx.msk $0xffff, v16;
	v16 =	vld.idx.msk [tilespmem:v19+s17+$0x0], $0xffff  }
0x7e9: {  	v55 =	vor.u32 v0, v12;
	v57 =	vor.u32 v1, v4;
	v2 =	vld.idx.msk [tilespmem:v2+s17+$0x0], $0xffff;
	[tilespmem:v49+s20+$0x0] =	vst.idx.msk $0xffff, v5  }
0x7ea: {  	v56 =	vor.u32 v1, v10;
	v3 =	vld.idx.msk [tilespmem:v48+s17+$0x0], $0xffff;
	[tilespmem:v25+s20+$0x0] =	vst.idx.msk $0xffff, v24  }
0x7eb: {  	v59 =	vor.u32 v1, v23;
	[tilespmem:v50+s20+$0x0] =	vst.idx.msk $0xffff, v7;
	v58 =	vld.idx.msk [tilespmem:v51+s17+$0x0], $0xffff  }
0x7ec: {  	v61 =	vor.u32 v1, v14;
	v60 =	vld.idx.msk [tilespmem:v17+s17+$0x0], $0xffff;
	[tilespmem:v52+s20+$0x0] =	vst.idx.msk $0xffff, v53  }
0x7ed: {  	v62 =	vor.u32 v1, v15;
	[tilespmem:v18+s20+$0x0] =	vst.idx.msk $0xffff, v16;
	v6 =	vld.idx.msk [tilespmem:v54+s17+$0x0], $0xffff  }
0x7ee: {  	v63 =	vor.u32 v1, v13;
	[tilespmem:v57+s20+$0x0] =	vst.idx.msk $0xffff, v2;
	v0 =	vld.idx.msk [tilespmem:v55+s17+$0x0], $0xffff  }
0x7ef: {  	[tilespmem:v56+s20+$0x0] =	vst.idx.msk $0xffff, v3  }
0x7f0: {  	[tilespmem:v59+s20+$0x0] =	vst.idx.msk $0xffff, v58  }
0x7f1: {  	[tilespmem:v61+s20+$0x0] =	vst.idx.msk $0xffff, v60  }
0x7f2: {  	[tilespmem:v62+s20+$0x0] =	vst.idx.msk $0xffff, v6  }
0x7f3: {  	[tilespmem:v63+s20+$0x0] =	vst.idx.msk $0xffff, v0  }
0x7f4: {  	[hbm4b:s12+s21] =	stream.strided.scatter [tilespmem:s23], [sflag:$0x6], $0x2000, s22, s21, $0x38;
	[tilespmem:$0xC200] =	vst v63  }
0x7f5: {  	_ =	swait.ge [sflag:s29], $0x2000  }
0x7f6: {  	[sflag:s29] =	ssyncset.done $0x0  }
0x7f7: {  	[sflag:s29] =	ssyncadd.s32 $0xFFFFE000  }
0x7f8: {  	_ =	swait.ge [sflag:s18], $0x2000  }
0x7f9: {  	v13 =	vld [tilespmem:$0x1FD10]  }
0x7fa: {  	v14 =	vld [tilespmem:$0x1FD00]  }
0x7fb: {  	v16 =	vld [tilespmem:$0x1FCF0]  }
0x7fc: {  	v38 =	vld [tilespmem:$0x1FCE0]  }
0x7fd: {  	v40 =	vld [tilespmem:$0x1FC50]  }
0x7fe: {  	v60 =	vld [tilespmem:$0x1FC70]  }
0x7ff: {  	v36 =	vld [tilespmem:$0x1FC40]  }
0x800: {  	v24 =	vld [tilespmem:$0x1FD60]  }
0x801: {  	v41 =	vld [tilespmem:$0x1FD70]  }
0x802: {  	v42 =	vld [tilespmem:$0x1FD80]  }
0x803: {  	s30 =	sadd.s32 $0x1, s30;
	v43 =	vld [tilespmem:$0x1FD90]  }
0x804: {  	p0 =	sne.s32 s30, s13;
	v25 =	vld [tilespmem:$0x1FDA0]  }
.Ltmp9:
0x805: {  	v26 =	vld [tilespmem:$0x1FDB0];
	(pc) =	sbr.rel @p0 .LBB2_1-.Ltmp9, $4  }
0x806: {  	v27 =	vld [tilespmem:$0x1FDC0]  }
0x807: {  	v31 =	vld [tilespmem:$0x1FDD0]  }
0x808: {  	[sflag:s18] =	ssyncset.done $0x0;
	v34 =	vld [tilespmem:$0x1FDE0]  }
0x809: {  	v39 =	vld [tilespmem:$0x1FDF0];
	[sflag:s18] =	ssyncadd.s32 $0xFFFFE000  }
0x80a: {  	_ =	sfence.sel $0x180000  }
0x80b: {  	[bflag:$0x0] =	sbarrier.arrive $0xFFFF  }
0x80c: {  	_ =	strace $0x90000047  }
0x80d: {  	s0 =	stileid.u32;
	[bflag:$0x2] =	sbarrier.arrive $0xFFFF  }
0x80e: {  	p0 =	sne.s32 s0, $0x0;
	s0 =	rddreg [dreg:$0x3]  }
0x80f: {  	s0 =	sadd.s32 @!p0 $0x100000, s0  }
0x810: {  	[sflag:s0] =	ssyncadd.tile.s32 @!p0 $0x1;
	_ =	shalt  }
.Lfunc_end2:
_tile_overlayer_lowered:
.L_overlay_start_2:
0x811: {  	(tag) =	ssettag $0x2  }
0x812: {  	s0 =	rddreg [dreg:$0x0];
	s2 =	stileid.u32  }
0x813: {  	s1 =	rddreg [dreg:$0x1];
	p0 =	sne.s32 s2, $0x0  }
0x814: {  	s3 =	rddreg [dreg:$0x2];
	[bflag:$0x3] =	sbarrier.arrive $0xFFFF;
	s2 =	simm.s32 @!p0 $0x1C07  }
0x815: {  	[timem:s3], [sflag:s2] =	dma.local @!p0 [hbm:s0], s1  }
0x816: {  	s0 =	simm.s32 @!p0 $0x7  }
0x817: {  	_ =	swait.ge @!p0 [sflag:s0], s1  }
0x818: {  	s1 =	ssub.s32 @!p0 $0x0, s1;
	[sflag:s0] =	ssyncset.done @!p0 $0x0  }
0x819: {  	[sflag:s0] =	ssyncadd.s32 @!p0 s1  }
0x81a: {  	[bflag:$0x3] =	sbarrier.arrive $0xFFFF  }
0x81b: {  	_ =	shalt  }

</sc_bundles>
